<compile_context>
chip_gen: v7x
topology: tpu7x:2x2x1
jax: 0.10.2.dev20260603
libtpu: 0.0.44.dev20260713+nightly
codegen_flags: <defaults>
</compile_context>

<pallas_src>
import functools

import jax
import jax.numpy as jnp
from jax import lax
from jax.experimental import pallas as pl
from jax.experimental.pallas import tpu as pltpu
from jax.experimental.pallas import tpu_sc as plsc

N = 10000
E = 320000
D = 128

NC = 2
NS = 16
NW = NC * NS

NPAD = 10240
ROWS_PER_TILE = NPAD // NS
HR = NPAD // D
K = 80
EPT_AGG = E // NW
NB_AGG = EPT_AGG // K
CB = 24
NFULL = NB_AGG // CB
NTAIL = NB_AGG - NFULL * CB
EPT_DEG = E // NS

_mesh = plsc.VectorSubcoreMesh(core_axis_name="c", subcore_axis_name="s")


@functools.partial(
    pl.kernel,
    mesh=_mesh,
    out_type=jax.ShapeDtypeStruct((2, NPAD), jnp.float32),
    compiler_params=pltpu.CompilerParams(needs_layout_passes=False),
    scratch_types=[
        pltpu.VMEM((EPT_DEG,), jnp.int32),
        pltpu.VMEM((NPAD,), jnp.float32),
        pltpu.VMEM((ROWS_PER_TILE,), jnp.float32),
        pltpu.VMEM((ROWS_PER_TILE,), jnp.float32),
        pltpu.VMEM_SHARED((NS, NPAD), jnp.float32),
    ],
)
def _deg_kernel(eidx, out, idxv, hist, tmp, accb, stage):
    c = lax.axis_index("c")
    s = lax.axis_index("s")

    def zero_hist(i, carry):
        hist[pl.ds(i * 16, 16)] = jnp.zeros((16,), jnp.float32)
        return carry

    lax.fori_loop(0, NPAD // 16, zero_hist, 0)

    pltpu.sync_copy(eidx.at[c, s], idxv)

    ones16 = jnp.ones((16,), jnp.float32)

    def body(j, carry):
        iv = idxv[pl.ds(j * 16, 16)]
        plsc.addupdate_scatter(hist, [iv], ones16)
        return carry

    lax.fori_loop(0, EPT_DEG // 16, body, 0)

    pltpu.sync_copy(hist, stage.at[s])
    plsc.subcore_barrier()

    colbase = s * ROWS_PER_TILE
    pltpu.sync_copy(stage.at[0].at[pl.ds(colbase, ROWS_PER_TILE)], accb)

    def red(t, carry):
        pltpu.sync_copy(stage.at[t].at[pl.ds(colbase, ROWS_PER_TILE)], tmp)

        def addk(k, carry2):
            accb[pl.ds(k * 16, 16)] = (
                accb[pl.ds(k * 16, 16)] + tmp[pl.ds(k * 16, 16)]
            )
            return carry2

        lax.fori_loop(0, ROWS_PER_TILE // 16, addk, 0)
        return carry

    lax.fori_loop(1, NS, red, 0)
    pltpu.sync_copy(accb, out.at[c].at[pl.ds(colbase, ROWS_PER_TILE)])


@functools.partial(
    pl.kernel,
    mesh=_mesh,
    out_type=jax.ShapeDtypeStruct((2, NPAD, D), jnp.float32),
    scratch_types=[
        pltpu.VMEM((CB, K), jnp.int32),
        pltpu.VMEM((CB, K), jnp.int32),
        pltpu.VMEM((K, D), jnp.float32),
        pltpu.VMEM((K, D), jnp.float32),
        pltpu.VMEM((K, D), jnp.float32),
        pltpu.VMEM((K, D), jnp.float32),
        pltpu.VMEM_SHARED((NPAD, D), jnp.float32),
        pltpu.SemaphoreType.DMA,
        pltpu.SemaphoreType.DMA,
        pltpu.SemaphoreType.DMA,
        pltpu.SemaphoreType.DMA,
    ],
)
def _agg_kernel(g, src_r, dst_r, out, srcw, dstw, rows0, rows1, rows2,
                rows3, acc, gsem0, gsem1, gsem2, gsem3):
    c = lax.axis_index("c")
    s = lax.axis_index("s")
    wid = c * NS + s

    def fill_z(i, carry):
        for k in range(D // 16):
            rows0[i, pl.ds(k * 16, 16)] = jnp.zeros((16,), jnp.float32)
        return carry

    lax.fori_loop(0, K, fill_z, 0)

    base = s * ROWS_PER_TILE

    def zero_acc(t, carry):
        pltpu.sync_copy(rows0, acc.at[pl.ds(base + t * K, K)])
        return carry

    lax.fori_loop(0, ROWS_PER_TILE // K, zero_acc, 0)
    plsc.subcore_barrier()

    bufs = (rows0, rows1, rows2, rows3)
    gsems = (gsem0, gsem1, gsem2, gsem3)

    def do_chunk(cb, nb):
        pltpu.sync_copy(src_r.at[wid].at[pl.ds(cb, nb)], srcw.at[pl.ds(0, nb)])
        pltpu.sync_copy(dst_r.at[wid].at[pl.ds(cb, nb)], dstw.at[pl.ds(0, nb)])

        gd = [None] * nb

        def gather(b):
            gd[b] = pltpu.async_copy(
                g.at[srcw.at[b]], bufs[b % 4], gsems[b % 4])

        for p in range(min(3, nb)):
            gather(p)
        for b in range(nb):
            gd[b].wait()
            pltpu.sync_copy(bufs[b % 4], acc.at[dstw.at[b]], add=True)
            if b + 3 < nb:
                gather(b + 3)

    def chunk(cc, carry):
        do_chunk(cc * CB, CB)
        return carry

    lax.fori_loop(0, NFULL, chunk, 0)
    do_chunk(NFULL * CB, NTAIL)
    plsc.subcore_barrier()
    pltpu.sync_copy(
        acc.at[pl.ds(base, ROWS_PER_TILE)],
        out.at[c].at[pl.ds(base, ROWS_PER_TILE)],
    )


BLK = 2000
GRID = N // BLK


def _norm(dcol):
    return jnp.where(dcol > 0, lax.rsqrt(jnp.maximum(dcol, 1e-12)), 0.0)


def _tck1_body(deg_ref, x_ref, w_ref, o_ref):
    ns = _norm(deg_ref[0])
    o_ref[...] = jnp.dot(x_ref[...] * ns, w_ref[...],
                         preferred_element_type=jnp.float32)


def _tck1(deg, x, w):
    return pl.pallas_call(
        _tck1_body,
        grid=(GRID,),
        in_specs=[
            pl.BlockSpec((1, BLK, 1), lambda i: (0, i, 0)),
            pl.BlockSpec((BLK, D), lambda i: (i, 0)),
            pl.BlockSpec((D, D), lambda i: (0, 0)),
        ],
        out_specs=pl.BlockSpec((BLK, D), lambda i: (i, 0)),
        out_shape=jax.ShapeDtypeStruct((N, D), jnp.float32),
    )(deg, x, w)


def _tck2_body(deg_ref, agg_ref, b_ref, w_ref, h1_ref, g2_ref):
    nd = _norm(deg_ref[1])
    ns = _norm(deg_ref[0])
    a = agg_ref[0] + agg_ref[1]
    h1 = jnp.maximum(a * nd + b_ref[...], 0.0)
    h1_ref[...] = h1
    g2_ref[...] = jnp.dot(h1 * ns, w_ref[...],
                          preferred_element_type=jnp.float32)


def _tck2(deg, agg, b, w):
    return pl.pallas_call(
        _tck2_body,
        grid=(GRID,),
        in_specs=[
            pl.BlockSpec((2, BLK, 1), lambda i: (0, i, 0)),
            pl.BlockSpec((2, BLK, D), lambda i: (0, i, 0)),
            pl.BlockSpec((1, D), lambda i: (0, 0)),
            pl.BlockSpec((D, D), lambda i: (0, 0)),
        ],
        out_specs=[
            pl.BlockSpec((BLK, D), lambda i: (i, 0)),
            pl.BlockSpec((BLK, D), lambda i: (i, 0)),
        ],
        out_shape=[
            jax.ShapeDtypeStruct((N, D), jnp.float32),
            jax.ShapeDtypeStruct((N, D), jnp.float32),
        ],
    )(deg, agg, b, w)


def _tck3_body(deg_ref, agg_ref, b_ref, o_ref):
    nd = _norm(deg_ref[1])
    a = agg_ref[0] + agg_ref[1]
    o_ref[...] = a * nd + b_ref[...]


def _tck3(deg, agg, b):
    return pl.pallas_call(
        _tck3_body,
        grid=(GRID,),
        in_specs=[
            pl.BlockSpec((2, BLK, 1), lambda i: (0, i, 0)),
            pl.BlockSpec((2, BLK, D), lambda i: (0, i, 0)),
            pl.BlockSpec((1, D), lambda i: (0, 0)),
        ],
        out_specs=pl.BlockSpec((BLK, D), lambda i: (i, 0)),
        out_shape=jax.ShapeDtypeStruct((N, D), jnp.float32),
    )(deg, agg, b)


def kernel(x, edge_index, W1, b1, W2, b2):
    eidx_deg = edge_index.reshape(2, NS, EPT_DEG)
    src_r = edge_index[0].reshape(NW, NB_AGG, K)
    dst_r = edge_index[1].reshape(NW, NB_AGG, K)
    deg = _deg_kernel(eidx_deg)[:, :, None]
    g1 = _tck1(deg, x, W1)
    agg1 = _agg_kernel(g1, src_r, dst_r)
    h1, g2 = _tck2(deg, agg1, b1.reshape(1, D), W2)
    agg2 = _agg_kernel(g2, src_r, dst_r)
    h2 = _tck3(deg, agg2, b2.reshape(1, D))
    return (h2, h1)

# --- scband reference (transcript-rebuilt; emitter-appended) ---
"""Pipeline reference for scband-gcn-2-layers-10574209483123 (READ-ONLY COPY).

The authoritative reference and input builder live on the scoring server;
editing this copy changes nothing except your own understanding.
"""

import jax, jax.numpy as jnp
import numpy as np

N = 10000
E = 320000
D_IN = 128
D_H = 128
D_OUT = 128


def setup_inputs(seed: int = 0) -> dict:
    key = jax.random.key(seed)
    ks = jax.random.split(key, 8)
    x = jax.random.normal(ks[0], (N, D_IN), dtype=jnp.float32)
    edge_index = jax.random.randint(ks[1], (2, E), 0, N, dtype=jnp.int32)
    W1 = jax.random.normal(ks[2], (D_IN, D_H), dtype=jnp.float32) * 0.05
    b1 = jnp.zeros((D_H,), dtype=jnp.float32)
    W2 = jax.random.normal(ks[3], (D_H, D_OUT), dtype=jnp.float32) * 0.05
    b2 = jnp.zeros((D_OUT,), dtype=jnp.float32)
    return {"x": x, "edge_index": edge_index, "W1": W1, "b1": b1, "W2": W2, "b2": b2}


def _graph_conv(h, W, b, src, dst, n_nodes):
    # DGL GraphConv with norm='both': h' = D_in^{-1/2} A D_out^{-1/2} h W + b
    ones = jnp.ones((src.shape[0],), dtype=jnp.float32)
    deg_out = jax.ops.segment_sum(ones, src, num_segments=n_nodes)
    deg_in = jax.ops.segment_sum(ones, dst, num_segments=n_nodes)
    norm_src = jnp.where(deg_out > 0, jax.lax.rsqrt(jnp.maximum(deg_out, 1e-12)), 0.0)
    norm_dst = jnp.where(deg_in > 0, jax.lax.rsqrt(jnp.maximum(deg_in, 1e-12)), 0.0)
    h_scaled = h * norm_src[:, None]
    msgs = jnp.take(h_scaled, src, axis=0)            # gather over edges
    agg = jax.ops.segment_sum(msgs, dst, num_segments=n_nodes)  # scatter-add
    agg = agg * norm_dst[:, None]
    return agg @ W + b


def reference(x, edge_index, W1, b1, W2, b2):
    src = edge_index[0]
    dst = edge_index[1]
    h1 = jnp.maximum(_graph_conv(x, W1, b1, src, dst, N), 0.0)  # relu
    h2 = _graph_conv(h1, W2, b2, src, dst, N)
    return (h2, h1)

if __name__ == "__main__":
    import jax
    _d = setup_inputs()
    print(jax.jit(kernel)(*tuple(_d.values())))

</pallas_src>

<mosaic_0001>
#map = affine_map<(d0, d1) -> (0, 0, 0)>
#map1 = affine_map<(d0, d1) -> (0, 0)>
module attributes {stable_mosaic.version = 14 : i64} {
  func.func @_deg_kernel(%arg0: i32, %arg1: i32, %arg2: memref<2x16x20000xi32, #tpu.memory_space<hbm>>, %arg3: memref<2x10240xf32, #tpu.memory_space<hbm>>, %arg4: memref<20000xi32, #tpu.memory_space<vmem>>, %arg5: memref<10240xf32, #tpu.memory_space<vmem>>, %arg6: memref<640xf32, #tpu.memory_space<vmem>>, %arg7: memref<640xf32, #tpu.memory_space<vmem>>, %arg8: memref<16x10240xf32, #tpu.memory_space<vmem_shared>>) attributes {dimension_semantics = [#tpu.dimension_semantics<core_parallel>, #tpu.dimension_semantics<subcore_parallel>], iteration_bounds = array<i64: 2, 16>, scalar_prefetch = 0 : i64, scratch_operands = 5 : i64, tpu.core_type = #tpu.core_type<sc_vector_subcore>, window_params = [{transform_indices = #map}, {transform_indices = #map1}]} {
    %scan3A = arith.constant 0 : i32
    %scan3A_0 = arith.constant 0 : i32
    %scan3A_1 = arith.constant 640 : i32
    %scan3A_2 = arith.addi %scan3A_0, %scan3A_1 : i32
    %scan3A_3 = arith.constant 1 : i32
    scf.for %scan3A_19 = %scan3A_0 to %scan3A_2 step %scan3A_3  : i32 {
      %broadcast_in_dim3A_20 = arith.constant 0.000000e+00 : f32
      %broadcast_in_dim3A_21 = vector.broadcast %broadcast_in_dim3A_20 : f32 to vector<16xf32>
      %mul3A_22 = arith.constant 16 : i32
      %mul3A_23 = arith.muli %scan3A_19, %mul3A_22 : i32
      %swap3A = arith.index_cast %mul3A_23 : i32 to index
      %swap3A_24 = tpu.vector_load %arg5[%swap3A] {strides = array<i32>} : memref<10240xf32, #tpu.memory_space<vmem>>, vector<16xf32>,
      tpu.vector_store %arg5[%swap3A], %broadcast_in_dim3A_21 {strides = array<i32>} : memref<10240xf32, #tpu.memory_space<vmem>>, vector<16xf32>,
    }
    %scan3A_4 = arith.constant 640 : i32
    "tpu.region"() ({
      %run_scoped3A_19 = tpu.sem_alloc : memref<!tpu.dma_semaphore, #tpu.memory_space<semaphore_mem>>
      %dma_start3A = arith.constant 0 : i32
      %dma_start3A_20 = tpu.memref_slice %arg2[%arg0, %arg1, %dma_start3A] : memref<2x16x20000xi32, #tpu.memory_space<hbm>> -> memref<1x1x20000xi32, #tpu.memory_space<hbm>>
      %dma_start3A_21 = tpu.memref_squeeze %dma_start3A_20 : memref<1x1x20000xi32, #tpu.memory_space<hbm>> -> memref<20000xi32, #tpu.memory_space<hbm>>
      %dma_start3A_22 = arith.constant 0 : i32
      %dma_start3A_23 = tpu.memref_slice %arg2[%arg0, %arg1, %dma_start3A_22] : memref<2x16x20000xi32, #tpu.memory_space<hbm>> -> memref<1x1x20000xi32, #tpu.memory_space<hbm>>
      %dma_start3A_24 = tpu.memref_squeeze %dma_start3A_23 : memref<1x1x20000xi32, #tpu.memory_space<hbm>> -> memref<20000xi32, #tpu.memory_space<hbm>>
      tpu.enqueue_dma source(%dma_start3A_24 : memref<20000xi32, #tpu.memory_space<hbm>>) target(%arg4 : memref<20000xi32, #tpu.memory_space<vmem>>) target_semaphore(%run_scoped3A_19 : memref<!tpu.dma_semaphore, #tpu.memory_space<semaphore_mem>>)
      %dma_wait3A = arith.constant 0 : i32
      %dma_wait3A_25 = tpu.memref_slice %arg2[%arg0, %arg1, %dma_wait3A] : memref<2x16x20000xi32, #tpu.memory_space<hbm>> -> memref<1x1x20000xi32, #tpu.memory_space<hbm>>
      %dma_wait3A_26 = tpu.memref_squeeze %dma_wait3A_25 : memref<1x1x20000xi32, #tpu.memory_space<hbm>> -> memref<20000xi32, #tpu.memory_space<hbm>>
      %dma_wait3A_27 = arith.constant 0 : i32
      %dma_wait3A_28 = tpu.memref_slice %arg2[%arg0, %arg1, %dma_wait3A_27] : memref<2x16x20000xi32, #tpu.memory_space<hbm>> -> memref<1x1x20000xi32, #tpu.memory_space<hbm>>
      %dma_wait3A_29 = tpu.memref_squeeze %dma_wait3A_28 : memref<1x1x20000xi32, #tpu.memory_space<hbm>> -> memref<20000xi32, #tpu.memory_space<hbm>>
      tpu.wait_dma2 semaphore(%run_scoped3A_19 : memref<!tpu.dma_semaphore, #tpu.memory_space<semaphore_mem>>) src(%dma_wait3A_29 : memref<20000xi32, #tpu.memory_space<hbm>>) dst(%arg4 : memref<20000xi32, #tpu.memory_space<vmem>>)
      tpu.yield
    }) : () -> ()
    %broadcast_in_dim3A = arith.constant 1.000000e+00 : f32
    %broadcast_in_dim3A_5 = vector.broadcast %broadcast_in_dim3A : f32 to vector<16xf32>
    %scan3A_6 = arith.constant 0 : i32
    %scan3A_7 = arith.constant 0 : i32
    %scan3A_8 = arith.constant 1250 : i32
    %scan3A_9 = arith.addi %scan3A_7, %scan3A_8 : i32
    %scan3A_10 = arith.constant 1 : i32
    scf.for %scan3A_19 = %scan3A_7 to %scan3A_9 step %scan3A_10  : i32 {
      %mul3A_20 = arith.constant 16 : i32
      %mul3A_21 = arith.muli %scan3A_19, %mul3A_20 : i32
      %get3A = arith.index_cast %mul3A_21 : i32 to index
      %get3A_22 = tpu.vector_load %arg4[%get3A] {strides = array<i32>} : memref<20000xi32, #tpu.memory_space<vmem>>, vector<16xi32>,
      tpu.vector_store_idx %arg5[%get3A_22], %broadcast_in_dim3A_5 {add = true} : memref<10240xf32, #tpu.memory_space<vmem>>[vector<16xi32>], vector<16xf32>,
    }
    %scan3A_11 = arith.constant 1250 : i32
    "tpu.region"() ({
      %run_scoped3A_19 = tpu.sem_alloc : memref<!tpu.dma_semaphore, #tpu.memory_space<semaphore_mem>>
      %dma_start3A = arith.constant 0 : i32
      %dma_start3A_20 = tpu.memref_slice %arg8[%arg1, %dma_start3A] : memref<16x10240xf32, #tpu.memory_space<vmem_shared>> -> memref<1x10240xf32, #tpu.memory_space<vmem_shared>>
      %dma_start3A_21 = tpu.memref_squeeze %dma_start3A_20 : memref<1x10240xf32, #tpu.memory_space<vmem_shared>> -> memref<10240xf32, #tpu.memory_space<vmem_shared>>
      %dma_start3A_22 = arith.constant 0 : i32
      %dma_start3A_23 = tpu.memref_slice %arg8[%arg1, %dma_start3A_22] : memref<16x10240xf32, #tpu.memory_space<vmem_shared>> -> memref<1x10240xf32, #tpu.memory_space<vmem_shared>>
      %dma_start3A_24 = tpu.memref_squeeze %dma_start3A_23 : memref<1x10240xf32, #tpu.memory_space<vmem_shared>> -> memref<10240xf32, #tpu.memory_space<vmem_shared>>
      tpu.enqueue_dma source(%arg5 : memref<10240xf32, #tpu.memory_space<vmem>>) target(%dma_start3A_24 : memref<10240xf32, #tpu.memory_space<vmem_shared>>) target_semaphore(%run_scoped3A_19 : memref<!tpu.dma_semaphore, #tpu.memory_space<semaphore_mem>>)
      %dma_wait3A = arith.constant 0 : i32
      %dma_wait3A_25 = tpu.memref_slice %arg8[%arg1, %dma_wait3A] : memref<16x10240xf32, #tpu.memory_space<vmem_shared>> -> memref<1x10240xf32, #tpu.memory_space<vmem_shared>>
      %dma_wait3A_26 = tpu.memref_squeeze %dma_wait3A_25 : memref<1x10240xf32, #tpu.memory_space<vmem_shared>> -> memref<10240xf32, #tpu.memory_space<vmem_shared>>
      %dma_wait3A_27 = arith.constant 0 : i32
      %dma_wait3A_28 = tpu.memref_slice %arg8[%arg1, %dma_wait3A_27] : memref<16x10240xf32, #tpu.memory_space<vmem_shared>> -> memref<1x10240xf32, #tpu.memory_space<vmem_shared>>
      %dma_wait3A_29 = tpu.memref_squeeze %dma_wait3A_28 : memref<1x10240xf32, #tpu.memory_space<vmem_shared>> -> memref<10240xf32, #tpu.memory_space<vmem_shared>>
      tpu.wait_dma2 semaphore(%run_scoped3A_19 : memref<!tpu.dma_semaphore, #tpu.memory_space<semaphore_mem>>) src(%arg5 : memref<10240xf32, #tpu.memory_space<vmem>>) dst(%dma_wait3A_29 : memref<10240xf32, #tpu.memory_space<vmem_shared>>)
      tpu.yield
    }) : () -> ()
    %barrier3A = arith.constant 0 : index
    tpu.barrier barrier_id(%barrier3A)
    %mul3A = arith.constant 640 : i32
    %mul3A_12 = arith.muli %arg1, %mul3A : i32
    %run_scoped3A = arith.constant 0 : i32
    "tpu.region"() ({
      %run_scoped3A_19 = tpu.sem_alloc : memref<!tpu.dma_semaphore, #tpu.memory_space<semaphore_mem>>
      %dma_start3A = arith.constant 0 : i32
      %dma_start3A_20 = tpu.memref_slice %arg8[%run_scoped3A, %dma_start3A] : memref<16x10240xf32, #tpu.memory_space<vmem_shared>> -> memref<1x10240xf32, #tpu.memory_space<vmem_shared>>
      %dma_start3A_21 = tpu.memref_squeeze %dma_start3A_20 : memref<1x10240xf32, #tpu.memory_space<vmem_shared>> -> memref<10240xf32, #tpu.memory_space<vmem_shared>>
      %dma_start3A_22 = tpu.memref_slice %dma_start3A_21[%mul3A_12] : memref<10240xf32, #tpu.memory_space<vmem_shared>> -> memref<640xf32, #tpu.memory_space<vmem_shared>>
      %dma_start3A_23 = arith.constant 0 : i32
      %dma_start3A_24 = tpu.memref_slice %arg8[%run_scoped3A, %dma_start3A_23] : memref<16x10240xf32, #tpu.memory_space<vmem_shared>> -> memref<1x10240xf32, #tpu.memory_space<vmem_shared>>
      %dma_start3A_25 = tpu.memref_squeeze %dma_start3A_24 : memref<1x10240xf32, #tpu.memory_space<vmem_shared>> -> memref<10240xf32, #tpu.memory_space<vmem_shared>>
      %dma_start3A_26 = tpu.memref_slice %dma_start3A_25[%mul3A_12] : memref<10240xf32, #tpu.memory_space<vmem_shared>> -> memref<640xf32, #tpu.memory_space<vmem_shared>>
      tpu.enqueue_dma source(%dma_start3A_26 : memref<640xf32, #tpu.memory_space<vmem_shared>>) target(%arg7 : memref<640xf32, #tpu.memory_space<vmem>>) target_semaphore(%run_scoped3A_19 : memref<!tpu.dma_semaphore, #tpu.memory_space<semaphore_mem>>)
      %dma_wait3A = arith.constant 0 : i32
      %dma_wait3A_27 = tpu.memref_slice %arg8[%run_scoped3A, %dma_wait3A] : memref<16x10240xf32, #tpu.memory_space<vmem_shared>> -> memref<1x10240xf32, #tpu.memory_space<vmem_shared>>
      %dma_wait3A_28 = tpu.memref_squeeze %dma_wait3A_27 : memref<1x10240xf32, #tpu.memory_space<vmem_shared>> -> memref<10240xf32, #tpu.memory_space<vmem_shared>>
      %dma_wait3A_29 = tpu.memref_slice %dma_wait3A_28[%mul3A_12] : memref<10240xf32, #tpu.memory_space<vmem_shared>> -> memref<640xf32, #tpu.memory_space<vmem_shared>>
      %dma_wait3A_30 = arith.constant 0 : i32
      %dma_wait3A_31 = tpu.memref_slice %arg8[%run_scoped3A, %dma_wait3A_30] : memref<16x10240xf32, #tpu.memory_space<vmem_shared>> -> memref<1x10240xf32, #tpu.memory_space<vmem_shared>>
      %dma_wait3A_32 = tpu.memref_squeeze %dma_wait3A_31 : memref<1x10240xf32, #tpu.memory_space<vmem_shared>> -> memref<10240xf32, #tpu.memory_space<vmem_shared>>
      %dma_wait3A_33 = tpu.memref_slice %dma_wait3A_32[%mul3A_12] : memref<10240xf32, #tpu.memory_space<vmem_shared>> -> memref<640xf32, #tpu.memory_space<vmem_shared>>
      tpu.wait_dma2 semaphore(%run_scoped3A_19 : memref<!tpu.dma_semaphore, #tpu.memory_space<semaphore_mem>>) src(%dma_wait3A_33 : memref<640xf32, #tpu.memory_space<vmem_shared>>) dst(%arg7 : memref<640xf32, #tpu.memory_space<vmem>>)
      tpu.yield
    }) : () -> ()
    %scan3A_13 = arith.constant 0 : i32
    %scan3A_14 = arith.constant 1 : i32
    %scan3A_15 = arith.constant 15 : i32
    %scan3A_16 = arith.addi %scan3A_14, %scan3A_15 : i32
    %scan3A_17 = arith.constant 1 : i32
    scf.for %scan3A_19 = %scan3A_14 to %scan3A_16 step %scan3A_17  : i32 {
      "tpu.region"() ({
        %run_scoped3A_26 = tpu.sem_alloc : memref<!tpu.dma_semaphore, #tpu.memory_space<semaphore_mem>>
        %dma_start3A = arith.constant 0 : i32
        %dma_start3A_27 = tpu.memref_slice %arg8[%scan3A_19, %dma_start3A] : memref<16x10240xf32, #tpu.memory_space<vmem_shared>> -> memref<1x10240xf32, #tpu.memory_space<vmem_shared>>
        %dma_start3A_28 = tpu.memref_squeeze %dma_start3A_27 : memref<1x10240xf32, #tpu.memory_space<vmem_shared>> -> memref<10240xf32, #tpu.memory_space<vmem_shared>>
        %dma_start3A_29 = tpu.memref_slice %dma_start3A_28[%mul3A_12] : memref<10240xf32, #tpu.memory_space<vmem_shared>> -> memref<640xf32, #tpu.memory_space<vmem_shared>>
        %dma_start3A_30 = arith.constant 0 : i32
        %dma_start3A_31 = tpu.memref_slice %arg8[%scan3A_19, %dma_start3A_30] : memref<16x10240xf32, #tpu.memory_space<vmem_shared>> -> memref<1x10240xf32, #tpu.memory_space<vmem_shared>>
        %dma_start3A_32 = tpu.memref_squeeze %dma_start3A_31 : memref<1x10240xf32, #tpu.memory_space<vmem_shared>> -> memref<10240xf32, #tpu.memory_space<vmem_shared>>
        %dma_start3A_33 = tpu.memref_slice %dma_start3A_32[%mul3A_12] : memref<10240xf32, #tpu.memory_space<vmem_shared>> -> memref<640xf32, #tpu.memory_space<vmem_shared>>
        tpu.enqueue_dma source(%dma_start3A_33 : memref<640xf32, #tpu.memory_space<vmem_shared>>) target(%arg6 : memref<640xf32, #tpu.memory_space<vmem>>) target_semaphore(%run_scoped3A_26 : memref<!tpu.dma_semaphore, #tpu.memory_space<semaphore_mem>>)
        %dma_wait3A = arith.constant 0 : i32
        %dma_wait3A_34 = tpu.memref_slice %arg8[%scan3A_19, %dma_wait3A] : memref<16x10240xf32, #tpu.memory_space<vmem_shared>> -> memref<1x10240xf32, #tpu.memory_space<vmem_shared>>
        %dma_wait3A_35 = tpu.memref_squeeze %dma_wait3A_34 : memref<1x10240xf32, #tpu.memory_space<vmem_shared>> -> memref<10240xf32, #tpu.memory_space<vmem_shared>>
        %dma_wait3A_36 = tpu.memref_slice %dma_wait3A_35[%mul3A_12] : memref<10240xf32, #tpu.memory_space<vmem_shared>> -> memref<640xf32, #tpu.memory_space<vmem_shared>>
        %dma_wait3A_37 = arith.constant 0 : i32
        %dma_wait3A_38 = tpu.memref_slice %arg8[%scan3A_19, %dma_wait3A_37] : memref<16x10240xf32, #tpu.memory_space<vmem_shared>> -> memref<1x10240xf32, #tpu.memory_space<vmem_shared>>
        %dma_wait3A_39 = tpu.memref_squeeze %dma_wait3A_38 : memref<1x10240xf32, #tpu.memory_space<vmem_shared>> -> memref<10240xf32, #tpu.memory_space<vmem_shared>>
        %dma_wait3A_40 = tpu.memref_slice %dma_wait3A_39[%mul3A_12] : memref<10240xf32, #tpu.memory_space<vmem_shared>> -> memref<640xf32, #tpu.memory_space<vmem_shared>>
        tpu.wait_dma2 semaphore(%run_scoped3A_26 : memref<!tpu.dma_semaphore, #tpu.memory_space<semaphore_mem>>) src(%dma_wait3A_40 : memref<640xf32, #tpu.memory_space<vmem_shared>>) dst(%arg6 : memref<640xf32, #tpu.memory_space<vmem>>)
        tpu.yield
      }) : () -> ()
      %scan3A_20 = arith.constant 0 : i32
      %scan3A_21 = arith.constant 0 : i32
      %scan3A_22 = arith.constant 40 : i32
      %scan3A_23 = arith.addi %scan3A_21, %scan3A_22 : i32
      %scan3A_24 = arith.constant 1 : i32
      scf.for %scan3A_26 = %scan3A_21 to %scan3A_23 step %scan3A_24  : i32 {
        %mul3A_27 = arith.constant 16 : i32
        %mul3A_28 = arith.muli %scan3A_26, %mul3A_27 : i32
        %get3A = arith.index_cast %mul3A_28 : i32 to index
        %get3A_29 = tpu.vector_load %arg7[%get3A] {strides = array<i32>} : memref<640xf32, #tpu.memory_space<vmem>>, vector<16xf32>,
        %mul3A_30 = arith.constant 16 : i32
        %mul3A_31 = arith.muli %scan3A_26, %mul3A_30 : i32
        %get3A_32 = arith.index_cast %mul3A_31 : i32 to index
        %get3A_33 = tpu.vector_load %arg6[%get3A_32] {strides = array<i32>} : memref<640xf32, #tpu.memory_space<vmem>>, vector<16xf32>,
        %add3A = arith.addf %get3A_29, %get3A_33 : vector<16xf32>
        %mul3A_34 = arith.constant 16 : i32
        %mul3A_35 = arith.muli %scan3A_26, %mul3A_34 : i32
        %swap3A = arith.index_cast %mul3A_35 : i32 to index
        %swap3A_36 = tpu.vector_load %arg7[%swap3A] {strides = array<i32>} : memref<640xf32, #tpu.memory_space<vmem>>, vector<16xf32>,
        tpu.vector_store %arg7[%swap3A], %add3A {strides = array<i32>} : memref<640xf32, #tpu.memory_space<vmem>>, vector<16xf32>,
      }
      %scan3A_25 = arith.constant 40 : i32
    }
    %scan3A_18 = arith.constant 15 : i32
    "tpu.region"() ({
      %run_scoped3A_19 = tpu.sem_alloc : memref<!tpu.dma_semaphore, #tpu.memory_space<semaphore_mem>>
      %dma_start3A = arith.constant 0 : i32
      %dma_start3A_20 = tpu.memref_slice %arg3[%arg0, %dma_start3A] : memref<2x10240xf32, #tpu.memory_space<hbm>> -> memref<1x10240xf32, #tpu.memory_space<hbm>>
      %dma_start3A_21 = tpu.memref_squeeze %dma_start3A_20 : memref<1x10240xf32, #tpu.memory_space<hbm>> -> memref<10240xf32, #tpu.memory_space<hbm>>
      %dma_start3A_22 = tpu.memref_slice %dma_start3A_21[%mul3A_12] : memref<10240xf32, #tpu.memory_space<hbm>> -> memref<640xf32, #tpu.memory_space<hbm>>
      %dma_start3A_23 = arith.constant 0 : i32
      %dma_start3A_24 = tpu.memref_slice %arg3[%arg0, %dma_start3A_23] : memref<2x10240xf32, #tpu.memory_space<hbm>> -> memref<1x10240xf32, #tpu.memory_space<hbm>>
      %dma_start3A_25 = tpu.memref_squeeze %dma_start3A_24 : memref<1x10240xf32, #tpu.memory_space<hbm>> -> memref<10240xf32, #tpu.memory_space<hbm>>
      %dma_start3A_26 = tpu.memref_slice %dma_start3A_25[%mul3A_12] : memref<10240xf32, #tpu.memory_space<hbm>> -> memref<640xf32, #tpu.memory_space<hbm>>
      tpu.enqueue_dma source(%arg7 : memref<640xf32, #tpu.memory_space<vmem>>) target(%dma_start3A_26 : memref<640xf32, #tpu.memory_space<hbm>>) target_semaphore(%run_scoped3A_19 : memref<!tpu.dma_semaphore, #tpu.memory_space<semaphore_mem>>)
      %dma_wait3A = arith.constant 0 : i32
      %dma_wait3A_27 = tpu.memref_slice %arg3[%arg0, %dma_wait3A] : memref<2x10240xf32, #tpu.memory_space<hbm>> -> memref<1x10240xf32, #tpu.memory_space<hbm>>
      %dma_wait3A_28 = tpu.memref_squeeze %dma_wait3A_27 : memref<1x10240xf32, #tpu.memory_space<hbm>> -> memref<10240xf32, #tpu.memory_space<hbm>>
      %dma_wait3A_29 = tpu.memref_slice %dma_wait3A_28[%mul3A_12] : memref<10240xf32, #tpu.memory_space<hbm>> -> memref<640xf32, #tpu.memory_space<hbm>>
      %dma_wait3A_30 = arith.constant 0 : i32
      %dma_wait3A_31 = tpu.memref_slice %arg3[%arg0, %dma_wait3A_30] : memref<2x10240xf32, #tpu.memory_space<hbm>> -> memref<1x10240xf32, #tpu.memory_space<hbm>>
      %dma_wait3A_32 = tpu.memref_squeeze %dma_wait3A_31 : memref<1x10240xf32, #tpu.memory_space<hbm>> -> memref<10240xf32, #tpu.memory_space<hbm>>
      %dma_wait3A_33 = tpu.memref_slice %dma_wait3A_32[%mul3A_12] : memref<10240xf32, #tpu.memory_space<hbm>> -> memref<640xf32, #tpu.memory_space<hbm>>
      tpu.wait_dma2 semaphore(%run_scoped3A_19 : memref<!tpu.dma_semaphore, #tpu.memory_space<semaphore_mem>>) src(%arg7 : memref<640xf32, #tpu.memory_space<vmem>>) dst(%dma_wait3A_33 : memref<640xf32, #tpu.memory_space<hbm>>)
      tpu.yield
    }) : () -> ()
    return
  }
}

#map = affine_map<(d0, d1) -> (0, 0)>
#map1 = affine_map<(d0, d1) -> (0, 0, 0)>
module attributes {stable_mosaic.version = 14 : i64} {
  func.func @_agg_kernel(%arg0: i32, %arg1: i32, %arg2: memref<10000x128xf32, #tpu.memory_space<hbm>>, %arg3: memref<32x125x80xi32, #tpu.memory_space<hbm>>, %arg4: memref<32x125x80xi32, #tpu.memory_space<hbm>>, %arg5: memref<2x10240x128xf32, #tpu.memory_space<hbm>>, %arg6: memref<24x80xi32, #tpu.memory_space<vmem>>, %arg7: memref<24x80xi32, #tpu.memory_space<vmem>>, %arg8: memref<80x128xf32, #tpu.memory_space<vmem>>, %arg9: memref<80x128xf32, #tpu.memory_space<vmem>>, %arg10: memref<80x128xf32, #tpu.memory_space<vmem>>, %arg11: memref<80x128xf32, #tpu.memory_space<vmem>>, %arg12: memref<10240x128xf32, #tpu.memory_space<vmem_shared>>, %arg13: memref<!tpu.dma_semaphore, #tpu.memory_space<semaphore_mem>>, %arg14: memref<!tpu.dma_semaphore, #tpu.memory_space<semaphore_mem>>, %arg15: memref<!tpu.dma_semaphore, #tpu.memory_space<semaphore_mem>>, %arg16: memref<!tpu.dma_semaphore, #tpu.memory_space<semaphore_mem>>) attributes {dimension_semantics = [#tpu.dimension_semantics<core_parallel>, #tpu.dimension_semantics<subcore_parallel>], iteration_bounds = array<i64: 2, 16>, scalar_prefetch = 0 : i64, scratch_operands = 11 : i64, tpu.core_type = #tpu.core_type<sc_vector_subcore>, window_params = [{transform_indices = #map}, {transform_indices = #map1}, {transform_indices = #map1}, {transform_indices = #map1}]} {
    %mul3A = arith.constant 16 : i32
    %mul3A_0 = arith.muli %arg0, %mul3A : i32
    %add3A = arith.addi %mul3A_0, %arg1 : i32
    %scan3A = arith.constant 0 : i32
    %scan3A_1 = arith.constant 0 : i32
    %scan3A_2 = arith.constant 80 : i32
    %scan3A_3 = arith.addi %scan3A_1, %scan3A_2 : i32
    %scan3A_4 = arith.constant 1 : i32
    scf.for %scan3A_93 = %scan3A_1 to %scan3A_3 step %scan3A_4  : i32 {
      %broadcast_in_dim3A = arith.constant 0.000000e+00 : f32
      %broadcast_in_dim3A_94 = vector.broadcast %broadcast_in_dim3A : f32 to vector<16xf32>
      %swap3A = arith.index_cast %scan3A_93 : i32 to index
      %swap3A_95 = arith.constant 0 : index
      %swap3A_96 = tpu.vector_load %arg8[%swap3A, %swap3A_95] {strides = array<i32>} : memref<80x128xf32, #tpu.memory_space<vmem>>, vector<1x16xf32>,
      %swap3A_97 = vector.shape_cast %swap3A_96 : vector<1x16xf32> to vector<16xf32>
      %swap3A_98 = vector.shape_cast %broadcast_in_dim3A_94 : vector<16xf32> to vector<1x16xf32>
      tpu.vector_store %arg8[%swap3A, %swap3A_95], %swap3A_98 {strides = array<i32>} : memref<80x128xf32, #tpu.memory_space<vmem>>, vector<1x16xf32>,
      %broadcast_in_dim3A_99 = arith.constant 0.000000e+00 : f32
      %broadcast_in_dim3A_100 = vector.broadcast %broadcast_in_dim3A_99 : f32 to vector<16xf32>
      %swap3A_101 = arith.index_cast %scan3A_93 : i32 to index
      %swap3A_102 = arith.constant 16 : index
      %swap3A_103 = tpu.vector_load %arg8[%swap3A_101, %swap3A_102] {strides = array<i32>} : memref<80x128xf32, #tpu.memory_space<vmem>>, vector<1x16xf32>,
      %swap3A_104 = vector.shape_cast %swap3A_103 : vector<1x16xf32> to vector<16xf32>
      %swap3A_105 = vector.shape_cast %broadcast_in_dim3A_100 : vector<16xf32> to vector<1x16xf32>
      tpu.vector_store %arg8[%swap3A_101, %swap3A_102], %swap3A_105 {strides = array<i32>} : memref<80x128xf32, #tpu.memory_space<vmem>>, vector<1x16xf32>,
      %broadcast_in_dim3A_106 = arith.constant 0.000000e+00 : f32
      %broadcast_in_dim3A_107 = vector.broadcast %broadcast_in_dim3A_106 : f32 to vector<16xf32>
      %swap3A_108 = arith.index_cast %scan3A_93 : i32 to index
      %swap3A_109 = arith.constant 32 : index
      %swap3A_110 = tpu.vector_load %arg8[%swap3A_108, %swap3A_109] {strides = array<i32>} : memref<80x128xf32, #tpu.memory_space<vmem>>, vector<1x16xf32>,
      %swap3A_111 = vector.shape_cast %swap3A_110 : vector<1x16xf32> to vector<16xf32>
      %swap3A_112 = vector.shape_cast %broadcast_in_dim3A_107 : vector<16xf32> to vector<1x16xf32>
      tpu.vector_store %arg8[%swap3A_108, %swap3A_109], %swap3A_112 {strides = array<i32>} : memref<80x128xf32, #tpu.memory_space<vmem>>, vector<1x16xf32>,
      %broadcast_in_dim3A_113 = arith.constant 0.000000e+00 : f32
      %broadcast_in_dim3A_114 = vector.broadcast %broadcast_in_dim3A_113 : f32 to vector<16xf32>
      %swap3A_115 = arith.index_cast %scan3A_93 : i32 to index
      %swap3A_116 = arith.constant 48 : index
      %swap3A_117 = tpu.vector_load %arg8[%swap3A_115, %swap3A_116] {strides = array<i32>} : memref<80x128xf32, #tpu.memory_space<vmem>>, vector<1x16xf32>,
      %swap3A_118 = vector.shape_cast %swap3A_117 : vector<1x16xf32> to vector<16xf32>
      %swap3A_119 = vector.shape_cast %broadcast_in_dim3A_114 : vector<16xf32> to vector<1x16xf32>
      tpu.vector_store %arg8[%swap3A_115, %swap3A_116], %swap3A_119 {strides = array<i32>} : memref<80x128xf32, #tpu.memory_space<vmem>>, vector<1x16xf32>,
      %broadcast_in_dim3A_120 = arith.constant 0.000000e+00 : f32
      %broadcast_in_dim3A_121 = vector.broadcast %broadcast_in_dim3A_120 : f32 to vector<16xf32>
      %swap3A_122 = arith.index_cast %scan3A_93 : i32 to index
      %swap3A_123 = arith.constant 64 : index
      %swap3A_124 = tpu.vector_load %arg8[%swap3A_122, %swap3A_123] {strides = array<i32>} : memref<80x128xf32, #tpu.memory_space<vmem>>, vector<1x16xf32>,
      %swap3A_125 = vector.shape_cast %swap3A_124 : vector<1x16xf32> to vector<16xf32>
      %swap3A_126 = vector.shape_cast %broadcast_in_dim3A_121 : vector<16xf32> to vector<1x16xf32>
      tpu.vector_store %arg8[%swap3A_122, %swap3A_123], %swap3A_126 {strides = array<i32>} : memref<80x128xf32, #tpu.memory_space<vmem>>, vector<1x16xf32>,
      %broadcast_in_dim3A_127 = arith.constant 0.000000e+00 : f32
      %broadcast_in_dim3A_128 = vector.broadcast %broadcast_in_dim3A_127 : f32 to vector<16xf32>
      %swap3A_129 = arith.index_cast %scan3A_93 : i32 to index
      %swap3A_130 = arith.constant 80 : index
      %swap3A_131 = tpu.vector_load %arg8[%swap3A_129, %swap3A_130] {strides = array<i32>} : memref<80x128xf32, #tpu.memory_space<vmem>>, vector<1x16xf32>,
      %swap3A_132 = vector.shape_cast %swap3A_131 : vector<1x16xf32> to vector<16xf32>
      %swap3A_133 = vector.shape_cast %broadcast_in_dim3A_128 : vector<16xf32> to vector<1x16xf32>
      tpu.vector_store %arg8[%swap3A_129, %swap3A_130], %swap3A_133 {strides = array<i32>} : memref<80x128xf32, #tpu.memory_space<vmem>>, vector<1x16xf32>,
      %broadcast_in_dim3A_134 = arith.constant 0.000000e+00 : f32
      %broadcast_in_dim3A_135 = vector.broadcast %broadcast_in_dim3A_134 : f32 to vector<16xf32>
      %swap3A_136 = arith.index_cast %scan3A_93 : i32 to index
      %swap3A_137 = arith.constant 96 : index
      %swap3A_138 = tpu.vector_load %arg8[%swap3A_136, %swap3A_137] {strides = array<i32>} : memref<80x128xf32, #tpu.memory_space<vmem>>, vector<1x16xf32>,
      %swap3A_139 = vector.shape_cast %swap3A_138 : vector<1x16xf32> to vector<16xf32>
      %swap3A_140 = vector.shape_cast %broadcast_in_dim3A_135 : vector<16xf32> to vector<1x16xf32>
      tpu.vector_store %arg8[%swap3A_136, %swap3A_137], %swap3A_140 {strides = array<i32>} : memref<80x128xf32, #tpu.memory_space<vmem>>, vector<1x16xf32>,
      %broadcast_in_dim3A_141 = arith.constant 0.000000e+00 : f32
      %broadcast_in_dim3A_142 = vector.broadcast %broadcast_in_dim3A_141 : f32 to vector<16xf32>
      %swap3A_143 = arith.index_cast %scan3A_93 : i32 to index
      %swap3A_144 = arith.constant 112 : index
      %swap3A_145 = tpu.vector_load %arg8[%swap3A_143, %swap3A_144] {strides = array<i32>} : memref<80x128xf32, #tpu.memory_space<vmem>>, vector<1x16xf32>,
      %swap3A_146 = vector.shape_cast %swap3A_145 : vector<1x16xf32> to vector<16xf32>
      %swap3A_147 = vector.shape_cast %broadcast_in_dim3A_142 : vector<16xf32> to vector<1x16xf32>
      tpu.vector_store %arg8[%swap3A_143, %swap3A_144], %swap3A_147 {strides = array<i32>} : memref<80x128xf32, #tpu.memory_space<vmem>>, vector<1x16xf32>,
    }
    %scan3A_5 = arith.constant 80 : i32
    %mul3A_6 = arith.constant 640 : i32
    %mul3A_7 = arith.muli %arg1, %mul3A_6 : i32
    %scan3A_8 = arith.constant 0 : i32
    %scan3A_9 = arith.constant 0 : i32
    %scan3A_10 = arith.constant 8 : i32
    %scan3A_11 = arith.addi %scan3A_9, %scan3A_10 : i32
    %scan3A_12 = arith.constant 1 : i32
    scf.for %scan3A_93 = %scan3A_9 to %scan3A_11 step %scan3A_12  : i32 {
      %mul3A_94 = arith.constant 80 : i32
      %mul3A_95 = arith.muli %scan3A_93, %mul3A_94 : i32
      %add3A_96 = arith.addi %mul3A_7, %mul3A_95 : i32
      "tpu.region"() ({
        %run_scoped3A_97 = tpu.sem_alloc : memref<!tpu.dma_semaphore, #tpu.memory_space<semaphore_mem>>
        %dma_start3A_98 = arith.constant 0 : i32
        %dma_start3A_99 = tpu.memref_slice %arg12[%add3A_96, %dma_start3A_98] : memref<10240x128xf32, #tpu.memory_space<vmem_shared>> -> memref<80x128xf32, #tpu.memory_space<vmem_shared>>
        %dma_start3A_100 = arith.constant 0 : i32
        %dma_start3A_101 = tpu.memref_slice %arg12[%add3A_96, %dma_start3A_100] : memref<10240x128xf32, #tpu.memory_space<vmem_shared>> -> memref<80x128xf32, #tpu.memory_space<vmem_shared>>
        tpu.enqueue_dma source(%arg8 : memref<80x128xf32, #tpu.memory_space<vmem>>) target(%dma_start3A_101 : memref<80x128xf32, #tpu.memory_space<vmem_shared>>) target_semaphore(%run_scoped3A_97 : memref<!tpu.dma_semaphore, #tpu.memory_space<semaphore_mem>>)
        %dma_wait3A_102 = arith.constant 0 : i32
        %dma_wait3A_103 = tpu.memref_slice %arg12[%add3A_96, %dma_wait3A_102] : memref<10240x128xf32, #tpu.memory_space<vmem_shared>> -> memref<80x128xf32, #tpu.memory_space<vmem_shared>>
        %dma_wait3A_104 = arith.constant 0 : i32
        %dma_wait3A_105 = tpu.memref_slice %arg12[%add3A_96, %dma_wait3A_104] : memref<10240x128xf32, #tpu.memory_space<vmem_shared>> -> memref<80x128xf32, #tpu.memory_space<vmem_shared>>
        tpu.wait_dma2 semaphore(%run_scoped3A_97 : memref<!tpu.dma_semaphore, #tpu.memory_space<semaphore_mem>>) src(%arg8 : memref<80x128xf32, #tpu.memory_space<vmem>>) dst(%dma_wait3A_105 : memref<80x128xf32, #tpu.memory_space<vmem_shared>>)
        tpu.yield
      }) : () -> ()
    }
    %scan3A_13 = arith.constant 8 : i32
    %barrier3A = arith.constant 0 : index
    tpu.barrier barrier_id(%barrier3A)
    %scan3A_14 = arith.constant 0 : i32
    %scan3A_15 = arith.constant 0 : i32
    %scan3A_16 = arith.constant 5 : i32
    %scan3A_17 = arith.addi %scan3A_15, %scan3A_16 : i32
    %scan3A_18 = arith.constant 1 : i32
    scf.for %scan3A_93 = %scan3A_15 to %scan3A_17 step %scan3A_18  : i32 {
      %mul3A_94 = arith.constant 24 : i32
      %mul3A_95 = arith.muli %scan3A_93, %mul3A_94 : i32
      "tpu.region"() ({
        %run_scoped3A_456 = tpu.sem_alloc : memref<!tpu.dma_semaphore, #tpu.memory_space<semaphore_mem>>
        %dma_start3A_457 = arith.constant 0 : i32
        %dma_start3A_458 = arith.constant 0 : i32
        %dma_start3A_459 = tpu.memref_slice %arg6[%dma_start3A_457, %dma_start3A_458] : memref<24x80xi32, #tpu.memory_space<vmem>> -> memref<24x80xi32, #tpu.memory_space<vmem>>
        %dma_start3A_460 = arith.constant 0 : i32
        %dma_start3A_461 = arith.constant 0 : i32
        %dma_start3A_462 = tpu.memref_slice %arg3[%add3A, %dma_start3A_460, %dma_start3A_461] : memref<32x125x80xi32, #tpu.memory_space<hbm>> -> memref<1x125x80xi32, #tpu.memory_space<hbm>>
        %dma_start3A_463 = tpu.memref_squeeze %dma_start3A_462 : memref<1x125x80xi32, #tpu.memory_space<hbm>> -> memref<125x80xi32, #tpu.memory_space<hbm>>
        %dma_start3A_464 = arith.constant 0 : i32
        %dma_start3A_465 = tpu.memref_slice %dma_start3A_463[%mul3A_95, %dma_start3A_464] : memref<125x80xi32, #tpu.memory_space<hbm>> -> memref<24x80xi32, #tpu.memory_space<hbm>>
        %dma_start3A_466 = arith.constant 0 : i32
        %dma_start3A_467 = arith.constant 0 : i32
        %dma_start3A_468 = tpu.memref_slice %arg6[%dma_start3A_466, %dma_start3A_467] : memref<24x80xi32, #tpu.memory_space<vmem>> -> memref<24x80xi32, #tpu.memory_space<vmem>>
        %dma_start3A_469 = arith.constant 0 : i32
        %dma_start3A_470 = arith.constant 0 : i32
        %dma_start3A_471 = tpu.memref_slice %arg3[%add3A, %dma_start3A_469, %dma_start3A_470] : memref<32x125x80xi32, #tpu.memory_space<hbm>> -> memref<1x125x80xi32, #tpu.memory_space<hbm>>
        %dma_start3A_472 = tpu.memref_squeeze %dma_start3A_471 : memref<1x125x80xi32, #tpu.memory_space<hbm>> -> memref<125x80xi32, #tpu.memory_space<hbm>>
        %dma_start3A_473 = arith.constant 0 : i32
        %dma_start3A_474 = tpu.memref_slice %dma_start3A_472[%mul3A_95, %dma_start3A_473] : memref<125x80xi32, #tpu.memory_space<hbm>> -> memref<24x80xi32, #tpu.memory_space<hbm>>
        tpu.enqueue_dma source(%dma_start3A_474 : memref<24x80xi32, #tpu.memory_space<hbm>>) target(%dma_start3A_468 : memref<24x80xi32, #tpu.memory_space<vmem>>) target_semaphore(%run_scoped3A_456 : memref<!tpu.dma_semaphore, #tpu.memory_space<semaphore_mem>>)
        %dma_wait3A_475 = arith.constant 0 : i32
        %dma_wait3A_476 = arith.constant 0 : i32
        %dma_wait3A_477 = tpu.memref_slice %arg6[%dma_wait3A_475, %dma_wait3A_476] : memref<24x80xi32, #tpu.memory_space<vmem>> -> memref<24x80xi32, #tpu.memory_space<vmem>>
        %dma_wait3A_478 = arith.constant 0 : i32
        %dma_wait3A_479 = arith.constant 0 : i32
        %dma_wait3A_480 = tpu.memref_slice %arg3[%add3A, %dma_wait3A_478, %dma_wait3A_479] : memref<32x125x80xi32, #tpu.memory_space<hbm>> -> memref<1x125x80xi32, #tpu.memory_space<hbm>>
        %dma_wait3A_481 = tpu.memref_squeeze %dma_wait3A_480 : memref<1x125x80xi32, #tpu.memory_space<hbm>> -> memref<125x80xi32, #tpu.memory_space<hbm>>
        %dma_wait3A_482 = arith.constant 0 : i32
        %dma_wait3A_483 = tpu.memref_slice %dma_wait3A_481[%mul3A_95, %dma_wait3A_482] : memref<125x80xi32, #tpu.memory_space<hbm>> -> memref<24x80xi32, #tpu.memory_space<hbm>>
        %dma_wait3A_484 = arith.constant 0 : i32
        %dma_wait3A_485 = arith.constant 0 : i32
        %dma_wait3A_486 = tpu.memref_slice %arg6[%dma_wait3A_484, %dma_wait3A_485] : memref<24x80xi32, #tpu.memory_space<vmem>> -> memref<24x80xi32, #tpu.memory_space<vmem>>
        %dma_wait3A_487 = arith.constant 0 : i32
        %dma_wait3A_488 = arith.constant 0 : i32
        %dma_wait3A_489 = tpu.memref_slice %arg3[%add3A, %dma_wait3A_487, %dma_wait3A_488] : memref<32x125x80xi32, #tpu.memory_space<hbm>> -> memref<1x125x80xi32, #tpu.memory_space<hbm>>
        %dma_wait3A_490 = tpu.memref_squeeze %dma_wait3A_489 : memref<1x125x80xi32, #tpu.memory_space<hbm>> -> memref<125x80xi32, #tpu.memory_space<hbm>>
        %dma_wait3A_491 = arith.constant 0 : i32
        %dma_wait3A_492 = tpu.memref_slice %dma_wait3A_490[%mul3A_95, %dma_wait3A_491] : memref<125x80xi32, #tpu.memory_space<hbm>> -> memref<24x80xi32, #tpu.memory_space<hbm>>
        tpu.wait_dma2 semaphore(%run_scoped3A_456 : memref<!tpu.dma_semaphore, #tpu.memory_space<semaphore_mem>>) src(%dma_wait3A_492 : memref<24x80xi32, #tpu.memory_space<hbm>>) dst(%dma_wait3A_486 : memref<24x80xi32, #tpu.memory_space<vmem>>)
        tpu.yield
      }) : () -> ()
      "tpu.region"() ({
        %run_scoped3A_456 = tpu.sem_alloc : memref<!tpu.dma_semaphore, #tpu.memory_space<semaphore_mem>>
        %dma_start3A_457 = arith.constant 0 : i32
        %dma_start3A_458 = arith.constant 0 : i32
        %dma_start3A_459 = tpu.memref_slice %arg7[%dma_start3A_457, %dma_start3A_458] : memref<24x80xi32, #tpu.memory_space<vmem>> -> memref<24x80xi32, #tpu.memory_space<vmem>>
        %dma_start3A_460 = arith.constant 0 : i32
        %dma_start3A_461 = arith.constant 0 : i32
        %dma_start3A_462 = tpu.memref_slice %arg4[%add3A, %dma_start3A_460, %dma_start3A_461] : memref<32x125x80xi32, #tpu.memory_space<hbm>> -> memref<1x125x80xi32, #tpu.memory_space<hbm>>
        %dma_start3A_463 = tpu.memref_squeeze %dma_start3A_462 : memref<1x125x80xi32, #tpu.memory_space<hbm>> -> memref<125x80xi32, #tpu.memory_space<hbm>>
        %dma_start3A_464 = arith.constant 0 : i32
        %dma_start3A_465 = tpu.memref_slice %dma_start3A_463[%mul3A_95, %dma_start3A_464] : memref<125x80xi32, #tpu.memory_space<hbm>> -> memref<24x80xi32, #tpu.memory_space<hbm>>
        %dma_start3A_466 = arith.constant 0 : i32
        %dma_start3A_467 = arith.constant 0 : i32
        %dma_start3A_468 = tpu.memref_slice %arg7[%dma_start3A_466, %dma_start3A_467] : memref<24x80xi32, #tpu.memory_space<vmem>> -> memref<24x80xi32, #tpu.memory_space<vmem>>
        %dma_start3A_469 = arith.constant 0 : i32
        %dma_start3A_470 = arith.constant 0 : i32
        %dma_start3A_471 = tpu.memref_slice %arg4[%add3A, %dma_start3A_469, %dma_start3A_470] : memref<32x125x80xi32, #tpu.memory_space<hbm>> -> memref<1x125x80xi32, #tpu.memory_space<hbm>>
        %dma_start3A_472 = tpu.memref_squeeze %dma_start3A_471 : memref<1x125x80xi32, #tpu.memory_space<hbm>> -> memref<125x80xi32, #tpu.memory_space<hbm>>
        %dma_start3A_473 = arith.constant 0 : i32
        %dma_start3A_474 = tpu.memref_slice %dma_start3A_472[%mul3A_95, %dma_start3A_473] : memref<125x80xi32, #tpu.memory_space<hbm>> -> memref<24x80xi32, #tpu.memory_space<hbm>>
        tpu.enqueue_dma source(%dma_start3A_474 : memref<24x80xi32, #tpu.memory_space<hbm>>) target(%dma_start3A_468 : memref<24x80xi32, #tpu.memory_space<vmem>>) target_semaphore(%run_scoped3A_456 : memref<!tpu.dma_semaphore, #tpu.memory_space<semaphore_mem>>)
        %dma_wait3A_475 = arith.constant 0 : i32
        %dma_wait3A_476 = arith.constant 0 : i32
        %dma_wait3A_477 = tpu.memref_slice %arg7[%dma_wait3A_475, %dma_wait3A_476] : memref<24x80xi32, #tpu.memory_space<vmem>> -> memref<24x80xi32, #tpu.memory_space<vmem>>
        %dma_wait3A_478 = arith.constant 0 : i32
        %dma_wait3A_479 = arith.constant 0 : i32
        %dma_wait3A_480 = tpu.memref_slice %arg4[%add3A, %dma_wait3A_478, %dma_wait3A_479] : memref<32x125x80xi32, #tpu.memory_space<hbm>> -> memref<1x125x80xi32, #tpu.memory_space<hbm>>
        %dma_wait3A_481 = tpu.memref_squeeze %dma_wait3A_480 : memref<1x125x80xi32, #tpu.memory_space<hbm>> -> memref<125x80xi32, #tpu.memory_space<hbm>>
        %dma_wait3A_482 = arith.constant 0 : i32
        %dma_wait3A_483 = tpu.memref_slice %dma_wait3A_481[%mul3A_95, %dma_wait3A_482] : memref<125x80xi32, #tpu.memory_space<hbm>> -> memref<24x80xi32, #tpu.memory_space<hbm>>
        %dma_wait3A_484 = arith.constant 0 : i32
        %dma_wait3A_485 = arith.constant 0 : i32
        %dma_wait3A_486 = tpu.memref_slice %arg7[%dma_wait3A_484, %dma_wait3A_485] : memref<24x80xi32, #tpu.memory_space<vmem>> -> memref<24x80xi32, #tpu.memory_space<vmem>>
        %dma_wait3A_487 = arith.constant 0 : i32
        %dma_wait3A_488 = arith.constant 0 : i32
        %dma_wait3A_489 = tpu.memref_slice %arg4[%add3A, %dma_wait3A_487, %dma_wait3A_488] : memref<32x125x80xi32, #tpu.memory_space<hbm>> -> memref<1x125x80xi32, #tpu.memory_space<hbm>>
        %dma_wait3A_490 = tpu.memref_squeeze %dma_wait3A_489 : memref<1x125x80xi32, #tpu.memory_space<hbm>> -> memref<125x80xi32, #tpu.memory_space<hbm>>
        %dma_wait3A_491 = arith.constant 0 : i32
        %dma_wait3A_492 = tpu.memref_slice %dma_wait3A_490[%mul3A_95, %dma_wait3A_491] : memref<125x80xi32, #tpu.memory_space<hbm>> -> memref<24x80xi32, #tpu.memory_space<hbm>>
        tpu.wait_dma2 semaphore(%run_scoped3A_456 : memref<!tpu.dma_semaphore, #tpu.memory_space<semaphore_mem>>) src(%dma_wait3A_492 : memref<24x80xi32, #tpu.memory_space<hbm>>) dst(%dma_wait3A_486 : memref<24x80xi32, #tpu.memory_space<vmem>>)
        tpu.yield
      }) : () -> ()
      %dma_start3A_96 = arith.constant 0 : i32
      %dma_start3A_97 = arith.constant 0 : i32
      %dma_start3A_98 = tpu.memref_slice %arg6[%dma_start3A_96, %dma_start3A_97] : memref<24x80xi32, #tpu.memory_space<vmem>> -> memref<1x80xi32, #tpu.memory_space<vmem>>
      %dma_start3A_99 = tpu.memref_squeeze %dma_start3A_98 : memref<1x80xi32, #tpu.memory_space<vmem>> -> memref<80xi32, #tpu.memory_space<vmem>>
      %dma_start3A_100 = arith.constant 0 : i32
      %dma_start3A_101 = arith.constant 0 : i32
      %dma_start3A_102 = tpu.memref_slice %arg2[%dma_start3A_100, %dma_start3A_101] : memref<10000x128xf32, #tpu.memory_space<hbm>> -> memref<10000x128xf32, #tpu.memory_space<hbm>>
      tpu.enqueue_indirect_dma source(%dma_start3A_102 : memref<10000x128xf32, #tpu.memory_space<hbm>>) target(%arg8 : memref<80x128xf32, #tpu.memory_space<vmem>>) offsets(%dma_start3A_99 : memref<80xi32, #tpu.memory_space<vmem>>) semaphore(%arg13 : memref<!tpu.dma_semaphore, #tpu.memory_space<semaphore_mem>>)
      %dma_start3A_103 = arith.constant 1 : i32
      %dma_start3A_104 = arith.constant 0 : i32
      %dma_start3A_105 = tpu.memref_slice %arg6[%dma_start3A_103, %dma_start3A_104] : memref<24x80xi32, #tpu.memory_space<vmem>> -> memref<1x80xi32, #tpu.memory_space<vmem>>
      %dma_start3A_106 = tpu.memref_squeeze %dma_start3A_105 : memref<1x80xi32, #tpu.memory_space<vmem>> -> memref<80xi32, #tpu.memory_space<vmem>>
      %dma_start3A_107 = arith.constant 0 : i32
      %dma_start3A_108 = arith.constant 0 : i32
      %dma_start3A_109 = tpu.memref_slice %arg2[%dma_start3A_107, %dma_start3A_108] : memref<10000x128xf32, #tpu.memory_space<hbm>> -> memref<10000x128xf32, #tpu.memory_space<hbm>>
      tpu.enqueue_indirect_dma source(%dma_start3A_109 : memref<10000x128xf32, #tpu.memory_space<hbm>>) target(%arg9 : memref<80x128xf32, #tpu.memory_space<vmem>>) offsets(%dma_start3A_106 : memref<80xi32, #tpu.memory_space<vmem>>) semaphore(%arg14 : memref<!tpu.dma_semaphore, #tpu.memory_space<semaphore_mem>>)
      %dma_start3A_110 = arith.constant 2 : i32
      %dma_start3A_111 = arith.constant 0 : i32
      %dma_start3A_112 = tpu.memref_slice %arg6[%dma_start3A_110, %dma_start3A_111] : memref<24x80xi32, #tpu.memory_space<vmem>> -> memref<1x80xi32, #tpu.memory_space<vmem>>
      %dma_start3A_113 = tpu.memref_squeeze %dma_start3A_112 : memref<1x80xi32, #tpu.memory_space<vmem>> -> memref<80xi32, #tpu.memory_space<vmem>>
      %dma_start3A_114 = arith.constant 0 : i32
      %dma_start3A_115 = arith.constant 0 : i32
      %dma_start3A_116 = tpu.memref_slice %arg2[%dma_start3A_114, %dma_start3A_115] : memref<10000x128xf32, #tpu.memory_space<hbm>> -> memref<10000x128xf32, #tpu.memory_space<hbm>>
      tpu.enqueue_indirect_dma source(%dma_start3A_116 : memref<10000x128xf32, #tpu.memory_space<hbm>>) target(%arg10 : memref<80x128xf32, #tpu.memory_space<vmem>>) offsets(%dma_start3A_113 : memref<80xi32, #tpu.memory_space<vmem>>) semaphore(%arg15 : memref<!tpu.dma_semaphore, #tpu.memory_space<semaphore_mem>>)
      %dma_wait3A_117 = arith.constant 0 : i32
      %dma_wait3A_118 = arith.constant 0 : i32
      %dma_wait3A_119 = tpu.memref_slice %arg6[%dma_wait3A_117, %dma_wait3A_118] : memref<24x80xi32, #tpu.memory_space<vmem>> -> memref<1x80xi32, #tpu.memory_space<vmem>>
      %dma_wait3A_120 = tpu.memref_squeeze %dma_wait3A_119 : memref<1x80xi32, #tpu.memory_space<vmem>> -> memref<80xi32, #tpu.memory_space<vmem>>
      %dma_wait3A_121 = arith.constant 0 : i32
      %dma_wait3A_122 = arith.constant 0 : i32
      %dma_wait3A_123 = tpu.memref_slice %arg2[%dma_wait3A_121, %dma_wait3A_122] : memref<10000x128xf32, #tpu.memory_space<hbm>> -> memref<10000x128xf32, #tpu.memory_space<hbm>>
      tpu.wait_indirect_dma semaphore(%arg13 : memref<!tpu.dma_semaphore, #tpu.memory_space<semaphore_mem>>) src(%dma_wait3A_123 : memref<10000x128xf32, #tpu.memory_space<hbm>>) dst(%arg8 : memref<80x128xf32, #tpu.memory_space<vmem>>)
      %run_scoped3A_124 = arith.constant 0 : i32
      "tpu.region"() ({
        %run_scoped3A_456 = tpu.sem_alloc : memref<!tpu.dma_semaphore, #tpu.memory_space<semaphore_mem>>
        %dma_start3A_457 = arith.constant 0 : i32
        %dma_start3A_458 = tpu.memref_slice %arg7[%run_scoped3A_124, %dma_start3A_457] : memref<24x80xi32, #tpu.memory_space<vmem>> -> memref<1x80xi32, #tpu.memory_space<vmem>>
        %dma_start3A_459 = tpu.memref_squeeze %dma_start3A_458 : memref<1x80xi32, #tpu.memory_space<vmem>> -> memref<80xi32, #tpu.memory_space<vmem>>
        %dma_start3A_460 = arith.constant 0 : i32
        %dma_start3A_461 = arith.constant 0 : i32
        %dma_start3A_462 = tpu.memref_slice %arg12[%dma_start3A_460, %dma_start3A_461] : memref<10240x128xf32, #tpu.memory_space<vmem_shared>> -> memref<10240x128xf32, #tpu.memory_space<vmem_shared>>
        tpu.enqueue_indirect_dma source(%arg8 : memref<80x128xf32, #tpu.memory_space<vmem>>) target(%dma_start3A_462 : memref<10240x128xf32, #tpu.memory_space<vmem_shared>>) offsets(%dma_start3A_459 : memref<80xi32, #tpu.memory_space<vmem>>) semaphore(%run_scoped3A_456 : memref<!tpu.dma_semaphore, #tpu.memory_space<semaphore_mem>>) {add = true}
        %dma_wait3A_463 = arith.constant 0 : i32
        %dma_wait3A_464 = tpu.memref_slice %arg7[%run_scoped3A_124, %dma_wait3A_463] : memref<24x80xi32, #tpu.memory_space<vmem>> -> memref<1x80xi32, #tpu.memory_space<vmem>>
        %dma_wait3A_465 = tpu.memref_squeeze %dma_wait3A_464 : memref<1x80xi32, #tpu.memory_space<vmem>> -> memref<80xi32, #tpu.memory_space<vmem>>
        %dma_wait3A_466 = arith.constant 0 : i32
        %dma_wait3A_467 = arith.constant 0 : i32
        %dma_wait3A_468 = tpu.memref_slice %arg12[%dma_wait3A_466, %dma_wait3A_467] : memref<10240x128xf32, #tpu.memory_space<vmem_shared>> -> memref<10240x128xf32, #tpu.memory_space<vmem_shared>>
        tpu.wait_indirect_dma semaphore(%run_scoped3A_456 : memref<!tpu.dma_semaphore, #tpu.memory_space<semaphore_mem>>) src(%arg8 : memref<80x128xf32, #tpu.memory_space<vmem>>) dst(%dma_wait3A_468 : memref<10240x128xf32, #tpu.memory_space<vmem_shared>>)
        tpu.yield
      }) : () -> ()
      %dma_start3A_125 = arith.constant 3 : i32
      %dma_start3A_126 = arith.constant 0 : i32
      %dma_start3A_127 = tpu.memref_slice %arg6[%dma_start3A_125, %dma_start3A_126] : memref<24x80xi32, #tpu.memory_space<vmem>> -> memref<1x80xi32, #tpu.memory_space<vmem>>
      %dma_start3A_128 = tpu.memref_squeeze %dma_start3A_127 : memref<1x80xi32, #tpu.memory_space<vmem>> -> memref<80xi32, #tpu.memory_space<vmem>>
      %dma_start3A_129 = arith.constant 0 : i32
      %dma_start3A_130 = arith.constant 0 : i32
      %dma_start3A_131 = tpu.memref_slice %arg2[%dma_start3A_129, %dma_start3A_130] : memref<10000x128xf32, #tpu.memory_space<hbm>> -> memref<10000x128xf32, #tpu.memory_space<hbm>>
      tpu.enqueue_indirect_dma source(%dma_start3A_131 : memref<10000x128xf32, #tpu.memory_space<hbm>>) target(%arg11 : memref<80x128xf32, #tpu.memory_space<vmem>>) offsets(%dma_start3A_128 : memref<80xi32, #tpu.memory_space<vmem>>) semaphore(%arg16 : memref<!tpu.dma_semaphore, #tpu.memory_space<semaphore_mem>>)
      %dma_wait3A_132 = arith.constant 1 : i32
      %dma_wait3A_133 = arith.constant 0 : i32
      %dma_wait3A_134 = tpu.memref_slice %arg6[%dma_wait3A_132, %dma_wait3A_133] : memref<24x80xi32, #tpu.memory_space<vmem>> -> memref<1x80xi32, #tpu.memory_space<vmem>>
      %dma_wait3A_135 = tpu.memref_squeeze %dma_wait3A_134 : memref<1x80xi32, #tpu.memory_space<vmem>> -> memref<80xi32, #tpu.memory_space<vmem>>
      %dma_wait3A_136 = arith.constant 0 : i32
      %dma_wait3A_137 = arith.constant 0 : i32
      %dma_wait3A_138 = tpu.memref_slice %arg2[%dma_wait3A_136, %dma_wait3A_137] : memref<10000x128xf32, #tpu.memory_space<hbm>> -> memref<10000x128xf32, #tpu.memory_space<hbm>>
      tpu.wait_indirect_dma semaphore(%arg14 : memref<!tpu.dma_semaphore, #tpu.memory_space<semaphore_mem>>) src(%dma_wait3A_138 : memref<10000x128xf32, #tpu.memory_space<hbm>>) dst(%arg9 : memref<80x128xf32, #tpu.memory_space<vmem>>)
      %run_scoped3A_139 = arith.constant 1 : i32
      "tpu.region"() ({
        %run_scoped3A_456 = tpu.sem_alloc : memref<!tpu.dma_semaphore, #tpu.memory_space<semaphore_mem>>
        %dma_start3A_457 = arith.constant 0 : i32
        %dma_start3A_458 = tpu.memref_slice %arg7[%run_scoped3A_139, %dma_start3A_457] : memref<24x80xi32, #tpu.memory_space<vmem>> -> memref<1x80xi32, #tpu.memory_space<vmem>>
        %dma_start3A_459 = tpu.memref_squeeze %dma_start3A_458 : memref<1x80xi32, #tpu.memory_space<vmem>> -> memref<80xi32, #tpu.memory_space<vmem>>
        %dma_start3A_460 = arith.constant 0 : i32
        %dma_start3A_461 = arith.constant 0 : i32
        %dma_start3A_462 = tpu.memref_slice %arg12[%dma_start3A_460, %dma_start3A_461] : memref<10240x128xf32, #tpu.memory_space<vmem_shared>> -> memref<10240x128xf32, #tpu.memory_space<vmem_shared>>
        tpu.enqueue_indirect_dma source(%arg9 : memref<80x128xf32, #tpu.memory_space<vmem>>) target(%dma_start3A_462 : memref<10240x128xf32, #tpu.memory_space<vmem_shared>>) offsets(%dma_start3A_459 : memref<80xi32, #tpu.memory_space<vmem>>) semaphore(%run_scoped3A_456 : memref<!tpu.dma_semaphore, #tpu.memory_space<semaphore_mem>>) {add = true}
        %dma_wait3A_463 = arith.constant 0 : i32
        %dma_wait3A_464 = tpu.memref_slice %arg7[%run_scoped3A_139, %dma_wait3A_463] : memref<24x80xi32, #tpu.memory_space<vmem>> -> memref<1x80xi32, #tpu.memory_space<vmem>>
        %dma_wait3A_465 = tpu.memref_squeeze %dma_wait3A_464 : memref<1x80xi32, #tpu.memory_space<vmem>> -> memref<80xi32, #tpu.memory_space<vmem>>
        %dma_wait3A_466 = arith.constant 0 : i32
        %dma_wait3A_467 = arith.constant 0 : i32
        %dma_wait3A_468 = tpu.memref_slice %arg12[%dma_wait3A_466, %dma_wait3A_467] : memref<10240x128xf32, #tpu.memory_space<vmem_shared>> -> memref<10240x128xf32, #tpu.memory_space<vmem_shared>>
        tpu.wait_indirect_dma semaphore(%run_scoped3A_456 : memref<!tpu.dma_semaphore, #tpu.memory_space<semaphore_mem>>) src(%arg9 : memref<80x128xf32, #tpu.memory_space<vmem>>) dst(%dma_wait3A_468 : memref<10240x128xf32, #tpu.memory_space<vmem_shared>>)
        tpu.yield
      }) : () -> ()
      %dma_start3A_140 = arith.constant 4 : i32
      %dma_start3A_141 = arith.constant 0 : i32
      %dma_start3A_142 = tpu.memref_slice %arg6[%dma_start3A_140, %dma_start3A_141] : memref<24x80xi32, #tpu.memory_space<vmem>> -> memref<1x80xi32, #tpu.memory_space<vmem>>
      %dma_start3A_143 = tpu.memref_squeeze %dma_start3A_142 : memref<1x80xi32, #tpu.memory_space<vmem>> -> memref<80xi32, #tpu.memory_space<vmem>>
      %dma_start3A_144 = arith.constant 0 : i32
      %dma_start3A_145 = arith.constant 0 : i32
      %dma_start3A_146 = tpu.memref_slice %arg2[%dma_start3A_144, %dma_start3A_145] : memref<10000x128xf32, #tpu.memory_space<hbm>> -> memref<10000x128xf32, #tpu.memory_space<hbm>>
      tpu.enqueue_indirect_dma source(%dma_start3A_146 : memref<10000x128xf32, #tpu.memory_space<hbm>>) target(%arg8 : memref<80x128xf32, #tpu.memory_space<vmem>>) offsets(%dma_start3A_143 : memref<80xi32, #tpu.memory_space<vmem>>) semaphore(%arg13 : memref<!tpu.dma_semaphore, #tpu.memory_space<semaphore_mem>>)
      %dma_wait3A_147 = arith.constant 2 : i32
      %dma_wait3A_148 = arith.constant 0 : i32
      %dma_wait3A_149 = tpu.memref_slice %arg6[%dma_wait3A_147, %dma_wait3A_148] : memref<24x80xi32, #tpu.memory_space<vmem>> -> memref<1x80xi32, #tpu.memory_space<vmem>>
      %dma_wait3A_150 = tpu.memref_squeeze %dma_wait3A_149 : memref<1x80xi32, #tpu.memory_space<vmem>> -> memref<80xi32, #tpu.memory_space<vmem>>
      %dma_wait3A_151 = arith.constant 0 : i32
      %dma_wait3A_152 = arith.constant 0 : i32
      %dma_wait3A_153 = tpu.memref_slice %arg2[%dma_wait3A_151, %dma_wait3A_152] : memref<10000x128xf32, #tpu.memory_space<hbm>> -> memref<10000x128xf32, #tpu.memory_space<hbm>>
      tpu.wait_indirect_dma semaphore(%arg15 : memref<!tpu.dma_semaphore, #tpu.memory_space<semaphore_mem>>) src(%dma_wait3A_153 : memref<10000x128xf32, #tpu.memory_space<hbm>>) dst(%arg10 : memref<80x128xf32, #tpu.memory_space<vmem>>)
      %run_scoped3A_154 = arith.constant 2 : i32
      "tpu.region"() ({
        %run_scoped3A_456 = tpu.sem_alloc : memref<!tpu.dma_semaphore, #tpu.memory_space<semaphore_mem>>
        %dma_start3A_457 = arith.constant 0 : i32
        %dma_start3A_458 = tpu.memref_slice %arg7[%run_scoped3A_154, %dma_start3A_457] : memref<24x80xi32, #tpu.memory_space<vmem>> -> memref<1x80xi32, #tpu.memory_space<vmem>>
        %dma_start3A_459 = tpu.memref_squeeze %dma_start3A_458 : memref<1x80xi32, #tpu.memory_space<vmem>> -> memref<80xi32, #tpu.memory_space<vmem>>
        %dma_start3A_460 = arith.constant 0 : i32
        %dma_start3A_461 = arith.constant 0 : i32
        %dma_start3A_462 = tpu.memref_slice %arg12[%dma_start3A_460, %dma_start3A_461] : memref<10240x128xf32, #tpu.memory_space<vmem_shared>> -> memref<10240x128xf32, #tpu.memory_space<vmem_shared>>
        tpu.enqueue_indirect_dma source(%arg10 : memref<80x128xf32, #tpu.memory_space<vmem>>) target(%dma_start3A_462 : memref<10240x128xf32, #tpu.memory_space<vmem_shared>>) offsets(%dma_start3A_459 : memref<80xi32, #tpu.memory_space<vmem>>) semaphore(%run_scoped3A_456 : memref<!tpu.dma_semaphore, #tpu.memory_space<semaphore_mem>>) {add = true}
        %dma_wait3A_463 = arith.constant 0 : i32
        %dma_wait3A_464 = tpu.memref_slice %arg7[%run_scoped3A_154, %dma_wait3A_463] : memref<24x80xi32, #tpu.memory_space<vmem>> -> memref<1x80xi32, #tpu.memory_space<vmem>>
        %dma_wait3A_465 = tpu.memref_squeeze %dma_wait3A_464 : memref<1x80xi32, #tpu.memory_space<vmem>> -> memref<80xi32, #tpu.memory_space<vmem>>
        %dma_wait3A_466 = arith.constant 0 : i32
        %dma_wait3A_467 = arith.constant 0 : i32
        %dma_wait3A_468 = tpu.memref_slice %arg12[%dma_wait3A_466, %dma_wait3A_467] : memref<10240x128xf32, #tpu.memory_space<vmem_shared>> -> memref<10240x128xf32, #tpu.memory_space<vmem_shared>>
        tpu.wait_indirect_dma semaphore(%run_scoped3A_456 : memref<!tpu.dma_semaphore, #tpu.memory_space<semaphore_mem>>) src(%arg10 : memref<80x128xf32, #tpu.memory_space<vmem>>) dst(%dma_wait3A_468 : memref<10240x128xf32, #tpu.memory_space<vmem_shared>>)
        tpu.yield
      }) : () -> ()
      %dma_start3A_155 = arith.constant 5 : i32
      %dma_start3A_156 = arith.constant 0 : i32
      %dma_start3A_157 = tpu.memref_slice %arg6[%dma_start3A_155, %dma_start3A_156] : memref<24x80xi32, #tpu.memory_space<vmem>> -> memref<1x80xi32, #tpu.memory_space<vmem>>
      %dma_start3A_158 = tpu.memref_squeeze %dma_start3A_157 : memref<1x80xi32, #tpu.memory_space<vmem>> -> memref<80xi32, #tpu.memory_space<vmem>>
      %dma_start3A_159 = arith.constant 0 : i32
      %dma_start3A_160 = arith.constant 0 : i32
      %dma_start3A_161 = tpu.memref_slice %arg2[%dma_start3A_159, %dma_start3A_160] : memref<10000x128xf32, #tpu.memory_space<hbm>> -> memref<10000x128xf32, #tpu.memory_space<hbm>>
      tpu.enqueue_indirect_dma source(%dma_start3A_161 : memref<10000x128xf32, #tpu.memory_space<hbm>>) target(%arg9 : memref<80x128xf32, #tpu.memory_space<vmem>>) offsets(%dma_start3A_158 : memref<80xi32, #tpu.memory_space<vmem>>) semaphore(%arg14 : memref<!tpu.dma_semaphore, #tpu.memory_space<semaphore_mem>>)
      %dma_wait3A_162 = arith.constant 3 : i32
      %dma_wait3A_163 = arith.constant 0 : i32
      %dma_wait3A_164 = tpu.memref_slice %arg6[%dma_wait3A_162, %dma_wait3A_163] : memref<24x80xi32, #tpu.memory_space<vmem>> -> memref<1x80xi32, #tpu.memory_space<vmem>>
      %dma_wait3A_165 = tpu.memref_squeeze %dma_wait3A_164 : memref<1x80xi32, #tpu.memory_space<vmem>> -> memref<80xi32, #tpu.memory_space<vmem>>
      %dma_wait3A_166 = arith.constant 0 : i32
      %dma_wait3A_167 = arith.constant 0 : i32
      %dma_wait3A_168 = tpu.memref_slice %arg2[%dma_wait3A_166, %dma_wait3A_167] : memref<10000x128xf32, #tpu.memory_space<hbm>> -> memref<10000x128xf32, #tpu.memory_space<hbm>>
      tpu.wait_indirect_dma semaphore(%arg16 : memref<!tpu.dma_semaphore, #tpu.memory_space<semaphore_mem>>) src(%dma_wait3A_168 : memref<10000x128xf32, #tpu.memory_space<hbm>>) dst(%arg11 : memref<80x128xf32, #tpu.memory_space<vmem>>)
      %run_scoped3A_169 = arith.constant 3 : i32
      "tpu.region"() ({
        %run_scoped3A_456 = tpu.sem_alloc : memref<!tpu.dma_semaphore, #tpu.memory_space<semaphore_mem>>
        %dma_start3A_457 = arith.constant 0 : i32
        %dma_start3A_458 = tpu.memref_slice %arg7[%run_scoped3A_169, %dma_start3A_457] : memref<24x80xi32, #tpu.memory_space<vmem>> -> memref<1x80xi32, #tpu.memory_space<vmem>>
        %dma_start3A_459 = tpu.memref_squeeze %dma_start3A_458 : memref<1x80xi32, #tpu.memory_space<vmem>> -> memref<80xi32, #tpu.memory_space<vmem>>
        %dma_start3A_460 = arith.constant 0 : i32
        %dma_start3A_461 = arith.constant 0 : i32
        %dma_start3A_462 = tpu.memref_slice %arg12[%dma_start3A_460, %dma_start3A_461] : memref<10240x128xf32, #tpu.memory_space<vmem_shared>> -> memref<10240x128xf32, #tpu.memory_space<vmem_shared>>
        tpu.enqueue_indirect_dma source(%arg11 : memref<80x128xf32, #tpu.memory_space<vmem>>) target(%dma_start3A_462 : memref<10240x128xf32, #tpu.memory_space<vmem_shared>>) offsets(%dma_start3A_459 : memref<80xi32, #tpu.memory_space<vmem>>) semaphore(%run_scoped3A_456 : memref<!tpu.dma_semaphore, #tpu.memory_space<semaphore_mem>>) {add = true}
        %dma_wait3A_463 = arith.constant 0 : i32
        %dma_wait3A_464 = tpu.memref_slice %arg7[%run_scoped3A_169, %dma_wait3A_463] : memref<24x80xi32, #tpu.memory_space<vmem>> -> memref<1x80xi32, #tpu.memory_space<vmem>>
        %dma_wait3A_465 = tpu.memref_squeeze %dma_wait3A_464 : memref<1x80xi32, #tpu.memory_space<vmem>> -> memref<80xi32, #tpu.memory_space<vmem>>
        %dma_wait3A_466 = arith.constant 0 : i32
        %dma_wait3A_467 = arith.constant 0 : i32
        %dma_wait3A_468 = tpu.memref_slice %arg12[%dma_wait3A_466, %dma_wait3A_467] : memref<10240x128xf32, #tpu.memory_space<vmem_shared>> -> memref<10240x128xf32, #tpu.memory_space<vmem_shared>>
        tpu.wait_indirect_dma semaphore(%run_scoped3A_456 : memref<!tpu.dma_semaphore, #tpu.memory_space<semaphore_mem>>) src(%arg11 : memref<80x128xf32, #tpu.memory_space<vmem>>) dst(%dma_wait3A_468 : memref<10240x128xf32, #tpu.memory_space<vmem_shared>>)
        tpu.yield
      }) : () -> ()
      %dma_start3A_170 = arith.constant 6 : i32
      %dma_start3A_171 = arith.constant 0 : i32
      %dma_start3A_172 = tpu.memref_slice %arg6[%dma_start3A_170, %dma_start3A_171] : memref<24x80xi32, #tpu.memory_space<vmem>> -> memref<1x80xi32, #tpu.memory_space<vmem>>
      %dma_start3A_173 = tpu.memref_squeeze %dma_start3A_172 : memref<1x80xi32, #tpu.memory_space<vmem>> -> memref<80xi32, #tpu.memory_space<vmem>>
      %dma_start3A_174 = arith.constant 0 : i32
      %dma_start3A_175 = arith.constant 0 : i32
      %dma_start3A_176 = tpu.memref_slice %arg2[%dma_start3A_174, %dma_start3A_175] : memref<10000x128xf32, #tpu.memory_space<hbm>> -> memref<10000x128xf32, #tpu.memory_space<hbm>>
      tpu.enqueue_indirect_dma source(%dma_start3A_176 : memref<10000x128xf32, #tpu.memory_space<hbm>>) target(%arg10 : memref<80x128xf32, #tpu.memory_space<vmem>>) offsets(%dma_start3A_173 : memref<80xi32, #tpu.memory_space<vmem>>) semaphore(%arg15 : memref<!tpu.dma_semaphore, #tpu.memory_space<semaphore_mem>>)
      %dma_wait3A_177 = arith.constant 4 : i32
      %dma_wait3A_178 = arith.constant 0 : i32
      %dma_wait3A_179 = tpu.memref_slice %arg6[%dma_wait3A_177, %dma_wait3A_178] : memref<24x80xi32, #tpu.memory_space<vmem>> -> memref<1x80xi32, #tpu.memory_space<vmem>>
      %dma_wait3A_180 = tpu.memref_squeeze %dma_wait3A_179 : memref<1x80xi32, #tpu.memory_space<vmem>> -> memref<80xi32, #tpu.memory_space<vmem>>
      %dma_wait3A_181 = arith.constant 0 : i32
      %dma_wait3A_182 = arith.constant 0 : i32
      %dma_wait3A_183 = tpu.memref_slice %arg2[%dma_wait3A_181, %dma_wait3A_182] : memref<10000x128xf32, #tpu.memory_space<hbm>> -> memref<10000x128xf32, #tpu.memory_space<hbm>>
      tpu.wait_indirect_dma semaphore(%arg13 : memref<!tpu.dma_semaphore, #tpu.memory_space<semaphore_mem>>) src(%dma_wait3A_183 : memref<10000x128xf32, #tpu.memory_space<hbm>>) dst(%arg8 : memref<80x128xf32, #tpu.memory_space<vmem>>)
      %run_scoped3A_184 = arith.constant 4 : i32
      "tpu.region"() ({
        %run_scoped3A_456 = tpu.sem_alloc : memref<!tpu.dma_semaphore, #tpu.memory_space<semaphore_mem>>
        %dma_start3A_457 = arith.constant 0 : i32
        %dma_start3A_458 = tpu.memref_slice %arg7[%run_scoped3A_184, %dma_start3A_457] : memref<24x80xi32, #tpu.memory_space<vmem>> -> memref<1x80xi32, #tpu.memory_space<vmem>>
        %dma_start3A_459 = tpu.memref_squeeze %dma_start3A_458 : memref<1x80xi32, #tpu.memory_space<vmem>> -> memref<80xi32, #tpu.memory_space<vmem>>
        %dma_start3A_460 = arith.constant 0 : i32
        %dma_start3A_461 = arith.constant 0 : i32
        %dma_start3A_462 = tpu.memref_slice %arg12[%dma_start3A_460, %dma_start3A_461] : memref<10240x128xf32, #tpu.memory_space<vmem_shared>> -> memref<10240x128xf32, #tpu.memory_space<vmem_shared>>
        tpu.enqueue_indirect_dma source(%arg8 : memref<80x128xf32, #tpu.memory_space<vmem>>) target(%dma_start3A_462 : memref<10240x128xf32, #tpu.memory_space<vmem_shared>>) offsets(%dma_start3A_459 : memref<80xi32, #tpu.memory_space<vmem>>) semaphore(%run_scoped3A_456 : memref<!tpu.dma_semaphore, #tpu.memory_space<semaphore_mem>>) {add = true}
        %dma_wait3A_463 = arith.constant 0 : i32
        %dma_wait3A_464 = tpu.memref_slice %arg7[%run_scoped3A_184, %dma_wait3A_463] : memref<24x80xi32, #tpu.memory_space<vmem>> -> memref<1x80xi32, #tpu.memory_space<vmem>>
        %dma_wait3A_465 = tpu.memref_squeeze %dma_wait3A_464 : memref<1x80xi32, #tpu.memory_space<vmem>> -> memref<80xi32, #tpu.memory_space<vmem>>
        %dma_wait3A_466 = arith.constant 0 : i32
        %dma_wait3A_467 = arith.constant 0 : i32
        %dma_wait3A_468 = tpu.memref_slice %arg12[%dma_wait3A_466, %dma_wait3A_467] : memref<10240x128xf32, #tpu.memory_space<vmem_shared>> -> memref<10240x128xf32, #tpu.memory_space<vmem_shared>>
        tpu.wait_indirect_dma semaphore(%run_scoped3A_456 : memref<!tpu.dma_semaphore, #tpu.memory_space<semaphore_mem>>) src(%arg8 : memref<80x128xf32, #tpu.memory_space<vmem>>) dst(%dma_wait3A_468 : memref<10240x128xf32, #tpu.memory_space<vmem_shared>>)
        tpu.yield
      }) : () -> ()
      %dma_start3A_185 = arith.constant 7 : i32
      %dma_start3A_186 = arith.constant 0 : i32
      %dma_start3A_187 = tpu.memref_slice %arg6[%dma_start3A_185, %dma_start3A_186] : memref<24x80xi32, #tpu.memory_space<vmem>> -> memref<1x80xi32, #tpu.memory_space<vmem>>
      %dma_start3A_188 = tpu.memref_squeeze %dma_start3A_187 : memref<1x80xi32, #tpu.memory_space<vmem>> -> memref<80xi32, #tpu.memory_space<vmem>>
      %dma_start3A_189 = arith.constant 0 : i32
      %dma_start3A_190 = arith.constant 0 : i32
      %dma_start3A_191 = tpu.memref_slice %arg2[%dma_start3A_189, %dma_start3A_190] : memref<10000x128xf32, #tpu.memory_space<hbm>> -> memref<10000x128xf32, #tpu.memory_space<hbm>>
      tpu.enqueue_indirect_dma source(%dma_start3A_191 : memref<10000x128xf32, #tpu.memory_space<hbm>>) target(%arg11 : memref<80x128xf32, #tpu.memory_space<vmem>>) offsets(%dma_start3A_188 : memref<80xi32, #tpu.memory_space<vmem>>) semaphore(%arg16 : memref<!tpu.dma_semaphore, #tpu.memory_space<semaphore_mem>>)
      %dma_wait3A_192 = arith.constant 5 : i32
      %dma_wait3A_193 = arith.constant 0 : i32
      %dma_wait3A_194 = tpu.memref_slice %arg6[%dma_wait3A_192, %dma_wait3A_193] : memref<24x80xi32, #tpu.memory_space<vmem>> -> memref<1x80xi32, #tpu.memory_space<vmem>>
      %dma_wait3A_195 = tpu.memref_squeeze %dma_wait3A_194 : memref<1x80xi32, #tpu.memory_space<vmem>> -> memref<80xi32, #tpu.memory_space<vmem>>
      %dma_wait3A_196 = arith.constant 0 : i32
      %dma_wait3A_197 = arith.constant 0 : i32
      %dma_wait3A_198 = tpu.memref_slice %arg2[%dma_wait3A_196, %dma_wait3A_197] : memref<10000x128xf32, #tpu.memory_space<hbm>> -> memref<10000x128xf32, #tpu.memory_space<hbm>>
      tpu.wait_indirect_dma semaphore(%arg14 : memref<!tpu.dma_semaphore, #tpu.memory_space<semaphore_mem>>) src(%dma_wait3A_198 : memref<10000x128xf32, #tpu.memory_space<hbm>>) dst(%arg9 : memref<80x128xf32, #tpu.memory_space<vmem>>)
      %run_scoped3A_199 = arith.constant 5 : i32
      "tpu.region"() ({
        %run_scoped3A_456 = tpu.sem_alloc : memref<!tpu.dma_semaphore, #tpu.memory_space<semaphore_mem>>
        %dma_start3A_457 = arith.constant 0 : i32
        %dma_start3A_458 = tpu.memref_slice %arg7[%run_scoped3A_199, %dma_start3A_457] : memref<24x80xi32, #tpu.memory_space<vmem>> -> memref<1x80xi32, #tpu.memory_space<vmem>>
        %dma_start3A_459 = tpu.memref_squeeze %dma_start3A_458 : memref<1x80xi32, #tpu.memory_space<vmem>> -> memref<80xi32, #tpu.memory_space<vmem>>
        %dma_start3A_460 = arith.constant 0 : i32
        %dma_start3A_461 = arith.constant 0 : i32
        %dma_start3A_462 = tpu.memref_slice %arg12[%dma_start3A_460, %dma_start3A_461] : memref<10240x128xf32, #tpu.memory_space<vmem_shared>> -> memref<10240x128xf32, #tpu.memory_space<vmem_shared>>
        tpu.enqueue_indirect_dma source(%arg9 : memref<80x128xf32, #tpu.memory_space<vmem>>) target(%dma_start3A_462 : memref<10240x128xf32, #tpu.memory_space<vmem_shared>>) offsets(%dma_start3A_459 : memref<80xi32, #tpu.memory_space<vmem>>) semaphore(%run_scoped3A_456 : memref<!tpu.dma_semaphore, #tpu.memory_space<semaphore_mem>>) {add = true}
        %dma_wait3A_463 = arith.constant 0 : i32
        %dma_wait3A_464 = tpu.memref_slice %arg7[%run_scoped3A_199, %dma_wait3A_463] : memref<24x80xi32, #tpu.memory_space<vmem>> -> memref<1x80xi32, #tpu.memory_space<vmem>>
        %dma_wait3A_465 = tpu.memref_squeeze %dma_wait3A_464 : memref<1x80xi32, #tpu.memory_space<vmem>> -> memref<80xi32, #tpu.memory_space<vmem>>
        %dma_wait3A_466 = arith.constant 0 : i32
        %dma_wait3A_467 = arith.constant 0 : i32
        %dma_wait3A_468 = tpu.memref_slice %arg12[%dma_wait3A_466, %dma_wait3A_467] : memref<10240x128xf32, #tpu.memory_space<vmem_shared>> -> memref<10240x128xf32, #tpu.memory_space<vmem_shared>>
        tpu.wait_indirect_dma semaphore(%run_scoped3A_456 : memref<!tpu.dma_semaphore, #tpu.memory_space<semaphore_mem>>) src(%arg9 : memref<80x128xf32, #tpu.memory_space<vmem>>) dst(%dma_wait3A_468 : memref<10240x128xf32, #tpu.memory_space<vmem_shared>>)
        tpu.yield
      }) : () -> ()
      %dma_start3A_200 = arith.constant 8 : i32
      %dma_start3A_201 = arith.constant 0 : i32
      %dma_start3A_202 = tpu.memref_slice %arg6[%dma_start3A_200, %dma_start3A_201] : memref<24x80xi32, #tpu.memory_space<vmem>> -> memref<1x80xi32, #tpu.memory_space<vmem>>
      %dma_start3A_203 = tpu.memref_squeeze %dma_start3A_202 : memref<1x80xi32, #tpu.memory_space<vmem>> -> memref<80xi32, #tpu.memory_space<vmem>>
      %dma_start3A_204 = arith.constant 0 : i32
      %dma_start3A_205 = arith.constant 0 : i32
      %dma_start3A_206 = tpu.memref_slice %arg2[%dma_start3A_204, %dma_start3A_205] : memref<10000x128xf32, #tpu.memory_space<hbm>> -> memref<10000x128xf32, #tpu.memory_space<hbm>>
      tpu.enqueue_indirect_dma source(%dma_start3A_206 : memref<10000x128xf32, #tpu.memory_space<hbm>>) target(%arg8 : memref<80x128xf32, #tpu.memory_space<vmem>>) offsets(%dma_start3A_203 : memref<80xi32, #tpu.memory_space<vmem>>) semaphore(%arg13 : memref<!tpu.dma_semaphore, #tpu.memory_space<semaphore_mem>>)
      %dma_wait3A_207 = arith.constant 6 : i32
      %dma_wait3A_208 = arith.constant 0 : i32
      %dma_wait3A_209 = tpu.memref_slice %arg6[%dma_wait3A_207, %dma_wait3A_208] : memref<24x80xi32, #tpu.memory_space<vmem>> -> memref<1x80xi32, #tpu.memory_space<vmem>>
      %dma_wait3A_210 = tpu.memref_squeeze %dma_wait3A_209 : memref<1x80xi32, #tpu.memory_space<vmem>> -> memref<80xi32, #tpu.memory_space<vmem>>
      %dma_wait3A_211 = arith.constant 0 : i32
      %dma_wait3A_212 = arith.constant 0 : i32
      %dma_wait3A_213 = tpu.memref_slice %arg2[%dma_wait3A_211, %dma_wait3A_212] : memref<10000x128xf32, #tpu.memory_space<hbm>> -> memref<10000x128xf32, #tpu.memory_space<hbm>>
      tpu.wait_indirect_dma semaphore(%arg15 : memref<!tpu.dma_semaphore, #tpu.memory_space<semaphore_mem>>) src(%dma_wait3A_213 : memref<10000x128xf32, #tpu.memory_space<hbm>>) dst(%arg10 : memref<80x128xf32, #tpu.memory_space<vmem>>)
      %run_scoped3A_214 = arith.constant 6 : i32
      "tpu.region"() ({
        %run_scoped3A_456 = tpu.sem_alloc : memref<!tpu.dma_semaphore, #tpu.memory_space<semaphore_mem>>
        %dma_start3A_457 = arith.constant 0 : i32
        %dma_start3A_458 = tpu.memref_slice %arg7[%run_scoped3A_214, %dma_start3A_457] : memref<24x80xi32, #tpu.memory_space<vmem>> -> memref<1x80xi32, #tpu.memory_space<vmem>>
        %dma_start3A_459 = tpu.memref_squeeze %dma_start3A_458 : memref<1x80xi32, #tpu.memory_space<vmem>> -> memref<80xi32, #tpu.memory_space<vmem>>
        %dma_start3A_460 = arith.constant 0 : i32
        %dma_start3A_461 = arith.constant 0 : i32
        %dma_start3A_462 = tpu.memref_slice %arg12[%dma_start3A_460, %dma_start3A_461] : memref<10240x128xf32, #tpu.memory_space<vmem_shared>> -> memref<10240x128xf32, #tpu.memory_space<vmem_shared>>
        tpu.enqueue_indirect_dma source(%arg10 : memref<80x128xf32, #tpu.memory_space<vmem>>) target(%dma_start3A_462 : memref<10240x128xf32, #tpu.memory_space<vmem_shared>>) offsets(%dma_start3A_459 : memref<80xi32, #tpu.memory_space<vmem>>) semaphore(%run_scoped3A_456 : memref<!tpu.dma_semaphore, #tpu.memory_space<semaphore_mem>>) {add = true}
        %dma_wait3A_463 = arith.constant 0 : i32
        %dma_wait3A_464 = tpu.memref_slice %arg7[%run_scoped3A_214, %dma_wait3A_463] : memref<24x80xi32, #tpu.memory_space<vmem>> -> memref<1x80xi32, #tpu.memory_space<vmem>>
        %dma_wait3A_465 = tpu.memref_squeeze %dma_wait3A_464 : memref<1x80xi32, #tpu.memory_space<vmem>> -> memref<80xi32, #tpu.memory_space<vmem>>
        %dma_wait3A_466 = arith.constant 0 : i32
        %dma_wait3A_467 = arith.constant 0 : i32
        %dma_wait3A_468 = tpu.memref_slice %arg12[%dma_wait3A_466, %dma_wait3A_467] : memref<10240x128xf32, #tpu.memory_space<vmem_shared>> -> memref<10240x128xf32, #tpu.memory_space<vmem_shared>>
        tpu.wait_indirect_dma semaphore(%run_scoped3A_456 : memref<!tpu.dma_semaphore, #tpu.memory_space<semaphore_mem>>) src(%arg10 : memref<80x128xf32, #tpu.memory_space<vmem>>) dst(%dma_wait3A_468 : memref<10240x128xf32, #tpu.memory_space<vmem_shared>>)
        tpu.yield
      }) : () -> ()
      %dma_start3A_215 = arith.constant 9 : i32
      %dma_start3A_216 = arith.constant 0 : i32
      %dma_start3A_217 = tpu.memref_slice %arg6[%dma_start3A_215, %dma_start3A_216] : memref<24x80xi32, #tpu.memory_space<vmem>> -> memref<1x80xi32, #tpu.memory_space<vmem>>
      %dma_start3A_218 = tpu.memref_squeeze %dma_start3A_217 : memref<1x80xi32, #tpu.memory_space<vmem>> -> memref<80xi32, #tpu.memory_space<vmem>>
      %dma_start3A_219 = arith.constant 0 : i32
      %dma_start3A_220 = arith.constant 0 : i32
      %dma_start3A_221 = tpu.memref_slice %arg2[%dma_start3A_219, %dma_start3A_220] : memref<10000x128xf32, #tpu.memory_space<hbm>> -> memref<10000x128xf32, #tpu.memory_space<hbm>>
      tpu.enqueue_indirect_dma source(%dma_start3A_221 : memref<10000x128xf32, #tpu.memory_space<hbm>>) target(%arg9 : memref<80x128xf32, #tpu.memory_space<vmem>>) offsets(%dma_start3A_218 : memref<80xi32, #tpu.memory_space<vmem>>) semaphore(%arg14 : memref<!tpu.dma_semaphore, #tpu.memory_space<semaphore_mem>>)
      %dma_wait3A_222 = arith.constant 7 : i32
      %dma_wait3A_223 = arith.constant 0 : i32
      %dma_wait3A_224 = tpu.memref_slice %arg6[%dma_wait3A_222, %dma_wait3A_223] : memref<24x80xi32, #tpu.memory_space<vmem>> -> memref<1x80xi32, #tpu.memory_space<vmem>>
      %dma_wait3A_225 = tpu.memref_squeeze %dma_wait3A_224 : memref<1x80xi32, #tpu.memory_space<vmem>> -> memref<80xi32, #tpu.memory_space<vmem>>
      %dma_wait3A_226 = arith.constant 0 : i32
      %dma_wait3A_227 = arith.constant 0 : i32
      %dma_wait3A_228 = tpu.memref_slice %arg2[%dma_wait3A_226, %dma_wait3A_227] : memref<10000x128xf32, #tpu.memory_space<hbm>> -> memref<10000x128xf32, #tpu.memory_space<hbm>>
      tpu.wait_indirect_dma semaphore(%arg16 : memref<!tpu.dma_semaphore, #tpu.memory_space<semaphore_mem>>) src(%dma_wait3A_228 : memref<10000x128xf32, #tpu.memory_space<hbm>>) dst(%arg11 : memref<80x128xf32, #tpu.memory_space<vmem>>)
      %run_scoped3A_229 = arith.constant 7 : i32
      "tpu.region"() ({
        %run_scoped3A_456 = tpu.sem_alloc : memref<!tpu.dma_semaphore, #tpu.memory_space<semaphore_mem>>
        %dma_start3A_457 = arith.constant 0 : i32
        %dma_start3A_458 = tpu.memref_slice %arg7[%run_scoped3A_229, %dma_start3A_457] : memref<24x80xi32, #tpu.memory_space<vmem>> -> memref<1x80xi32, #tpu.memory_space<vmem>>
        %dma_start3A_459 = tpu.memref_squeeze %dma_start3A_458 : memref<1x80xi32, #tpu.memory_space<vmem>> -> memref<80xi32, #tpu.memory_space<vmem>>
        %dma_start3A_460 = arith.constant 0 : i32
        %dma_start3A_461 = arith.constant 0 : i32
        %dma_start3A_462 = tpu.memref_slice %arg12[%dma_start3A_460, %dma_start3A_461] : memref<10240x128xf32, #tpu.memory_space<vmem_shared>> -> memref<10240x128xf32, #tpu.memory_space<vmem_shared>>
        tpu.enqueue_indirect_dma source(%arg11 : memref<80x128xf32, #tpu.memory_space<vmem>>) target(%dma_start3A_462 : memref<10240x128xf32, #tpu.memory_space<vmem_shared>>) offsets(%dma_start3A_459 : memref<80xi32, #tpu.memory_space<vmem>>) semaphore(%run_scoped3A_456 : memref<!tpu.dma_semaphore, #tpu.memory_space<semaphore_mem>>) {add = true}
        %dma_wait3A_463 = arith.constant 0 : i32
        %dma_wait3A_464 = tpu.memref_slice %arg7[%run_scoped3A_229, %dma_wait3A_463] : memref<24x80xi32, #tpu.memory_space<vmem>> -> memref<1x80xi32, #tpu.memory_space<vmem>>
        %dma_wait3A_465 = tpu.memref_squeeze %dma_wait3A_464 : memref<1x80xi32, #tpu.memory_space<vmem>> -> memref<80xi32, #tpu.memory_space<vmem>>
        %dma_wait3A_466 = arith.constant 0 : i32
        %dma_wait3A_467 = arith.constant 0 : i32
        %dma_wait3A_468 = tpu.memref_slice %arg12[%dma_wait3A_466, %dma_wait3A_467] : memref<10240x128xf32, #tpu.memory_space<vmem_shared>> -> memref<10240x128xf32, #tpu.memory_space<vmem_shared>>
        tpu.wait_indirect_dma semaphore(%run_scoped3A_456 : memref<!tpu.dma_semaphore, #tpu.memory_space<semaphore_mem>>) src(%arg11 : memref<80x128xf32, #tpu.memory_space<vmem>>) dst(%dma_wait3A_468 : memref<10240x128xf32, #tpu.memory_space<vmem_shared>>)
        tpu.yield
      }) : () -> ()
      %dma_start3A_230 = arith.constant 10 : i32
      %dma_start3A_231 = arith.constant 0 : i32
      %dma_start3A_232 = tpu.memref_slice %arg6[%dma_start3A_230, %dma_start3A_231] : memref<24x80xi32, #tpu.memory_space<vmem>> -> memref<1x80xi32, #tpu.memory_space<vmem>>
      %dma_start3A_233 = tpu.memref_squeeze %dma_start3A_232 : memref<1x80xi32, #tpu.memory_space<vmem>> -> memref<80xi32, #tpu.memory_space<vmem>>
      %dma_start3A_234 = arith.constant 0 : i32
      %dma_start3A_235 = arith.constant 0 : i32
      %dma_start3A_236 = tpu.memref_slice %arg2[%dma_start3A_234, %dma_start3A_235] : memref<10000x128xf32, #tpu.memory_space<hbm>> -> memref<10000x128xf32, #tpu.memory_space<hbm>>
      tpu.enqueue_indirect_dma source(%dma_start3A_236 : memref<10000x128xf32, #tpu.memory_space<hbm>>) target(%arg10 : memref<80x128xf32, #tpu.memory_space<vmem>>) offsets(%dma_start3A_233 : memref<80xi32, #tpu.memory_space<vmem>>) semaphore(%arg15 : memref<!tpu.dma_semaphore, #tpu.memory_space<semaphore_mem>>)
      %dma_wait3A_237 = arith.constant 8 : i32
      %dma_wait3A_238 = arith.constant 0 : i32
      %dma_wait3A_239 = tpu.memref_slice %arg6[%dma_wait3A_237, %dma_wait3A_238] : memref<24x80xi32, #tpu.memory_space<vmem>> -> memref<1x80xi32, #tpu.memory_space<vmem>>
      %dma_wait3A_240 = tpu.memref_squeeze %dma_wait3A_239 : memref<1x80xi32, #tpu.memory_space<vmem>> -> memref<80xi32, #tpu.memory_space<vmem>>
      %dma_wait3A_241 = arith.constant 0 : i32
      %dma_wait3A_242 = arith.constant 0 : i32
      %dma_wait3A_243 = tpu.memref_slice %arg2[%dma_wait3A_241, %dma_wait3A_242] : memref<10000x128xf32, #tpu.memory_space<hbm>> -> memref<10000x128xf32, #tpu.memory_space<hbm>>
      tpu.wait_indirect_dma semaphore(%arg13 : memref<!tpu.dma_semaphore, #tpu.memory_space<semaphore_mem>>) src(%dma_wait3A_243 : memref<10000x128xf32, #tpu.memory_space<hbm>>) dst(%arg8 : memref<80x128xf32, #tpu.memory_space<vmem>>)
      %run_scoped3A_244 = arith.constant 8 : i32
      "tpu.region"() ({
        %run_scoped3A_456 = tpu.sem_alloc : memref<!tpu.dma_semaphore, #tpu.memory_space<semaphore_mem>>
        %dma_start3A_457 = arith.constant 0 : i32
        %dma_start3A_458 = tpu.memref_slice %arg7[%run_scoped3A_244, %dma_start3A_457] : memref<24x80xi32, #tpu.memory_space<vmem>> -> memref<1x80xi32, #tpu.memory_space<vmem>>
        %dma_start3A_459 = tpu.memref_squeeze %dma_start3A_458 : memref<1x80xi32, #tpu.memory_space<vmem>> -> memref<80xi32, #tpu.memory_space<vmem>>
        %dma_start3A_460 = arith.constant 0 : i32
        %dma_start3A_461 = arith.constant 0 : i32
        %dma_start3A_462 = tpu.memref_slice %arg12[%dma_start3A_460, %dma_start3A_461] : memref<10240x128xf32, #tpu.memory_space<vmem_shared>> -> memref<10240x128xf32, #tpu.memory_space<vmem_shared>>
        tpu.enqueue_indirect_dma source(%arg8 : memref<80x128xf32, #tpu.memory_space<vmem>>) target(%dma_start3A_462 : memref<10240x128xf32, #tpu.memory_space<vmem_shared>>) offsets(%dma_start3A_459 : memref<80xi32, #tpu.memory_space<vmem>>) semaphore(%run_scoped3A_456 : memref<!tpu.dma_semaphore, #tpu.memory_space<semaphore_mem>>) {add = true}
        %dma_wait3A_463 = arith.constant 0 : i32
        %dma_wait3A_464 = tpu.memref_slice %arg7[%run_scoped3A_244, %dma_wait3A_463] : memref<24x80xi32, #tpu.memory_space<vmem>> -> memref<1x80xi32, #tpu.memory_space<vmem>>
        %dma_wait3A_465 = tpu.memref_squeeze %dma_wait3A_464 : memref<1x80xi32, #tpu.memory_space<vmem>> -> memref<80xi32, #tpu.memory_space<vmem>>
        %dma_wait3A_466 = arith.constant 0 : i32
        %dma_wait3A_467 = arith.constant 0 : i32
        %dma_wait3A_468 = tpu.memref_slice %arg12[%dma_wait3A_466, %dma_wait3A_467] : memref<10240x128xf32, #tpu.memory_space<vmem_shared>> -> memref<10240x128xf32, #tpu.memory_space<vmem_shared>>
        tpu.wait_indirect_dma semaphore(%run_scoped3A_456 : memref<!tpu.dma_semaphore, #tpu.memory_space<semaphore_mem>>) src(%arg8 : memref<80x128xf32, #tpu.memory_space<vmem>>) dst(%dma_wait3A_468 : memref<10240x128xf32, #tpu.memory_space<vmem_shared>>)
        tpu.yield
      }) : () -> ()
      %dma_start3A_245 = arith.constant 11 : i32
      %dma_start3A_246 = arith.constant 0 : i32
      %dma_start3A_247 = tpu.memref_slice %arg6[%dma_start3A_245, %dma_start3A_246] : memref<24x80xi32, #tpu.memory_space<vmem>> -> memref<1x80xi32, #tpu.memory_space<vmem>>
      %dma_start3A_248 = tpu.memref_squeeze %dma_start3A_247 : memref<1x80xi32, #tpu.memory_space<vmem>> -> memref<80xi32, #tpu.memory_space<vmem>>
      %dma_start3A_249 = arith.constant 0 : i32
      %dma_start3A_250 = arith.constant 0 : i32
      %dma_start3A_251 = tpu.memref_slice %arg2[%dma_start3A_249, %dma_start3A_250] : memref<10000x128xf32, #tpu.memory_space<hbm>> -> memref<10000x128xf32, #tpu.memory_space<hbm>>
      tpu.enqueue_indirect_dma source(%dma_start3A_251 : memref<10000x128xf32, #tpu.memory_space<hbm>>) target(%arg11 : memref<80x128xf32, #tpu.memory_space<vmem>>) offsets(%dma_start3A_248 : memref<80xi32, #tpu.memory_space<vmem>>) semaphore(%arg16 : memref<!tpu.dma_semaphore, #tpu.memory_space<semaphore_mem>>)
      %dma_wait3A_252 = arith.constant 9 : i32
      %dma_wait3A_253 = arith.constant 0 : i32
      %dma_wait3A_254 = tpu.memref_slice %arg6[%dma_wait3A_252, %dma_wait3A_253] : memref<24x80xi32, #tpu.memory_space<vmem>> -> memref<1x80xi32, #tpu.memory_space<vmem>>
      %dma_wait3A_255 = tpu.memref_squeeze %dma_wait3A_254 : memref<1x80xi32, #tpu.memory_space<vmem>> -> memref<80xi32, #tpu.memory_space<vmem>>
      %dma_wait3A_256 = arith.constant 0 : i32
      %dma_wait3A_257 = arith.constant 0 : i32
      %dma_wait3A_258 = tpu.memref_slice %arg2[%dma_wait3A_256, %dma_wait3A_257] : memref<10000x128xf32, #tpu.memory_space<hbm>> -> memref<10000x128xf32, #tpu.memory_space<hbm>>
      tpu.wait_indirect_dma semaphore(%arg14 : memref<!tpu.dma_semaphore, #tpu.memory_space<semaphore_mem>>) src(%dma_wait3A_258 : memref<10000x128xf32, #tpu.memory_space<hbm>>) dst(%arg9 : memref<80x128xf32, #tpu.memory_space<vmem>>)
      %run_scoped3A_259 = arith.constant 9 : i32
      "tpu.region"() ({
        %run_scoped3A_456 = tpu.sem_alloc : memref<!tpu.dma_semaphore, #tpu.memory_space<semaphore_mem>>
        %dma_start3A_457 = arith.constant 0 : i32
        %dma_start3A_458 = tpu.memref_slice %arg7[%run_scoped3A_259, %dma_start3A_457] : memref<24x80xi32, #tpu.memory_space<vmem>> -> memref<1x80xi32, #tpu.memory_space<vmem>>
        %dma_start3A_459 = tpu.memref_squeeze %dma_start3A_458 : memref<1x80xi32, #tpu.memory_space<vmem>> -> memref<80xi32, #tpu.memory_space<vmem>>
        %dma_start3A_460 = arith.constant 0 : i32
        %dma_start3A_461 = arith.constant 0 : i32
        %dma_start3A_462 = tpu.memref_slice %arg12[%dma_start3A_460, %dma_start3A_461] : memref<10240x128xf32, #tpu.memory_space<vmem_shared>> -> memref<10240x128xf32, #tpu.memory_space<vmem_shared>>
        tpu.enqueue_indirect_dma source(%arg9 : memref<80x128xf32, #tpu.memory_space<vmem>>) target(%dma_start3A_462 : memref<10240x128xf32, #tpu.memory_space<vmem_shared>>) offsets(%dma_start3A_459 : memref<80xi32, #tpu.memory_space<vmem>>) semaphore(%run_scoped3A_456 : memref<!tpu.dma_semaphore, #tpu.memory_space<semaphore_mem>>) {add = true}
        %dma_wait3A_463 = arith.constant 0 : i32
        %dma_wait3A_464 = tpu.memref_slice %arg7[%run_scoped3A_259, %dma_wait3A_463] : memref<24x80xi32, #tpu.memory_space<vmem>> -> memref<1x80xi32, #tpu.memory_space<vmem>>
        %dma_wait3A_465 = tpu.memref_squeeze %dma_wait3A_464 : memref<1x80xi32, #tpu.memory_space<vmem>> -> memref<80xi32, #tpu.memory_space<vmem>>
        %dma_wait3A_466 = arith.constant 0 : i32
        %dma_wait3A_467 = arith.constant 0 : i32
        %dma_wait3A_468 = tpu.memref_slice %arg12[%dma_wait3A_466, %dma_wait3A_467] : memref<10240x128xf32, #tpu.memory_space<vmem_shared>> -> memref<10240x128xf32, #tpu.memory_space<vmem_shared>>
        tpu.wait_indirect_dma semaphore(%run_scoped3A_456 : memref<!tpu.dma_semaphore, #tpu.memory_space<semaphore_mem>>) src(%arg9 : memref<80x128xf32, #tpu.memory_space<vmem>>) dst(%dma_wait3A_468 : memref<10240x128xf32, #tpu.memory_space<vmem_shared>>)
        tpu.yield
      }) : () -> ()
      %dma_start3A_260 = arith.constant 12 : i32
      %dma_start3A_261 = arith.constant 0 : i32
      %dma_start3A_262 = tpu.memref_slice %arg6[%dma_start3A_260, %dma_start3A_261] : memref<24x80xi32, #tpu.memory_space<vmem>> -> memref<1x80xi32, #tpu.memory_space<vmem>>
      %dma_start3A_263 = tpu.memref_squeeze %dma_start3A_262 : memref<1x80xi32, #tpu.memory_space<vmem>> -> memref<80xi32, #tpu.memory_space<vmem>>
      %dma_start3A_264 = arith.constant 0 : i32
      %dma_start3A_265 = arith.constant 0 : i32
      %dma_start3A_266 = tpu.memref_slice %arg2[%dma_start3A_264, %dma_start3A_265] : memref<10000x128xf32, #tpu.memory_space<hbm>> -> memref<10000x128xf32, #tpu.memory_space<hbm>>
      tpu.enqueue_indirect_dma source(%dma_start3A_266 : memref<10000x128xf32, #tpu.memory_space<hbm>>) target(%arg8 : memref<80x128xf32, #tpu.memory_space<vmem>>) offsets(%dma_start3A_263 : memref<80xi32, #tpu.memory_space<vmem>>) semaphore(%arg13 : memref<!tpu.dma_semaphore, #tpu.memory_space<semaphore_mem>>)
      %dma_wait3A_267 = arith.constant 10 : i32
      %dma_wait3A_268 = arith.constant 0 : i32
      %dma_wait3A_269 = tpu.memref_slice %arg6[%dma_wait3A_267, %dma_wait3A_268] : memref<24x80xi32, #tpu.memory_space<vmem>> -> memref<1x80xi32, #tpu.memory_space<vmem>>
      %dma_wait3A_270 = tpu.memref_squeeze %dma_wait3A_269 : memref<1x80xi32, #tpu.memory_space<vmem>> -> memref<80xi32, #tpu.memory_space<vmem>>
      %dma_wait3A_271 = arith.constant 0 : i32
      %dma_wait3A_272 = arith.constant 0 : i32
      %dma_wait3A_273 = tpu.memref_slice %arg2[%dma_wait3A_271, %dma_wait3A_272] : memref<10000x128xf32, #tpu.memory_space<hbm>> -> memref<10000x128xf32, #tpu.memory_space<hbm>>
      tpu.wait_indirect_dma semaphore(%arg15 : memref<!tpu.dma_semaphore, #tpu.memory_space<semaphore_mem>>) src(%dma_wait3A_273 : memref<10000x128xf32, #tpu.memory_space<hbm>>) dst(%arg10 : memref<80x128xf32, #tpu.memory_space<vmem>>)
      %run_scoped3A_274 = arith.constant 10 : i32
      "tpu.region"() ({
        %run_scoped3A_456 = tpu.sem_alloc : memref<!tpu.dma_semaphore, #tpu.memory_space<semaphore_mem>>
        %dma_start3A_457 = arith.constant 0 : i32
        %dma_start3A_458 = tpu.memref_slice %arg7[%run_scoped3A_274, %dma_start3A_457] : memref<24x80xi32, #tpu.memory_space<vmem>> -> memref<1x80xi32, #tpu.memory_space<vmem>>
        %dma_start3A_459 = tpu.memref_squeeze %dma_start3A_458 : memref<1x80xi32, #tpu.memory_space<vmem>> -> memref<80xi32, #tpu.memory_space<vmem>>
        %dma_start3A_460 = arith.constant 0 : i32
        %dma_start3A_461 = arith.constant 0 : i32
        %dma_start3A_462 = tpu.memref_slice %arg12[%dma_start3A_460, %dma_start3A_461] : memref<10240x128xf32, #tpu.memory_space<vmem_shared>> -> memref<10240x128xf32, #tpu.memory_space<vmem_shared>>
        tpu.enqueue_indirect_dma source(%arg10 : memref<80x128xf32, #tpu.memory_space<vmem>>) target(%dma_start3A_462 : memref<10240x128xf32, #tpu.memory_space<vmem_shared>>) offsets(%dma_start3A_459 : memref<80xi32, #tpu.memory_space<vmem>>) semaphore(%run_scoped3A_456 : memref<!tpu.dma_semaphore, #tpu.memory_space<semaphore_mem>>) {add = true}
        %dma_wait3A_463 = arith.constant 0 : i32
        %dma_wait3A_464 = tpu.memref_slice %arg7[%run_scoped3A_274, %dma_wait3A_463] : memref<24x80xi32, #tpu.memory_space<vmem>> -> memref<1x80xi32, #tpu.memory_space<vmem>>
        %dma_wait3A_465 = tpu.memref_squeeze %dma_wait3A_464 : memref<1x80xi32, #tpu.memory_space<vmem>> -> memref<80xi32, #tpu.memory_space<vmem>>
        %dma_wait3A_466 = arith.constant 0 : i32
        %dma_wait3A_467 = arith.constant 0 : i32
        %dma_wait3A_468 = tpu.memref_slice %arg12[%dma_wait3A_466, %dma_wait3A_467] : memref<10240x128xf32, #tpu.memory_space<vmem_shared>> -> memref<10240x128xf32, #tpu.memory_space<vmem_shared>>
        tpu.wait_indirect_dma semaphore(%run_scoped3A_456 : memref<!tpu.dma_semaphore, #tpu.memory_space<semaphore_mem>>) src(%arg10 : memref<80x128xf32, #tpu.memory_space<vmem>>) dst(%dma_wait3A_468 : memref<10240x128xf32, #tpu.memory_space<vmem_shared>>)
        tpu.yield
      }) : () -> ()
      %dma_start3A_275 = arith.constant 13 : i32
      %dma_start3A_276 = arith.constant 0 : i32
      %dma_start3A_277 = tpu.memref_slice %arg6[%dma_start3A_275, %dma_start3A_276] : memref<24x80xi32, #tpu.memory_space<vmem>> -> memref<1x80xi32, #tpu.memory_space<vmem>>
      %dma_start3A_278 = tpu.memref_squeeze %dma_start3A_277 : memref<1x80xi32, #tpu.memory_space<vmem>> -> memref<80xi32, #tpu.memory_space<vmem>>
      %dma_start3A_279 = arith.constant 0 : i32
      %dma_start3A_280 = arith.constant 0 : i32
      %dma_start3A_281 = tpu.memref_slice %arg2[%dma_start3A_279, %dma_start3A_280] : memref<10000x128xf32, #tpu.memory_space<hbm>> -> memref<10000x128xf32, #tpu.memory_space<hbm>>
      tpu.enqueue_indirect_dma source(%dma_start3A_281 : memref<10000x128xf32, #tpu.memory_space<hbm>>) target(%arg9 : memref<80x128xf32, #tpu.memory_space<vmem>>) offsets(%dma_start3A_278 : memref<80xi32, #tpu.memory_space<vmem>>) semaphore(%arg14 : memref<!tpu.dma_semaphore, #tpu.memory_space<semaphore_mem>>)
      %dma_wait3A_282 = arith.constant 11 : i32
      %dma_wait3A_283 = arith.constant 0 : i32
      %dma_wait3A_284 = tpu.memref_slice %arg6[%dma_wait3A_282, %dma_wait3A_283] : memref<24x80xi32, #tpu.memory_space<vmem>> -> memref<1x80xi32, #tpu.memory_space<vmem>>
      %dma_wait3A_285 = tpu.memref_squeeze %dma_wait3A_284 : memref<1x80xi32, #tpu.memory_space<vmem>> -> memref<80xi32, #tpu.memory_space<vmem>>
      %dma_wait3A_286 = arith.constant 0 : i32
      %dma_wait3A_287 = arith.constant 0 : i32
      %dma_wait3A_288 = tpu.memref_slice %arg2[%dma_wait3A_286, %dma_wait3A_287] : memref<10000x128xf32, #tpu.memory_space<hbm>> -> memref<10000x128xf32, #tpu.memory_space<hbm>>
      tpu.wait_indirect_dma semaphore(%arg16 : memref<!tpu.dma_semaphore, #tpu.memory_space<semaphore_mem>>) src(%dma_wait3A_288 : memref<10000x128xf32, #tpu.memory_space<hbm>>) dst(%arg11 : memref<80x128xf32, #tpu.memory_space<vmem>>)
      %run_scoped3A_289 = arith.constant 11 : i32
      "tpu.region"() ({
        %run_scoped3A_456 = tpu.sem_alloc : memref<!tpu.dma_semaphore, #tpu.memory_space<semaphore_mem>>
        %dma_start3A_457 = arith.constant 0 : i32
        %dma_start3A_458 = tpu.memref_slice %arg7[%run_scoped3A_289, %dma_start3A_457] : memref<24x80xi32, #tpu.memory_space<vmem>> -> memref<1x80xi32, #tpu.memory_space<vmem>>
        %dma_start3A_459 = tpu.memref_squeeze %dma_start3A_458 : memref<1x80xi32, #tpu.memory_space<vmem>> -> memref<80xi32, #tpu.memory_space<vmem>>
        %dma_start3A_460 = arith.constant 0 : i32
        %dma_start3A_461 = arith.constant 0 : i32
        %dma_start3A_462 = tpu.memref_slice %arg12[%dma_start3A_460, %dma_start3A_461] : memref<10240x128xf32, #tpu.memory_space<vmem_shared>> -> memref<10240x128xf32, #tpu.memory_space<vmem_shared>>
        tpu.enqueue_indirect_dma source(%arg11 : memref<80x128xf32, #tpu.memory_space<vmem>>) target(%dma_start3A_462 : memref<10240x128xf32, #tpu.memory_space<vmem_shared>>) offsets(%dma_start3A_459 : memref<80xi32, #tpu.memory_space<vmem>>) semaphore(%run_scoped3A_456 : memref<!tpu.dma_semaphore, #tpu.memory_space<semaphore_mem>>) {add = true}
        %dma_wait3A_463 = arith.constant 0 : i32
        %dma_wait3A_464 = tpu.memref_slice %arg7[%run_scoped3A_289, %dma_wait3A_463] : memref<24x80xi32, #tpu.memory_space<vmem>> -> memref<1x80xi32, #tpu.memory_space<vmem>>
        %dma_wait3A_465 = tpu.memref_squeeze %dma_wait3A_464 : memref<1x80xi32, #tpu.memory_space<vmem>> -> memref<80xi32, #tpu.memory_space<vmem>>
        %dma_wait3A_466 = arith.constant 0 : i32
        %dma_wait3A_467 = arith.constant 0 : i32
        %dma_wait3A_468 = tpu.memref_slice %arg12[%dma_wait3A_466, %dma_wait3A_467] : memref<10240x128xf32, #tpu.memory_space<vmem_shared>> -> memref<10240x128xf32, #tpu.memory_space<vmem_shared>>
        tpu.wait_indirect_dma semaphore(%run_scoped3A_456 : memref<!tpu.dma_semaphore, #tpu.memory_space<semaphore_mem>>) src(%arg11 : memref<80x128xf32, #tpu.memory_space<vmem>>) dst(%dma_wait3A_468 : memref<10240x128xf32, #tpu.memory_space<vmem_shared>>)
        tpu.yield
      }) : () -> ()
      %dma_start3A_290 = arith.constant 14 : i32
      %dma_start3A_291 = arith.constant 0 : i32
      %dma_start3A_292 = tpu.memref_slice %arg6[%dma_start3A_290, %dma_start3A_291] : memref<24x80xi32, #tpu.memory_space<vmem>> -> memref<1x80xi32, #tpu.memory_space<vmem>>
      %dma_start3A_293 = tpu.memref_squeeze %dma_start3A_292 : memref<1x80xi32, #tpu.memory_space<vmem>> -> memref<80xi32, #tpu.memory_space<vmem>>
      %dma_start3A_294 = arith.constant 0 : i32
      %dma_start3A_295 = arith.constant 0 : i32
      %dma_start3A_296 = tpu.memref_slice %arg2[%dma_start3A_294, %dma_start3A_295] : memref<10000x128xf32, #tpu.memory_space<hbm>> -> memref<10000x128xf32, #tpu.memory_space<hbm>>
      tpu.enqueue_indirect_dma source(%dma_start3A_296 : memref<10000x128xf32, #tpu.memory_space<hbm>>) target(%arg10 : memref<80x128xf32, #tpu.memory_space<vmem>>) offsets(%dma_start3A_293 : memref<80xi32, #tpu.memory_space<vmem>>) semaphore(%arg15 : memref<!tpu.dma_semaphore, #tpu.memory_space<semaphore_mem>>)
      %dma_wait3A_297 = arith.constant 12 : i32
      %dma_wait3A_298 = arith.constant 0 : i32
      %dma_wait3A_299 = tpu.memref_slice %arg6[%dma_wait3A_297, %dma_wait3A_298] : memref<24x80xi32, #tpu.memory_space<vmem>> -> memref<1x80xi32, #tpu.memory_space<vmem>>
      %dma_wait3A_300 = tpu.memref_squeeze %dma_wait3A_299 : memref<1x80xi32, #tpu.memory_space<vmem>> -> memref<80xi32, #tpu.memory_space<vmem>>
      %dma_wait3A_301 = arith.constant 0 : i32
      %dma_wait3A_302 = arith.constant 0 : i32
      %dma_wait3A_303 = tpu.memref_slice %arg2[%dma_wait3A_301, %dma_wait3A_302] : memref<10000x128xf32, #tpu.memory_space<hbm>> -> memref<10000x128xf32, #tpu.memory_space<hbm>>
      tpu.wait_indirect_dma semaphore(%arg13 : memref<!tpu.dma_semaphore, #tpu.memory_space<semaphore_mem>>) src(%dma_wait3A_303 : memref<10000x128xf32, #tpu.memory_space<hbm>>) dst(%arg8 : memref<80x128xf32, #tpu.memory_space<vmem>>)
      %run_scoped3A_304 = arith.constant 12 : i32
      "tpu.region"() ({
        %run_scoped3A_456 = tpu.sem_alloc : memref<!tpu.dma_semaphore, #tpu.memory_space<semaphore_mem>>
        %dma_start3A_457 = arith.constant 0 : i32
        %dma_start3A_458 = tpu.memref_slice %arg7[%run_scoped3A_304, %dma_start3A_457] : memref<24x80xi32, #tpu.memory_space<vmem>> -> memref<1x80xi32, #tpu.memory_space<vmem>>
        %dma_start3A_459 = tpu.memref_squeeze %dma_start3A_458 : memref<1x80xi32, #tpu.memory_space<vmem>> -> memref<80xi32, #tpu.memory_space<vmem>>
        %dma_start3A_460 = arith.constant 0 : i32
        %dma_start3A_461 = arith.constant 0 : i32
        %dma_start3A_462 = tpu.memref_slice %arg12[%dma_start3A_460, %dma_start3A_461] : memref<10240x128xf32, #tpu.memory_space<vmem_shared>> -> memref<10240x128xf32, #tpu.memory_space<vmem_shared>>
        tpu.enqueue_indirect_dma source(%arg8 : memref<80x128xf32, #tpu.memory_space<vmem>>) target(%dma_start3A_462 : memref<10240x128xf32, #tpu.memory_space<vmem_shared>>) offsets(%dma_start3A_459 : memref<80xi32, #tpu.memory_space<vmem>>) semaphore(%run_scoped3A_456 : memref<!tpu.dma_semaphore, #tpu.memory_space<semaphore_mem>>) {add = true}
        %dma_wait3A_463 = arith.constant 0 : i32
        %dma_wait3A_464 = tpu.memref_slice %arg7[%run_scoped3A_304, %dma_wait3A_463] : memref<24x80xi32, #tpu.memory_space<vmem>> -> memref<1x80xi32, #tpu.memory_space<vmem>>
        %dma_wait3A_465 = tpu.memref_squeeze %dma_wait3A_464 : memref<1x80xi32, #tpu.memory_space<vmem>> -> memref<80xi32, #tpu.memory_space<vmem>>
        %dma_wait3A_466 = arith.constant 0 : i32
        %dma_wait3A_467 = arith.constant 0 : i32
        %dma_wait3A_468 = tpu.memref_slice %arg12[%dma_wait3A_466, %dma_wait3A_467] : memref<10240x128xf32, #tpu.memory_space<vmem_shared>> -> memref<10240x128xf32, #tpu.memory_space<vmem_shared>>
        tpu.wait_indirect_dma semaphore(%run_scoped3A_456 : memref<!tpu.dma_semaphore, #tpu.memory_space<semaphore_mem>>) src(%arg8 : memref<80x128xf32, #tpu.memory_space<vmem>>) dst(%dma_wait3A_468 : memref<10240x128xf32, #tpu.memory_space<vmem_shared>>)
        tpu.yield
      }) : () -> ()
      %dma_start3A_305 = arith.constant 15 : i32
      %dma_start3A_306 = arith.constant 0 : i32
      %dma_start3A_307 = tpu.memref_slice %arg6[%dma_start3A_305, %dma_start3A_306] : memref<24x80xi32, #tpu.memory_space<vmem>> -> memref<1x80xi32, #tpu.memory_space<vmem>>
      %dma_start3A_308 = tpu.memref_squeeze %dma_start3A_307 : memref<1x80xi32, #tpu.memory_space<vmem>> -> memref<80xi32, #tpu.memory_space<vmem>>
      %dma_start3A_309 = arith.constant 0 : i32
      %dma_start3A_310 = arith.constant 0 : i32
      %dma_start3A_311 = tpu.memref_slice %arg2[%dma_start3A_309, %dma_start3A_310] : memref<10000x128xf32, #tpu.memory_space<hbm>> -> memref<10000x128xf32, #tpu.memory_space<hbm>>
      tpu.enqueue_indirect_dma source(%dma_start3A_311 : memref<10000x128xf32, #tpu.memory_space<hbm>>) target(%arg11 : memref<80x128xf32, #tpu.memory_space<vmem>>) offsets(%dma_start3A_308 : memref<80xi32, #tpu.memory_space<vmem>>) semaphore(%arg16 : memref<!tpu.dma_semaphore, #tpu.memory_space<semaphore_mem>>)
      %dma_wait3A_312 = arith.constant 13 : i32
      %dma_wait3A_313 = arith.constant 0 : i32
      %dma_wait3A_314 = tpu.memref_slice %arg6[%dma_wait3A_312, %dma_wait3A_313] : memref<24x80xi32, #tpu.memory_space<vmem>> -> memref<1x80xi32, #tpu.memory_space<vmem>>
      %dma_wait3A_315 = tpu.memref_squeeze %dma_wait3A_314 : memref<1x80xi32, #tpu.memory_space<vmem>> -> memref<80xi32, #tpu.memory_space<vmem>>
      %dma_wait3A_316 = arith.constant 0 : i32
      %dma_wait3A_317 = arith.constant 0 : i32
      %dma_wait3A_318 = tpu.memref_slice %arg2[%dma_wait3A_316, %dma_wait3A_317] : memref<10000x128xf32, #tpu.memory_space<hbm>> -> memref<10000x128xf32, #tpu.memory_space<hbm>>
      tpu.wait_indirect_dma semaphore(%arg14 : memref<!tpu.dma_semaphore, #tpu.memory_space<semaphore_mem>>) src(%dma_wait3A_318 : memref<10000x128xf32, #tpu.memory_space<hbm>>) dst(%arg9 : memref<80x128xf32, #tpu.memory_space<vmem>>)
      %run_scoped3A_319 = arith.constant 13 : i32
      "tpu.region"() ({
        %run_scoped3A_456 = tpu.sem_alloc : memref<!tpu.dma_semaphore, #tpu.memory_space<semaphore_mem>>
        %dma_start3A_457 = arith.constant 0 : i32
        %dma_start3A_458 = tpu.memref_slice %arg7[%run_scoped3A_319, %dma_start3A_457] : memref<24x80xi32, #tpu.memory_space<vmem>> -> memref<1x80xi32, #tpu.memory_space<vmem>>
        %dma_start3A_459 = tpu.memref_squeeze %dma_start3A_458 : memref<1x80xi32, #tpu.memory_space<vmem>> -> memref<80xi32, #tpu.memory_space<vmem>>
        %dma_start3A_460 = arith.constant 0 : i32
        %dma_start3A_461 = arith.constant 0 : i32
        %dma_start3A_462 = tpu.memref_slice %arg12[%dma_start3A_460, %dma_start3A_461] : memref<10240x128xf32, #tpu.memory_space<vmem_shared>> -> memref<10240x128xf32, #tpu.memory_space<vmem_shared>>
        tpu.enqueue_indirect_dma source(%arg9 : memref<80x128xf32, #tpu.memory_space<vmem>>) target(%dma_start3A_462 : memref<10240x128xf32, #tpu.memory_space<vmem_shared>>) offsets(%dma_start3A_459 : memref<80xi32, #tpu.memory_space<vmem>>) semaphore(%run_scoped3A_456 : memref<!tpu.dma_semaphore, #tpu.memory_space<semaphore_mem>>) {add = true}
        %dma_wait3A_463 = arith.constant 0 : i32
        %dma_wait3A_464 = tpu.memref_slice %arg7[%run_scoped3A_319, %dma_wait3A_463] : memref<24x80xi32, #tpu.memory_space<vmem>> -> memref<1x80xi32, #tpu.memory_space<vmem>>
        %dma_wait3A_465 = tpu.memref_squeeze %dma_wait3A_464 : memref<1x80xi32, #tpu.memory_space<vmem>> -> memref<80xi32, #tpu.memory_space<vmem>>
        %dma_wait3A_466 = arith.constant 0 : i32
        %dma_wait3A_467 = arith.constant 0 : i32
        %dma_wait3A_468 = tpu.memref_slice %arg12[%dma_wait3A_466, %dma_wait3A_467] : memref<10240x128xf32, #tpu.memory_space<vmem_shared>> -> memref<10240x128xf32, #tpu.memory_space<vmem_shared>>
        tpu.wait_indirect_dma semaphore(%run_scoped3A_456 : memref<!tpu.dma_semaphore, #tpu.memory_space<semaphore_mem>>) src(%arg9 : memref<80x128xf32, #tpu.memory_space<vmem>>) dst(%dma_wait3A_468 : memref<10240x128xf32, #tpu.memory_space<vmem_shared>>)
        tpu.yield
      }) : () -> ()
      %dma_start3A_320 = arith.constant 16 : i32
      %dma_start3A_321 = arith.constant 0 : i32
      %dma_start3A_322 = tpu.memref_slice %arg6[%dma_start3A_320, %dma_start3A_321] : memref<24x80xi32, #tpu.memory_space<vmem>> -> memref<1x80xi32, #tpu.memory_space<vmem>>
      %dma_start3A_323 = tpu.memref_squeeze %dma_start3A_322 : memref<1x80xi32, #tpu.memory_space<vmem>> -> memref<80xi32, #tpu.memory_space<vmem>>
      %dma_start3A_324 = arith.constant 0 : i32
      %dma_start3A_325 = arith.constant 0 : i32
      %dma_start3A_326 = tpu.memref_slice %arg2[%dma_start3A_324, %dma_start3A_325] : memref<10000x128xf32, #tpu.memory_space<hbm>> -> memref<10000x128xf32, #tpu.memory_space<hbm>>
      tpu.enqueue_indirect_dma source(%dma_start3A_326 : memref<10000x128xf32, #tpu.memory_space<hbm>>) target(%arg8 : memref<80x128xf32, #tpu.memory_space<vmem>>) offsets(%dma_start3A_323 : memref<80xi32, #tpu.memory_space<vmem>>) semaphore(%arg13 : memref<!tpu.dma_semaphore, #tpu.memory_space<semaphore_mem>>)
      %dma_wait3A_327 = arith.constant 14 : i32
      %dma_wait3A_328 = arith.constant 0 : i32
      %dma_wait3A_329 = tpu.memref_slice %arg6[%dma_wait3A_327, %dma_wait3A_328] : memref<24x80xi32, #tpu.memory_space<vmem>> -> memref<1x80xi32, #tpu.memory_space<vmem>>
      %dma_wait3A_330 = tpu.memref_squeeze %dma_wait3A_329 : memref<1x80xi32, #tpu.memory_space<vmem>> -> memref<80xi32, #tpu.memory_space<vmem>>
      %dma_wait3A_331 = arith.constant 0 : i32
      %dma_wait3A_332 = arith.constant 0 : i32
      %dma_wait3A_333 = tpu.memref_slice %arg2[%dma_wait3A_331, %dma_wait3A_332] : memref<10000x128xf32, #tpu.memory_space<hbm>> -> memref<10000x128xf32, #tpu.memory_space<hbm>>
      tpu.wait_indirect_dma semaphore(%arg15 : memref<!tpu.dma_semaphore, #tpu.memory_space<semaphore_mem>>) src(%dma_wait3A_333 : memref<10000x128xf32, #tpu.memory_space<hbm>>) dst(%arg10 : memref<80x128xf32, #tpu.memory_space<vmem>>)
      %run_scoped3A_334 = arith.constant 14 : i32
      "tpu.region"() ({
        %run_scoped3A_456 = tpu.sem_alloc : memref<!tpu.dma_semaphore, #tpu.memory_space<semaphore_mem>>
        %dma_start3A_457 = arith.constant 0 : i32
        %dma_start3A_458 = tpu.memref_slice %arg7[%run_scoped3A_334, %dma_start3A_457] : memref<24x80xi32, #tpu.memory_space<vmem>> -> memref<1x80xi32, #tpu.memory_space<vmem>>
        %dma_start3A_459 = tpu.memref_squeeze %dma_start3A_458 : memref<1x80xi32, #tpu.memory_space<vmem>> -> memref<80xi32, #tpu.memory_space<vmem>>
        %dma_start3A_460 = arith.constant 0 : i32
        %dma_start3A_461 = arith.constant 0 : i32
        %dma_start3A_462 = tpu.memref_slice %arg12[%dma_start3A_460, %dma_start3A_461] : memref<10240x128xf32, #tpu.memory_space<vmem_shared>> -> memref<10240x128xf32, #tpu.memory_space<vmem_shared>>
        tpu.enqueue_indirect_dma source(%arg10 : memref<80x128xf32, #tpu.memory_space<vmem>>) target(%dma_start3A_462 : memref<10240x128xf32, #tpu.memory_space<vmem_shared>>) offsets(%dma_start3A_459 : memref<80xi32, #tpu.memory_space<vmem>>) semaphore(%run_scoped3A_456 : memref<!tpu.dma_semaphore, #tpu.memory_space<semaphore_mem>>) {add = true}
        %dma_wait3A_463 = arith.constant 0 : i32
        %dma_wait3A_464 = tpu.memref_slice %arg7[%run_scoped3A_334, %dma_wait3A_463] : memref<24x80xi32, #tpu.memory_space<vmem>> -> memref<1x80xi32, #tpu.memory_space<vmem>>
        %dma_wait3A_465 = tpu.memref_squeeze %dma_wait3A_464 : memref<1x80xi32, #tpu.memory_space<vmem>> -> memref<80xi32, #tpu.memory_space<vmem>>
        %dma_wait3A_466 = arith.constant 0 : i32
        %dma_wait3A_467 = arith.constant 0 : i32
        %dma_wait3A_468 = tpu.memref_slice %arg12[%dma_wait3A_466, %dma_wait3A_467] : memref<10240x128xf32, #tpu.memory_space<vmem_shared>> -> memref<10240x128xf32, #tpu.memory_space<vmem_shared>>
        tpu.wait_indirect_dma semaphore(%run_scoped3A_456 : memref<!tpu.dma_semaphore, #tpu.memory_space<semaphore_mem>>) src(%arg10 : memref<80x128xf32, #tpu.memory_space<vmem>>) dst(%dma_wait3A_468 : memref<10240x128xf32, #tpu.memory_space<vmem_shared>>)
        tpu.yield
      }) : () -> ()
      %dma_start3A_335 = arith.constant 17 : i32
      %dma_start3A_336 = arith.constant 0 : i32
      %dma_start3A_337 = tpu.memref_slice %arg6[%dma_start3A_335, %dma_start3A_336] : memref<24x80xi32, #tpu.memory_space<vmem>> -> memref<1x80xi32, #tpu.memory_space<vmem>>
      %dma_start3A_338 = tpu.memref_squeeze %dma_start3A_337 : memref<1x80xi32, #tpu.memory_space<vmem>> -> memref<80xi32, #tpu.memory_space<vmem>>
      %dma_start3A_339 = arith.constant 0 : i32
      %dma_start3A_340 = arith.constant 0 : i32
      %dma_start3A_341 = tpu.memref_slice %arg2[%dma_start3A_339, %dma_start3A_340] : memref<10000x128xf32, #tpu.memory_space<hbm>> -> memref<10000x128xf32, #tpu.memory_space<hbm>>
      tpu.enqueue_indirect_dma source(%dma_start3A_341 : memref<10000x128xf32, #tpu.memory_space<hbm>>) target(%arg9 : memref<80x128xf32, #tpu.memory_space<vmem>>) offsets(%dma_start3A_338 : memref<80xi32, #tpu.memory_space<vmem>>) semaphore(%arg14 : memref<!tpu.dma_semaphore, #tpu.memory_space<semaphore_mem>>)
      %dma_wait3A_342 = arith.constant 15 : i32
      %dma_wait3A_343 = arith.constant 0 : i32
      %dma_wait3A_344 = tpu.memref_slice %arg6[%dma_wait3A_342, %dma_wait3A_343] : memref<24x80xi32, #tpu.memory_space<vmem>> -> memref<1x80xi32, #tpu.memory_space<vmem>>
      %dma_wait3A_345 = tpu.memref_squeeze %dma_wait3A_344 : memref<1x80xi32, #tpu.memory_space<vmem>> -> memref<80xi32, #tpu.memory_space<vmem>>
      %dma_wait3A_346 = arith.constant 0 : i32
      %dma_wait3A_347 = arith.constant 0 : i32
      %dma_wait3A_348 = tpu.memref_slice %arg2[%dma_wait3A_346, %dma_wait3A_347] : memref<10000x128xf32, #tpu.memory_space<hbm>> -> memref<10000x128xf32, #tpu.memory_space<hbm>>
      tpu.wait_indirect_dma semaphore(%arg16 : memref<!tpu.dma_semaphore, #tpu.memory_space<semaphore_mem>>) src(%dma_wait3A_348 : memref<10000x128xf32, #tpu.memory_space<hbm>>) dst(%arg11 : memref<80x128xf32, #tpu.memory_space<vmem>>)
      %run_scoped3A_349 = arith.constant 15 : i32
      "tpu.region"() ({
        %run_scoped3A_456 = tpu.sem_alloc : memref<!tpu.dma_semaphore, #tpu.memory_space<semaphore_mem>>
        %dma_start3A_457 = arith.constant 0 : i32
        %dma_start3A_458 = tpu.memref_slice %arg7[%run_scoped3A_349, %dma_start3A_457] : memref<24x80xi32, #tpu.memory_space<vmem>> -> memref<1x80xi32, #tpu.memory_space<vmem>>
        %dma_start3A_459 = tpu.memref_squeeze %dma_start3A_458 : memref<1x80xi32, #tpu.memory_space<vmem>> -> memref<80xi32, #tpu.memory_space<vmem>>
        %dma_start3A_460 = arith.constant 0 : i32
        %dma_start3A_461 = arith.constant 0 : i32
        %dma_start3A_462 = tpu.memref_slice %arg12[%dma_start3A_460, %dma_start3A_461] : memref<10240x128xf32, #tpu.memory_space<vmem_shared>> -> memref<10240x128xf32, #tpu.memory_space<vmem_shared>>
        tpu.enqueue_indirect_dma source(%arg11 : memref<80x128xf32, #tpu.memory_space<vmem>>) target(%dma_start3A_462 : memref<10240x128xf32, #tpu.memory_space<vmem_shared>>) offsets(%dma_start3A_459 : memref<80xi32, #tpu.memory_space<vmem>>) semaphore(%run_scoped3A_456 : memref<!tpu.dma_semaphore, #tpu.memory_space<semaphore_mem>>) {add = true}
        %dma_wait3A_463 = arith.constant 0 : i32
        %dma_wait3A_464 = tpu.memref_slice %arg7[%run_scoped3A_349, %dma_wait3A_463] : memref<24x80xi32, #tpu.memory_space<vmem>> -> memref<1x80xi32, #tpu.memory_space<vmem>>
        %dma_wait3A_465 = tpu.memref_squeeze %dma_wait3A_464 : memref<1x80xi32, #tpu.memory_space<vmem>> -> memref<80xi32, #tpu.memory_space<vmem>>
        %dma_wait3A_466 = arith.constant 0 : i32
        %dma_wait3A_467 = arith.constant 0 : i32
        %dma_wait3A_468 = tpu.memref_slice %arg12[%dma_wait3A_466, %dma_wait3A_467] : memref<10240x128xf32, #tpu.memory_space<vmem_shared>> -> memref<10240x128xf32, #tpu.memory_space<vmem_shared>>
        tpu.wait_indirect_dma semaphore(%run_scoped3A_456 : memref<!tpu.dma_semaphore, #tpu.memory_space<semaphore_mem>>) src(%arg11 : memref<80x128xf32, #tpu.memory_space<vmem>>) dst(%dma_wait3A_468 : memref<10240x128xf32, #tpu.memory_space<vmem_shared>>)
        tpu.yield
      }) : () -> ()
      %dma_start3A_350 = arith.constant 18 : i32
      %dma_start3A_351 = arith.constant 0 : i32
      %dma_start3A_352 = tpu.memref_slice %arg6[%dma_start3A_350, %dma_start3A_351] : memref<24x80xi32, #tpu.memory_space<vmem>> -> memref<1x80xi32, #tpu.memory_space<vmem>>
      %dma_start3A_353 = tpu.memref_squeeze %dma_start3A_352 : memref<1x80xi32, #tpu.memory_space<vmem>> -> memref<80xi32, #tpu.memory_space<vmem>>
      %dma_start3A_354 = arith.constant 0 : i32
      %dma_start3A_355 = arith.constant 0 : i32
      %dma_start3A_356 = tpu.memref_slice %arg2[%dma_start3A_354, %dma_start3A_355] : memref<10000x128xf32, #tpu.memory_space<hbm>> -> memref<10000x128xf32, #tpu.memory_space<hbm>>
      tpu.enqueue_indirect_dma source(%dma_start3A_356 : memref<10000x128xf32, #tpu.memory_space<hbm>>) target(%arg10 : memref<80x128xf32, #tpu.memory_space<vmem>>) offsets(%dma_start3A_353 : memref<80xi32, #tpu.memory_space<vmem>>) semaphore(%arg15 : memref<!tpu.dma_semaphore, #tpu.memory_space<semaphore_mem>>)
      %dma_wait3A_357 = arith.constant 16 : i32
      %dma_wait3A_358 = arith.constant 0 : i32
      %dma_wait3A_359 = tpu.memref_slice %arg6[%dma_wait3A_357, %dma_wait3A_358] : memref<24x80xi32, #tpu.memory_space<vmem>> -> memref<1x80xi32, #tpu.memory_space<vmem>>
      %dma_wait3A_360 = tpu.memref_squeeze %dma_wait3A_359 : memref<1x80xi32, #tpu.memory_space<vmem>> -> memref<80xi32, #tpu.memory_space<vmem>>
      %dma_wait3A_361 = arith.constant 0 : i32
      %dma_wait3A_362 = arith.constant 0 : i32
      %dma_wait3A_363 = tpu.memref_slice %arg2[%dma_wait3A_361, %dma_wait3A_362] : memref<10000x128xf32, #tpu.memory_space<hbm>> -> memref<10000x128xf32, #tpu.memory_space<hbm>>
      tpu.wait_indirect_dma semaphore(%arg13 : memref<!tpu.dma_semaphore, #tpu.memory_space<semaphore_mem>>) src(%dma_wait3A_363 : memref<10000x128xf32, #tpu.memory_space<hbm>>) dst(%arg8 : memref<80x128xf32, #tpu.memory_space<vmem>>)
      %run_scoped3A_364 = arith.constant 16 : i32
      "tpu.region"() ({
        %run_scoped3A_456 = tpu.sem_alloc : memref<!tpu.dma_semaphore, #tpu.memory_space<semaphore_mem>>
        %dma_start3A_457 = arith.constant 0 : i32
        %dma_start3A_458 = tpu.memref_slice %arg7[%run_scoped3A_364, %dma_start3A_457] : memref<24x80xi32, #tpu.memory_space<vmem>> -> memref<1x80xi32, #tpu.memory_space<vmem>>
        %dma_start3A_459 = tpu.memref_squeeze %dma_start3A_458 : memref<1x80xi32, #tpu.memory_space<vmem>> -> memref<80xi32, #tpu.memory_space<vmem>>
        %dma_start3A_460 = arith.constant 0 : i32
        %dma_start3A_461 = arith.constant 0 : i32
        %dma_start3A_462 = tpu.memref_slice %arg12[%dma_start3A_460, %dma_start3A_461] : memref<10240x128xf32, #tpu.memory_space<vmem_shared>> -> memref<10240x128xf32, #tpu.memory_space<vmem_shared>>
        tpu.enqueue_indirect_dma source(%arg8 : memref<80x128xf32, #tpu.memory_space<vmem>>) target(%dma_start3A_462 : memref<10240x128xf32, #tpu.memory_space<vmem_shared>>) offsets(%dma_start3A_459 : memref<80xi32, #tpu.memory_space<vmem>>) semaphore(%run_scoped3A_456 : memref<!tpu.dma_semaphore, #tpu.memory_space<semaphore_mem>>) {add = true}
        %dma_wait3A_463 = arith.constant 0 : i32
        %dma_wait3A_464 = tpu.memref_slice %arg7[%run_scoped3A_364, %dma_wait3A_463] : memref<24x80xi32, #tpu.memory_space<vmem>> -> memref<1x80xi32, #tpu.memory_space<vmem>>
        %dma_wait3A_465 = tpu.memref_squeeze %dma_wait3A_464 : memref<1x80xi32, #tpu.memory_space<vmem>> -> memref<80xi32, #tpu.memory_space<vmem>>
        %dma_wait3A_466 = arith.constant 0 : i32
        %dma_wait3A_467 = arith.constant 0 : i32
        %dma_wait3A_468 = tpu.memref_slice %arg12[%dma_wait3A_466, %dma_wait3A_467] : memref<10240x128xf32, #tpu.memory_space<vmem_shared>> -> memref<10240x128xf32, #tpu.memory_space<vmem_shared>>
        tpu.wait_indirect_dma semaphore(%run_scoped3A_456 : memref<!tpu.dma_semaphore, #tpu.memory_space<semaphore_mem>>) src(%arg8 : memref<80x128xf32, #tpu.memory_space<vmem>>) dst(%dma_wait3A_468 : memref<10240x128xf32, #tpu.memory_space<vmem_shared>>)
        tpu.yield
      }) : () -> ()
      %dma_start3A_365 = arith.constant 19 : i32
      %dma_start3A_366 = arith.constant 0 : i32
      %dma_start3A_367 = tpu.memref_slice %arg6[%dma_start3A_365, %dma_start3A_366] : memref<24x80xi32, #tpu.memory_space<vmem>> -> memref<1x80xi32, #tpu.memory_space<vmem>>
      %dma_start3A_368 = tpu.memref_squeeze %dma_start3A_367 : memref<1x80xi32, #tpu.memory_space<vmem>> -> memref<80xi32, #tpu.memory_space<vmem>>
      %dma_start3A_369 = arith.constant 0 : i32
      %dma_start3A_370 = arith.constant 0 : i32
      %dma_start3A_371 = tpu.memref_slice %arg2[%dma_start3A_369, %dma_start3A_370] : memref<10000x128xf32, #tpu.memory_space<hbm>> -> memref<10000x128xf32, #tpu.memory_space<hbm>>
      tpu.enqueue_indirect_dma source(%dma_start3A_371 : memref<10000x128xf32, #tpu.memory_space<hbm>>) target(%arg11 : memref<80x128xf32, #tpu.memory_space<vmem>>) offsets(%dma_start3A_368 : memref<80xi32, #tpu.memory_space<vmem>>) semaphore(%arg16 : memref<!tpu.dma_semaphore, #tpu.memory_space<semaphore_mem>>)
      %dma_wait3A_372 = arith.constant 17 : i32
      %dma_wait3A_373 = arith.constant 0 : i32
      %dma_wait3A_374 = tpu.memref_slice %arg6[%dma_wait3A_372, %dma_wait3A_373] : memref<24x80xi32, #tpu.memory_space<vmem>> -> memref<1x80xi32, #tpu.memory_space<vmem>>
      %dma_wait3A_375 = tpu.memref_squeeze %dma_wait3A_374 : memref<1x80xi32, #tpu.memory_space<vmem>> -> memref<80xi32, #tpu.memory_space<vmem>>
      %dma_wait3A_376 = arith.constant 0 : i32
      %dma_wait3A_377 = arith.constant 0 : i32
      %dma_wait3A_378 = tpu.memref_slice %arg2[%dma_wait3A_376, %dma_wait3A_377] : memref<10000x128xf32, #tpu.memory_space<hbm>> -> memref<10000x128xf32, #tpu.memory_space<hbm>>
      tpu.wait_indirect_dma semaphore(%arg14 : memref<!tpu.dma_semaphore, #tpu.memory_space<semaphore_mem>>) src(%dma_wait3A_378 : memref<10000x128xf32, #tpu.memory_space<hbm>>) dst(%arg9 : memref<80x128xf32, #tpu.memory_space<vmem>>)
      %run_scoped3A_379 = arith.constant 17 : i32
      "tpu.region"() ({
        %run_scoped3A_456 = tpu.sem_alloc : memref<!tpu.dma_semaphore, #tpu.memory_space<semaphore_mem>>
        %dma_start3A_457 = arith.constant 0 : i32
        %dma_start3A_458 = tpu.memref_slice %arg7[%run_scoped3A_379, %dma_start3A_457] : memref<24x80xi32, #tpu.memory_space<vmem>> -> memref<1x80xi32, #tpu.memory_space<vmem>>
        %dma_start3A_459 = tpu.memref_squeeze %dma_start3A_458 : memref<1x80xi32, #tpu.memory_space<vmem>> -> memref<80xi32, #tpu.memory_space<vmem>>
        %dma_start3A_460 = arith.constant 0 : i32
        %dma_start3A_461 = arith.constant 0 : i32
        %dma_start3A_462 = tpu.memref_slice %arg12[%dma_start3A_460, %dma_start3A_461] : memref<10240x128xf32, #tpu.memory_space<vmem_shared>> -> memref<10240x128xf32, #tpu.memory_space<vmem_shared>>
        tpu.enqueue_indirect_dma source(%arg9 : memref<80x128xf32, #tpu.memory_space<vmem>>) target(%dma_start3A_462 : memref<10240x128xf32, #tpu.memory_space<vmem_shared>>) offsets(%dma_start3A_459 : memref<80xi32, #tpu.memory_space<vmem>>) semaphore(%run_scoped3A_456 : memref<!tpu.dma_semaphore, #tpu.memory_space<semaphore_mem>>) {add = true}
        %dma_wait3A_463 = arith.constant 0 : i32
        %dma_wait3A_464 = tpu.memref_slice %arg7[%run_scoped3A_379, %dma_wait3A_463] : memref<24x80xi32, #tpu.memory_space<vmem>> -> memref<1x80xi32, #tpu.memory_space<vmem>>
        %dma_wait3A_465 = tpu.memref_squeeze %dma_wait3A_464 : memref<1x80xi32, #tpu.memory_space<vmem>> -> memref<80xi32, #tpu.memory_space<vmem>>
        %dma_wait3A_466 = arith.constant 0 : i32
        %dma_wait3A_467 = arith.constant 0 : i32
        %dma_wait3A_468 = tpu.memref_slice %arg12[%dma_wait3A_466, %dma_wait3A_467] : memref<10240x128xf32, #tpu.memory_space<vmem_shared>> -> memref<10240x128xf32, #tpu.memory_space<vmem_shared>>
        tpu.wait_indirect_dma semaphore(%run_scoped3A_456 : memref<!tpu.dma_semaphore, #tpu.memory_space<semaphore_mem>>) src(%arg9 : memref<80x128xf32, #tpu.memory_space<vmem>>) dst(%dma_wait3A_468 : memref<10240x128xf32, #tpu.memory_space<vmem_shared>>)
        tpu.yield
      }) : () -> ()
      %dma_start3A_380 = arith.constant 20 : i32
      %dma_start3A_381 = arith.constant 0 : i32
      %dma_start3A_382 = tpu.memref_slice %arg6[%dma_start3A_380, %dma_start3A_381] : memref<24x80xi32, #tpu.memory_space<vmem>> -> memref<1x80xi32, #tpu.memory_space<vmem>>
      %dma_start3A_383 = tpu.memref_squeeze %dma_start3A_382 : memref<1x80xi32, #tpu.memory_space<vmem>> -> memref<80xi32, #tpu.memory_space<vmem>>
      %dma_start3A_384 = arith.constant 0 : i32
      %dma_start3A_385 = arith.constant 0 : i32
      %dma_start3A_386 = tpu.memref_slice %arg2[%dma_start3A_384, %dma_start3A_385] : memref<10000x128xf32, #tpu.memory_space<hbm>> -> memref<10000x128xf32, #tpu.memory_space<hbm>>
      tpu.enqueue_indirect_dma source(%dma_start3A_386 : memref<10000x128xf32, #tpu.memory_space<hbm>>) target(%arg8 : memref<80x128xf32, #tpu.memory_space<vmem>>) offsets(%dma_start3A_383 : memref<80xi32, #tpu.memory_space<vmem>>) semaphore(%arg13 : memref<!tpu.dma_semaphore, #tpu.memory_space<semaphore_mem>>)
      %dma_wait3A_387 = arith.constant 18 : i32
      %dma_wait3A_388 = arith.constant 0 : i32
      %dma_wait3A_389 = tpu.memref_slice %arg6[%dma_wait3A_387, %dma_wait3A_388] : memref<24x80xi32, #tpu.memory_space<vmem>> -> memref<1x80xi32, #tpu.memory_space<vmem>>
      %dma_wait3A_390 = tpu.memref_squeeze %dma_wait3A_389 : memref<1x80xi32, #tpu.memory_space<vmem>> -> memref<80xi32, #tpu.memory_space<vmem>>
      %dma_wait3A_391 = arith.constant 0 : i32
      %dma_wait3A_392 = arith.constant 0 : i32
      %dma_wait3A_393 = tpu.memref_slice %arg2[%dma_wait3A_391, %dma_wait3A_392] : memref<10000x128xf32, #tpu.memory_space<hbm>> -> memref<10000x128xf32, #tpu.memory_space<hbm>>
      tpu.wait_indirect_dma semaphore(%arg15 : memref<!tpu.dma_semaphore, #tpu.memory_space<semaphore_mem>>) src(%dma_wait3A_393 : memref<10000x128xf32, #tpu.memory_space<hbm>>) dst(%arg10 : memref<80x128xf32, #tpu.memory_space<vmem>>)
      %run_scoped3A_394 = arith.constant 18 : i32
      "tpu.region"() ({
        %run_scoped3A_456 = tpu.sem_alloc : memref<!tpu.dma_semaphore, #tpu.memory_space<semaphore_mem>>
        %dma_start3A_457 = arith.constant 0 : i32
        %dma_start3A_458 = tpu.memref_slice %arg7[%run_scoped3A_394, %dma_start3A_457] : memref<24x80xi32, #tpu.memory_space<vmem>> -> memref<1x80xi32, #tpu.memory_space<vmem>>
        %dma_start3A_459 = tpu.memref_squeeze %dma_start3A_458 : memref<1x80xi32, #tpu.memory_space<vmem>> -> memref<80xi32, #tpu.memory_space<vmem>>
        %dma_start3A_460 = arith.constant 0 : i32
        %dma_start3A_461 = arith.constant 0 : i32
        %dma_start3A_462 = tpu.memref_slice %arg12[%dma_start3A_460, %dma_start3A_461] : memref<10240x128xf32, #tpu.memory_space<vmem_shared>> -> memref<10240x128xf32, #tpu.memory_space<vmem_shared>>
        tpu.enqueue_indirect_dma source(%arg10 : memref<80x128xf32, #tpu.memory_space<vmem>>) target(%dma_start3A_462 : memref<10240x128xf32, #tpu.memory_space<vmem_shared>>) offsets(%dma_start3A_459 : memref<80xi32, #tpu.memory_space<vmem>>) semaphore(%run_scoped3A_456 : memref<!tpu.dma_semaphore, #tpu.memory_space<semaphore_mem>>) {add = true}
        %dma_wait3A_463 = arith.constant 0 : i32
        %dma_wait3A_464 = tpu.memref_slice %arg7[%run_scoped3A_394, %dma_wait3A_463] : memref<24x80xi32, #tpu.memory_space<vmem>> -> memref<1x80xi32, #tpu.memory_space<vmem>>
        %dma_wait3A_465 = tpu.memref_squeeze %dma_wait3A_464 : memref<1x80xi32, #tpu.memory_space<vmem>> -> memref<80xi32, #tpu.memory_space<vmem>>
        %dma_wait3A_466 = arith.constant 0 : i32
        %dma_wait3A_467 = arith.constant 0 : i32
        %dma_wait3A_468 = tpu.memref_slice %arg12[%dma_wait3A_466, %dma_wait3A_467] : memref<10240x128xf32, #tpu.memory_space<vmem_shared>> -> memref<10240x128xf32, #tpu.memory_space<vmem_shared>>
        tpu.wait_indirect_dma semaphore(%run_scoped3A_456 : memref<!tpu.dma_semaphore, #tpu.memory_space<semaphore_mem>>) src(%arg10 : memref<80x128xf32, #tpu.memory_space<vmem>>) dst(%dma_wait3A_468 : memref<10240x128xf32, #tpu.memory_space<vmem_shared>>)
        tpu.yield
      }) : () -> ()
      %dma_start3A_395 = arith.constant 21 : i32
      %dma_start3A_396 = arith.constant 0 : i32
      %dma_start3A_397 = tpu.memref_slice %arg6[%dma_start3A_395, %dma_start3A_396] : memref<24x80xi32, #tpu.memory_space<vmem>> -> memref<1x80xi32, #tpu.memory_space<vmem>>
      %dma_start3A_398 = tpu.memref_squeeze %dma_start3A_397 : memref<1x80xi32, #tpu.memory_space<vmem>> -> memref<80xi32, #tpu.memory_space<vmem>>
      %dma_start3A_399 = arith.constant 0 : i32
      %dma_start3A_400 = arith.constant 0 : i32
      %dma_start3A_401 = tpu.memref_slice %arg2[%dma_start3A_399, %dma_start3A_400] : memref<10000x128xf32, #tpu.memory_space<hbm>> -> memref<10000x128xf32, #tpu.memory_space<hbm>>
      tpu.enqueue_indirect_dma source(%dma_start3A_401 : memref<10000x128xf32, #tpu.memory_space<hbm>>) target(%arg9 : memref<80x128xf32, #tpu.memory_space<vmem>>) offsets(%dma_start3A_398 : memref<80xi32, #tpu.memory_space<vmem>>) semaphore(%arg14 : memref<!tpu.dma_semaphore, #tpu.memory_space<semaphore_mem>>)
      %dma_wait3A_402 = arith.constant 19 : i32
      %dma_wait3A_403 = arith.constant 0 : i32
      %dma_wait3A_404 = tpu.memref_slice %arg6[%dma_wait3A_402, %dma_wait3A_403] : memref<24x80xi32, #tpu.memory_space<vmem>> -> memref<1x80xi32, #tpu.memory_space<vmem>>
      %dma_wait3A_405 = tpu.memref_squeeze %dma_wait3A_404 : memref<1x80xi32, #tpu.memory_space<vmem>> -> memref<80xi32, #tpu.memory_space<vmem>>
      %dma_wait3A_406 = arith.constant 0 : i32
      %dma_wait3A_407 = arith.constant 0 : i32
      %dma_wait3A_408 = tpu.memref_slice %arg2[%dma_wait3A_406, %dma_wait3A_407] : memref<10000x128xf32, #tpu.memory_space<hbm>> -> memref<10000x128xf32, #tpu.memory_space<hbm>>
      tpu.wait_indirect_dma semaphore(%arg16 : memref<!tpu.dma_semaphore, #tpu.memory_space<semaphore_mem>>) src(%dma_wait3A_408 : memref<10000x128xf32, #tpu.memory_space<hbm>>) dst(%arg11 : memref<80x128xf32, #tpu.memory_space<vmem>>)
      %run_scoped3A_409 = arith.constant 19 : i32
      "tpu.region"() ({
        %run_scoped3A_456 = tpu.sem_alloc : memref<!tpu.dma_semaphore, #tpu.memory_space<semaphore_mem>>
        %dma_start3A_457 = arith.constant 0 : i32
        %dma_start3A_458 = tpu.memref_slice %arg7[%run_scoped3A_409, %dma_start3A_457] : memref<24x80xi32, #tpu.memory_space<vmem>> -> memref<1x80xi32, #tpu.memory_space<vmem>>
        %dma_start3A_459 = tpu.memref_squeeze %dma_start3A_458 : memref<1x80xi32, #tpu.memory_space<vmem>> -> memref<80xi32, #tpu.memory_space<vmem>>
        %dma_start3A_460 = arith.constant 0 : i32
        %dma_start3A_461 = arith.constant 0 : i32
        %dma_start3A_462 = tpu.memref_slice %arg12[%dma_start3A_460, %dma_start3A_461] : memref<10240x128xf32, #tpu.memory_space<vmem_shared>> -> memref<10240x128xf32, #tpu.memory_space<vmem_shared>>
        tpu.enqueue_indirect_dma source(%arg11 : memref<80x128xf32, #tpu.memory_space<vmem>>) target(%dma_start3A_462 : memref<10240x128xf32, #tpu.memory_space<vmem_shared>>) offsets(%dma_start3A_459 : memref<80xi32, #tpu.memory_space<vmem>>) semaphore(%run_scoped3A_456 : memref<!tpu.dma_semaphore, #tpu.memory_space<semaphore_mem>>) {add = true}
        %dma_wait3A_463 = arith.constant 0 : i32
        %dma_wait3A_464 = tpu.memref_slice %arg7[%run_scoped3A_409, %dma_wait3A_463] : memref<24x80xi32, #tpu.memory_space<vmem>> -> memref<1x80xi32, #tpu.memory_space<vmem>>
        %dma_wait3A_465 = tpu.memref_squeeze %dma_wait3A_464 : memref<1x80xi32, #tpu.memory_space<vmem>> -> memref<80xi32, #tpu.memory_space<vmem>>
        %dma_wait3A_466 = arith.constant 0 : i32
        %dma_wait3A_467 = arith.constant 0 : i32
        %dma_wait3A_468 = tpu.memref_slice %arg12[%dma_wait3A_466, %dma_wait3A_467] : memref<10240x128xf32, #tpu.memory_space<vmem_shared>> -> memref<10240x128xf32, #tpu.memory_space<vmem_shared>>
        tpu.wait_indirect_dma semaphore(%run_scoped3A_456 : memref<!tpu.dma_semaphore, #tpu.memory_space<semaphore_mem>>) src(%arg11 : memref<80x128xf32, #tpu.memory_space<vmem>>) dst(%dma_wait3A_468 : memref<10240x128xf32, #tpu.memory_space<vmem_shared>>)
        tpu.yield
      }) : () -> ()
      %dma_start3A_410 = arith.constant 22 : i32
      %dma_start3A_411 = arith.constant 0 : i32
      %dma_start3A_412 = tpu.memref_slice %arg6[%dma_start3A_410, %dma_start3A_411] : memref<24x80xi32, #tpu.memory_space<vmem>> -> memref<1x80xi32, #tpu.memory_space<vmem>>
      %dma_start3A_413 = tpu.memref_squeeze %dma_start3A_412 : memref<1x80xi32, #tpu.memory_space<vmem>> -> memref<80xi32, #tpu.memory_space<vmem>>
      %dma_start3A_414 = arith.constant 0 : i32
      %dma_start3A_415 = arith.constant 0 : i32
      %dma_start3A_416 = tpu.memref_slice %arg2[%dma_start3A_414, %dma_start3A_415] : memref<10000x128xf32, #tpu.memory_space<hbm>> -> memref<10000x128xf32, #tpu.memory_space<hbm>>
      tpu.enqueue_indirect_dma source(%dma_start3A_416 : memref<10000x128xf32, #tpu.memory_space<hbm>>) target(%arg10 : memref<80x128xf32, #tpu.memory_space<vmem>>) offsets(%dma_start3A_413 : memref<80xi32, #tpu.memory_space<vmem>>) semaphore(%arg15 : memref<!tpu.dma_semaphore, #tpu.memory_space<semaphore_mem>>)
      %dma_wait3A_417 = arith.constant 20 : i32
      %dma_wait3A_418 = arith.constant 0 : i32
      %dma_wait3A_419 = tpu.memref_slice %arg6[%dma_wait3A_417, %dma_wait3A_418] : memref<24x80xi32, #tpu.memory_space<vmem>> -> memref<1x80xi32, #tpu.memory_space<vmem>>
      %dma_wait3A_420 = tpu.memref_squeeze %dma_wait3A_419 : memref<1x80xi32, #tpu.memory_space<vmem>> -> memref<80xi32, #tpu.memory_space<vmem>>
      %dma_wait3A_421 = arith.constant 0 : i32
      %dma_wait3A_422 = arith.constant 0 : i32
      %dma_wait3A_423 = tpu.memref_slice %arg2[%dma_wait3A_421, %dma_wait3A_422] : memref<10000x128xf32, #tpu.memory_space<hbm>> -> memref<10000x128xf32, #tpu.memory_space<hbm>>
      tpu.wait_indirect_dma semaphore(%arg13 : memref<!tpu.dma_semaphore, #tpu.memory_space<semaphore_mem>>) src(%dma_wait3A_423 : memref<10000x128xf32, #tpu.memory_space<hbm>>) dst(%arg8 : memref<80x128xf32, #tpu.memory_space<vmem>>)
      %run_scoped3A_424 = arith.constant 20 : i32
      "tpu.region"() ({
        %run_scoped3A_456 = tpu.sem_alloc : memref<!tpu.dma_semaphore, #tpu.memory_space<semaphore_mem>>
        %dma_start3A_457 = arith.constant 0 : i32
        %dma_start3A_458 = tpu.memref_slice %arg7[%run_scoped3A_424, %dma_start3A_457] : memref<24x80xi32, #tpu.memory_space<vmem>> -> memref<1x80xi32, #tpu.memory_space<vmem>>
        %dma_start3A_459 = tpu.memref_squeeze %dma_start3A_458 : memref<1x80xi32, #tpu.memory_space<vmem>> -> memref<80xi32, #tpu.memory_space<vmem>>
        %dma_start3A_460 = arith.constant 0 : i32
        %dma_start3A_461 = arith.constant 0 : i32
        %dma_start3A_462 = tpu.memref_slice %arg12[%dma_start3A_460, %dma_start3A_461] : memref<10240x128xf32, #tpu.memory_space<vmem_shared>> -> memref<10240x128xf32, #tpu.memory_space<vmem_shared>>
        tpu.enqueue_indirect_dma source(%arg8 : memref<80x128xf32, #tpu.memory_space<vmem>>) target(%dma_start3A_462 : memref<10240x128xf32, #tpu.memory_space<vmem_shared>>) offsets(%dma_start3A_459 : memref<80xi32, #tpu.memory_space<vmem>>) semaphore(%run_scoped3A_456 : memref<!tpu.dma_semaphore, #tpu.memory_space<semaphore_mem>>) {add = true}
        %dma_wait3A_463 = arith.constant 0 : i32
        %dma_wait3A_464 = tpu.memref_slice %arg7[%run_scoped3A_424, %dma_wait3A_463] : memref<24x80xi32, #tpu.memory_space<vmem>> -> memref<1x80xi32, #tpu.memory_space<vmem>>
        %dma_wait3A_465 = tpu.memref_squeeze %dma_wait3A_464 : memref<1x80xi32, #tpu.memory_space<vmem>> -> memref<80xi32, #tpu.memory_space<vmem>>
        %dma_wait3A_466 = arith.constant 0 : i32
        %dma_wait3A_467 = arith.constant 0 : i32
        %dma_wait3A_468 = tpu.memref_slice %arg12[%dma_wait3A_466, %dma_wait3A_467] : memref<10240x128xf32, #tpu.memory_space<vmem_shared>> -> memref<10240x128xf32, #tpu.memory_space<vmem_shared>>
        tpu.wait_indirect_dma semaphore(%run_scoped3A_456 : memref<!tpu.dma_semaphore, #tpu.memory_space<semaphore_mem>>) src(%arg8 : memref<80x128xf32, #tpu.memory_space<vmem>>) dst(%dma_wait3A_468 : memref<10240x128xf32, #tpu.memory_space<vmem_shared>>)
        tpu.yield
      }) : () -> ()
      %dma_start3A_425 = arith.constant 23 : i32
      %dma_start3A_426 = arith.constant 0 : i32
      %dma_start3A_427 = tpu.memref_slice %arg6[%dma_start3A_425, %dma_start3A_426] : memref<24x80xi32, #tpu.memory_space<vmem>> -> memref<1x80xi32, #tpu.memory_space<vmem>>
      %dma_start3A_428 = tpu.memref_squeeze %dma_start3A_427 : memref<1x80xi32, #tpu.memory_space<vmem>> -> memref<80xi32, #tpu.memory_space<vmem>>
      %dma_start3A_429 = arith.constant 0 : i32
      %dma_start3A_430 = arith.constant 0 : i32
      %dma_start3A_431 = tpu.memref_slice %arg2[%dma_start3A_429, %dma_start3A_430] : memref<10000x128xf32, #tpu.memory_space<hbm>> -> memref<10000x128xf32, #tpu.memory_space<hbm>>
      tpu.enqueue_indirect_dma source(%dma_start3A_431 : memref<10000x128xf32, #tpu.memory_space<hbm>>) target(%arg11 : memref<80x128xf32, #tpu.memory_space<vmem>>) offsets(%dma_start3A_428 : memref<80xi32, #tpu.memory_space<vmem>>) semaphore(%arg16 : memref<!tpu.dma_semaphore, #tpu.memory_space<semaphore_mem>>)
      %dma_wait3A_432 = arith.constant 21 : i32
      %dma_wait3A_433 = arith.constant 0 : i32
      %dma_wait3A_434 = tpu.memref_slice %arg6[%dma_wait3A_432, %dma_wait3A_433] : memref<24x80xi32, #tpu.memory_space<vmem>> -> memref<1x80xi32, #tpu.memory_space<vmem>>
      %dma_wait3A_435 = tpu.memref_squeeze %dma_wait3A_434 : memref<1x80xi32, #tpu.memory_space<vmem>> -> memref<80xi32, #tpu.memory_space<vmem>>
      %dma_wait3A_436 = arith.constant 0 : i32
      %dma_wait3A_437 = arith.constant 0 : i32
      %dma_wait3A_438 = tpu.memref_slice %arg2[%dma_wait3A_436, %dma_wait3A_437] : memref<10000x128xf32, #tpu.memory_space<hbm>> -> memref<10000x128xf32, #tpu.memory_space<hbm>>
      tpu.wait_indirect_dma semaphore(%arg14 : memref<!tpu.dma_semaphore, #tpu.memory_space<semaphore_mem>>) src(%dma_wait3A_438 : memref<10000x128xf32, #tpu.memory_space<hbm>>) dst(%arg9 : memref<80x128xf32, #tpu.memory_space<vmem>>)
      %run_scoped3A_439 = arith.constant 21 : i32
      "tpu.region"() ({
        %run_scoped3A_456 = tpu.sem_alloc : memref<!tpu.dma_semaphore, #tpu.memory_space<semaphore_mem>>
        %dma_start3A_457 = arith.constant 0 : i32
        %dma_start3A_458 = tpu.memref_slice %arg7[%run_scoped3A_439, %dma_start3A_457] : memref<24x80xi32, #tpu.memory_space<vmem>> -> memref<1x80xi32, #tpu.memory_space<vmem>>
        %dma_start3A_459 = tpu.memref_squeeze %dma_start3A_458 : memref<1x80xi32, #tpu.memory_space<vmem>> -> memref<80xi32, #tpu.memory_space<vmem>>
        %dma_start3A_460 = arith.constant 0 : i32
        %dma_start3A_461 = arith.constant 0 : i32
        %dma_start3A_462 = tpu.memref_slice %arg12[%dma_start3A_460, %dma_start3A_461] : memref<10240x128xf32, #tpu.memory_space<vmem_shared>> -> memref<10240x128xf32, #tpu.memory_space<vmem_shared>>
        tpu.enqueue_indirect_dma source(%arg9 : memref<80x128xf32, #tpu.memory_space<vmem>>) target(%dma_start3A_462 : memref<10240x128xf32, #tpu.memory_space<vmem_shared>>) offsets(%dma_start3A_459 : memref<80xi32, #tpu.memory_space<vmem>>) semaphore(%run_scoped3A_456 : memref<!tpu.dma_semaphore, #tpu.memory_space<semaphore_mem>>) {add = true}
        %dma_wait3A_463 = arith.constant 0 : i32
        %dma_wait3A_464 = tpu.memref_slice %arg7[%run_scoped3A_439, %dma_wait3A_463] : memref<24x80xi32, #tpu.memory_space<vmem>> -> memref<1x80xi32, #tpu.memory_space<vmem>>
        %dma_wait3A_465 = tpu.memref_squeeze %dma_wait3A_464 : memref<1x80xi32, #tpu.memory_space<vmem>> -> memref<80xi32, #tpu.memory_space<vmem>>
        %dma_wait3A_466 = arith.constant 0 : i32
        %dma_wait3A_467 = arith.constant 0 : i32
        %dma_wait3A_468 = tpu.memref_slice %arg12[%dma_wait3A_466, %dma_wait3A_467] : memref<10240x128xf32, #tpu.memory_space<vmem_shared>> -> memref<10240x128xf32, #tpu.memory_space<vmem_shared>>
        tpu.wait_indirect_dma semaphore(%run_scoped3A_456 : memref<!tpu.dma_semaphore, #tpu.memory_space<semaphore_mem>>) src(%arg9 : memref<80x128xf32, #tpu.memory_space<vmem>>) dst(%dma_wait3A_468 : memref<10240x128xf32, #tpu.memory_space<vmem_shared>>)
        tpu.yield
      }) : () -> ()
      %dma_wait3A_440 = arith.constant 22 : i32
      %dma_wait3A_441 = arith.constant 0 : i32
      %dma_wait3A_442 = tpu.memref_slice %arg6[%dma_wait3A_440, %dma_wait3A_441] : memref<24x80xi32, #tpu.memory_space<vmem>> -> memref<1x80xi32, #tpu.memory_space<vmem>>
      %dma_wait3A_443 = tpu.memref_squeeze %dma_wait3A_442 : memref<1x80xi32, #tpu.memory_space<vmem>> -> memref<80xi32, #tpu.memory_space<vmem>>
      %dma_wait3A_444 = arith.constant 0 : i32
      %dma_wait3A_445 = arith.constant 0 : i32
      %dma_wait3A_446 = tpu.memref_slice %arg2[%dma_wait3A_444, %dma_wait3A_445] : memref<10000x128xf32, #tpu.memory_space<hbm>> -> memref<10000x128xf32, #tpu.memory_space<hbm>>
      tpu.wait_indirect_dma semaphore(%arg15 : memref<!tpu.dma_semaphore, #tpu.memory_space<semaphore_mem>>) src(%dma_wait3A_446 : memref<10000x128xf32, #tpu.memory_space<hbm>>) dst(%arg10 : memref<80x128xf32, #tpu.memory_space<vmem>>)
      %run_scoped3A_447 = arith.constant 22 : i32
      "tpu.region"() ({
        %run_scoped3A_456 = tpu.sem_alloc : memref<!tpu.dma_semaphore, #tpu.memory_space<semaphore_mem>>
        %dma_start3A_457 = arith.constant 0 : i32
        %dma_start3A_458 = tpu.memref_slice %arg7[%run_scoped3A_447, %dma_start3A_457] : memref<24x80xi32, #tpu.memory_space<vmem>> -> memref<1x80xi32, #tpu.memory_space<vmem>>
        %dma_start3A_459 = tpu.memref_squeeze %dma_start3A_458 : memref<1x80xi32, #tpu.memory_space<vmem>> -> memref<80xi32, #tpu.memory_space<vmem>>
        %dma_start3A_460 = arith.constant 0 : i32
        %dma_start3A_461 = arith.constant 0 : i32
        %dma_start3A_462 = tpu.memref_slice %arg12[%dma_start3A_460, %dma_start3A_461] : memref<10240x128xf32, #tpu.memory_space<vmem_shared>> -> memref<10240x128xf32, #tpu.memory_space<vmem_shared>>
        tpu.enqueue_indirect_dma source(%arg10 : memref<80x128xf32, #tpu.memory_space<vmem>>) target(%dma_start3A_462 : memref<10240x128xf32, #tpu.memory_space<vmem_shared>>) offsets(%dma_start3A_459 : memref<80xi32, #tpu.memory_space<vmem>>) semaphore(%run_scoped3A_456 : memref<!tpu.dma_semaphore, #tpu.memory_space<semaphore_mem>>) {add = true}
        %dma_wait3A_463 = arith.constant 0 : i32
        %dma_wait3A_464 = tpu.memref_slice %arg7[%run_scoped3A_447, %dma_wait3A_463] : memref<24x80xi32, #tpu.memory_space<vmem>> -> memref<1x80xi32, #tpu.memory_space<vmem>>
        %dma_wait3A_465 = tpu.memref_squeeze %dma_wait3A_464 : memref<1x80xi32, #tpu.memory_space<vmem>> -> memref<80xi32, #tpu.memory_space<vmem>>
        %dma_wait3A_466 = arith.constant 0 : i32
        %dma_wait3A_467 = arith.constant 0 : i32
        %dma_wait3A_468 = tpu.memref_slice %arg12[%dma_wait3A_466, %dma_wait3A_467] : memref<10240x128xf32, #tpu.memory_space<vmem_shared>> -> memref<10240x128xf32, #tpu.memory_space<vmem_shared>>
        tpu.wait_indirect_dma semaphore(%run_scoped3A_456 : memref<!tpu.dma_semaphore, #tpu.memory_space<semaphore_mem>>) src(%arg10 : memref<80x128xf32, #tpu.memory_space<vmem>>) dst(%dma_wait3A_468 : memref<10240x128xf32, #tpu.memory_space<vmem_shared>>)
        tpu.yield
      }) : () -> ()
      %dma_wait3A_448 = arith.constant 23 : i32
      %dma_wait3A_449 = arith.constant 0 : i32
      %dma_wait3A_450 = tpu.memref_slice %arg6[%dma_wait3A_448, %dma_wait3A_449] : memref<24x80xi32, #tpu.memory_space<vmem>> -> memref<1x80xi32, #tpu.memory_space<vmem>>
      %dma_wait3A_451 = tpu.memref_squeeze %dma_wait3A_450 : memref<1x80xi32, #tpu.memory_space<vmem>> -> memref<80xi32, #tpu.memory_space<vmem>>
      %dma_wait3A_452 = arith.constant 0 : i32
      %dma_wait3A_453 = arith.constant 0 : i32
      %dma_wait3A_454 = tpu.memref_slice %arg2[%dma_wait3A_452, %dma_wait3A_453] : memref<10000x128xf32, #tpu.memory_space<hbm>> -> memref<10000x128xf32, #tpu.memory_space<hbm>>
      tpu.wait_indirect_dma semaphore(%arg16 : memref<!tpu.dma_semaphore, #tpu.memory_space<semaphore_mem>>) src(%dma_wait3A_454 : memref<10000x128xf32, #tpu.memory_space<hbm>>) dst(%arg11 : memref<80x128xf32, #tpu.memory_space<vmem>>)
      %run_scoped3A_455 = arith.constant 23 : i32
      "tpu.region"() ({
        %run_scoped3A_456 = tpu.sem_alloc : memref<!tpu.dma_semaphore, #tpu.memory_space<semaphore_mem>>
        %dma_start3A_457 = arith.constant 0 : i32
        %dma_start3A_458 = tpu.memref_slice %arg7[%run_scoped3A_455, %dma_start3A_457] : memref<24x80xi32, #tpu.memory_space<vmem>> -> memref<1x80xi32, #tpu.memory_space<vmem>>
        %dma_start3A_459 = tpu.memref_squeeze %dma_start3A_458 : memref<1x80xi32, #tpu.memory_space<vmem>> -> memref<80xi32, #tpu.memory_space<vmem>>
        %dma_start3A_460 = arith.constant 0 : i32
        %dma_start3A_461 = arith.constant 0 : i32
        %dma_start3A_462 = tpu.memref_slice %arg12[%dma_start3A_460, %dma_start3A_461] : memref<10240x128xf32, #tpu.memory_space<vmem_shared>> -> memref<10240x128xf32, #tpu.memory_space<vmem_shared>>
        tpu.enqueue_indirect_dma source(%arg11 : memref<80x128xf32, #tpu.memory_space<vmem>>) target(%dma_start3A_462 : memref<10240x128xf32, #tpu.memory_space<vmem_shared>>) offsets(%dma_start3A_459 : memref<80xi32, #tpu.memory_space<vmem>>) semaphore(%run_scoped3A_456 : memref<!tpu.dma_semaphore, #tpu.memory_space<semaphore_mem>>) {add = true}
        %dma_wait3A_463 = arith.constant 0 : i32
        %dma_wait3A_464 = tpu.memref_slice %arg7[%run_scoped3A_455, %dma_wait3A_463] : memref<24x80xi32, #tpu.memory_space<vmem>> -> memref<1x80xi32, #tpu.memory_space<vmem>>
        %dma_wait3A_465 = tpu.memref_squeeze %dma_wait3A_464 : memref<1x80xi32, #tpu.memory_space<vmem>> -> memref<80xi32, #tpu.memory_space<vmem>>
        %dma_wait3A_466 = arith.constant 0 : i32
        %dma_wait3A_467 = arith.constant 0 : i32
        %dma_wait3A_468 = tpu.memref_slice %arg12[%dma_wait3A_466, %dma_wait3A_467] : memref<10240x128xf32, #tpu.memory_space<vmem_shared>> -> memref<10240x128xf32, #tpu.memory_space<vmem_shared>>
        tpu.wait_indirect_dma semaphore(%run_scoped3A_456 : memref<!tpu.dma_semaphore, #tpu.memory_space<semaphore_mem>>) src(%arg11 : memref<80x128xf32, #tpu.memory_space<vmem>>) dst(%dma_wait3A_468 : memref<10240x128xf32, #tpu.memory_space<vmem_shared>>)
        tpu.yield
      }) : () -> ()
    }
    %scan3A_19 = arith.constant 5 : i32
    "tpu.region"() ({
      %run_scoped3A_93 = tpu.sem_alloc : memref<!tpu.dma_semaphore, #tpu.memory_space<semaphore_mem>>
      %dma_start3A_94 = arith.constant 0 : i32
      %dma_start3A_95 = arith.constant 0 : i32
      %dma_start3A_96 = tpu.memref_slice %arg6[%dma_start3A_94, %dma_start3A_95] : memref<24x80xi32, #tpu.memory_space<vmem>> -> memref<5x80xi32, #tpu.memory_space<vmem>>
      %dma_start3A_97 = arith.constant 0 : i32
      %dma_start3A_98 = arith.constant 0 : i32
      %dma_start3A_99 = tpu.memref_slice %arg3[%add3A, %dma_start3A_97, %dma_start3A_98] : memref<32x125x80xi32, #tpu.memory_space<hbm>> -> memref<1x125x80xi32, #tpu.memory_space<hbm>>
      %dma_start3A_100 = tpu.memref_squeeze %dma_start3A_99 : memref<1x125x80xi32, #tpu.memory_space<hbm>> -> memref<125x80xi32, #tpu.memory_space<hbm>>
      %dma_start3A_101 = arith.constant 120 : i32
      %dma_start3A_102 = arith.constant 0 : i32
      %dma_start3A_103 = tpu.memref_slice %dma_start3A_100[%dma_start3A_101, %dma_start3A_102] : memref<125x80xi32, #tpu.memory_space<hbm>> -> memref<5x80xi32, #tpu.memory_space<hbm>>
      %dma_start3A_104 = arith.constant 0 : i32
      %dma_start3A_105 = arith.constant 0 : i32
      %dma_start3A_106 = tpu.memref_slice %arg6[%dma_start3A_104, %dma_start3A_105] : memref<24x80xi32, #tpu.memory_space<vmem>> -> memref<5x80xi32, #tpu.memory_space<vmem>>
      %dma_start3A_107 = arith.constant 0 : i32
      %dma_start3A_108 = arith.constant 0 : i32
      %dma_start3A_109 = tpu.memref_slice %arg3[%add3A, %dma_start3A_107, %dma_start3A_108] : memref<32x125x80xi32, #tpu.memory_space<hbm>> -> memref<1x125x80xi32, #tpu.memory_space<hbm>>
      %dma_start3A_110 = tpu.memref_squeeze %dma_start3A_109 : memref<1x125x80xi32, #tpu.memory_space<hbm>> -> memref<125x80xi32, #tpu.memory_space<hbm>>
      %dma_start3A_111 = arith.constant 120 : i32
      %dma_start3A_112 = arith.constant 0 : i32
      %dma_start3A_113 = tpu.memref_slice %dma_start3A_110[%dma_start3A_111, %dma_start3A_112] : memref<125x80xi32, #tpu.memory_space<hbm>> -> memref<5x80xi32, #tpu.memory_space<hbm>>
      tpu.enqueue_dma source(%dma_start3A_113 : memref<5x80xi32, #tpu.memory_space<hbm>>) target(%dma_start3A_106 : memref<5x80xi32, #tpu.memory_space<vmem>>) target_semaphore(%run_scoped3A_93 : memref<!tpu.dma_semaphore, #tpu.memory_space<semaphore_mem>>)
      %dma_wait3A_114 = arith.constant 0 : i32
      %dma_wait3A_115 = arith.constant 0 : i32
      %dma_wait3A_116 = tpu.memref_slice %arg6[%dma_wait3A_114, %dma_wait3A_115] : memref<24x80xi32, #tpu.memory_space<vmem>> -> memref<5x80xi32, #tpu.memory_space<vmem>>
      %dma_wait3A_117 = arith.constant 0 : i32
      %dma_wait3A_118 = arith.constant 0 : i32
      %dma_wait3A_119 = tpu.memref_slice %arg3[%add3A, %dma_wait3A_117, %dma_wait3A_118] : memref<32x125x80xi32, #tpu.memory_space<hbm>> -> memref<1x125x80xi32, #tpu.memory_space<hbm>>
      %dma_wait3A_120 = tpu.memref_squeeze %dma_wait3A_119 : memref<1x125x80xi32, #tpu.memory_space<hbm>> -> memref<125x80xi32, #tpu.memory_space<hbm>>
      %dma_wait3A_121 = arith.constant 120 : i32
      %dma_wait3A_122 = arith.constant 0 : i32
      %dma_wait3A_123 = tpu.memref_slice %dma_wait3A_120[%dma_wait3A_121, %dma_wait3A_122] : memref<125x80xi32, #tpu.memory_space<hbm>> -> memref<5x80xi32, #tpu.memory_space<hbm>>
      %dma_wait3A_124 = arith.constant 0 : i32
      %dma_wait3A_125 = arith.constant 0 : i32
      %dma_wait3A_126 = tpu.memref_slice %arg6[%dma_wait3A_124, %dma_wait3A_125] : memref<24x80xi32, #tpu.memory_space<vmem>> -> memref<5x80xi32, #tpu.memory_space<vmem>>
      %dma_wait3A_127 = arith.constant 0 : i32
      %dma_wait3A_128 = arith.constant 0 : i32
      %dma_wait3A_129 = tpu.memref_slice %arg3[%add3A, %dma_wait3A_127, %dma_wait3A_128] : memref<32x125x80xi32, #tpu.memory_space<hbm>> -> memref<1x125x80xi32, #tpu.memory_space<hbm>>
      %dma_wait3A_130 = tpu.memref_squeeze %dma_wait3A_129 : memref<1x125x80xi32, #tpu.memory_space<hbm>> -> memref<125x80xi32, #tpu.memory_space<hbm>>
      %dma_wait3A_131 = arith.constant 120 : i32
      %dma_wait3A_132 = arith.constant 0 : i32
      %dma_wait3A_133 = tpu.memref_slice %dma_wait3A_130[%dma_wait3A_131, %dma_wait3A_132] : memref<125x80xi32, #tpu.memory_space<hbm>> -> memref<5x80xi32, #tpu.memory_space<hbm>>
      tpu.wait_dma2 semaphore(%run_scoped3A_93 : memref<!tpu.dma_semaphore, #tpu.memory_space<semaphore_mem>>) src(%dma_wait3A_133 : memref<5x80xi32, #tpu.memory_space<hbm>>) dst(%dma_wait3A_126 : memref<5x80xi32, #tpu.memory_space<vmem>>)
      tpu.yield
    }) : () -> ()
    "tpu.region"() ({
      %run_scoped3A_93 = tpu.sem_alloc : memref<!tpu.dma_semaphore, #tpu.memory_space<semaphore_mem>>
      %dma_start3A_94 = arith.constant 0 : i32
      %dma_start3A_95 = arith.constant 0 : i32
      %dma_start3A_96 = tpu.memref_slice %arg7[%dma_start3A_94, %dma_start3A_95] : memref<24x80xi32, #tpu.memory_space<vmem>> -> memref<5x80xi32, #tpu.memory_space<vmem>>
      %dma_start3A_97 = arith.constant 0 : i32
      %dma_start3A_98 = arith.constant 0 : i32
      %dma_start3A_99 = tpu.memref_slice %arg4[%add3A, %dma_start3A_97, %dma_start3A_98] : memref<32x125x80xi32, #tpu.memory_space<hbm>> -> memref<1x125x80xi32, #tpu.memory_space<hbm>>
      %dma_start3A_100 = tpu.memref_squeeze %dma_start3A_99 : memref<1x125x80xi32, #tpu.memory_space<hbm>> -> memref<125x80xi32, #tpu.memory_space<hbm>>
      %dma_start3A_101 = arith.constant 120 : i32
      %dma_start3A_102 = arith.constant 0 : i32
      %dma_start3A_103 = tpu.memref_slice %dma_start3A_100[%dma_start3A_101, %dma_start3A_102] : memref<125x80xi32, #tpu.memory_space<hbm>> -> memref<5x80xi32, #tpu.memory_space<hbm>>
      %dma_start3A_104 = arith.constant 0 : i32
      %dma_start3A_105 = arith.constant 0 : i32
      %dma_start3A_106 = tpu.memref_slice %arg7[%dma_start3A_104, %dma_start3A_105] : memref<24x80xi32, #tpu.memory_space<vmem>> -> memref<5x80xi32, #tpu.memory_space<vmem>>
      %dma_start3A_107 = arith.constant 0 : i32
      %dma_start3A_108 = arith.constant 0 : i32
      %dma_start3A_109 = tpu.memref_slice %arg4[%add3A, %dma_start3A_107, %dma_start3A_108] : memref<32x125x80xi32, #tpu.memory_space<hbm>> -> memref<1x125x80xi32, #tpu.memory_space<hbm>>
      %dma_start3A_110 = tpu.memref_squeeze %dma_start3A_109 : memref<1x125x80xi32, #tpu.memory_space<hbm>> -> memref<125x80xi32, #tpu.memory_space<hbm>>
      %dma_start3A_111 = arith.constant 120 : i32
      %dma_start3A_112 = arith.constant 0 : i32
      %dma_start3A_113 = tpu.memref_slice %dma_start3A_110[%dma_start3A_111, %dma_start3A_112] : memref<125x80xi32, #tpu.memory_space<hbm>> -> memref<5x80xi32, #tpu.memory_space<hbm>>
      tpu.enqueue_dma source(%dma_start3A_113 : memref<5x80xi32, #tpu.memory_space<hbm>>) target(%dma_start3A_106 : memref<5x80xi32, #tpu.memory_space<vmem>>) target_semaphore(%run_scoped3A_93 : memref<!tpu.dma_semaphore, #tpu.memory_space<semaphore_mem>>)
      %dma_wait3A_114 = arith.constant 0 : i32
      %dma_wait3A_115 = arith.constant 0 : i32
      %dma_wait3A_116 = tpu.memref_slice %arg7[%dma_wait3A_114, %dma_wait3A_115] : memref<24x80xi32, #tpu.memory_space<vmem>> -> memref<5x80xi32, #tpu.memory_space<vmem>>
      %dma_wait3A_117 = arith.constant 0 : i32
      %dma_wait3A_118 = arith.constant 0 : i32
      %dma_wait3A_119 = tpu.memref_slice %arg4[%add3A, %dma_wait3A_117, %dma_wait3A_118] : memref<32x125x80xi32, #tpu.memory_space<hbm>> -> memref<1x125x80xi32, #tpu.memory_space<hbm>>
      %dma_wait3A_120 = tpu.memref_squeeze %dma_wait3A_119 : memref<1x125x80xi32, #tpu.memory_space<hbm>> -> memref<125x80xi32, #tpu.memory_space<hbm>>
      %dma_wait3A_121 = arith.constant 120 : i32
      %dma_wait3A_122 = arith.constant 0 : i32
      %dma_wait3A_123 = tpu.memref_slice %dma_wait3A_120[%dma_wait3A_121, %dma_wait3A_122] : memref<125x80xi32, #tpu.memory_space<hbm>> -> memref<5x80xi32, #tpu.memory_space<hbm>>
      %dma_wait3A_124 = arith.constant 0 : i32
      %dma_wait3A_125 = arith.constant 0 : i32
      %dma_wait3A_126 = tpu.memref_slice %arg7[%dma_wait3A_124, %dma_wait3A_125] : memref<24x80xi32, #tpu.memory_space<vmem>> -> memref<5x80xi32, #tpu.memory_space<vmem>>
      %dma_wait3A_127 = arith.constant 0 : i32
      %dma_wait3A_128 = arith.constant 0 : i32
      %dma_wait3A_129 = tpu.memref_slice %arg4[%add3A, %dma_wait3A_127, %dma_wait3A_128] : memref<32x125x80xi32, #tpu.memory_space<hbm>> -> memref<1x125x80xi32, #tpu.memory_space<hbm>>
      %dma_wait3A_130 = tpu.memref_squeeze %dma_wait3A_129 : memref<1x125x80xi32, #tpu.memory_space<hbm>> -> memref<125x80xi32, #tpu.memory_space<hbm>>
      %dma_wait3A_131 = arith.constant 120 : i32
      %dma_wait3A_132 = arith.constant 0 : i32
      %dma_wait3A_133 = tpu.memref_slice %dma_wait3A_130[%dma_wait3A_131, %dma_wait3A_132] : memref<125x80xi32, #tpu.memory_space<hbm>> -> memref<5x80xi32, #tpu.memory_space<hbm>>
      tpu.wait_dma2 semaphore(%run_scoped3A_93 : memref<!tpu.dma_semaphore, #tpu.memory_space<semaphore_mem>>) src(%dma_wait3A_133 : memref<5x80xi32, #tpu.memory_space<hbm>>) dst(%dma_wait3A_126 : memref<5x80xi32, #tpu.memory_space<vmem>>)
      tpu.yield
    }) : () -> ()
    %dma_start3A = arith.constant 0 : i32
    %dma_start3A_20 = arith.constant 0 : i32
    %dma_start3A_21 = tpu.memref_slice %arg6[%dma_start3A, %dma_start3A_20] : memref<24x80xi32, #tpu.memory_space<vmem>> -> memref<1x80xi32, #tpu.memory_space<vmem>>
    %dma_start3A_22 = tpu.memref_squeeze %dma_start3A_21 : memref<1x80xi32, #tpu.memory_space<vmem>> -> memref<80xi32, #tpu.memory_space<vmem>>
    %dma_start3A_23 = arith.constant 0 : i32
    %dma_start3A_24 = arith.constant 0 : i32
    %dma_start3A_25 = tpu.memref_slice %arg2[%dma_start3A_23, %dma_start3A_24] : memref<10000x128xf32, #tpu.memory_space<hbm>> -> memref<10000x128xf32, #tpu.memory_space<hbm>>
    tpu.enqueue_indirect_dma source(%dma_start3A_25 : memref<10000x128xf32, #tpu.memory_space<hbm>>) target(%arg8 : memref<80x128xf32, #tpu.memory_space<vmem>>) offsets(%dma_start3A_22 : memref<80xi32, #tpu.memory_space<vmem>>) semaphore(%arg13 : memref<!tpu.dma_semaphore, #tpu.memory_space<semaphore_mem>>)
    %dma_start3A_26 = arith.constant 1 : i32
    %dma_start3A_27 = arith.constant 0 : i32
    %dma_start3A_28 = tpu.memref_slice %arg6[%dma_start3A_26, %dma_start3A_27] : memref<24x80xi32, #tpu.memory_space<vmem>> -> memref<1x80xi32, #tpu.memory_space<vmem>>
    %dma_start3A_29 = tpu.memref_squeeze %dma_start3A_28 : memref<1x80xi32, #tpu.memory_space<vmem>> -> memref<80xi32, #tpu.memory_space<vmem>>
    %dma_start3A_30 = arith.constant 0 : i32
    %dma_start3A_31 = arith.constant 0 : i32
    %dma_start3A_32 = tpu.memref_slice %arg2[%dma_start3A_30, %dma_start3A_31] : memref<10000x128xf32, #tpu.memory_space<hbm>> -> memref<10000x128xf32, #tpu.memory_space<hbm>>
    tpu.enqueue_indirect_dma source(%dma_start3A_32 : memref<10000x128xf32, #tpu.memory_space<hbm>>) target(%arg9 : memref<80x128xf32, #tpu.memory_space<vmem>>) offsets(%dma_start3A_29 : memref<80xi32, #tpu.memory_space<vmem>>) semaphore(%arg14 : memref<!tpu.dma_semaphore, #tpu.memory_space<semaphore_mem>>)
    %dma_start3A_33 = arith.constant 2 : i32
    %dma_start3A_34 = arith.constant 0 : i32
    %dma_start3A_35 = tpu.memref_slice %arg6[%dma_start3A_33, %dma_start3A_34] : memref<24x80xi32, #tpu.memory_space<vmem>> -> memref<1x80xi32, #tpu.memory_space<vmem>>
    %dma_start3A_36 = tpu.memref_squeeze %dma_start3A_35 : memref<1x80xi32, #tpu.memory_space<vmem>> -> memref<80xi32, #tpu.memory_space<vmem>>
    %dma_start3A_37 = arith.constant 0 : i32
    %dma_start3A_38 = arith.constant 0 : i32
    %dma_start3A_39 = tpu.memref_slice %arg2[%dma_start3A_37, %dma_start3A_38] : memref<10000x128xf32, #tpu.memory_space<hbm>> -> memref<10000x128xf32, #tpu.memory_space<hbm>>
    tpu.enqueue_indirect_dma source(%dma_start3A_39 : memref<10000x128xf32, #tpu.memory_space<hbm>>) target(%arg10 : memref<80x128xf32, #tpu.memory_space<vmem>>) offsets(%dma_start3A_36 : memref<80xi32, #tpu.memory_space<vmem>>) semaphore(%arg15 : memref<!tpu.dma_semaphore, #tpu.memory_space<semaphore_mem>>)
    %dma_wait3A = arith.constant 0 : i32
    %dma_wait3A_40 = arith.constant 0 : i32
    %dma_wait3A_41 = tpu.memref_slice %arg6[%dma_wait3A, %dma_wait3A_40] : memref<24x80xi32, #tpu.memory_space<vmem>> -> memref<1x80xi32, #tpu.memory_space<vmem>>
    %dma_wait3A_42 = tpu.memref_squeeze %dma_wait3A_41 : memref<1x80xi32, #tpu.memory_space<vmem>> -> memref<80xi32, #tpu.memory_space<vmem>>
    %dma_wait3A_43 = arith.constant 0 : i32
    %dma_wait3A_44 = arith.constant 0 : i32
    %dma_wait3A_45 = tpu.memref_slice %arg2[%dma_wait3A_43, %dma_wait3A_44] : memref<10000x128xf32, #tpu.memory_space<hbm>> -> memref<10000x128xf32, #tpu.memory_space<hbm>>
    tpu.wait_indirect_dma semaphore(%arg13 : memref<!tpu.dma_semaphore, #tpu.memory_space<semaphore_mem>>) src(%dma_wait3A_45 : memref<10000x128xf32, #tpu.memory_space<hbm>>) dst(%arg8 : memref<80x128xf32, #tpu.memory_space<vmem>>)
    %run_scoped3A = arith.constant 0 : i32
    "tpu.region"() ({
      %run_scoped3A_93 = tpu.sem_alloc : memref<!tpu.dma_semaphore, #tpu.memory_space<semaphore_mem>>
      %dma_start3A_94 = arith.constant 0 : i32
      %dma_start3A_95 = tpu.memref_slice %arg7[%run_scoped3A, %dma_start3A_94] : memref<24x80xi32, #tpu.memory_space<vmem>> -> memref<1x80xi32, #tpu.memory_space<vmem>>
      %dma_start3A_96 = tpu.memref_squeeze %dma_start3A_95 : memref<1x80xi32, #tpu.memory_space<vmem>> -> memref<80xi32, #tpu.memory_space<vmem>>
      %dma_start3A_97 = arith.constant 0 : i32
      %dma_start3A_98 = arith.constant 0 : i32
      %dma_start3A_99 = tpu.memref_slice %arg12[%dma_start3A_97, %dma_start3A_98] : memref<10240x128xf32, #tpu.memory_space<vmem_shared>> -> memref<10240x128xf32, #tpu.memory_space<vmem_shared>>
      tpu.enqueue_indirect_dma source(%arg8 : memref<80x128xf32, #tpu.memory_space<vmem>>) target(%dma_start3A_99 : memref<10240x128xf32, #tpu.memory_space<vmem_shared>>) offsets(%dma_start3A_96 : memref<80xi32, #tpu.memory_space<vmem>>) semaphore(%run_scoped3A_93 : memref<!tpu.dma_semaphore, #tpu.memory_space<semaphore_mem>>) {add = true}
      %dma_wait3A_100 = arith.constant 0 : i32
      %dma_wait3A_101 = tpu.memref_slice %arg7[%run_scoped3A, %dma_wait3A_100] : memref<24x80xi32, #tpu.memory_space<vmem>> -> memref<1x80xi32, #tpu.memory_space<vmem>>
      %dma_wait3A_102 = tpu.memref_squeeze %dma_wait3A_101 : memref<1x80xi32, #tpu.memory_space<vmem>> -> memref<80xi32, #tpu.memory_space<vmem>>
      %dma_wait3A_103 = arith.constant 0 : i32
      %dma_wait3A_104 = arith.constant 0 : i32
      %dma_wait3A_105 = tpu.memref_slice %arg12[%dma_wait3A_103, %dma_wait3A_104] : memref<10240x128xf32, #tpu.memory_space<vmem_shared>> -> memref<10240x128xf32, #tpu.memory_space<vmem_shared>>
      tpu.wait_indirect_dma semaphore(%run_scoped3A_93 : memref<!tpu.dma_semaphore, #tpu.memory_space<semaphore_mem>>) src(%arg8 : memref<80x128xf32, #tpu.memory_space<vmem>>) dst(%dma_wait3A_105 : memref<10240x128xf32, #tpu.memory_space<vmem_shared>>)
      tpu.yield
    }) : () -> ()
    %dma_start3A_46 = arith.constant 3 : i32
    %dma_start3A_47 = arith.constant 0 : i32
    %dma_start3A_48 = tpu.memref_slice %arg6[%dma_start3A_46, %dma_start3A_47] : memref<24x80xi32, #tpu.memory_space<vmem>> -> memref<1x80xi32, #tpu.memory_space<vmem>>
    %dma_start3A_49 = tpu.memref_squeeze %dma_start3A_48 : memref<1x80xi32, #tpu.memory_space<vmem>> -> memref<80xi32, #tpu.memory_space<vmem>>
    %dma_start3A_50 = arith.constant 0 : i32
    %dma_start3A_51 = arith.constant 0 : i32
    %dma_start3A_52 = tpu.memref_slice %arg2[%dma_start3A_50, %dma_start3A_51] : memref<10000x128xf32, #tpu.memory_space<hbm>> -> memref<10000x128xf32, #tpu.memory_space<hbm>>
    tpu.enqueue_indirect_dma source(%dma_start3A_52 : memref<10000x128xf32, #tpu.memory_space<hbm>>) target(%arg11 : memref<80x128xf32, #tpu.memory_space<vmem>>) offsets(%dma_start3A_49 : memref<80xi32, #tpu.memory_space<vmem>>) semaphore(%arg16 : memref<!tpu.dma_semaphore, #tpu.memory_space<semaphore_mem>>)
    %dma_wait3A_53 = arith.constant 1 : i32
    %dma_wait3A_54 = arith.constant 0 : i32
    %dma_wait3A_55 = tpu.memref_slice %arg6[%dma_wait3A_53, %dma_wait3A_54] : memref<24x80xi32, #tpu.memory_space<vmem>> -> memref<1x80xi32, #tpu.memory_space<vmem>>
    %dma_wait3A_56 = tpu.memref_squeeze %dma_wait3A_55 : memref<1x80xi32, #tpu.memory_space<vmem>> -> memref<80xi32, #tpu.memory_space<vmem>>
    %dma_wait3A_57 = arith.constant 0 : i32
    %dma_wait3A_58 = arith.constant 0 : i32
    %dma_wait3A_59 = tpu.memref_slice %arg2[%dma_wait3A_57, %dma_wait3A_58] : memref<10000x128xf32, #tpu.memory_space<hbm>> -> memref<10000x128xf32, #tpu.memory_space<hbm>>
    tpu.wait_indirect_dma semaphore(%arg14 : memref<!tpu.dma_semaphore, #tpu.memory_space<semaphore_mem>>) src(%dma_wait3A_59 : memref<10000x128xf32, #tpu.memory_space<hbm>>) dst(%arg9 : memref<80x128xf32, #tpu.memory_space<vmem>>)
    %run_scoped3A_60 = arith.constant 1 : i32
    "tpu.region"() ({
      %run_scoped3A_93 = tpu.sem_alloc : memref<!tpu.dma_semaphore, #tpu.memory_space<semaphore_mem>>
      %dma_start3A_94 = arith.constant 0 : i32
      %dma_start3A_95 = tpu.memref_slice %arg7[%run_scoped3A_60, %dma_start3A_94] : memref<24x80xi32, #tpu.memory_space<vmem>> -> memref<1x80xi32, #tpu.memory_space<vmem>>
      %dma_start3A_96 = tpu.memref_squeeze %dma_start3A_95 : memref<1x80xi32, #tpu.memory_space<vmem>> -> memref<80xi32, #tpu.memory_space<vmem>>
      %dma_start3A_97 = arith.constant 0 : i32
      %dma_start3A_98 = arith.constant 0 : i32
      %dma_start3A_99 = tpu.memref_slice %arg12[%dma_start3A_97, %dma_start3A_98] : memref<10240x128xf32, #tpu.memory_space<vmem_shared>> -> memref<10240x128xf32, #tpu.memory_space<vmem_shared>>
      tpu.enqueue_indirect_dma source(%arg9 : memref<80x128xf32, #tpu.memory_space<vmem>>) target(%dma_start3A_99 : memref<10240x128xf32, #tpu.memory_space<vmem_shared>>) offsets(%dma_start3A_96 : memref<80xi32, #tpu.memory_space<vmem>>) semaphore(%run_scoped3A_93 : memref<!tpu.dma_semaphore, #tpu.memory_space<semaphore_mem>>) {add = true}
      %dma_wait3A_100 = arith.constant 0 : i32
      %dma_wait3A_101 = tpu.memref_slice %arg7[%run_scoped3A_60, %dma_wait3A_100] : memref<24x80xi32, #tpu.memory_space<vmem>> -> memref<1x80xi32, #tpu.memory_space<vmem>>
      %dma_wait3A_102 = tpu.memref_squeeze %dma_wait3A_101 : memref<1x80xi32, #tpu.memory_space<vmem>> -> memref<80xi32, #tpu.memory_space<vmem>>
      %dma_wait3A_103 = arith.constant 0 : i32
      %dma_wait3A_104 = arith.constant 0 : i32
      %dma_wait3A_105 = tpu.memref_slice %arg12[%dma_wait3A_103, %dma_wait3A_104] : memref<10240x128xf32, #tpu.memory_space<vmem_shared>> -> memref<10240x128xf32, #tpu.memory_space<vmem_shared>>
      tpu.wait_indirect_dma semaphore(%run_scoped3A_93 : memref<!tpu.dma_semaphore, #tpu.memory_space<semaphore_mem>>) src(%arg9 : memref<80x128xf32, #tpu.memory_space<vmem>>) dst(%dma_wait3A_105 : memref<10240x128xf32, #tpu.memory_space<vmem_shared>>)
      tpu.yield
    }) : () -> ()
    %dma_start3A_61 = arith.constant 4 : i32
    %dma_start3A_62 = arith.constant 0 : i32
    %dma_start3A_63 = tpu.memref_slice %arg6[%dma_start3A_61, %dma_start3A_62] : memref<24x80xi32, #tpu.memory_space<vmem>> -> memref<1x80xi32, #tpu.memory_space<vmem>>
    %dma_start3A_64 = tpu.memref_squeeze %dma_start3A_63 : memref<1x80xi32, #tpu.memory_space<vmem>> -> memref<80xi32, #tpu.memory_space<vmem>>
    %dma_start3A_65 = arith.constant 0 : i32
    %dma_start3A_66 = arith.constant 0 : i32
    %dma_start3A_67 = tpu.memref_slice %arg2[%dma_start3A_65, %dma_start3A_66] : memref<10000x128xf32, #tpu.memory_space<hbm>> -> memref<10000x128xf32, #tpu.memory_space<hbm>>
    tpu.enqueue_indirect_dma source(%dma_start3A_67 : memref<10000x128xf32, #tpu.memory_space<hbm>>) target(%arg8 : memref<80x128xf32, #tpu.memory_space<vmem>>) offsets(%dma_start3A_64 : memref<80xi32, #tpu.memory_space<vmem>>) semaphore(%arg13 : memref<!tpu.dma_semaphore, #tpu.memory_space<semaphore_mem>>)
    %dma_wait3A_68 = arith.constant 2 : i32
    %dma_wait3A_69 = arith.constant 0 : i32
    %dma_wait3A_70 = tpu.memref_slice %arg6[%dma_wait3A_68, %dma_wait3A_69] : memref<24x80xi32, #tpu.memory_space<vmem>> -> memref<1x80xi32, #tpu.memory_space<vmem>>
    %dma_wait3A_71 = tpu.memref_squeeze %dma_wait3A_70 : memref<1x80xi32, #tpu.memory_space<vmem>> -> memref<80xi32, #tpu.memory_space<vmem>>
    %dma_wait3A_72 = arith.constant 0 : i32
    %dma_wait3A_73 = arith.constant 0 : i32
    %dma_wait3A_74 = tpu.memref_slice %arg2[%dma_wait3A_72, %dma_wait3A_73] : memref<10000x128xf32, #tpu.memory_space<hbm>> -> memref<10000x128xf32, #tpu.memory_space<hbm>>
    tpu.wait_indirect_dma semaphore(%arg15 : memref<!tpu.dma_semaphore, #tpu.memory_space<semaphore_mem>>) src(%dma_wait3A_74 : memref<10000x128xf32, #tpu.memory_space<hbm>>) dst(%arg10 : memref<80x128xf32, #tpu.memory_space<vmem>>)
    %run_scoped3A_75 = arith.constant 2 : i32
    "tpu.region"() ({
      %run_scoped3A_93 = tpu.sem_alloc : memref<!tpu.dma_semaphore, #tpu.memory_space<semaphore_mem>>
      %dma_start3A_94 = arith.constant 0 : i32
      %dma_start3A_95 = tpu.memref_slice %arg7[%run_scoped3A_75, %dma_start3A_94] : memref<24x80xi32, #tpu.memory_space<vmem>> -> memref<1x80xi32, #tpu.memory_space<vmem>>
      %dma_start3A_96 = tpu.memref_squeeze %dma_start3A_95 : memref<1x80xi32, #tpu.memory_space<vmem>> -> memref<80xi32, #tpu.memory_space<vmem>>
      %dma_start3A_97 = arith.constant 0 : i32
      %dma_start3A_98 = arith.constant 0 : i32
      %dma_start3A_99 = tpu.memref_slice %arg12[%dma_start3A_97, %dma_start3A_98] : memref<10240x128xf32, #tpu.memory_space<vmem_shared>> -> memref<10240x128xf32, #tpu.memory_space<vmem_shared>>
      tpu.enqueue_indirect_dma source(%arg10 : memref<80x128xf32, #tpu.memory_space<vmem>>) target(%dma_start3A_99 : memref<10240x128xf32, #tpu.memory_space<vmem_shared>>) offsets(%dma_start3A_96 : memref<80xi32, #tpu.memory_space<vmem>>) semaphore(%run_scoped3A_93 : memref<!tpu.dma_semaphore, #tpu.memory_space<semaphore_mem>>) {add = true}
      %dma_wait3A_100 = arith.constant 0 : i32
      %dma_wait3A_101 = tpu.memref_slice %arg7[%run_scoped3A_75, %dma_wait3A_100] : memref<24x80xi32, #tpu.memory_space<vmem>> -> memref<1x80xi32, #tpu.memory_space<vmem>>
      %dma_wait3A_102 = tpu.memref_squeeze %dma_wait3A_101 : memref<1x80xi32, #tpu.memory_space<vmem>> -> memref<80xi32, #tpu.memory_space<vmem>>
      %dma_wait3A_103 = arith.constant 0 : i32
      %dma_wait3A_104 = arith.constant 0 : i32
      %dma_wait3A_105 = tpu.memref_slice %arg12[%dma_wait3A_103, %dma_wait3A_104] : memref<10240x128xf32, #tpu.memory_space<vmem_shared>> -> memref<10240x128xf32, #tpu.memory_space<vmem_shared>>
      tpu.wait_indirect_dma semaphore(%run_scoped3A_93 : memref<!tpu.dma_semaphore, #tpu.memory_space<semaphore_mem>>) src(%arg10 : memref<80x128xf32, #tpu.memory_space<vmem>>) dst(%dma_wait3A_105 : memref<10240x128xf32, #tpu.memory_space<vmem_shared>>)
      tpu.yield
    }) : () -> ()
    %dma_wait3A_76 = arith.constant 3 : i32
    %dma_wait3A_77 = arith.constant 0 : i32
    %dma_wait3A_78 = tpu.memref_slice %arg6[%dma_wait3A_76, %dma_wait3A_77] : memref<24x80xi32, #tpu.memory_space<vmem>> -> memref<1x80xi32, #tpu.memory_space<vmem>>
    %dma_wait3A_79 = tpu.memref_squeeze %dma_wait3A_78 : memref<1x80xi32, #tpu.memory_space<vmem>> -> memref<80xi32, #tpu.memory_space<vmem>>
    %dma_wait3A_80 = arith.constant 0 : i32
    %dma_wait3A_81 = arith.constant 0 : i32
    %dma_wait3A_82 = tpu.memref_slice %arg2[%dma_wait3A_80, %dma_wait3A_81] : memref<10000x128xf32, #tpu.memory_space<hbm>> -> memref<10000x128xf32, #tpu.memory_space<hbm>>
    tpu.wait_indirect_dma semaphore(%arg16 : memref<!tpu.dma_semaphore, #tpu.memory_space<semaphore_mem>>) src(%dma_wait3A_82 : memref<10000x128xf32, #tpu.memory_space<hbm>>) dst(%arg11 : memref<80x128xf32, #tpu.memory_space<vmem>>)
    %run_scoped3A_83 = arith.constant 3 : i32
    "tpu.region"() ({
      %run_scoped3A_93 = tpu.sem_alloc : memref<!tpu.dma_semaphore, #tpu.memory_space<semaphore_mem>>
      %dma_start3A_94 = arith.constant 0 : i32
      %dma_start3A_95 = tpu.memref_slice %arg7[%run_scoped3A_83, %dma_start3A_94] : memref<24x80xi32, #tpu.memory_space<vmem>> -> memref<1x80xi32, #tpu.memory_space<vmem>>
      %dma_start3A_96 = tpu.memref_squeeze %dma_start3A_95 : memref<1x80xi32, #tpu.memory_space<vmem>> -> memref<80xi32, #tpu.memory_space<vmem>>
      %dma_start3A_97 = arith.constant 0 : i32
      %dma_start3A_98 = arith.constant 0 : i32
      %dma_start3A_99 = tpu.memref_slice %arg12[%dma_start3A_97, %dma_start3A_98] : memref<10240x128xf32, #tpu.memory_space<vmem_shared>> -> memref<10240x128xf32, #tpu.memory_space<vmem_shared>>
      tpu.enqueue_indirect_dma source(%arg11 : memref<80x128xf32, #tpu.memory_space<vmem>>) target(%dma_start3A_99 : memref<10240x128xf32, #tpu.memory_space<vmem_shared>>) offsets(%dma_start3A_96 : memref<80xi32, #tpu.memory_space<vmem>>) semaphore(%run_scoped3A_93 : memref<!tpu.dma_semaphore, #tpu.memory_space<semaphore_mem>>) {add = true}
      %dma_wait3A_100 = arith.constant 0 : i32
      %dma_wait3A_101 = tpu.memref_slice %arg7[%run_scoped3A_83, %dma_wait3A_100] : memref<24x80xi32, #tpu.memory_space<vmem>> -> memref<1x80xi32, #tpu.memory_space<vmem>>
      %dma_wait3A_102 = tpu.memref_squeeze %dma_wait3A_101 : memref<1x80xi32, #tpu.memory_space<vmem>> -> memref<80xi32, #tpu.memory_space<vmem>>
      %dma_wait3A_103 = arith.constant 0 : i32
      %dma_wait3A_104 = arith.constant 0 : i32
      %dma_wait3A_105 = tpu.memref_slice %arg12[%dma_wait3A_103, %dma_wait3A_104] : memref<10240x128xf32, #tpu.memory_space<vmem_shared>> -> memref<10240x128xf32, #tpu.memory_space<vmem_shared>>
      tpu.wait_indirect_dma semaphore(%run_scoped3A_93 : memref<!tpu.dma_semaphore, #tpu.memory_space<semaphore_mem>>) src(%arg11 : memref<80x128xf32, #tpu.memory_space<vmem>>) dst(%dma_wait3A_105 : memref<10240x128xf32, #tpu.memory_space<vmem_shared>>)
      tpu.yield
    }) : () -> ()
    %dma_wait3A_84 = arith.constant 4 : i32
    %dma_wait3A_85 = arith.constant 0 : i32
    %dma_wait3A_86 = tpu.memref_slice %arg6[%dma_wait3A_84, %dma_wait3A_85] : memref<24x80xi32, #tpu.memory_space<vmem>> -> memref<1x80xi32, #tpu.memory_space<vmem>>
    %dma_wait3A_87 = tpu.memref_squeeze %dma_wait3A_86 : memref<1x80xi32, #tpu.memory_space<vmem>> -> memref<80xi32, #tpu.memory_space<vmem>>
    %dma_wait3A_88 = arith.constant 0 : i32
    %dma_wait3A_89 = arith.constant 0 : i32
    %dma_wait3A_90 = tpu.memref_slice %arg2[%dma_wait3A_88, %dma_wait3A_89] : memref<10000x128xf32, #tpu.memory_space<hbm>> -> memref<10000x128xf32, #tpu.memory_space<hbm>>
    tpu.wait_indirect_dma semaphore(%arg13 : memref<!tpu.dma_semaphore, #tpu.memory_space<semaphore_mem>>) src(%dma_wait3A_90 : memref<10000x128xf32, #tpu.memory_space<hbm>>) dst(%arg8 : memref<80x128xf32, #tpu.memory_space<vmem>>)
    %run_scoped3A_91 = arith.constant 4 : i32
    "tpu.region"() ({
      %run_scoped3A_93 = tpu.sem_alloc : memref<!tpu.dma_semaphore, #tpu.memory_space<semaphore_mem>>
      %dma_start3A_94 = arith.constant 0 : i32
      %dma_start3A_95 = tpu.memref_slice %arg7[%run_scoped3A_91, %dma_start3A_94] : memref<24x80xi32, #tpu.memory_space<vmem>> -> memref<1x80xi32, #tpu.memory_space<vmem>>
      %dma_start3A_96 = tpu.memref_squeeze %dma_start3A_95 : memref<1x80xi32, #tpu.memory_space<vmem>> -> memref<80xi32, #tpu.memory_space<vmem>>
      %dma_start3A_97 = arith.constant 0 : i32
      %dma_start3A_98 = arith.constant 0 : i32
      %dma_start3A_99 = tpu.memref_slice %arg12[%dma_start3A_97, %dma_start3A_98] : memref<10240x128xf32, #tpu.memory_space<vmem_shared>> -> memref<10240x128xf32, #tpu.memory_space<vmem_shared>>
      tpu.enqueue_indirect_dma source(%arg8 : memref<80x128xf32, #tpu.memory_space<vmem>>) target(%dma_start3A_99 : memref<10240x128xf32, #tpu.memory_space<vmem_shared>>) offsets(%dma_start3A_96 : memref<80xi32, #tpu.memory_space<vmem>>) semaphore(%run_scoped3A_93 : memref<!tpu.dma_semaphore, #tpu.memory_space<semaphore_mem>>) {add = true}
      %dma_wait3A_100 = arith.constant 0 : i32
      %dma_wait3A_101 = tpu.memref_slice %arg7[%run_scoped3A_91, %dma_wait3A_100] : memref<24x80xi32, #tpu.memory_space<vmem>> -> memref<1x80xi32, #tpu.memory_space<vmem>>
      %dma_wait3A_102 = tpu.memref_squeeze %dma_wait3A_101 : memref<1x80xi32, #tpu.memory_space<vmem>> -> memref<80xi32, #tpu.memory_space<vmem>>
      %dma_wait3A_103 = arith.constant 0 : i32
      %dma_wait3A_104 = arith.constant 0 : i32
      %dma_wait3A_105 = tpu.memref_slice %arg12[%dma_wait3A_103, %dma_wait3A_104] : memref<10240x128xf32, #tpu.memory_space<vmem_shared>> -> memref<10240x128xf32, #tpu.memory_space<vmem_shared>>
      tpu.wait_indirect_dma semaphore(%run_scoped3A_93 : memref<!tpu.dma_semaphore, #tpu.memory_space<semaphore_mem>>) src(%arg8 : memref<80x128xf32, #tpu.memory_space<vmem>>) dst(%dma_wait3A_105 : memref<10240x128xf32, #tpu.memory_space<vmem_shared>>)
      tpu.yield
    }) : () -> ()
    %barrier3A_92 = arith.constant 0 : index
    tpu.barrier barrier_id(%barrier3A_92)
    "tpu.region"() ({
      %run_scoped3A_93 = tpu.sem_alloc : memref<!tpu.dma_semaphore, #tpu.memory_space<semaphore_mem>>
      %dma_start3A_94 = arith.constant 0 : i32
      %dma_start3A_95 = arith.constant 0 : i32
      %dma_start3A_96 = tpu.memref_slice %arg5[%arg0, %dma_start3A_94, %dma_start3A_95] : memref<2x10240x128xf32, #tpu.memory_space<hbm>> -> memref<1x10240x128xf32, #tpu.memory_space<hbm>>
      %dma_start3A_97 = tpu.memref_squeeze %dma_start3A_96 : memref<1x10240x128xf32, #tpu.memory_space<hbm>> -> memref<10240x128xf32, #tpu.memory_space<hbm>>
      %dma_start3A_98 = arith.constant 0 : i32
      %dma_start3A_99 = tpu.memref_slice %dma_start3A_97[%mul3A_7, %dma_start3A_98] : memref<10240x128xf32, #tpu.memory_space<hbm>> -> memref<640x128xf32, #tpu.memory_space<hbm>>
      %dma_start3A_100 = arith.constant 0 : i32
      %dma_start3A_101 = tpu.memref_slice %arg12[%mul3A_7, %dma_start3A_100] : memref<10240x128xf32, #tpu.memory_space<vmem_shared>> -> memref<640x128xf32, #tpu.memory_space<vmem_shared>>
      tpu.enqueue_dma source(%dma_start3A_101 : memref<640x128xf32, #tpu.memory_space<vmem_shared>>) target(%dma_start3A_99 : memref<640x128xf32, #tpu.memory_space<hbm>>) target_semaphore(%run_scoped3A_93 : memref<!tpu.dma_semaphore, #tpu.memory_space<semaphore_mem>>)
      %dma_wait3A_102 = arith.constant 0 : i32
      %dma_wait3A_103 = arith.constant 0 : i32
      %dma_wait3A_104 = tpu.memref_slice %arg5[%arg0, %dma_wait3A_102, %dma_wait3A_103] : memref<2x10240x128xf32, #tpu.memory_space<hbm>> -> memref<1x10240x128xf32, #tpu.memory_space<hbm>>
      %dma_wait3A_105 = tpu.memref_squeeze %dma_wait3A_104 : memref<1x10240x128xf32, #tpu.memory_space<hbm>> -> memref<10240x128xf32, #tpu.memory_space<hbm>>
      %dma_wait3A_106 = arith.constant 0 : i32
      %dma_wait3A_107 = tpu.memref_slice %dma_wait3A_105[%mul3A_7, %dma_wait3A_106] : memref<10240x128xf32, #tpu.memory_space<hbm>> -> memref<640x128xf32, #tpu.memory_space<hbm>>
      %dma_wait3A_108 = arith.constant 0 : i32
      %dma_wait3A_109 = tpu.memref_slice %arg12[%mul3A_7, %dma_wait3A_108] : memref<10240x128xf32, #tpu.memory_space<vmem_shared>> -> memref<640x128xf32, #tpu.memory_space<vmem_shared>>
      tpu.wait_dma2 semaphore(%run_scoped3A_93 : memref<!tpu.dma_semaphore, #tpu.memory_space<semaphore_mem>>) src(%dma_wait3A_109 : memref<640x128xf32, #tpu.memory_space<vmem_shared>>) dst(%dma_wait3A_107 : memref<640x128xf32, #tpu.memory_space<hbm>>)
      tpu.yield
    }) : () -> ()
    return
  }
}

#map = affine_map<(d0, d1) -> (0, 0)>
#map1 = affine_map<(d0, d1) -> (0, 0, 0)>
module attributes {stable_mosaic.version = 14 : i64} {
  func.func @_agg_kernel(%arg0: i32, %arg1: i32, %arg2: memref<10000x128xf32, #tpu.memory_space<hbm>>, %arg3: memref<32x125x80xi32, #tpu.memory_space<hbm>>, %arg4: memref<32x125x80xi32, #tpu.memory_space<hbm>>, %arg5: memref<2x10240x128xf32, #tpu.memory_space<hbm>>, %arg6: memref<24x80xi32, #tpu.memory_space<vmem>>, %arg7: memref<24x80xi32, #tpu.memory_space<vmem>>, %arg8: memref<80x128xf32, #tpu.memory_space<vmem>>, %arg9: memref<80x128xf32, #tpu.memory_space<vmem>>, %arg10: memref<80x128xf32, #tpu.memory_space<vmem>>, %arg11: memref<80x128xf32, #tpu.memory_space<vmem>>, %arg12: memref<10240x128xf32, #tpu.memory_space<vmem_shared>>, %arg13: memref<!tpu.dma_semaphore, #tpu.memory_space<semaphore_mem>>, %arg14: memref<!tpu.dma_semaphore, #tpu.memory_space<semaphore_mem>>, %arg15: memref<!tpu.dma_semaphore, #tpu.memory_space<semaphore_mem>>, %arg16: memref<!tpu.dma_semaphore, #tpu.memory_space<semaphore_mem>>) attributes {dimension_semantics = [#tpu.dimension_semantics<core_parallel>, #tpu.dimension_semantics<subcore_parallel>], iteration_bounds = array<i64: 2, 16>, scalar_prefetch = 0 : i64, scratch_operands = 11 : i64, tpu.core_type = #tpu.core_type<sc_vector_subcore>, window_params = [{transform_indices = #map}, {transform_indices = #map1}, {transform_indices = #map1}, {transform_indices = #map1}]} {
    %mul3A = arith.constant 16 : i32
    %mul3A_0 = arith.muli %arg0, %mul3A : i32
    %add3A = arith.addi %mul3A_0, %arg1 : i32
    %scan3A = arith.constant 0 : i32
    %scan3A_1 = arith.constant 0 : i32
    %scan3A_2 = arith.constant 80 : i32
    %scan3A_3 = arith.addi %scan3A_1, %scan3A_2 : i32
    %scan3A_4 = arith.constant 1 : i32
    scf.for %scan3A_93 = %scan3A_1 to %scan3A_3 step %scan3A_4  : i32 {
      %broadcast_in_dim3A = arith.constant 0.000000e+00 : f32
      %broadcast_in_dim3A_94 = vector.broadcast %broadcast_in_dim3A : f32 to vector<16xf32>
      %swap3A = arith.index_cast %scan3A_93 : i32 to index
      %swap3A_95 = arith.constant 0 : index
      %swap3A_96 = tpu.vector_load %arg8[%swap3A, %swap3A_95] {strides = array<i32>} : memref<80x128xf32, #tpu.memory_space<vmem>>, vector<1x16xf32>,
      %swap3A_97 = vector.shape_cast %swap3A_96 : vector<1x16xf32> to vector<16xf32>
      %swap3A_98 = vector.shape_cast %broadcast_in_dim3A_94 : vector<16xf32> to vector<1x16xf32>
      tpu.vector_store %arg8[%swap3A, %swap3A_95], %swap3A_98 {strides = array<i32>} : memref<80x128xf32, #tpu.memory_space<vmem>>, vector<1x16xf32>,
      %broadcast_in_dim3A_99 = arith.constant 0.000000e+00 : f32
      %broadcast_in_dim3A_100 = vector.broadcast %broadcast_in_dim3A_99 : f32 to vector<16xf32>
      %swap3A_101 = arith.index_cast %scan3A_93 : i32 to index
      %swap3A_102 = arith.constant 16 : index
      %swap3A_103 = tpu.vector_load %arg8[%swap3A_101, %swap3A_102] {strides = array<i32>} : memref<80x128xf32, #tpu.memory_space<vmem>>, vector<1x16xf32>,
      %swap3A_104 = vector.shape_cast %swap3A_103 : vector<1x16xf32> to vector<16xf32>
      %swap3A_105 = vector.shape_cast %broadcast_in_dim3A_100 : vector<16xf32> to vector<1x16xf32>
      tpu.vector_store %arg8[%swap3A_101, %swap3A_102], %swap3A_105 {strides = array<i32>} : memref<80x128xf32, #tpu.memory_space<vmem>>, vector<1x16xf32>,
      %broadcast_in_dim3A_106 = arith.constant 0.000000e+00 : f32
      %broadcast_in_dim3A_107 = vector.broadcast %broadcast_in_dim3A_106 : f32 to vector<16xf32>
      %swap3A_108 = arith.index_cast %scan3A_93 : i32 to index
      %swap3A_109 = arith.constant 32 : index
      %swap3A_110 = tpu.vector_load %arg8[%swap3A_108, %swap3A_109] {strides = array<i32>} : memref<80x128xf32, #tpu.memory_space<vmem>>, vector<1x16xf32>,
      %swap3A_111 = vector.shape_cast %swap3A_110 : vector<1x16xf32> to vector<16xf32>
      %swap3A_112 = vector.shape_cast %broadcast_in_dim3A_107 : vector<16xf32> to vector<1x16xf32>
      tpu.vector_store %arg8[%swap3A_108, %swap3A_109], %swap3A_112 {strides = array<i32>} : memref<80x128xf32, #tpu.memory_space<vmem>>, vector<1x16xf32>,
      %broadcast_in_dim3A_113 = arith.constant 0.000000e+00 : f32
      %broadcast_in_dim3A_114 = vector.broadcast %broadcast_in_dim3A_113 : f32 to vector<16xf32>
      %swap3A_115 = arith.index_cast %scan3A_93 : i32 to index
      %swap3A_116 = arith.constant 48 : index
      %swap3A_117 = tpu.vector_load %arg8[%swap3A_115, %swap3A_116] {strides = array<i32>} : memref<80x128xf32, #tpu.memory_space<vmem>>, vector<1x16xf32>,
      %swap3A_118 = vector.shape_cast %swap3A_117 : vector<1x16xf32> to vector<16xf32>
      %swap3A_119 = vector.shape_cast %broadcast_in_dim3A_114 : vector<16xf32> to vector<1x16xf32>
      tpu.vector_store %arg8[%swap3A_115, %swap3A_116], %swap3A_119 {strides = array<i32>} : memref<80x128xf32, #tpu.memory_space<vmem>>, vector<1x16xf32>,
      %broadcast_in_dim3A_120 = arith.constant 0.000000e+00 : f32
      %broadcast_in_dim3A_121 = vector.broadcast %broadcast_in_dim3A_120 : f32 to vector<16xf32>
      %swap3A_122 = arith.index_cast %scan3A_93 : i32 to index
      %swap3A_123 = arith.constant 64 : index
      %swap3A_124 = tpu.vector_load %arg8[%swap3A_122, %swap3A_123] {strides = array<i32>} : memref<80x128xf32, #tpu.memory_space<vmem>>, vector<1x16xf32>,
      %swap3A_125 = vector.shape_cast %swap3A_124 : vector<1x16xf32> to vector<16xf32>
      %swap3A_126 = vector.shape_cast %broadcast_in_dim3A_121 : vector<16xf32> to vector<1x16xf32>
      tpu.vector_store %arg8[%swap3A_122, %swap3A_123], %swap3A_126 {strides = array<i32>} : memref<80x128xf32, #tpu.memory_space<vmem>>, vector<1x16xf32>,
      %broadcast_in_dim3A_127 = arith.constant 0.000000e+00 : f32
      %broadcast_in_dim3A_128 = vector.broadcast %broadcast_in_dim3A_127 : f32 to vector<16xf32>
      %swap3A_129 = arith.index_cast %scan3A_93 : i32 to index
      %swap3A_130 = arith.constant 80 : index
      %swap3A_131 = tpu.vector_load %arg8[%swap3A_129, %swap3A_130] {strides = array<i32>} : memref<80x128xf32, #tpu.memory_space<vmem>>, vector<1x16xf32>,
      %swap3A_132 = vector.shape_cast %swap3A_131 : vector<1x16xf32> to vector<16xf32>
      %swap3A_133 = vector.shape_cast %broadcast_in_dim3A_128 : vector<16xf32> to vector<1x16xf32>
      tpu.vector_store %arg8[%swap3A_129, %swap3A_130], %swap3A_133 {strides = array<i32>} : memref<80x128xf32, #tpu.memory_space<vmem>>, vector<1x16xf32>,
      %broadcast_in_dim3A_134 = arith.constant 0.000000e+00 : f32
      %broadcast_in_dim3A_135 = vector.broadcast %broadcast_in_dim3A_134 : f32 to vector<16xf32>
      %swap3A_136 = arith.index_cast %scan3A_93 : i32 to index
      %swap3A_137 = arith.constant 96 : index
      %swap3A_138 = tpu.vector_load %arg8[%swap3A_136, %swap3A_137] {strides = array<i32>} : memref<80x128xf32, #tpu.memory_space<vmem>>, vector<1x16xf32>,
      %swap3A_139 = vector.shape_cast %swap3A_138 : vector<1x16xf32> to vector<16xf32>
      %swap3A_140 = vector.shape_cast %broadcast_in_dim3A_135 : vector<16xf32> to vector<1x16xf32>
      tpu.vector_store %arg8[%swap3A_136, %swap3A_137], %swap3A_140 {strides = array<i32>} : memref<80x128xf32, #tpu.memory_space<vmem>>, vector<1x16xf32>,
      %broadcast_in_dim3A_141 = arith.constant 0.000000e+00 : f32
      %broadcast_in_dim3A_142 = vector.broadcast %broadcast_in_dim3A_141 : f32 to vector<16xf32>
      %swap3A_143 = arith.index_cast %scan3A_93 : i32 to index
      %swap3A_144 = arith.constant 112 : index
      %swap3A_145 = tpu.vector_load %arg8[%swap3A_143, %swap3A_144] {strides = array<i32>} : memref<80x128xf32, #tpu.memory_space<vmem>>, vector<1x16xf32>,
      %swap3A_146 = vector.shape_cast %swap3A_145 : vector<1x16xf32> to vector<16xf32>
      %swap3A_147 = vector.shape_cast %broadcast_in_dim3A_142 : vector<16xf32> to vector<1x16xf32>
      tpu.vector_store %arg8[%swap3A_143, %swap3A_144], %swap3A_147 {strides = array<i32>} : memref<80x128xf32, #tpu.memory_space<vmem>>, vector<1x16xf32>,
    }
    %scan3A_5 = arith.constant 80 : i32
    %mul3A_6 = arith.constant 640 : i32
    %mul3A_7 = arith.muli %arg1, %mul3A_6 : i32
    %scan3A_8 = arith.constant 0 : i32
    %scan3A_9 = arith.constant 0 : i32
    %scan3A_10 = arith.constant 8 : i32
    %scan3A_11 = arith.addi %scan3A_9, %scan3A_10 : i32
    %scan3A_12 = arith.constant 1 : i32
    scf.for %scan3A_93 = %scan3A_9 to %scan3A_11 step %scan3A_12  : i32 {
      %mul3A_94 = arith.constant 80 : i32
      %mul3A_95 = arith.muli %scan3A_93, %mul3A_94 : i32
      %add3A_96 = arith.addi %mul3A_7, %mul3A_95 : i32
      "tpu.region"() ({
        %run_scoped3A_97 = tpu.sem_alloc : memref<!tpu.dma_semaphore, #tpu.memory_space<semaphore_mem>>
        %dma_start3A_98 = arith.constant 0 : i32
        %dma_start3A_99 = tpu.memref_slice %arg12[%add3A_96, %dma_start3A_98] : memref<10240x128xf32, #tpu.memory_space<vmem_shared>> -> memref<80x128xf32, #tpu.memory_space<vmem_shared>>
        %dma_start3A_100 = arith.constant 0 : i32
        %dma_start3A_101 = tpu.memref_slice %arg12[%add3A_96, %dma_start3A_100] : memref<10240x128xf32, #tpu.memory_space<vmem_shared>> -> memref<80x128xf32, #tpu.memory_space<vmem_shared>>
        tpu.enqueue_dma source(%arg8 : memref<80x128xf32, #tpu.memory_space<vmem>>) target(%dma_start3A_101 : memref<80x128xf32, #tpu.memory_space<vmem_shared>>) target_semaphore(%run_scoped3A_97 : memref<!tpu.dma_semaphore, #tpu.memory_space<semaphore_mem>>)
        %dma_wait3A_102 = arith.constant 0 : i32
        %dma_wait3A_103 = tpu.memref_slice %arg12[%add3A_96, %dma_wait3A_102] : memref<10240x128xf32, #tpu.memory_space<vmem_shared>> -> memref<80x128xf32, #tpu.memory_space<vmem_shared>>
        %dma_wait3A_104 = arith.constant 0 : i32
        %dma_wait3A_105 = tpu.memref_slice %arg12[%add3A_96, %dma_wait3A_104] : memref<10240x128xf32, #tpu.memory_space<vmem_shared>> -> memref<80x128xf32, #tpu.memory_space<vmem_shared>>
        tpu.wait_dma2 semaphore(%run_scoped3A_97 : memref<!tpu.dma_semaphore, #tpu.memory_space<semaphore_mem>>) src(%arg8 : memref<80x128xf32, #tpu.memory_space<vmem>>) dst(%dma_wait3A_105 : memref<80x128xf32, #tpu.memory_space<vmem_shared>>)
        tpu.yield
      }) : () -> ()
    }
    %scan3A_13 = arith.constant 8 : i32
    %barrier3A = arith.constant 0 : index
    tpu.barrier barrier_id(%barrier3A)
    %scan3A_14 = arith.constant 0 : i32
    %scan3A_15 = arith.constant 0 : i32
    %scan3A_16 = arith.constant 5 : i32
    %scan3A_17 = arith.addi %scan3A_15, %scan3A_16 : i32
    %scan3A_18 = arith.constant 1 : i32
    scf.for %scan3A_93 = %scan3A_15 to %scan3A_17 step %scan3A_18  : i32 {
      %mul3A_94 = arith.constant 24 : i32
      %mul3A_95 = arith.muli %scan3A_93, %mul3A_94 : i32
      "tpu.region"() ({
        %run_scoped3A_456 = tpu.sem_alloc : memref<!tpu.dma_semaphore, #tpu.memory_space<semaphore_mem>>
        %dma_start3A_457 = arith.constant 0 : i32
        %dma_start3A_458 = arith.constant 0 : i32
        %dma_start3A_459 = tpu.memref_slice %arg6[%dma_start3A_457, %dma_start3A_458] : memref<24x80xi32, #tpu.memory_space<vmem>> -> memref<24x80xi32, #tpu.memory_space<vmem>>
        %dma_start3A_460 = arith.constant 0 : i32
        %dma_start3A_461 = arith.constant 0 : i32
        %dma_start3A_462 = tpu.memref_slice %arg3[%add3A, %dma_start3A_460, %dma_start3A_461] : memref<32x125x80xi32, #tpu.memory_space<hbm>> -> memref<1x125x80xi32, #tpu.memory_space<hbm>>
        %dma_start3A_463 = tpu.memref_squeeze %dma_start3A_462 : memref<1x125x80xi32, #tpu.memory_space<hbm>> -> memref<125x80xi32, #tpu.memory_space<hbm>>
        %dma_start3A_464 = arith.constant 0 : i32
        %dma_start3A_465 = tpu.memref_slice %dma_start3A_463[%mul3A_95, %dma_start3A_464] : memref<125x80xi32, #tpu.memory_space<hbm>> -> memref<24x80xi32, #tpu.memory_space<hbm>>
        %dma_start3A_466 = arith.constant 0 : i32
        %dma_start3A_467 = arith.constant 0 : i32
        %dma_start3A_468 = tpu.memref_slice %arg6[%dma_start3A_466, %dma_start3A_467] : memref<24x80xi32, #tpu.memory_space<vmem>> -> memref<24x80xi32, #tpu.memory_space<vmem>>
        %dma_start3A_469 = arith.constant 0 : i32
        %dma_start3A_470 = arith.constant 0 : i32
        %dma_start3A_471 = tpu.memref_slice %arg3[%add3A, %dma_start3A_469, %dma_start3A_470] : memref<32x125x80xi32, #tpu.memory_space<hbm>> -> memref<1x125x80xi32, #tpu.memory_space<hbm>>
        %dma_start3A_472 = tpu.memref_squeeze %dma_start3A_471 : memref<1x125x80xi32, #tpu.memory_space<hbm>> -> memref<125x80xi32, #tpu.memory_space<hbm>>
        %dma_start3A_473 = arith.constant 0 : i32
        %dma_start3A_474 = tpu.memref_slice %dma_start3A_472[%mul3A_95, %dma_start3A_473] : memref<125x80xi32, #tpu.memory_space<hbm>> -> memref<24x80xi32, #tpu.memory_space<hbm>>
        tpu.enqueue_dma source(%dma_start3A_474 : memref<24x80xi32, #tpu.memory_space<hbm>>) target(%dma_start3A_468 : memref<24x80xi32, #tpu.memory_space<vmem>>) target_semaphore(%run_scoped3A_456 : memref<!tpu.dma_semaphore, #tpu.memory_space<semaphore_mem>>)
        %dma_wait3A_475 = arith.constant 0 : i32
        %dma_wait3A_476 = arith.constant 0 : i32
        %dma_wait3A_477 = tpu.memref_slice %arg6[%dma_wait3A_475, %dma_wait3A_476] : memref<24x80xi32, #tpu.memory_space<vmem>> -> memref<24x80xi32, #tpu.memory_space<vmem>>
        %dma_wait3A_478 = arith.constant 0 : i32
        %dma_wait3A_479 = arith.constant 0 : i32
        %dma_wait3A_480 = tpu.memref_slice %arg3[%add3A, %dma_wait3A_478, %dma_wait3A_479] : memref<32x125x80xi32, #tpu.memory_space<hbm>> -> memref<1x125x80xi32, #tpu.memory_space<hbm>>
        %dma_wait3A_481 = tpu.memref_squeeze %dma_wait3A_480 : memref<1x125x80xi32, #tpu.memory_space<hbm>> -> memref<125x80xi32, #tpu.memory_space<hbm>>
        %dma_wait3A_482 = arith.constant 0 : i32
        %dma_wait3A_483 = tpu.memref_slice %dma_wait3A_481[%mul3A_95, %dma_wait3A_482] : memref<125x80xi32, #tpu.memory_space<hbm>> -> memref<24x80xi32, #tpu.memory_space<hbm>>
        %dma_wait3A_484 = arith.constant 0 : i32
        %dma_wait3A_485 = arith.constant 0 : i32
        %dma_wait3A_486 = tpu.memref_slice %arg6[%dma_wait3A_484, %dma_wait3A_485] : memref<24x80xi32, #tpu.memory_space<vmem>> -> memref<24x80xi32, #tpu.memory_space<vmem>>
        %dma_wait3A_487 = arith.constant 0 : i32
        %dma_wait3A_488 = arith.constant 0 : i32
        %dma_wait3A_489 = tpu.memref_slice %arg3[%add3A, %dma_wait3A_487, %dma_wait3A_488] : memref<32x125x80xi32, #tpu.memory_space<hbm>> -> memref<1x125x80xi32, #tpu.memory_space<hbm>>
        %dma_wait3A_490 = tpu.memref_squeeze %dma_wait3A_489 : memref<1x125x80xi32, #tpu.memory_space<hbm>> -> memref<125x80xi32, #tpu.memory_space<hbm>>
        %dma_wait3A_491 = arith.constant 0 : i32
        %dma_wait3A_492 = tpu.memref_slice %dma_wait3A_490[%mul3A_95, %dma_wait3A_491] : memref<125x80xi32, #tpu.memory_space<hbm>> -> memref<24x80xi32, #tpu.memory_space<hbm>>
        tpu.wait_dma2 semaphore(%run_scoped3A_456 : memref<!tpu.dma_semaphore, #tpu.memory_space<semaphore_mem>>) src(%dma_wait3A_492 : memref<24x80xi32, #tpu.memory_space<hbm>>) dst(%dma_wait3A_486 : memref<24x80xi32, #tpu.memory_space<vmem>>)
        tpu.yield
      }) : () -> ()
      "tpu.region"() ({
        %run_scoped3A_456 = tpu.sem_alloc : memref<!tpu.dma_semaphore, #tpu.memory_space<semaphore_mem>>
        %dma_start3A_457 = arith.constant 0 : i32
        %dma_start3A_458 = arith.constant 0 : i32
        %dma_start3A_459 = tpu.memref_slice %arg7[%dma_start3A_457, %dma_start3A_458] : memref<24x80xi32, #tpu.memory_space<vmem>> -> memref<24x80xi32, #tpu.memory_space<vmem>>
        %dma_start3A_460 = arith.constant 0 : i32
        %dma_start3A_461 = arith.constant 0 : i32
        %dma_start3A_462 = tpu.memref_slice %arg4[%add3A, %dma_start3A_460, %dma_start3A_461] : memref<32x125x80xi32, #tpu.memory_space<hbm>> -> memref<1x125x80xi32, #tpu.memory_space<hbm>>
        %dma_start3A_463 = tpu.memref_squeeze %dma_start3A_462 : memref<1x125x80xi32, #tpu.memory_space<hbm>> -> memref<125x80xi32, #tpu.memory_space<hbm>>
        %dma_start3A_464 = arith.constant 0 : i32
        %dma_start3A_465 = tpu.memref_slice %dma_start3A_463[%mul3A_95, %dma_start3A_464] : memref<125x80xi32, #tpu.memory_space<hbm>> -> memref<24x80xi32, #tpu.memory_space<hbm>>
        %dma_start3A_466 = arith.constant 0 : i32
        %dma_start3A_467 = arith.constant 0 : i32
        %dma_start3A_468 = tpu.memref_slice %arg7[%dma_start3A_466, %dma_start3A_467] : memref<24x80xi32, #tpu.memory_space<vmem>> -> memref<24x80xi32, #tpu.memory_space<vmem>>
        %dma_start3A_469 = arith.constant 0 : i32
        %dma_start3A_470 = arith.constant 0 : i32
        %dma_start3A_471 = tpu.memref_slice %arg4[%add3A, %dma_start3A_469, %dma_start3A_470] : memref<32x125x80xi32, #tpu.memory_space<hbm>> -> memref<1x125x80xi32, #tpu.memory_space<hbm>>
        %dma_start3A_472 = tpu.memref_squeeze %dma_start3A_471 : memref<1x125x80xi32, #tpu.memory_space<hbm>> -> memref<125x80xi32, #tpu.memory_space<hbm>>
        %dma_start3A_473 = arith.constant 0 : i32
        %dma_start3A_474 = tpu.memref_slice %dma_start3A_472[%mul3A_95, %dma_start3A_473] : memref<125x80xi32, #tpu.memory_space<hbm>> -> memref<24x80xi32, #tpu.memory_space<hbm>>
        tpu.enqueue_dma source(%dma_start3A_474 : memref<24x80xi32, #tpu.memory_space<hbm>>) target(%dma_start3A_468 : memref<24x80xi32, #tpu.memory_space<vmem>>) target_semaphore(%run_scoped3A_456 : memref<!tpu.dma_semaphore, #tpu.memory_space<semaphore_mem>>)
        %dma_wait3A_475 = arith.constant 0 : i32
        %dma_wait3A_476 = arith.constant 0 : i32
        %dma_wait3A_477 = tpu.memref_slice %arg7[%dma_wait3A_475, %dma_wait3A_476] : memref<24x80xi32, #tpu.memory_space<vmem>> -> memref<24x80xi32, #tpu.memory_space<vmem>>
        %dma_wait3A_478 = arith.constant 0 : i32
        %dma_wait3A_479 = arith.constant 0 : i32
        %dma_wait3A_480 = tpu.memref_slice %arg4[%add3A, %dma_wait3A_478, %dma_wait3A_479] : memref<32x125x80xi32, #tpu.memory_space<hbm>> -> memref<1x125x80xi32, #tpu.memory_space<hbm>>
        %dma_wait3A_481 = tpu.memref_squeeze %dma_wait3A_480 : memref<1x125x80xi32, #tpu.memory_space<hbm>> -> memref<125x80xi32, #tpu.memory_space<hbm>>
        %dma_wait3A_482 = arith.constant 0 : i32
        %dma_wait3A_483 = tpu.memref_slice %dma_wait3A_481[%mul3A_95, %dma_wait3A_482] : memref<125x80xi32, #tpu.memory_space<hbm>> -> memref<24x80xi32, #tpu.memory_space<hbm>>
        %dma_wait3A_484 = arith.constant 0 : i32
        %dma_wait3A_485 = arith.constant 0 : i32
        %dma_wait3A_486 = tpu.memref_slice %arg7[%dma_wait3A_484, %dma_wait3A_485] : memref<24x80xi32, #tpu.memory_space<vmem>> -> memref<24x80xi32, #tpu.memory_space<vmem>>
        %dma_wait3A_487 = arith.constant 0 : i32
        %dma_wait3A_488 = arith.constant 0 : i32
        %dma_wait3A_489 = tpu.memref_slice %arg4[%add3A, %dma_wait3A_487, %dma_wait3A_488] : memref<32x125x80xi32, #tpu.memory_space<hbm>> -> memref<1x125x80xi32, #tpu.memory_space<hbm>>
        %dma_wait3A_490 = tpu.memref_squeeze %dma_wait3A_489 : memref<1x125x80xi32, #tpu.memory_space<hbm>> -> memref<125x80xi32, #tpu.memory_space<hbm>>
        %dma_wait3A_491 = arith.constant 0 : i32
        %dma_wait3A_492 = tpu.memref_slice %dma_wait3A_490[%mul3A_95, %dma_wait3A_491] : memref<125x80xi32, #tpu.memory_space<hbm>> -> memref<24x80xi32, #tpu.memory_space<hbm>>
        tpu.wait_dma2 semaphore(%run_scoped3A_456 : memref<!tpu.dma_semaphore, #tpu.memory_space<semaphore_mem>>) src(%dma_wait3A_492 : memref<24x80xi32, #tpu.memory_space<hbm>>) dst(%dma_wait3A_486 : memref<24x80xi32, #tpu.memory_space<vmem>>)
        tpu.yield
      }) : () -> ()
      %dma_start3A_96 = arith.constant 0 : i32
      %dma_start3A_97 = arith.constant 0 : i32
      %dma_start3A_98 = tpu.memref_slice %arg6[%dma_start3A_96, %dma_start3A_97] : memref<24x80xi32, #tpu.memory_space<vmem>> -> memref<1x80xi32, #tpu.memory_space<vmem>>
      %dma_start3A_99 = tpu.memref_squeeze %dma_start3A_98 : memref<1x80xi32, #tpu.memory_space<vmem>> -> memref<80xi32, #tpu.memory_space<vmem>>
      %dma_start3A_100 = arith.constant 0 : i32
      %dma_start3A_101 = arith.constant 0 : i32
      %dma_start3A_102 = tpu.memref_slice %arg2[%dma_start3A_100, %dma_start3A_101] : memref<10000x128xf32, #tpu.memory_space<hbm>> -> memref<10000x128xf32, #tpu.memory_space<hbm>>
      tpu.enqueue_indirect_dma source(%dma_start3A_102 : memref<10000x128xf32, #tpu.memory_space<hbm>>) target(%arg8 : memref<80x128xf32, #tpu.memory_space<vmem>>) offsets(%dma_start3A_99 : memref<80xi32, #tpu.memory_space<vmem>>) semaphore(%arg13 : memref<!tpu.dma_semaphore, #tpu.memory_space<semaphore_mem>>)
      %dma_start3A_103 = arith.constant 1 : i32
      %dma_start3A_104 = arith.constant 0 : i32
      %dma_start3A_105 = tpu.memref_slice %arg6[%dma_start3A_103, %dma_start3A_104] : memref<24x80xi32, #tpu.memory_space<vmem>> -> memref<1x80xi32, #tpu.memory_space<vmem>>
      %dma_start3A_106 = tpu.memref_squeeze %dma_start3A_105 : memref<1x80xi32, #tpu.memory_space<vmem>> -> memref<80xi32, #tpu.memory_space<vmem>>
      %dma_start3A_107 = arith.constant 0 : i32
      %dma_start3A_108 = arith.constant 0 : i32
      %dma_start3A_109 = tpu.memref_slice %arg2[%dma_start3A_107, %dma_start3A_108] : memref<10000x128xf32, #tpu.memory_space<hbm>> -> memref<10000x128xf32, #tpu.memory_space<hbm>>
      tpu.enqueue_indirect_dma source(%dma_start3A_109 : memref<10000x128xf32, #tpu.memory_space<hbm>>) target(%arg9 : memref<80x128xf32, #tpu.memory_space<vmem>>) offsets(%dma_start3A_106 : memref<80xi32, #tpu.memory_space<vmem>>) semaphore(%arg14 : memref<!tpu.dma_semaphore, #tpu.memory_space<semaphore_mem>>)
      %dma_start3A_110 = arith.constant 2 : i32
      %dma_start3A_111 = arith.constant 0 : i32
      %dma_start3A_112 = tpu.memref_slice %arg6[%dma_start3A_110, %dma_start3A_111] : memref<24x80xi32, #tpu.memory_space<vmem>> -> memref<1x80xi32, #tpu.memory_space<vmem>>
      %dma_start3A_113 = tpu.memref_squeeze %dma_start3A_112 : memref<1x80xi32, #tpu.memory_space<vmem>> -> memref<80xi32, #tpu.memory_space<vmem>>
      %dma_start3A_114 = arith.constant 0 : i32
      %dma_start3A_115 = arith.constant 0 : i32
      %dma_start3A_116 = tpu.memref_slice %arg2[%dma_start3A_114, %dma_start3A_115] : memref<10000x128xf32, #tpu.memory_space<hbm>> -> memref<10000x128xf32, #tpu.memory_space<hbm>>
      tpu.enqueue_indirect_dma source(%dma_start3A_116 : memref<10000x128xf32, #tpu.memory_space<hbm>>) target(%arg10 : memref<80x128xf32, #tpu.memory_space<vmem>>) offsets(%dma_start3A_113 : memref<80xi32, #tpu.memory_space<vmem>>) semaphore(%arg15 : memref<!tpu.dma_semaphore, #tpu.memory_space<semaphore_mem>>)
      %dma_wait3A_117 = arith.constant 0 : i32
      %dma_wait3A_118 = arith.constant 0 : i32
      %dma_wait3A_119 = tpu.memref_slice %arg6[%dma_wait3A_117, %dma_wait3A_118] : memref<24x80xi32, #tpu.memory_space<vmem>> -> memref<1x80xi32, #tpu.memory_space<vmem>>
      %dma_wait3A_120 = tpu.memref_squeeze %dma_wait3A_119 : memref<1x80xi32, #tpu.memory_space<vmem>> -> memref<80xi32, #tpu.memory_space<vmem>>
      %dma_wait3A_121 = arith.constant 0 : i32
      %dma_wait3A_122 = arith.constant 0 : i32
      %dma_wait3A_123 = tpu.memref_slice %arg2[%dma_wait3A_121, %dma_wait3A_122] : memref<10000x128xf32, #tpu.memory_space<hbm>> -> memref<10000x128xf32, #tpu.memory_space<hbm>>
      tpu.wait_indirect_dma semaphore(%arg13 : memref<!tpu.dma_semaphore, #tpu.memory_space<semaphore_mem>>) src(%dma_wait3A_123 : memref<10000x128xf32, #tpu.memory_space<hbm>>) dst(%arg8 : memref<80x128xf32, #tpu.memory_space<vmem>>)
      %run_scoped3A_124 = arith.constant 0 : i32
      "tpu.region"() ({
        %run_scoped3A_456 = tpu.sem_alloc : memref<!tpu.dma_semaphore, #tpu.memory_space<semaphore_mem>>
        %dma_start3A_457 = arith.constant 0 : i32
        %dma_start3A_458 = tpu.memref_slice %arg7[%run_scoped3A_124, %dma_start3A_457] : memref<24x80xi32, #tpu.memory_space<vmem>> -> memref<1x80xi32, #tpu.memory_space<vmem>>
        %dma_start3A_459 = tpu.memref_squeeze %dma_start3A_458 : memref<1x80xi32, #tpu.memory_space<vmem>> -> memref<80xi32, #tpu.memory_space<vmem>>
        %dma_start3A_460 = arith.constant 0 : i32
        %dma_start3A_461 = arith.constant 0 : i32
        %dma_start3A_462 = tpu.memref_slice %arg12[%dma_start3A_460, %dma_start3A_461] : memref<10240x128xf32, #tpu.memory_space<vmem_shared>> -> memref<10240x128xf32, #tpu.memory_space<vmem_shared>>
        tpu.enqueue_indirect_dma source(%arg8 : memref<80x128xf32, #tpu.memory_space<vmem>>) target(%dma_start3A_462 : memref<10240x128xf32, #tpu.memory_space<vmem_shared>>) offsets(%dma_start3A_459 : memref<80xi32, #tpu.memory_space<vmem>>) semaphore(%run_scoped3A_456 : memref<!tpu.dma_semaphore, #tpu.memory_space<semaphore_mem>>) {add = true}
        %dma_wait3A_463 = arith.constant 0 : i32
        %dma_wait3A_464 = tpu.memref_slice %arg7[%run_scoped3A_124, %dma_wait3A_463] : memref<24x80xi32, #tpu.memory_space<vmem>> -> memref<1x80xi32, #tpu.memory_space<vmem>>
        %dma_wait3A_465 = tpu.memref_squeeze %dma_wait3A_464 : memref<1x80xi32, #tpu.memory_space<vmem>> -> memref<80xi32, #tpu.memory_space<vmem>>
        %dma_wait3A_466 = arith.constant 0 : i32
        %dma_wait3A_467 = arith.constant 0 : i32
        %dma_wait3A_468 = tpu.memref_slice %arg12[%dma_wait3A_466, %dma_wait3A_467] : memref<10240x128xf32, #tpu.memory_space<vmem_shared>> -> memref<10240x128xf32, #tpu.memory_space<vmem_shared>>
        tpu.wait_indirect_dma semaphore(%run_scoped3A_456 : memref<!tpu.dma_semaphore, #tpu.memory_space<semaphore_mem>>) src(%arg8 : memref<80x128xf32, #tpu.memory_space<vmem>>) dst(%dma_wait3A_468 : memref<10240x128xf32, #tpu.memory_space<vmem_shared>>)
        tpu.yield
      }) : () -> ()
      %dma_start3A_125 = arith.constant 3 : i32
      %dma_start3A_126 = arith.constant 0 : i32
      %dma_start3A_127 = tpu.memref_slice %arg6[%dma_start3A_125, %dma_start3A_126] : memref<24x80xi32, #tpu.memory_space<vmem>> -> memref<1x80xi32, #tpu.memory_space<vmem>>
      %dma_start3A_128 = tpu.memref_squeeze %dma_start3A_127 : memref<1x80xi32, #tpu.memory_space<vmem>> -> memref<80xi32, #tpu.memory_space<vmem>>
      %dma_start3A_129 = arith.constant 0 : i32
      %dma_start3A_130 = arith.constant 0 : i32
      %dma_start3A_131 = tpu.memref_slice %arg2[%dma_start3A_129, %dma_start3A_130] : memref<10000x128xf32, #tpu.memory_space<hbm>> -> memref<10000x128xf32, #tpu.memory_space<hbm>>
      tpu.enqueue_indirect_dma source(%dma_start3A_131 : memref<10000x128xf32, #tpu.memory_space<hbm>>) target(%arg11 : memref<80x128xf32, #tpu.memory_space<vmem>>) offsets(%dma_start3A_128 : memref<80xi32, #tpu.memory_space<vmem>>) semaphore(%arg16 : memref<!tpu.dma_semaphore, #tpu.memory_space<semaphore_mem>>)
      %dma_wait3A_132 = arith.constant 1 : i32
      %dma_wait3A_133 = arith.constant 0 : i32
      %dma_wait3A_134 = tpu.memref_slice %arg6[%dma_wait3A_132, %dma_wait3A_133] : memref<24x80xi32, #tpu.memory_space<vmem>> -> memref<1x80xi32, #tpu.memory_space<vmem>>
      %dma_wait3A_135 = tpu.memref_squeeze %dma_wait3A_134 : memref<1x80xi32, #tpu.memory_space<vmem>> -> memref<80xi32, #tpu.memory_space<vmem>>
      %dma_wait3A_136 = arith.constant 0 : i32
      %dma_wait3A_137 = arith.constant 0 : i32
      %dma_wait3A_138 = tpu.memref_slice %arg2[%dma_wait3A_136, %dma_wait3A_137] : memref<10000x128xf32, #tpu.memory_space<hbm>> -> memref<10000x128xf32, #tpu.memory_space<hbm>>
      tpu.wait_indirect_dma semaphore(%arg14 : memref<!tpu.dma_semaphore, #tpu.memory_space<semaphore_mem>>) src(%dma_wait3A_138 : memref<10000x128xf32, #tpu.memory_space<hbm>>) dst(%arg9 : memref<80x128xf32, #tpu.memory_space<vmem>>)
      %run_scoped3A_139 = arith.constant 1 : i32
      "tpu.region"() ({
        %run_scoped3A_456 = tpu.sem_alloc : memref<!tpu.dma_semaphore, #tpu.memory_space<semaphore_mem>>
        %dma_start3A_457 = arith.constant 0 : i32
        %dma_start3A_458 = tpu.memref_slice %arg7[%run_scoped3A_139, %dma_start3A_457] : memref<24x80xi32, #tpu.memory_space<vmem>> -> memref<1x80xi32, #tpu.memory_space<vmem>>
        %dma_start3A_459 = tpu.memref_squeeze %dma_start3A_458 : memref<1x80xi32, #tpu.memory_space<vmem>> -> memref<80xi32, #tpu.memory_space<vmem>>
        %dma_start3A_460 = arith.constant 0 : i32
        %dma_start3A_461 = arith.constant 0 : i32
        %dma_start3A_462 = tpu.memref_slice %arg12[%dma_start3A_460, %dma_start3A_461] : memref<10240x128xf32, #tpu.memory_space<vmem_shared>> -> memref<10240x128xf32, #tpu.memory_space<vmem_shared>>
        tpu.enqueue_indirect_dma source(%arg9 : memref<80x128xf32, #tpu.memory_space<vmem>>) target(%dma_start3A_462 : memref<10240x128xf32, #tpu.memory_space<vmem_shared>>) offsets(%dma_start3A_459 : memref<80xi32, #tpu.memory_space<vmem>>) semaphore(%run_scoped3A_456 : memref<!tpu.dma_semaphore, #tpu.memory_space<semaphore_mem>>) {add = true}
        %dma_wait3A_463 = arith.constant 0 : i32
        %dma_wait3A_464 = tpu.memref_slice %arg7[%run_scoped3A_139, %dma_wait3A_463] : memref<24x80xi32, #tpu.memory_space<vmem>> -> memref<1x80xi32, #tpu.memory_space<vmem>>
        %dma_wait3A_465 = tpu.memref_squeeze %dma_wait3A_464 : memref<1x80xi32, #tpu.memory_space<vmem>> -> memref<80xi32, #tpu.memory_space<vmem>>
        %dma_wait3A_466 = arith.constant 0 : i32
        %dma_wait3A_467 = arith.constant 0 : i32
        %dma_wait3A_468 = tpu.memref_slice %arg12[%dma_wait3A_466, %dma_wait3A_467] : memref<10240x128xf32, #tpu.memory_space<vmem_shared>> -> memref<10240x128xf32, #tpu.memory_space<vmem_shared>>
        tpu.wait_indirect_dma semaphore(%run_scoped3A_456 : memref<!tpu.dma_semaphore, #tpu.memory_space<semaphore_mem>>) src(%arg9 : memref<80x128xf32, #tpu.memory_space<vmem>>) dst(%dma_wait3A_468 : memref<10240x128xf32, #tpu.memory_space<vmem_shared>>)
        tpu.yield
      }) : () -> ()
      %dma_start3A_140 = arith.constant 4 : i32
      %dma_start3A_141 = arith.constant 0 : i32
      %dma_start3A_142 = tpu.memref_slice %arg6[%dma_start3A_140, %dma_start3A_141] : memref<24x80xi32, #tpu.memory_space<vmem>> -> memref<1x80xi32, #tpu.memory_space<vmem>>
      %dma_start3A_143 = tpu.memref_squeeze %dma_start3A_142 : memref<1x80xi32, #tpu.memory_space<vmem>> -> memref<80xi32, #tpu.memory_space<vmem>>
      %dma_start3A_144 = arith.constant 0 : i32
      %dma_start3A_145 = arith.constant 0 : i32
      %dma_start3A_146 = tpu.memref_slice %arg2[%dma_start3A_144, %dma_start3A_145] : memref<10000x128xf32, #tpu.memory_space<hbm>> -> memref<10000x128xf32, #tpu.memory_space<hbm>>
      tpu.enqueue_indirect_dma source(%dma_start3A_146 : memref<10000x128xf32, #tpu.memory_space<hbm>>) target(%arg8 : memref<80x128xf32, #tpu.memory_space<vmem>>) offsets(%dma_start3A_143 : memref<80xi32, #tpu.memory_space<vmem>>) semaphore(%arg13 : memref<!tpu.dma_semaphore, #tpu.memory_space<semaphore_mem>>)
      %dma_wait3A_147 = arith.constant 2 : i32
      %dma_wait3A_148 = arith.constant 0 : i32
      %dma_wait3A_149 = tpu.memref_slice %arg6[%dma_wait3A_147, %dma_wait3A_148] : memref<24x80xi32, #tpu.memory_space<vmem>> -> memref<1x80xi32, #tpu.memory_space<vmem>>
      %dma_wait3A_150 = tpu.memref_squeeze %dma_wait3A_149 : memref<1x80xi32, #tpu.memory_space<vmem>> -> memref<80xi32, #tpu.memory_space<vmem>>
      %dma_wait3A_151 = arith.constant 0 : i32
      %dma_wait3A_152 = arith.constant 0 : i32
      %dma_wait3A_153 = tpu.memref_slice %arg2[%dma_wait3A_151, %dma_wait3A_152] : memref<10000x128xf32, #tpu.memory_space<hbm>> -> memref<10000x128xf32, #tpu.memory_space<hbm>>
      tpu.wait_indirect_dma semaphore(%arg15 : memref<!tpu.dma_semaphore, #tpu.memory_space<semaphore_mem>>) src(%dma_wait3A_153 : memref<10000x128xf32, #tpu.memory_space<hbm>>) dst(%arg10 : memref<80x128xf32, #tpu.memory_space<vmem>>)
      %run_scoped3A_154 = arith.constant 2 : i32
      "tpu.region"() ({
        %run_scoped3A_456 = tpu.sem_alloc : memref<!tpu.dma_semaphore, #tpu.memory_space<semaphore_mem>>
        %dma_start3A_457 = arith.constant 0 : i32
        %dma_start3A_458 = tpu.memref_slice %arg7[%run_scoped3A_154, %dma_start3A_457] : memref<24x80xi32, #tpu.memory_space<vmem>> -> memref<1x80xi32, #tpu.memory_space<vmem>>
        %dma_start3A_459 = tpu.memref_squeeze %dma_start3A_458 : memref<1x80xi32, #tpu.memory_space<vmem>> -> memref<80xi32, #tpu.memory_space<vmem>>
        %dma_start3A_460 = arith.constant 0 : i32
        %dma_start3A_461 = arith.constant 0 : i32
        %dma_start3A_462 = tpu.memref_slice %arg12[%dma_start3A_460, %dma_start3A_461] : memref<10240x128xf32, #tpu.memory_space<vmem_shared>> -> memref<10240x128xf32, #tpu.memory_space<vmem_shared>>
        tpu.enqueue_indirect_dma source(%arg10 : memref<80x128xf32, #tpu.memory_space<vmem>>) target(%dma_start3A_462 : memref<10240x128xf32, #tpu.memory_space<vmem_shared>>) offsets(%dma_start3A_459 : memref<80xi32, #tpu.memory_space<vmem>>) semaphore(%run_scoped3A_456 : memref<!tpu.dma_semaphore, #tpu.memory_space<semaphore_mem>>) {add = true}
        %dma_wait3A_463 = arith.constant 0 : i32
        %dma_wait3A_464 = tpu.memref_slice %arg7[%run_scoped3A_154, %dma_wait3A_463] : memref<24x80xi32, #tpu.memory_space<vmem>> -> memref<1x80xi32, #tpu.memory_space<vmem>>
        %dma_wait3A_465 = tpu.memref_squeeze %dma_wait3A_464 : memref<1x80xi32, #tpu.memory_space<vmem>> -> memref<80xi32, #tpu.memory_space<vmem>>
        %dma_wait3A_466 = arith.constant 0 : i32
        %dma_wait3A_467 = arith.constant 0 : i32
        %dma_wait3A_468 = tpu.memref_slice %arg12[%dma_wait3A_466, %dma_wait3A_467] : memref<10240x128xf32, #tpu.memory_space<vmem_shared>> -> memref<10240x128xf32, #tpu.memory_space<vmem_shared>>
        tpu.wait_indirect_dma semaphore(%run_scoped3A_456 : memref<!tpu.dma_semaphore, #tpu.memory_space<semaphore_mem>>) src(%arg10 : memref<80x128xf32, #tpu.memory_space<vmem>>) dst(%dma_wait3A_468 : memref<10240x128xf32, #tpu.memory_space<vmem_shared>>)
        tpu.yield
      }) : () -> ()
      %dma_start3A_155 = arith.constant 5 : i32
      %dma_start3A_156 = arith.constant 0 : i32
      %dma_start3A_157 = tpu.memref_slice %arg6[%dma_start3A_155, %dma_start3A_156] : memref<24x80xi32, #tpu.memory_space<vmem>> -> memref<1x80xi32, #tpu.memory_space<vmem>>
      %dma_start3A_158 = tpu.memref_squeeze %dma_start3A_157 : memref<1x80xi32, #tpu.memory_space<vmem>> -> memref<80xi32, #tpu.memory_space<vmem>>
      %dma_start3A_159 = arith.constant 0 : i32
      %dma_start3A_160 = arith.constant 0 : i32
      %dma_start3A_161 = tpu.memref_slice %arg2[%dma_start3A_159, %dma_start3A_160] : memref<10000x128xf32, #tpu.memory_space<hbm>> -> memref<10000x128xf32, #tpu.memory_space<hbm>>
      tpu.enqueue_indirect_dma source(%dma_start3A_161 : memref<10000x128xf32, #tpu.memory_space<hbm>>) target(%arg9 : memref<80x128xf32, #tpu.memory_space<vmem>>) offsets(%dma_start3A_158 : memref<80xi32, #tpu.memory_space<vmem>>) semaphore(%arg14 : memref<!tpu.dma_semaphore, #tpu.memory_space<semaphore_mem>>)
      %dma_wait3A_162 = arith.constant 3 : i32
      %dma_wait3A_163 = arith.constant 0 : i32
      %dma_wait3A_164 = tpu.memref_slice %arg6[%dma_wait3A_162, %dma_wait3A_163] : memref<24x80xi32, #tpu.memory_space<vmem>> -> memref<1x80xi32, #tpu.memory_space<vmem>>
      %dma_wait3A_165 = tpu.memref_squeeze %dma_wait3A_164 : memref<1x80xi32, #tpu.memory_space<vmem>> -> memref<80xi32, #tpu.memory_space<vmem>>
      %dma_wait3A_166 = arith.constant 0 : i32
      %dma_wait3A_167 = arith.constant 0 : i32
      %dma_wait3A_168 = tpu.memref_slice %arg2[%dma_wait3A_166, %dma_wait3A_167] : memref<10000x128xf32, #tpu.memory_space<hbm>> -> memref<10000x128xf32, #tpu.memory_space<hbm>>
      tpu.wait_indirect_dma semaphore(%arg16 : memref<!tpu.dma_semaphore, #tpu.memory_space<semaphore_mem>>) src(%dma_wait3A_168 : memref<10000x128xf32, #tpu.memory_space<hbm>>) dst(%arg11 : memref<80x128xf32, #tpu.memory_space<vmem>>)
      %run_scoped3A_169 = arith.constant 3 : i32
      "tpu.region"() ({
        %run_scoped3A_456 = tpu.sem_alloc : memref<!tpu.dma_semaphore, #tpu.memory_space<semaphore_mem>>
        %dma_start3A_457 = arith.constant 0 : i32
        %dma_start3A_458 = tpu.memref_slice %arg7[%run_scoped3A_169, %dma_start3A_457] : memref<24x80xi32, #tpu.memory_space<vmem>> -> memref<1x80xi32, #tpu.memory_space<vmem>>
        %dma_start3A_459 = tpu.memref_squeeze %dma_start3A_458 : memref<1x80xi32, #tpu.memory_space<vmem>> -> memref<80xi32, #tpu.memory_space<vmem>>
        %dma_start3A_460 = arith.constant 0 : i32
        %dma_start3A_461 = arith.constant 0 : i32
        %dma_start3A_462 = tpu.memref_slice %arg12[%dma_start3A_460, %dma_start3A_461] : memref<10240x128xf32, #tpu.memory_space<vmem_shared>> -> memref<10240x128xf32, #tpu.memory_space<vmem_shared>>
        tpu.enqueue_indirect_dma source(%arg11 : memref<80x128xf32, #tpu.memory_space<vmem>>) target(%dma_start3A_462 : memref<10240x128xf32, #tpu.memory_space<vmem_shared>>) offsets(%dma_start3A_459 : memref<80xi32, #tpu.memory_space<vmem>>) semaphore(%run_scoped3A_456 : memref<!tpu.dma_semaphore, #tpu.memory_space<semaphore_mem>>) {add = true}
        %dma_wait3A_463 = arith.constant 0 : i32
        %dma_wait3A_464 = tpu.memref_slice %arg7[%run_scoped3A_169, %dma_wait3A_463] : memref<24x80xi32, #tpu.memory_space<vmem>> -> memref<1x80xi32, #tpu.memory_space<vmem>>
        %dma_wait3A_465 = tpu.memref_squeeze %dma_wait3A_464 : memref<1x80xi32, #tpu.memory_space<vmem>> -> memref<80xi32, #tpu.memory_space<vmem>>
        %dma_wait3A_466 = arith.constant 0 : i32
        %dma_wait3A_467 = arith.constant 0 : i32
        %dma_wait3A_468 = tpu.memref_slice %arg12[%dma_wait3A_466, %dma_wait3A_467] : memref<10240x128xf32, #tpu.memory_space<vmem_shared>> -> memref<10240x128xf32, #tpu.memory_space<vmem_shared>>
        tpu.wait_indirect_dma semaphore(%run_scoped3A_456 : memref<!tpu.dma_semaphore, #tpu.memory_space<semaphore_mem>>) src(%arg11 : memref<80x128xf32, #tpu.memory_space<vmem>>) dst(%dma_wait3A_468 : memref<10240x128xf32, #tpu.memory_space<vmem_shared>>)
        tpu.yield
      }) : () -> ()
      %dma_start3A_170 = arith.constant 6 : i32
      %dma_start3A_171 = arith.constant 0 : i32
      %dma_start3A_172 = tpu.memref_slice %arg6[%dma_start3A_170, %dma_start3A_171] : memref<24x80xi32, #tpu.memory_space<vmem>> -> memref<1x80xi32, #tpu.memory_space<vmem>>
      %dma_start3A_173 = tpu.memref_squeeze %dma_start3A_172 : memref<1x80xi32, #tpu.memory_space<vmem>> -> memref<80xi32, #tpu.memory_space<vmem>>
      %dma_start3A_174 = arith.constant 0 : i32
      %dma_start3A_175 = arith.constant 0 : i32
      %dma_start3A_176 = tpu.memref_slice %arg2[%dma_start3A_174, %dma_start3A_175] : memref<10000x128xf32, #tpu.memory_space<hbm>> -> memref<10000x128xf32, #tpu.memory_space<hbm>>
      tpu.enqueue_indirect_dma source(%dma_start3A_176 : memref<10000x128xf32, #tpu.memory_space<hbm>>) target(%arg10 : memref<80x128xf32, #tpu.memory_space<vmem>>) offsets(%dma_start3A_173 : memref<80xi32, #tpu.memory_space<vmem>>) semaphore(%arg15 : memref<!tpu.dma_semaphore, #tpu.memory_space<semaphore_mem>>)
      %dma_wait3A_177 = arith.constant 4 : i32
      %dma_wait3A_178 = arith.constant 0 : i32
      %dma_wait3A_179 = tpu.memref_slice %arg6[%dma_wait3A_177, %dma_wait3A_178] : memref<24x80xi32, #tpu.memory_space<vmem>> -> memref<1x80xi32, #tpu.memory_space<vmem>>
      %dma_wait3A_180 = tpu.memref_squeeze %dma_wait3A_179 : memref<1x80xi32, #tpu.memory_space<vmem>> -> memref<80xi32, #tpu.memory_space<vmem>>
      %dma_wait3A_181 = arith.constant 0 : i32
      %dma_wait3A_182 = arith.constant 0 : i32
      %dma_wait3A_183 = tpu.memref_slice %arg2[%dma_wait3A_181, %dma_wait3A_182] : memref<10000x128xf32, #tpu.memory_space<hbm>> -> memref<10000x128xf32, #tpu.memory_space<hbm>>
      tpu.wait_indirect_dma semaphore(%arg13 : memref<!tpu.dma_semaphore, #tpu.memory_space<semaphore_mem>>) src(%dma_wait3A_183 : memref<10000x128xf32, #tpu.memory_space<hbm>>) dst(%arg8 : memref<80x128xf32, #tpu.memory_space<vmem>>)
      %run_scoped3A_184 = arith.constant 4 : i32
      "tpu.region"() ({
        %run_scoped3A_456 = tpu.sem_alloc : memref<!tpu.dma_semaphore, #tpu.memory_space<semaphore_mem>>
        %dma_start3A_457 = arith.constant 0 : i32
        %dma_start3A_458 = tpu.memref_slice %arg7[%run_scoped3A_184, %dma_start3A_457] : memref<24x80xi32, #tpu.memory_space<vmem>> -> memref<1x80xi32, #tpu.memory_space<vmem>>
        %dma_start3A_459 = tpu.memref_squeeze %dma_start3A_458 : memref<1x80xi32, #tpu.memory_space<vmem>> -> memref<80xi32, #tpu.memory_space<vmem>>
        %dma_start3A_460 = arith.constant 0 : i32
        %dma_start3A_461 = arith.constant 0 : i32
        %dma_start3A_462 = tpu.memref_slice %arg12[%dma_start3A_460, %dma_start3A_461] : memref<10240x128xf32, #tpu.memory_space<vmem_shared>> -> memref<10240x128xf32, #tpu.memory_space<vmem_shared>>
        tpu.enqueue_indirect_dma source(%arg8 : memref<80x128xf32, #tpu.memory_space<vmem>>) target(%dma_start3A_462 : memref<10240x128xf32, #tpu.memory_space<vmem_shared>>) offsets(%dma_start3A_459 : memref<80xi32, #tpu.memory_space<vmem>>) semaphore(%run_scoped3A_456 : memref<!tpu.dma_semaphore, #tpu.memory_space<semaphore_mem>>) {add = true}
        %dma_wait3A_463 = arith.constant 0 : i32
        %dma_wait3A_464 = tpu.memref_slice %arg7[%run_scoped3A_184, %dma_wait3A_463] : memref<24x80xi32, #tpu.memory_space<vmem>> -> memref<1x80xi32, #tpu.memory_space<vmem>>
        %dma_wait3A_465 = tpu.memref_squeeze %dma_wait3A_464 : memref<1x80xi32, #tpu.memory_space<vmem>> -> memref<80xi32, #tpu.memory_space<vmem>>
        %dma_wait3A_466 = arith.constant 0 : i32
        %dma_wait3A_467 = arith.constant 0 : i32
        %dma_wait3A_468 = tpu.memref_slice %arg12[%dma_wait3A_466, %dma_wait3A_467] : memref<10240x128xf32, #tpu.memory_space<vmem_shared>> -> memref<10240x128xf32, #tpu.memory_space<vmem_shared>>
        tpu.wait_indirect_dma semaphore(%run_scoped3A_456 : memref<!tpu.dma_semaphore, #tpu.memory_space<semaphore_mem>>) src(%arg8 : memref<80x128xf32, #tpu.memory_space<vmem>>) dst(%dma_wait3A_468 : memref<10240x128xf32, #tpu.memory_space<vmem_shared>>)
        tpu.yield
      }) : () -> ()
      %dma_start3A_185 = arith.constant 7 : i32
      %dma_start3A_186 = arith.constant 0 : i32
      %dma_start3A_187 = tpu.memref_slice %arg6[%dma_start3A_185, %dma_start3A_186] : memref<24x80xi32, #tpu.memory_space<vmem>> -> memref<1x80xi32, #tpu.memory_space<vmem>>
      %dma_start3A_188 = tpu.memref_squeeze %dma_start3A_187 : memref<1x80xi32, #tpu.memory_space<vmem>> -> memref<80xi32, #tpu.memory_space<vmem>>
      %dma_start3A_189 = arith.constant 0 : i32
      %dma_start3A_190 = arith.constant 0 : i32
      %dma_start3A_191 = tpu.memref_slice %arg2[%dma_start3A_189, %dma_start3A_190] : memref<10000x128xf32, #tpu.memory_space<hbm>> -> memref<10000x128xf32, #tpu.memory_space<hbm>>
      tpu.enqueue_indirect_dma source(%dma_start3A_191 : memref<10000x128xf32, #tpu.memory_space<hbm>>) target(%arg11 : memref<80x128xf32, #tpu.memory_space<vmem>>) offsets(%dma_start3A_188 : memref<80xi32, #tpu.memory_space<vmem>>) semaphore(%arg16 : memref<!tpu.dma_semaphore, #tpu.memory_space<semaphore_mem>>)
      %dma_wait3A_192 = arith.constant 5 : i32
      %dma_wait3A_193 = arith.constant 0 : i32
      %dma_wait3A_194 = tpu.memref_slice %arg6[%dma_wait3A_192, %dma_wait3A_193] : memref<24x80xi32, #tpu.memory_space<vmem>> -> memref<1x80xi32, #tpu.memory_space<vmem>>
      %dma_wait3A_195 = tpu.memref_squeeze %dma_wait3A_194 : memref<1x80xi32, #tpu.memory_space<vmem>> -> memref<80xi32, #tpu.memory_space<vmem>>
      %dma_wait3A_196 = arith.constant 0 : i32
      %dma_wait3A_197 = arith.constant 0 : i32
      %dma_wait3A_198 = tpu.memref_slice %arg2[%dma_wait3A_196, %dma_wait3A_197] : memref<10000x128xf32, #tpu.memory_space<hbm>> -> memref<10000x128xf32, #tpu.memory_space<hbm>>
      tpu.wait_indirect_dma semaphore(%arg14 : memref<!tpu.dma_semaphore, #tpu.memory_space<semaphore_mem>>) src(%dma_wait3A_198 : memref<10000x128xf32, #tpu.memory_space<hbm>>) dst(%arg9 : memref<80x128xf32, #tpu.memory_space<vmem>>)
      %run_scoped3A_199 = arith.constant 5 : i32
      "tpu.region"() ({
        %run_scoped3A_456 = tpu.sem_alloc : memref<!tpu.dma_semaphore, #tpu.memory_space<semaphore_mem>>
        %dma_start3A_457 = arith.constant 0 : i32
        %dma_start3A_458 = tpu.memref_slice %arg7[%run_scoped3A_199, %dma_start3A_457] : memref<24x80xi32, #tpu.memory_space<vmem>> -> memref<1x80xi32, #tpu.memory_space<vmem>>
        %dma_start3A_459 = tpu.memref_squeeze %dma_start3A_458 : memref<1x80xi32, #tpu.memory_space<vmem>> -> memref<80xi32, #tpu.memory_space<vmem>>
        %dma_start3A_460 = arith.constant 0 : i32
        %dma_start3A_461 = arith.constant 0 : i32
        %dma_start3A_462 = tpu.memref_slice %arg12[%dma_start3A_460, %dma_start3A_461] : memref<10240x128xf32, #tpu.memory_space<vmem_shared>> -> memref<10240x128xf32, #tpu.memory_space<vmem_shared>>
        tpu.enqueue_indirect_dma source(%arg9 : memref<80x128xf32, #tpu.memory_space<vmem>>) target(%dma_start3A_462 : memref<10240x128xf32, #tpu.memory_space<vmem_shared>>) offsets(%dma_start3A_459 : memref<80xi32, #tpu.memory_space<vmem>>) semaphore(%run_scoped3A_456 : memref<!tpu.dma_semaphore, #tpu.memory_space<semaphore_mem>>) {add = true}
        %dma_wait3A_463 = arith.constant 0 : i32
        %dma_wait3A_464 = tpu.memref_slice %arg7[%run_scoped3A_199, %dma_wait3A_463] : memref<24x80xi32, #tpu.memory_space<vmem>> -> memref<1x80xi32, #tpu.memory_space<vmem>>
        %dma_wait3A_465 = tpu.memref_squeeze %dma_wait3A_464 : memref<1x80xi32, #tpu.memory_space<vmem>> -> memref<80xi32, #tpu.memory_space<vmem>>
        %dma_wait3A_466 = arith.constant 0 : i32
        %dma_wait3A_467 = arith.constant 0 : i32
        %dma_wait3A_468 = tpu.memref_slice %arg12[%dma_wait3A_466, %dma_wait3A_467] : memref<10240x128xf32, #tpu.memory_space<vmem_shared>> -> memref<10240x128xf32, #tpu.memory_space<vmem_shared>>
        tpu.wait_indirect_dma semaphore(%run_scoped3A_456 : memref<!tpu.dma_semaphore, #tpu.memory_space<semaphore_mem>>) src(%arg9 : memref<80x128xf32, #tpu.memory_space<vmem>>) dst(%dma_wait3A_468 : memref<10240x128xf32, #tpu.memory_space<vmem_shared>>)
        tpu.yield
      }) : () -> ()
      %dma_start3A_200 = arith.constant 8 : i32
      %dma_start3A_201 = arith.constant 0 : i32
      %dma_start3A_202 = tpu.memref_slice %arg6[%dma_start3A_200, %dma_start3A_201] : memref<24x80xi32, #tpu.memory_space<vmem>> -> memref<1x80xi32, #tpu.memory_space<vmem>>
      %dma_start3A_203 = tpu.memref_squeeze %dma_start3A_202 : memref<1x80xi32, #tpu.memory_space<vmem>> -> memref<80xi32, #tpu.memory_space<vmem>>
      %dma_start3A_204 = arith.constant 0 : i32
      %dma_start3A_205 = arith.constant 0 : i32
      %dma_start3A_206 = tpu.memref_slice %arg2[%dma_start3A_204, %dma_start3A_205] : memref<10000x128xf32, #tpu.memory_space<hbm>> -> memref<10000x128xf32, #tpu.memory_space<hbm>>
      tpu.enqueue_indirect_dma source(%dma_start3A_206 : memref<10000x128xf32, #tpu.memory_space<hbm>>) target(%arg8 : memref<80x128xf32, #tpu.memory_space<vmem>>) offsets(%dma_start3A_203 : memref<80xi32, #tpu.memory_space<vmem>>) semaphore(%arg13 : memref<!tpu.dma_semaphore, #tpu.memory_space<semaphore_mem>>)
      %dma_wait3A_207 = arith.constant 6 : i32
      %dma_wait3A_208 = arith.constant 0 : i32
      %dma_wait3A_209 = tpu.memref_slice %arg6[%dma_wait3A_207, %dma_wait3A_208] : memref<24x80xi32, #tpu.memory_space<vmem>> -> memref<1x80xi32, #tpu.memory_space<vmem>>
      %dma_wait3A_210 = tpu.memref_squeeze %dma_wait3A_209 : memref<1x80xi32, #tpu.memory_space<vmem>> -> memref<80xi32, #tpu.memory_space<vmem>>
      %dma_wait3A_211 = arith.constant 0 : i32
      %dma_wait3A_212 = arith.constant 0 : i32
      %dma_wait3A_213 = tpu.memref_slice %arg2[%dma_wait3A_211, %dma_wait3A_212] : memref<10000x128xf32, #tpu.memory_space<hbm>> -> memref<10000x128xf32, #tpu.memory_space<hbm>>
      tpu.wait_indirect_dma semaphore(%arg15 : memref<!tpu.dma_semaphore, #tpu.memory_space<semaphore_mem>>) src(%dma_wait3A_213 : memref<10000x128xf32, #tpu.memory_space<hbm>>) dst(%arg10 : memref<80x128xf32, #tpu.memory_space<vmem>>)
      %run_scoped3A_214 = arith.constant 6 : i32
      "tpu.region"() ({
        %run_scoped3A_456 = tpu.sem_alloc : memref<!tpu.dma_semaphore, #tpu.memory_space<semaphore_mem>>
        %dma_start3A_457 = arith.constant 0 : i32
        %dma_start3A_458 = tpu.memref_slice %arg7[%run_scoped3A_214, %dma_start3A_457] : memref<24x80xi32, #tpu.memory_space<vmem>> -> memref<1x80xi32, #tpu.memory_space<vmem>>
        %dma_start3A_459 = tpu.memref_squeeze %dma_start3A_458 : memref<1x80xi32, #tpu.memory_space<vmem>> -> memref<80xi32, #tpu.memory_space<vmem>>
        %dma_start3A_460 = arith.constant 0 : i32
        %dma_start3A_461 = arith.constant 0 : i32
        %dma_start3A_462 = tpu.memref_slice %arg12[%dma_start3A_460, %dma_start3A_461] : memref<10240x128xf32, #tpu.memory_space<vmem_shared>> -> memref<10240x128xf32, #tpu.memory_space<vmem_shared>>
        tpu.enqueue_indirect_dma source(%arg10 : memref<80x128xf32, #tpu.memory_space<vmem>>) target(%dma_start3A_462 : memref<10240x128xf32, #tpu.memory_space<vmem_shared>>) offsets(%dma_start3A_459 : memref<80xi32, #tpu.memory_space<vmem>>) semaphore(%run_scoped3A_456 : memref<!tpu.dma_semaphore, #tpu.memory_space<semaphore_mem>>) {add = true}
        %dma_wait3A_463 = arith.constant 0 : i32
        %dma_wait3A_464 = tpu.memref_slice %arg7[%run_scoped3A_214, %dma_wait3A_463] : memref<24x80xi32, #tpu.memory_space<vmem>> -> memref<1x80xi32, #tpu.memory_space<vmem>>
        %dma_wait3A_465 = tpu.memref_squeeze %dma_wait3A_464 : memref<1x80xi32, #tpu.memory_space<vmem>> -> memref<80xi32, #tpu.memory_space<vmem>>
        %dma_wait3A_466 = arith.constant 0 : i32
        %dma_wait3A_467 = arith.constant 0 : i32
        %dma_wait3A_468 = tpu.memref_slice %arg12[%dma_wait3A_466, %dma_wait3A_467] : memref<10240x128xf32, #tpu.memory_space<vmem_shared>> -> memref<10240x128xf32, #tpu.memory_space<vmem_shared>>
        tpu.wait_indirect_dma semaphore(%run_scoped3A_456 : memref<!tpu.dma_semaphore, #tpu.memory_space<semaphore_mem>>) src(%arg10 : memref<80x128xf32, #tpu.memory_space<vmem>>) dst(%dma_wait3A_468 : memref<10240x128xf32, #tpu.memory_space<vmem_shared>>)
        tpu.yield
      }) : () -> ()
      %dma_start3A_215 = arith.constant 9 : i32
      %dma_start3A_216 = arith.constant 0 : i32
      %dma_start3A_217 = tpu.memref_slice %arg6[%dma_start3A_215, %dma_start3A_216] : memref<24x80xi32, #tpu.memory_space<vmem>> -> memref<1x80xi32, #tpu.memory_space<vmem>>
      %dma_start3A_218 = tpu.memref_squeeze %dma_start3A_217 : memref<1x80xi32, #tpu.memory_space<vmem>> -> memref<80xi32, #tpu.memory_space<vmem>>
      %dma_start3A_219 = arith.constant 0 : i32
      %dma_start3A_220 = arith.constant 0 : i32
      %dma_start3A_221 = tpu.memref_slice %arg2[%dma_start3A_219, %dma_start3A_220] : memref<10000x128xf32, #tpu.memory_space<hbm>> -> memref<10000x128xf32, #tpu.memory_space<hbm>>
      tpu.enqueue_indirect_dma source(%dma_start3A_221 : memref<10000x128xf32, #tpu.memory_space<hbm>>) target(%arg9 : memref<80x128xf32, #tpu.memory_space<vmem>>) offsets(%dma_start3A_218 : memref<80xi32, #tpu.memory_space<vmem>>) semaphore(%arg14 : memref<!tpu.dma_semaphore, #tpu.memory_space<semaphore_mem>>)
      %dma_wait3A_222 = arith.constant 7 : i32
      %dma_wait3A_223 = arith.constant 0 : i32
      %dma_wait3A_224 = tpu.memref_slice %arg6[%dma_wait3A_222, %dma_wait3A_223] : memref<24x80xi32, #tpu.memory_space<vmem>> -> memref<1x80xi32, #tpu.memory_space<vmem>>
      %dma_wait3A_225 = tpu.memref_squeeze %dma_wait3A_224 : memref<1x80xi32, #tpu.memory_space<vmem>> -> memref<80xi32, #tpu.memory_space<vmem>>
      %dma_wait3A_226 = arith.constant 0 : i32
      %dma_wait3A_227 = arith.constant 0 : i32
      %dma_wait3A_228 = tpu.memref_slice %arg2[%dma_wait3A_226, %dma_wait3A_227] : memref<10000x128xf32, #tpu.memory_space<hbm>> -> memref<10000x128xf32, #tpu.memory_space<hbm>>
      tpu.wait_indirect_dma semaphore(%arg16 : memref<!tpu.dma_semaphore, #tpu.memory_space<semaphore_mem>>) src(%dma_wait3A_228 : memref<10000x128xf32, #tpu.memory_space<hbm>>) dst(%arg11 : memref<80x128xf32, #tpu.memory_space<vmem>>)
      %run_scoped3A_229 = arith.constant 7 : i32
      "tpu.region"() ({
        %run_scoped3A_456 = tpu.sem_alloc : memref<!tpu.dma_semaphore, #tpu.memory_space<semaphore_mem>>
        %dma_start3A_457 = arith.constant 0 : i32
        %dma_start3A_458 = tpu.memref_slice %arg7[%run_scoped3A_229, %dma_start3A_457] : memref<24x80xi32, #tpu.memory_space<vmem>> -> memref<1x80xi32, #tpu.memory_space<vmem>>
        %dma_start3A_459 = tpu.memref_squeeze %dma_start3A_458 : memref<1x80xi32, #tpu.memory_space<vmem>> -> memref<80xi32, #tpu.memory_space<vmem>>
        %dma_start3A_460 = arith.constant 0 : i32
        %dma_start3A_461 = arith.constant 0 : i32
        %dma_start3A_462 = tpu.memref_slice %arg12[%dma_start3A_460, %dma_start3A_461] : memref<10240x128xf32, #tpu.memory_space<vmem_shared>> -> memref<10240x128xf32, #tpu.memory_space<vmem_shared>>
        tpu.enqueue_indirect_dma source(%arg11 : memref<80x128xf32, #tpu.memory_space<vmem>>) target(%dma_start3A_462 : memref<10240x128xf32, #tpu.memory_space<vmem_shared>>) offsets(%dma_start3A_459 : memref<80xi32, #tpu.memory_space<vmem>>) semaphore(%run_scoped3A_456 : memref<!tpu.dma_semaphore, #tpu.memory_space<semaphore_mem>>) {add = true}
        %dma_wait3A_463 = arith.constant 0 : i32
        %dma_wait3A_464 = tpu.memref_slice %arg7[%run_scoped3A_229, %dma_wait3A_463] : memref<24x80xi32, #tpu.memory_space<vmem>> -> memref<1x80xi32, #tpu.memory_space<vmem>>
        %dma_wait3A_465 = tpu.memref_squeeze %dma_wait3A_464 : memref<1x80xi32, #tpu.memory_space<vmem>> -> memref<80xi32, #tpu.memory_space<vmem>>
        %dma_wait3A_466 = arith.constant 0 : i32
        %dma_wait3A_467 = arith.constant 0 : i32
        %dma_wait3A_468 = tpu.memref_slice %arg12[%dma_wait3A_466, %dma_wait3A_467] : memref<10240x128xf32, #tpu.memory_space<vmem_shared>> -> memref<10240x128xf32, #tpu.memory_space<vmem_shared>>
        tpu.wait_indirect_dma semaphore(%run_scoped3A_456 : memref<!tpu.dma_semaphore, #tpu.memory_space<semaphore_mem>>) src(%arg11 : memref<80x128xf32, #tpu.memory_space<vmem>>) dst(%dma_wait3A_468 : memref<10240x128xf32, #tpu.memory_space<vmem_shared>>)
        tpu.yield
      }) : () -> ()
      %dma_start3A_230 = arith.constant 10 : i32
      %dma_start3A_231 = arith.constant 0 : i32
      %dma_start3A_232 = tpu.memref_slice %arg6[%dma_start3A_230, %dma_start3A_231] : memref<24x80xi32, #tpu.memory_space<vmem>> -> memref<1x80xi32, #tpu.memory_space<vmem>>
      %dma_start3A_233 = tpu.memref_squeeze %dma_start3A_232 : memref<1x80xi32, #tpu.memory_space<vmem>> -> memref<80xi32, #tpu.memory_space<vmem>>
      %dma_start3A_234 = arith.constant 0 : i32
      %dma_start3A_235 = arith.constant 0 : i32
      %dma_start3A_236 = tpu.memref_slice %arg2[%dma_start3A_234, %dma_start3A_235] : memref<10000x128xf32, #tpu.memory_space<hbm>> -> memref<10000x128xf32, #tpu.memory_space<hbm>>
      tpu.enqueue_indirect_dma source(%dma_start3A_236 : memref<10000x128xf32, #tpu.memory_space<hbm>>) target(%arg10 : memref<80x128xf32, #tpu.memory_space<vmem>>) offsets(%dma_start3A_233 : memref<80xi32, #tpu.memory_space<vmem>>) semaphore(%arg15 : memref<!tpu.dma_semaphore, #tpu.memory_space<semaphore_mem>>)
      %dma_wait3A_237 = arith.constant 8 : i32
      %dma_wait3A_238 = arith.constant 0 : i32
      %dma_wait3A_239 = tpu.memref_slice %arg6[%dma_wait3A_237, %dma_wait3A_238] : memref<24x80xi32, #tpu.memory_space<vmem>> -> memref<1x80xi32, #tpu.memory_space<vmem>>
      %dma_wait3A_240 = tpu.memref_squeeze %dma_wait3A_239 : memref<1x80xi32, #tpu.memory_space<vmem>> -> memref<80xi32, #tpu.memory_space<vmem>>
      %dma_wait3A_241 = arith.constant 0 : i32
      %dma_wait3A_242 = arith.constant 0 : i32
      %dma_wait3A_243 = tpu.memref_slice %arg2[%dma_wait3A_241, %dma_wait3A_242] : memref<10000x128xf32, #tpu.memory_space<hbm>> -> memref<10000x128xf32, #tpu.memory_space<hbm>>
      tpu.wait_indirect_dma semaphore(%arg13 : memref<!tpu.dma_semaphore, #tpu.memory_space<semaphore_mem>>) src(%dma_wait3A_243 : memref<10000x128xf32, #tpu.memory_space<hbm>>) dst(%arg8 : memref<80x128xf32, #tpu.memory_space<vmem>>)
      %run_scoped3A_244 = arith.constant 8 : i32
      "tpu.region"() ({
        %run_scoped3A_456 = tpu.sem_alloc : memref<!tpu.dma_semaphore, #tpu.memory_space<semaphore_mem>>
        %dma_start3A_457 = arith.constant 0 : i32
        %dma_start3A_458 = tpu.memref_slice %arg7[%run_scoped3A_244, %dma_start3A_457] : memref<24x80xi32, #tpu.memory_space<vmem>> -> memref<1x80xi32, #tpu.memory_space<vmem>>
        %dma_start3A_459 = tpu.memref_squeeze %dma_start3A_458 : memref<1x80xi32, #tpu.memory_space<vmem>> -> memref<80xi32, #tpu.memory_space<vmem>>
        %dma_start3A_460 = arith.constant 0 : i32
        %dma_start3A_461 = arith.constant 0 : i32
        %dma_start3A_462 = tpu.memref_slice %arg12[%dma_start3A_460, %dma_start3A_461] : memref<10240x128xf32, #tpu.memory_space<vmem_shared>> -> memref<10240x128xf32, #tpu.memory_space<vmem_shared>>
        tpu.enqueue_indirect_dma source(%arg8 : memref<80x128xf32, #tpu.memory_space<vmem>>) target(%dma_start3A_462 : memref<10240x128xf32, #tpu.memory_space<vmem_shared>>) offsets(%dma_start3A_459 : memref<80xi32, #tpu.memory_space<vmem>>) semaphore(%run_scoped3A_456 : memref<!tpu.dma_semaphore, #tpu.memory_space<semaphore_mem>>) {add = true}
        %dma_wait3A_463 = arith.constant 0 : i32
        %dma_wait3A_464 = tpu.memref_slice %arg7[%run_scoped3A_244, %dma_wait3A_463] : memref<24x80xi32, #tpu.memory_space<vmem>> -> memref<1x80xi32, #tpu.memory_space<vmem>>
        %dma_wait3A_465 = tpu.memref_squeeze %dma_wait3A_464 : memref<1x80xi32, #tpu.memory_space<vmem>> -> memref<80xi32, #tpu.memory_space<vmem>>
        %dma_wait3A_466 = arith.constant 0 : i32
        %dma_wait3A_467 = arith.constant 0 : i32
        %dma_wait3A_468 = tpu.memref_slice %arg12[%dma_wait3A_466, %dma_wait3A_467] : memref<10240x128xf32, #tpu.memory_space<vmem_shared>> -> memref<10240x128xf32, #tpu.memory_space<vmem_shared>>
        tpu.wait_indirect_dma semaphore(%run_scoped3A_456 : memref<!tpu.dma_semaphore, #tpu.memory_space<semaphore_mem>>) src(%arg8 : memref<80x128xf32, #tpu.memory_space<vmem>>) dst(%dma_wait3A_468 : memref<10240x128xf32, #tpu.memory_space<vmem_shared>>)
        tpu.yield
      }) : () -> ()
      %dma_start3A_245 = arith.constant 11 : i32
      %dma_start3A_246 = arith.constant 0 : i32
      %dma_start3A_247 = tpu.memref_slice %arg6[%dma_start3A_245, %dma_start3A_246] : memref<24x80xi32, #tpu.memory_space<vmem>> -> memref<1x80xi32, #tpu.memory_space<vmem>>
      %dma_start3A_248 = tpu.memref_squeeze %dma_start3A_247 : memref<1x80xi32, #tpu.memory_space<vmem>> -> memref<80xi32, #tpu.memory_space<vmem>>
      %dma_start3A_249 = arith.constant 0 : i32
      %dma_start3A_250 = arith.constant 0 : i32
      %dma_start3A_251 = tpu.memref_slice %arg2[%dma_start3A_249, %dma_start3A_250] : memref<10000x128xf32, #tpu.memory_space<hbm>> -> memref<10000x128xf32, #tpu.memory_space<hbm>>
      tpu.enqueue_indirect_dma source(%dma_start3A_251 : memref<10000x128xf32, #tpu.memory_space<hbm>>) target(%arg11 : memref<80x128xf32, #tpu.memory_space<vmem>>) offsets(%dma_start3A_248 : memref<80xi32, #tpu.memory_space<vmem>>) semaphore(%arg16 : memref<!tpu.dma_semaphore, #tpu.memory_space<semaphore_mem>>)
      %dma_wait3A_252 = arith.constant 9 : i32
      %dma_wait3A_253 = arith.constant 0 : i32
      %dma_wait3A_254 = tpu.memref_slice %arg6[%dma_wait3A_252, %dma_wait3A_253] : memref<24x80xi32, #tpu.memory_space<vmem>> -> memref<1x80xi32, #tpu.memory_space<vmem>>
      %dma_wait3A_255 = tpu.memref_squeeze %dma_wait3A_254 : memref<1x80xi32, #tpu.memory_space<vmem>> -> memref<80xi32, #tpu.memory_space<vmem>>
      %dma_wait3A_256 = arith.constant 0 : i32
      %dma_wait3A_257 = arith.constant 0 : i32
      %dma_wait3A_258 = tpu.memref_slice %arg2[%dma_wait3A_256, %dma_wait3A_257] : memref<10000x128xf32, #tpu.memory_space<hbm>> -> memref<10000x128xf32, #tpu.memory_space<hbm>>
      tpu.wait_indirect_dma semaphore(%arg14 : memref<!tpu.dma_semaphore, #tpu.memory_space<semaphore_mem>>) src(%dma_wait3A_258 : memref<10000x128xf32, #tpu.memory_space<hbm>>) dst(%arg9 : memref<80x128xf32, #tpu.memory_space<vmem>>)
      %run_scoped3A_259 = arith.constant 9 : i32
      "tpu.region"() ({
        %run_scoped3A_456 = tpu.sem_alloc : memref<!tpu.dma_semaphore, #tpu.memory_space<semaphore_mem>>
        %dma_start3A_457 = arith.constant 0 : i32
        %dma_start3A_458 = tpu.memref_slice %arg7[%run_scoped3A_259, %dma_start3A_457] : memref<24x80xi32, #tpu.memory_space<vmem>> -> memref<1x80xi32, #tpu.memory_space<vmem>>
        %dma_start3A_459 = tpu.memref_squeeze %dma_start3A_458 : memref<1x80xi32, #tpu.memory_space<vmem>> -> memref<80xi32, #tpu.memory_space<vmem>>
        %dma_start3A_460 = arith.constant 0 : i32
        %dma_start3A_461 = arith.constant 0 : i32
        %dma_start3A_462 = tpu.memref_slice %arg12[%dma_start3A_460, %dma_start3A_461] : memref<10240x128xf32, #tpu.memory_space<vmem_shared>> -> memref<10240x128xf32, #tpu.memory_space<vmem_shared>>
        tpu.enqueue_indirect_dma source(%arg9 : memref<80x128xf32, #tpu.memory_space<vmem>>) target(%dma_start3A_462 : memref<10240x128xf32, #tpu.memory_space<vmem_shared>>) offsets(%dma_start3A_459 : memref<80xi32, #tpu.memory_space<vmem>>) semaphore(%run_scoped3A_456 : memref<!tpu.dma_semaphore, #tpu.memory_space<semaphore_mem>>) {add = true}
        %dma_wait3A_463 = arith.constant 0 : i32
        %dma_wait3A_464 = tpu.memref_slice %arg7[%run_scoped3A_259, %dma_wait3A_463] : memref<24x80xi32, #tpu.memory_space<vmem>> -> memref<1x80xi32, #tpu.memory_space<vmem>>
        %dma_wait3A_465 = tpu.memref_squeeze %dma_wait3A_464 : memref<1x80xi32, #tpu.memory_space<vmem>> -> memref<80xi32, #tpu.memory_space<vmem>>
        %dma_wait3A_466 = arith.constant 0 : i32
        %dma_wait3A_467 = arith.constant 0 : i32
        %dma_wait3A_468 = tpu.memref_slice %arg12[%dma_wait3A_466, %dma_wait3A_467] : memref<10240x128xf32, #tpu.memory_space<vmem_shared>> -> memref<10240x128xf32, #tpu.memory_space<vmem_shared>>
        tpu.wait_indirect_dma semaphore(%run_scoped3A_456 : memref<!tpu.dma_semaphore, #tpu.memory_space<semaphore_mem>>) src(%arg9 : memref<80x128xf32, #tpu.memory_space<vmem>>) dst(%dma_wait3A_468 : memref<10240x128xf32, #tpu.memory_space<vmem_shared>>)
        tpu.yield
      }) : () -> ()
      %dma_start3A_260 = arith.constant 12 : i32
      %dma_start3A_261 = arith.constant 0 : i32
      %dma_start3A_262 = tpu.memref_slice %arg6[%dma_start3A_260, %dma_start3A_261] : memref<24x80xi32, #tpu.memory_space<vmem>> -> memref<1x80xi32, #tpu.memory_space<vmem>>
      %dma_start3A_263 = tpu.memref_squeeze %dma_start3A_262 : memref<1x80xi32, #tpu.memory_space<vmem>> -> memref<80xi32, #tpu.memory_space<vmem>>
      %dma_start3A_264 = arith.constant 0 : i32
      %dma_start3A_265 = arith.constant 0 : i32
      %dma_start3A_266 = tpu.memref_slice %arg2[%dma_start3A_264, %dma_start3A_265] : memref<10000x128xf32, #tpu.memory_space<hbm>> -> memref<10000x128xf32, #tpu.memory_space<hbm>>
      tpu.enqueue_indirect_dma source(%dma_start3A_266 : memref<10000x128xf32, #tpu.memory_space<hbm>>) target(%arg8 : memref<80x128xf32, #tpu.memory_space<vmem>>) offsets(%dma_start3A_263 : memref<80xi32, #tpu.memory_space<vmem>>) semaphore(%arg13 : memref<!tpu.dma_semaphore, #tpu.memory_space<semaphore_mem>>)
      %dma_wait3A_267 = arith.constant 10 : i32
      %dma_wait3A_268 = arith.constant 0 : i32
      %dma_wait3A_269 = tpu.memref_slice %arg6[%dma_wait3A_267, %dma_wait3A_268] : memref<24x80xi32, #tpu.memory_space<vmem>> -> memref<1x80xi32, #tpu.memory_space<vmem>>
      %dma_wait3A_270 = tpu.memref_squeeze %dma_wait3A_269 : memref<1x80xi32, #tpu.memory_space<vmem>> -> memref<80xi32, #tpu.memory_space<vmem>>
      %dma_wait3A_271 = arith.constant 0 : i32
      %dma_wait3A_272 = arith.constant 0 : i32
      %dma_wait3A_273 = tpu.memref_slice %arg2[%dma_wait3A_271, %dma_wait3A_272] : memref<10000x128xf32, #tpu.memory_space<hbm>> -> memref<10000x128xf32, #tpu.memory_space<hbm>>
      tpu.wait_indirect_dma semaphore(%arg15 : memref<!tpu.dma_semaphore, #tpu.memory_space<semaphore_mem>>) src(%dma_wait3A_273 : memref<10000x128xf32, #tpu.memory_space<hbm>>) dst(%arg10 : memref<80x128xf32, #tpu.memory_space<vmem>>)
      %run_scoped3A_274 = arith.constant 10 : i32
      "tpu.region"() ({
        %run_scoped3A_456 = tpu.sem_alloc : memref<!tpu.dma_semaphore, #tpu.memory_space<semaphore_mem>>
        %dma_start3A_457 = arith.constant 0 : i32
        %dma_start3A_458 = tpu.memref_slice %arg7[%run_scoped3A_274, %dma_start3A_457] : memref<24x80xi32, #tpu.memory_space<vmem>> -> memref<1x80xi32, #tpu.memory_space<vmem>>
        %dma_start3A_459 = tpu.memref_squeeze %dma_start3A_458 : memref<1x80xi32, #tpu.memory_space<vmem>> -> memref<80xi32, #tpu.memory_space<vmem>>
        %dma_start3A_460 = arith.constant 0 : i32
        %dma_start3A_461 = arith.constant 0 : i32
        %dma_start3A_462 = tpu.memref_slice %arg12[%dma_start3A_460, %dma_start3A_461] : memref<10240x128xf32, #tpu.memory_space<vmem_shared>> -> memref<10240x128xf32, #tpu.memory_space<vmem_shared>>
        tpu.enqueue_indirect_dma source(%arg10 : memref<80x128xf32, #tpu.memory_space<vmem>>) target(%dma_start3A_462 : memref<10240x128xf32, #tpu.memory_space<vmem_shared>>) offsets(%dma_start3A_459 : memref<80xi32, #tpu.memory_space<vmem>>) semaphore(%run_scoped3A_456 : memref<!tpu.dma_semaphore, #tpu.memory_space<semaphore_mem>>) {add = true}
        %dma_wait3A_463 = arith.constant 0 : i32
        %dma_wait3A_464 = tpu.memref_slice %arg7[%run_scoped3A_274, %dma_wait3A_463] : memref<24x80xi32, #tpu.memory_space<vmem>> -> memref<1x80xi32, #tpu.memory_space<vmem>>
        %dma_wait3A_465 = tpu.memref_squeeze %dma_wait3A_464 : memref<1x80xi32, #tpu.memory_space<vmem>> -> memref<80xi32, #tpu.memory_space<vmem>>
        %dma_wait3A_466 = arith.constant 0 : i32
        %dma_wait3A_467 = arith.constant 0 : i32
        %dma_wait3A_468 = tpu.memref_slice %arg12[%dma_wait3A_466, %dma_wait3A_467] : memref<10240x128xf32, #tpu.memory_space<vmem_shared>> -> memref<10240x128xf32, #tpu.memory_space<vmem_shared>>
        tpu.wait_indirect_dma semaphore(%run_scoped3A_456 : memref<!tpu.dma_semaphore, #tpu.memory_space<semaphore_mem>>) src(%arg10 : memref<80x128xf32, #tpu.memory_space<vmem>>) dst(%dma_wait3A_468 : memref<10240x128xf32, #tpu.memory_space<vmem_shared>>)
        tpu.yield
      }) : () -> ()
      %dma_start3A_275 = arith.constant 13 : i32
      %dma_start3A_276 = arith.constant 0 : i32
      %dma_start3A_277 = tpu.memref_slice %arg6[%dma_start3A_275, %dma_start3A_276] : memref<24x80xi32, #tpu.memory_space<vmem>> -> memref<1x80xi32, #tpu.memory_space<vmem>>
      %dma_start3A_278 = tpu.memref_squeeze %dma_start3A_277 : memref<1x80xi32, #tpu.memory_space<vmem>> -> memref<80xi32, #tpu.memory_space<vmem>>
      %dma_start3A_279 = arith.constant 0 : i32
      %dma_start3A_280 = arith.constant 0 : i32
      %dma_start3A_281 = tpu.memref_slice %arg2[%dma_start3A_279, %dma_start3A_280] : memref<10000x128xf32, #tpu.memory_space<hbm>> -> memref<10000x128xf32, #tpu.memory_space<hbm>>
      tpu.enqueue_indirect_dma source(%dma_start3A_281 : memref<10000x128xf32, #tpu.memory_space<hbm>>) target(%arg9 : memref<80x128xf32, #tpu.memory_space<vmem>>) offsets(%dma_start3A_278 : memref<80xi32, #tpu.memory_space<vmem>>) semaphore(%arg14 : memref<!tpu.dma_semaphore, #tpu.memory_space<semaphore_mem>>)
      %dma_wait3A_282 = arith.constant 11 : i32
      %dma_wait3A_283 = arith.constant 0 : i32
      %dma_wait3A_284 = tpu.memref_slice %arg6[%dma_wait3A_282, %dma_wait3A_283] : memref<24x80xi32, #tpu.memory_space<vmem>> -> memref<1x80xi32, #tpu.memory_space<vmem>>
      %dma_wait3A_285 = tpu.memref_squeeze %dma_wait3A_284 : memref<1x80xi32, #tpu.memory_space<vmem>> -> memref<80xi32, #tpu.memory_space<vmem>>
      %dma_wait3A_286 = arith.constant 0 : i32
      %dma_wait3A_287 = arith.constant 0 : i32
      %dma_wait3A_288 = tpu.memref_slice %arg2[%dma_wait3A_286, %dma_wait3A_287] : memref<10000x128xf32, #tpu.memory_space<hbm>> -> memref<10000x128xf32, #tpu.memory_space<hbm>>
      tpu.wait_indirect_dma semaphore(%arg16 : memref<!tpu.dma_semaphore, #tpu.memory_space<semaphore_mem>>) src(%dma_wait3A_288 : memref<10000x128xf32, #tpu.memory_space<hbm>>) dst(%arg11 : memref<80x128xf32, #tpu.memory_space<vmem>>)
      %run_scoped3A_289 = arith.constant 11 : i32
      "tpu.region"() ({
        %run_scoped3A_456 = tpu.sem_alloc : memref<!tpu.dma_semaphore, #tpu.memory_space<semaphore_mem>>
        %dma_start3A_457 = arith.constant 0 : i32
        %dma_start3A_458 = tpu.memref_slice %arg7[%run_scoped3A_289, %dma_start3A_457] : memref<24x80xi32, #tpu.memory_space<vmem>> -> memref<1x80xi32, #tpu.memory_space<vmem>>
        %dma_start3A_459 = tpu.memref_squeeze %dma_start3A_458 : memref<1x80xi32, #tpu.memory_space<vmem>> -> memref<80xi32, #tpu.memory_space<vmem>>
        %dma_start3A_460 = arith.constant 0 : i32
        %dma_start3A_461 = arith.constant 0 : i32
        %dma_start3A_462 = tpu.memref_slice %arg12[%dma_start3A_460, %dma_start3A_461] : memref<10240x128xf32, #tpu.memory_space<vmem_shared>> -> memref<10240x128xf32, #tpu.memory_space<vmem_shared>>
        tpu.enqueue_indirect_dma source(%arg11 : memref<80x128xf32, #tpu.memory_space<vmem>>) target(%dma_start3A_462 : memref<10240x128xf32, #tpu.memory_space<vmem_shared>>) offsets(%dma_start3A_459 : memref<80xi32, #tpu.memory_space<vmem>>) semaphore(%run_scoped3A_456 : memref<!tpu.dma_semaphore, #tpu.memory_space<semaphore_mem>>) {add = true}
        %dma_wait3A_463 = arith.constant 0 : i32
        %dma_wait3A_464 = tpu.memref_slice %arg7[%run_scoped3A_289, %dma_wait3A_463] : memref<24x80xi32, #tpu.memory_space<vmem>> -> memref<1x80xi32, #tpu.memory_space<vmem>>
        %dma_wait3A_465 = tpu.memref_squeeze %dma_wait3A_464 : memref<1x80xi32, #tpu.memory_space<vmem>> -> memref<80xi32, #tpu.memory_space<vmem>>
        %dma_wait3A_466 = arith.constant 0 : i32
        %dma_wait3A_467 = arith.constant 0 : i32
        %dma_wait3A_468 = tpu.memref_slice %arg12[%dma_wait3A_466, %dma_wait3A_467] : memref<10240x128xf32, #tpu.memory_space<vmem_shared>> -> memref<10240x128xf32, #tpu.memory_space<vmem_shared>>
        tpu.wait_indirect_dma semaphore(%run_scoped3A_456 : memref<!tpu.dma_semaphore, #tpu.memory_space<semaphore_mem>>) src(%arg11 : memref<80x128xf32, #tpu.memory_space<vmem>>) dst(%dma_wait3A_468 : memref<10240x128xf32, #tpu.memory_space<vmem_shared>>)
        tpu.yield
      }) : () -> ()
      %dma_start3A_290 = arith.constant 14 : i32
      %dma_start3A_291 = arith.constant 0 : i32
      %dma_start3A_292 = tpu.memref_slice %arg6[%dma_start3A_290, %dma_start3A_291] : memref<24x80xi32, #tpu.memory_space<vmem>> -> memref<1x80xi32, #tpu.memory_space<vmem>>
      %dma_start3A_293 = tpu.memref_squeeze %dma_start3A_292 : memref<1x80xi32, #tpu.memory_space<vmem>> -> memref<80xi32, #tpu.memory_space<vmem>>
      %dma_start3A_294 = arith.constant 0 : i32
      %dma_start3A_295 = arith.constant 0 : i32
      %dma_start3A_296 = tpu.memref_slice %arg2[%dma_start3A_294, %dma_start3A_295] : memref<10000x128xf32, #tpu.memory_space<hbm>> -> memref<10000x128xf32, #tpu.memory_space<hbm>>
      tpu.enqueue_indirect_dma source(%dma_start3A_296 : memref<10000x128xf32, #tpu.memory_space<hbm>>) target(%arg10 : memref<80x128xf32, #tpu.memory_space<vmem>>) offsets(%dma_start3A_293 : memref<80xi32, #tpu.memory_space<vmem>>) semaphore(%arg15 : memref<!tpu.dma_semaphore, #tpu.memory_space<semaphore_mem>>)
      %dma_wait3A_297 = arith.constant 12 : i32
      %dma_wait3A_298 = arith.constant 0 : i32
      %dma_wait3A_299 = tpu.memref_slice %arg6[%dma_wait3A_297, %dma_wait3A_298] : memref<24x80xi32, #tpu.memory_space<vmem>> -> memref<1x80xi32, #tpu.memory_space<vmem>>
      %dma_wait3A_300 = tpu.memref_squeeze %dma_wait3A_299 : memref<1x80xi32, #tpu.memory_space<vmem>> -> memref<80xi32, #tpu.memory_space<vmem>>
      %dma_wait3A_301 = arith.constant 0 : i32
      %dma_wait3A_302 = arith.constant 0 : i32
      %dma_wait3A_303 = tpu.memref_slice %arg2[%dma_wait3A_301, %dma_wait3A_302] : memref<10000x128xf32, #tpu.memory_space<hbm>> -> memref<10000x128xf32, #tpu.memory_space<hbm>>
      tpu.wait_indirect_dma semaphore(%arg13 : memref<!tpu.dma_semaphore, #tpu.memory_space<semaphore_mem>>) src(%dma_wait3A_303 : memref<10000x128xf32, #tpu.memory_space<hbm>>) dst(%arg8 : memref<80x128xf32, #tpu.memory_space<vmem>>)
      %run_scoped3A_304 = arith.constant 12 : i32
      "tpu.region"() ({
        %run_scoped3A_456 = tpu.sem_alloc : memref<!tpu.dma_semaphore, #tpu.memory_space<semaphore_mem>>
        %dma_start3A_457 = arith.constant 0 : i32
        %dma_start3A_458 = tpu.memref_slice %arg7[%run_scoped3A_304, %dma_start3A_457] : memref<24x80xi32, #tpu.memory_space<vmem>> -> memref<1x80xi32, #tpu.memory_space<vmem>>
        %dma_start3A_459 = tpu.memref_squeeze %dma_start3A_458 : memref<1x80xi32, #tpu.memory_space<vmem>> -> memref<80xi32, #tpu.memory_space<vmem>>
        %dma_start3A_460 = arith.constant 0 : i32
        %dma_start3A_461 = arith.constant 0 : i32
        %dma_start3A_462 = tpu.memref_slice %arg12[%dma_start3A_460, %dma_start3A_461] : memref<10240x128xf32, #tpu.memory_space<vmem_shared>> -> memref<10240x128xf32, #tpu.memory_space<vmem_shared>>
        tpu.enqueue_indirect_dma source(%arg8 : memref<80x128xf32, #tpu.memory_space<vmem>>) target(%dma_start3A_462 : memref<10240x128xf32, #tpu.memory_space<vmem_shared>>) offsets(%dma_start3A_459 : memref<80xi32, #tpu.memory_space<vmem>>) semaphore(%run_scoped3A_456 : memref<!tpu.dma_semaphore, #tpu.memory_space<semaphore_mem>>) {add = true}
        %dma_wait3A_463 = arith.constant 0 : i32
        %dma_wait3A_464 = tpu.memref_slice %arg7[%run_scoped3A_304, %dma_wait3A_463] : memref<24x80xi32, #tpu.memory_space<vmem>> -> memref<1x80xi32, #tpu.memory_space<vmem>>
        %dma_wait3A_465 = tpu.memref_squeeze %dma_wait3A_464 : memref<1x80xi32, #tpu.memory_space<vmem>> -> memref<80xi32, #tpu.memory_space<vmem>>
        %dma_wait3A_466 = arith.constant 0 : i32
        %dma_wait3A_467 = arith.constant 0 : i32
        %dma_wait3A_468 = tpu.memref_slice %arg12[%dma_wait3A_466, %dma_wait3A_467] : memref<10240x128xf32, #tpu.memory_space<vmem_shared>> -> memref<10240x128xf32, #tpu.memory_space<vmem_shared>>
        tpu.wait_indirect_dma semaphore(%run_scoped3A_456 : memref<!tpu.dma_semaphore, #tpu.memory_space<semaphore_mem>>) src(%arg8 : memref<80x128xf32, #tpu.memory_space<vmem>>) dst(%dma_wait3A_468 : memref<10240x128xf32, #tpu.memory_space<vmem_shared>>)
        tpu.yield
      }) : () -> ()
      %dma_start3A_305 = arith.constant 15 : i32
      %dma_start3A_306 = arith.constant 0 : i32
      %dma_start3A_307 = tpu.memref_slice %arg6[%dma_start3A_305, %dma_start3A_306] : memref<24x80xi32, #tpu.memory_space<vmem>> -> memref<1x80xi32, #tpu.memory_space<vmem>>
      %dma_start3A_308 = tpu.memref_squeeze %dma_start3A_307 : memref<1x80xi32, #tpu.memory_space<vmem>> -> memref<80xi32, #tpu.memory_space<vmem>>
      %dma_start3A_309 = arith.constant 0 : i32
      %dma_start3A_310 = arith.constant 0 : i32
      %dma_start3A_311 = tpu.memref_slice %arg2[%dma_start3A_309, %dma_start3A_310] : memref<10000x128xf32, #tpu.memory_space<hbm>> -> memref<10000x128xf32, #tpu.memory_space<hbm>>
      tpu.enqueue_indirect_dma source(%dma_start3A_311 : memref<10000x128xf32, #tpu.memory_space<hbm>>) target(%arg11 : memref<80x128xf32, #tpu.memory_space<vmem>>) offsets(%dma_start3A_308 : memref<80xi32, #tpu.memory_space<vmem>>) semaphore(%arg16 : memref<!tpu.dma_semaphore, #tpu.memory_space<semaphore_mem>>)
      %dma_wait3A_312 = arith.constant 13 : i32
      %dma_wait3A_313 = arith.constant 0 : i32
      %dma_wait3A_314 = tpu.memref_slice %arg6[%dma_wait3A_312, %dma_wait3A_313] : memref<24x80xi32, #tpu.memory_space<vmem>> -> memref<1x80xi32, #tpu.memory_space<vmem>>
      %dma_wait3A_315 = tpu.memref_squeeze %dma_wait3A_314 : memref<1x80xi32, #tpu.memory_space<vmem>> -> memref<80xi32, #tpu.memory_space<vmem>>
      %dma_wait3A_316 = arith.constant 0 : i32
      %dma_wait3A_317 = arith.constant 0 : i32
      %dma_wait3A_318 = tpu.memref_slice %arg2[%dma_wait3A_316, %dma_wait3A_317] : memref<10000x128xf32, #tpu.memory_space<hbm>> -> memref<10000x128xf32, #tpu.memory_space<hbm>>
      tpu.wait_indirect_dma semaphore(%arg14 : memref<!tpu.dma_semaphore, #tpu.memory_space<semaphore_mem>>) src(%dma_wait3A_318 : memref<10000x128xf32, #tpu.memory_space<hbm>>) dst(%arg9 : memref<80x128xf32, #tpu.memory_space<vmem>>)
      %run_scoped3A_319 = arith.constant 13 : i32
      "tpu.region"() ({
        %run_scoped3A_456 = tpu.sem_alloc : memref<!tpu.dma_semaphore, #tpu.memory_space<semaphore_mem>>
        %dma_start3A_457 = arith.constant 0 : i32
        %dma_start3A_458 = tpu.memref_slice %arg7[%run_scoped3A_319, %dma_start3A_457] : memref<24x80xi32, #tpu.memory_space<vmem>> -> memref<1x80xi32, #tpu.memory_space<vmem>>
        %dma_start3A_459 = tpu.memref_squeeze %dma_start3A_458 : memref<1x80xi32, #tpu.memory_space<vmem>> -> memref<80xi32, #tpu.memory_space<vmem>>
        %dma_start3A_460 = arith.constant 0 : i32
        %dma_start3A_461 = arith.constant 0 : i32
        %dma_start3A_462 = tpu.memref_slice %arg12[%dma_start3A_460, %dma_start3A_461] : memref<10240x128xf32, #tpu.memory_space<vmem_shared>> -> memref<10240x128xf32, #tpu.memory_space<vmem_shared>>
        tpu.enqueue_indirect_dma source(%arg9 : memref<80x128xf32, #tpu.memory_space<vmem>>) target(%dma_start3A_462 : memref<10240x128xf32, #tpu.memory_space<vmem_shared>>) offsets(%dma_start3A_459 : memref<80xi32, #tpu.memory_space<vmem>>) semaphore(%run_scoped3A_456 : memref<!tpu.dma_semaphore, #tpu.memory_space<semaphore_mem>>) {add = true}
        %dma_wait3A_463 = arith.constant 0 : i32
        %dma_wait3A_464 = tpu.memref_slice %arg7[%run_scoped3A_319, %dma_wait3A_463] : memref<24x80xi32, #tpu.memory_space<vmem>> -> memref<1x80xi32, #tpu.memory_space<vmem>>
        %dma_wait3A_465 = tpu.memref_squeeze %dma_wait3A_464 : memref<1x80xi32, #tpu.memory_space<vmem>> -> memref<80xi32, #tpu.memory_space<vmem>>
        %dma_wait3A_466 = arith.constant 0 : i32
        %dma_wait3A_467 = arith.constant 0 : i32
        %dma_wait3A_468 = tpu.memref_slice %arg12[%dma_wait3A_466, %dma_wait3A_467] : memref<10240x128xf32, #tpu.memory_space<vmem_shared>> -> memref<10240x128xf32, #tpu.memory_space<vmem_shared>>
        tpu.wait_indirect_dma semaphore(%run_scoped3A_456 : memref<!tpu.dma_semaphore, #tpu.memory_space<semaphore_mem>>) src(%arg9 : memref<80x128xf32, #tpu.memory_space<vmem>>) dst(%dma_wait3A_468 : memref<10240x128xf32, #tpu.memory_space<vmem_shared>>)
        tpu.yield
      }) : () -> ()
      %dma_start3A_320 = arith.constant 16 : i32
      %dma_start3A_321 = arith.constant 0 : i32
      %dma_start3A_322 = tpu.memref_slice %arg6[%dma_start3A_320, %dma_start3A_321] : memref<24x80xi32, #tpu.memory_space<vmem>> -> memref<1x80xi32, #tpu.memory_space<vmem>>
      %dma_start3A_323 = tpu.memref_squeeze %dma_start3A_322 : memref<1x80xi32, #tpu.memory_space<vmem>> -> memref<80xi32, #tpu.memory_space<vmem>>
      %dma_start3A_324 = arith.constant 0 : i32
      %dma_start3A_325 = arith.constant 0 : i32
      %dma_start3A_326 = tpu.memref_slice %arg2[%dma_start3A_324, %dma_start3A_325] : memref<10000x128xf32, #tpu.memory_space<hbm>> -> memref<10000x128xf32, #tpu.memory_space<hbm>>
      tpu.enqueue_indirect_dma source(%dma_start3A_326 : memref<10000x128xf32, #tpu.memory_space<hbm>>) target(%arg8 : memref<80x128xf32, #tpu.memory_space<vmem>>) offsets(%dma_start3A_323 : memref<80xi32, #tpu.memory_space<vmem>>) semaphore(%arg13 : memref<!tpu.dma_semaphore, #tpu.memory_space<semaphore_mem>>)
      %dma_wait3A_327 = arith.constant 14 : i32
      %dma_wait3A_328 = arith.constant 0 : i32
      %dma_wait3A_329 = tpu.memref_slice %arg6[%dma_wait3A_327, %dma_wait3A_328] : memref<24x80xi32, #tpu.memory_space<vmem>> -> memref<1x80xi32, #tpu.memory_space<vmem>>
      %dma_wait3A_330 = tpu.memref_squeeze %dma_wait3A_329 : memref<1x80xi32, #tpu.memory_space<vmem>> -> memref<80xi32, #tpu.memory_space<vmem>>
      %dma_wait3A_331 = arith.constant 0 : i32
      %dma_wait3A_332 = arith.constant 0 : i32
      %dma_wait3A_333 = tpu.memref_slice %arg2[%dma_wait3A_331, %dma_wait3A_332] : memref<10000x128xf32, #tpu.memory_space<hbm>> -> memref<10000x128xf32, #tpu.memory_space<hbm>>
      tpu.wait_indirect_dma semaphore(%arg15 : memref<!tpu.dma_semaphore, #tpu.memory_space<semaphore_mem>>) src(%dma_wait3A_333 : memref<10000x128xf32, #tpu.memory_space<hbm>>) dst(%arg10 : memref<80x128xf32, #tpu.memory_space<vmem>>)
      %run_scoped3A_334 = arith.constant 14 : i32
      "tpu.region"() ({
        %run_scoped3A_456 = tpu.sem_alloc : memref<!tpu.dma_semaphore, #tpu.memory_space<semaphore_mem>>
        %dma_start3A_457 = arith.constant 0 : i32
        %dma_start3A_458 = tpu.memref_slice %arg7[%run_scoped3A_334, %dma_start3A_457] : memref<24x80xi32, #tpu.memory_space<vmem>> -> memref<1x80xi32, #tpu.memory_space<vmem>>
        %dma_start3A_459 = tpu.memref_squeeze %dma_start3A_458 : memref<1x80xi32, #tpu.memory_space<vmem>> -> memref<80xi32, #tpu.memory_space<vmem>>
        %dma_start3A_460 = arith.constant 0 : i32
        %dma_start3A_461 = arith.constant 0 : i32
        %dma_start3A_462 = tpu.memref_slice %arg12[%dma_start3A_460, %dma_start3A_461] : memref<10240x128xf32, #tpu.memory_space<vmem_shared>> -> memref<10240x128xf32, #tpu.memory_space<vmem_shared>>
        tpu.enqueue_indirect_dma source(%arg10 : memref<80x128xf32, #tpu.memory_space<vmem>>) target(%dma_start3A_462 : memref<10240x128xf32, #tpu.memory_space<vmem_shared>>) offsets(%dma_start3A_459 : memref<80xi32, #tpu.memory_space<vmem>>) semaphore(%run_scoped3A_456 : memref<!tpu.dma_semaphore, #tpu.memory_space<semaphore_mem>>) {add = true}
        %dma_wait3A_463 = arith.constant 0 : i32
        %dma_wait3A_464 = tpu.memref_slice %arg7[%run_scoped3A_334, %dma_wait3A_463] : memref<24x80xi32, #tpu.memory_space<vmem>> -> memref<1x80xi32, #tpu.memory_space<vmem>>
        %dma_wait3A_465 = tpu.memref_squeeze %dma_wait3A_464 : memref<1x80xi32, #tpu.memory_space<vmem>> -> memref<80xi32, #tpu.memory_space<vmem>>
        %dma_wait3A_466 = arith.constant 0 : i32
        %dma_wait3A_467 = arith.constant 0 : i32
        %dma_wait3A_468 = tpu.memref_slice %arg12[%dma_wait3A_466, %dma_wait3A_467] : memref<10240x128xf32, #tpu.memory_space<vmem_shared>> -> memref<10240x128xf32, #tpu.memory_space<vmem_shared>>
        tpu.wait_indirect_dma semaphore(%run_scoped3A_456 : memref<!tpu.dma_semaphore, #tpu.memory_space<semaphore_mem>>) src(%arg10 : memref<80x128xf32, #tpu.memory_space<vmem>>) dst(%dma_wait3A_468 : memref<10240x128xf32, #tpu.memory_space<vmem_shared>>)
        tpu.yield
      }) : () -> ()
      %dma_start3A_335 = arith.constant 17 : i32
      %dma_start3A_336 = arith.constant 0 : i32
      %dma_start3A_337 = tpu.memref_slice %arg6[%dma_start3A_335, %dma_start3A_336] : memref<24x80xi32, #tpu.memory_space<vmem>> -> memref<1x80xi32, #tpu.memory_space<vmem>>
      %dma_start3A_338 = tpu.memref_squeeze %dma_start3A_337 : memref<1x80xi32, #tpu.memory_space<vmem>> -> memref<80xi32, #tpu.memory_space<vmem>>
      %dma_start3A_339 = arith.constant 0 : i32
      %dma_start3A_340 = arith.constant 0 : i32
      %dma_start3A_341 = tpu.memref_slice %arg2[%dma_start3A_339, %dma_start3A_340] : memref<10000x128xf32, #tpu.memory_space<hbm>> -> memref<10000x128xf32, #tpu.memory_space<hbm>>
      tpu.enqueue_indirect_dma source(%dma_start3A_341 : memref<10000x128xf32, #tpu.memory_space<hbm>>) target(%arg9 : memref<80x128xf32, #tpu.memory_space<vmem>>) offsets(%dma_start3A_338 : memref<80xi32, #tpu.memory_space<vmem>>) semaphore(%arg14 : memref<!tpu.dma_semaphore, #tpu.memory_space<semaphore_mem>>)
      %dma_wait3A_342 = arith.constant 15 : i32
      %dma_wait3A_343 = arith.constant 0 : i32
      %dma_wait3A_344 = tpu.memref_slice %arg6[%dma_wait3A_342, %dma_wait3A_343] : memref<24x80xi32, #tpu.memory_space<vmem>> -> memref<1x80xi32, #tpu.memory_space<vmem>>
      %dma_wait3A_345 = tpu.memref_squeeze %dma_wait3A_344 : memref<1x80xi32, #tpu.memory_space<vmem>> -> memref<80xi32, #tpu.memory_space<vmem>>
      %dma_wait3A_346 = arith.constant 0 : i32
      %dma_wait3A_347 = arith.constant 0 : i32
      %dma_wait3A_348 = tpu.memref_slice %arg2[%dma_wait3A_346, %dma_wait3A_347] : memref<10000x128xf32, #tpu.memory_space<hbm>> -> memref<10000x128xf32, #tpu.memory_space<hbm>>
      tpu.wait_indirect_dma semaphore(%arg16 : memref<!tpu.dma_semaphore, #tpu.memory_space<semaphore_mem>>) src(%dma_wait3A_348 : memref<10000x128xf32, #tpu.memory_space<hbm>>) dst(%arg11 : memref<80x128xf32, #tpu.memory_space<vmem>>)
      %run_scoped3A_349 = arith.constant 15 : i32
      "tpu.region"() ({
        %run_scoped3A_456 = tpu.sem_alloc : memref<!tpu.dma_semaphore, #tpu.memory_space<semaphore_mem>>
        %dma_start3A_457 = arith.constant 0 : i32
        %dma_start3A_458 = tpu.memref_slice %arg7[%run_scoped3A_349, %dma_start3A_457] : memref<24x80xi32, #tpu.memory_space<vmem>> -> memref<1x80xi32, #tpu.memory_space<vmem>>
        %dma_start3A_459 = tpu.memref_squeeze %dma_start3A_458 : memref<1x80xi32, #tpu.memory_space<vmem>> -> memref<80xi32, #tpu.memory_space<vmem>>
        %dma_start3A_460 = arith.constant 0 : i32
        %dma_start3A_461 = arith.constant 0 : i32
        %dma_start3A_462 = tpu.memref_slice %arg12[%dma_start3A_460, %dma_start3A_461] : memref<10240x128xf32, #tpu.memory_space<vmem_shared>> -> memref<10240x128xf32, #tpu.memory_space<vmem_shared>>
        tpu.enqueue_indirect_dma source(%arg11 : memref<80x128xf32, #tpu.memory_space<vmem>>) target(%dma_start3A_462 : memref<10240x128xf32, #tpu.memory_space<vmem_shared>>) offsets(%dma_start3A_459 : memref<80xi32, #tpu.memory_space<vmem>>) semaphore(%run_scoped3A_456 : memref<!tpu.dma_semaphore, #tpu.memory_space<semaphore_mem>>) {add = true}
        %dma_wait3A_463 = arith.constant 0 : i32
        %dma_wait3A_464 = tpu.memref_slice %arg7[%run_scoped3A_349, %dma_wait3A_463] : memref<24x80xi32, #tpu.memory_space<vmem>> -> memref<1x80xi32, #tpu.memory_space<vmem>>
        %dma_wait3A_465 = tpu.memref_squeeze %dma_wait3A_464 : memref<1x80xi32, #tpu.memory_space<vmem>> -> memref<80xi32, #tpu.memory_space<vmem>>
        %dma_wait3A_466 = arith.constant 0 : i32
        %dma_wait3A_467 = arith.constant 0 : i32
        %dma_wait3A_468 = tpu.memref_slice %arg12[%dma_wait3A_466, %dma_wait3A_467] : memref<10240x128xf32, #tpu.memory_space<vmem_shared>> -> memref<10240x128xf32, #tpu.memory_space<vmem_shared>>
        tpu.wait_indirect_dma semaphore(%run_scoped3A_456 : memref<!tpu.dma_semaphore, #tpu.memory_space<semaphore_mem>>) src(%arg11 : memref<80x128xf32, #tpu.memory_space<vmem>>) dst(%dma_wait3A_468 : memref<10240x128xf32, #tpu.memory_space<vmem_shared>>)
        tpu.yield
      }) : () -> ()
      %dma_start3A_350 = arith.constant 18 : i32
      %dma_start3A_351 = arith.constant 0 : i32
      %dma_start3A_352 = tpu.memref_slice %arg6[%dma_start3A_350, %dma_start3A_351] : memref<24x80xi32, #tpu.memory_space<vmem>> -> memref<1x80xi32, #tpu.memory_space<vmem>>
      %dma_start3A_353 = tpu.memref_squeeze %dma_start3A_352 : memref<1x80xi32, #tpu.memory_space<vmem>> -> memref<80xi32, #tpu.memory_space<vmem>>
      %dma_start3A_354 = arith.constant 0 : i32
      %dma_start3A_355 = arith.constant 0 : i32
      %dma_start3A_356 = tpu.memref_slice %arg2[%dma_start3A_354, %dma_start3A_355] : memref<10000x128xf32, #tpu.memory_space<hbm>> -> memref<10000x128xf32, #tpu.memory_space<hbm>>
      tpu.enqueue_indirect_dma source(%dma_start3A_356 : memref<10000x128xf32, #tpu.memory_space<hbm>>) target(%arg10 : memref<80x128xf32, #tpu.memory_space<vmem>>) offsets(%dma_start3A_353 : memref<80xi32, #tpu.memory_space<vmem>>) semaphore(%arg15 : memref<!tpu.dma_semaphore, #tpu.memory_space<semaphore_mem>>)
      %dma_wait3A_357 = arith.constant 16 : i32
      %dma_wait3A_358 = arith.constant 0 : i32
      %dma_wait3A_359 = tpu.memref_slice %arg6[%dma_wait3A_357, %dma_wait3A_358] : memref<24x80xi32, #tpu.memory_space<vmem>> -> memref<1x80xi32, #tpu.memory_space<vmem>>
      %dma_wait3A_360 = tpu.memref_squeeze %dma_wait3A_359 : memref<1x80xi32, #tpu.memory_space<vmem>> -> memref<80xi32, #tpu.memory_space<vmem>>
      %dma_wait3A_361 = arith.constant 0 : i32
      %dma_wait3A_362 = arith.constant 0 : i32
      %dma_wait3A_363 = tpu.memref_slice %arg2[%dma_wait3A_361, %dma_wait3A_362] : memref<10000x128xf32, #tpu.memory_space<hbm>> -> memref<10000x128xf32, #tpu.memory_space<hbm>>
      tpu.wait_indirect_dma semaphore(%arg13 : memref<!tpu.dma_semaphore, #tpu.memory_space<semaphore_mem>>) src(%dma_wait3A_363 : memref<10000x128xf32, #tpu.memory_space<hbm>>) dst(%arg8 : memref<80x128xf32, #tpu.memory_space<vmem>>)
      %run_scoped3A_364 = arith.constant 16 : i32
      "tpu.region"() ({
        %run_scoped3A_456 = tpu.sem_alloc : memref<!tpu.dma_semaphore, #tpu.memory_space<semaphore_mem>>
        %dma_start3A_457 = arith.constant 0 : i32
        %dma_start3A_458 = tpu.memref_slice %arg7[%run_scoped3A_364, %dma_start3A_457] : memref<24x80xi32, #tpu.memory_space<vmem>> -> memref<1x80xi32, #tpu.memory_space<vmem>>
        %dma_start3A_459 = tpu.memref_squeeze %dma_start3A_458 : memref<1x80xi32, #tpu.memory_space<vmem>> -> memref<80xi32, #tpu.memory_space<vmem>>
        %dma_start3A_460 = arith.constant 0 : i32
        %dma_start3A_461 = arith.constant 0 : i32
        %dma_start3A_462 = tpu.memref_slice %arg12[%dma_start3A_460, %dma_start3A_461] : memref<10240x128xf32, #tpu.memory_space<vmem_shared>> -> memref<10240x128xf32, #tpu.memory_space<vmem_shared>>
        tpu.enqueue_indirect_dma source(%arg8 : memref<80x128xf32, #tpu.memory_space<vmem>>) target(%dma_start3A_462 : memref<10240x128xf32, #tpu.memory_space<vmem_shared>>) offsets(%dma_start3A_459 : memref<80xi32, #tpu.memory_space<vmem>>) semaphore(%run_scoped3A_456 : memref<!tpu.dma_semaphore, #tpu.memory_space<semaphore_mem>>) {add = true}
        %dma_wait3A_463 = arith.constant 0 : i32
        %dma_wait3A_464 = tpu.memref_slice %arg7[%run_scoped3A_364, %dma_wait3A_463] : memref<24x80xi32, #tpu.memory_space<vmem>> -> memref<1x80xi32, #tpu.memory_space<vmem>>
        %dma_wait3A_465 = tpu.memref_squeeze %dma_wait3A_464 : memref<1x80xi32, #tpu.memory_space<vmem>> -> memref<80xi32, #tpu.memory_space<vmem>>
        %dma_wait3A_466 = arith.constant 0 : i32
        %dma_wait3A_467 = arith.constant 0 : i32
        %dma_wait3A_468 = tpu.memref_slice %arg12[%dma_wait3A_466, %dma_wait3A_467] : memref<10240x128xf32, #tpu.memory_space<vmem_shared>> -> memref<10240x128xf32, #tpu.memory_space<vmem_shared>>
        tpu.wait_indirect_dma semaphore(%run_scoped3A_456 : memref<!tpu.dma_semaphore, #tpu.memory_space<semaphore_mem>>) src(%arg8 : memref<80x128xf32, #tpu.memory_space<vmem>>) dst(%dma_wait3A_468 : memref<10240x128xf32, #tpu.memory_space<vmem_shared>>)
        tpu.yield
      }) : () -> ()
      %dma_start3A_365 = arith.constant 19 : i32
      %dma_start3A_366 = arith.constant 0 : i32
      %dma_start3A_367 = tpu.memref_slice %arg6[%dma_start3A_365, %dma_start3A_366] : memref<24x80xi32, #tpu.memory_space<vmem>> -> memref<1x80xi32, #tpu.memory_space<vmem>>
      %dma_start3A_368 = tpu.memref_squeeze %dma_start3A_367 : memref<1x80xi32, #tpu.memory_space<vmem>> -> memref<80xi32, #tpu.memory_space<vmem>>
      %dma_start3A_369 = arith.constant 0 : i32
      %dma_start3A_370 = arith.constant 0 : i32
      %dma_start3A_371 = tpu.memref_slice %arg2[%dma_start3A_369, %dma_start3A_370] : memref<10000x128xf32, #tpu.memory_space<hbm>> -> memref<10000x128xf32, #tpu.memory_space<hbm>>
      tpu.enqueue_indirect_dma source(%dma_start3A_371 : memref<10000x128xf32, #tpu.memory_space<hbm>>) target(%arg11 : memref<80x128xf32, #tpu.memory_space<vmem>>) offsets(%dma_start3A_368 : memref<80xi32, #tpu.memory_space<vmem>>) semaphore(%arg16 : memref<!tpu.dma_semaphore, #tpu.memory_space<semaphore_mem>>)
      %dma_wait3A_372 = arith.constant 17 : i32
      %dma_wait3A_373 = arith.constant 0 : i32
      %dma_wait3A_374 = tpu.memref_slice %arg6[%dma_wait3A_372, %dma_wait3A_373] : memref<24x80xi32, #tpu.memory_space<vmem>> -> memref<1x80xi32, #tpu.memory_space<vmem>>
      %dma_wait3A_375 = tpu.memref_squeeze %dma_wait3A_374 : memref<1x80xi32, #tpu.memory_space<vmem>> -> memref<80xi32, #tpu.memory_space<vmem>>
      %dma_wait3A_376 = arith.constant 0 : i32
      %dma_wait3A_377 = arith.constant 0 : i32
      %dma_wait3A_378 = tpu.memref_slice %arg2[%dma_wait3A_376, %dma_wait3A_377] : memref<10000x128xf32, #tpu.memory_space<hbm>> -> memref<10000x128xf32, #tpu.memory_space<hbm>>
      tpu.wait_indirect_dma semaphore(%arg14 : memref<!tpu.dma_semaphore, #tpu.memory_space<semaphore_mem>>) src(%dma_wait3A_378 : memref<10000x128xf32, #tpu.memory_space<hbm>>) dst(%arg9 : memref<80x128xf32, #tpu.memory_space<vmem>>)
      %run_scoped3A_379 = arith.constant 17 : i32
      "tpu.region"() ({
        %run_scoped3A_456 = tpu.sem_alloc : memref<!tpu.dma_semaphore, #tpu.memory_space<semaphore_mem>>
        %dma_start3A_457 = arith.constant 0 : i32
        %dma_start3A_458 = tpu.memref_slice %arg7[%run_scoped3A_379, %dma_start3A_457] : memref<24x80xi32, #tpu.memory_space<vmem>> -> memref<1x80xi32, #tpu.memory_space<vmem>>
        %dma_start3A_459 = tpu.memref_squeeze %dma_start3A_458 : memref<1x80xi32, #tpu.memory_space<vmem>> -> memref<80xi32, #tpu.memory_space<vmem>>
        %dma_start3A_460 = arith.constant 0 : i32
        %dma_start3A_461 = arith.constant 0 : i32
        %dma_start3A_462 = tpu.memref_slice %arg12[%dma_start3A_460, %dma_start3A_461] : memref<10240x128xf32, #tpu.memory_space<vmem_shared>> -> memref<10240x128xf32, #tpu.memory_space<vmem_shared>>
        tpu.enqueue_indirect_dma source(%arg9 : memref<80x128xf32, #tpu.memory_space<vmem>>) target(%dma_start3A_462 : memref<10240x128xf32, #tpu.memory_space<vmem_shared>>) offsets(%dma_start3A_459 : memref<80xi32, #tpu.memory_space<vmem>>) semaphore(%run_scoped3A_456 : memref<!tpu.dma_semaphore, #tpu.memory_space<semaphore_mem>>) {add = true}
        %dma_wait3A_463 = arith.constant 0 : i32
        %dma_wait3A_464 = tpu.memref_slice %arg7[%run_scoped3A_379, %dma_wait3A_463] : memref<24x80xi32, #tpu.memory_space<vmem>> -> memref<1x80xi32, #tpu.memory_space<vmem>>
        %dma_wait3A_465 = tpu.memref_squeeze %dma_wait3A_464 : memref<1x80xi32, #tpu.memory_space<vmem>> -> memref<80xi32, #tpu.memory_space<vmem>>
        %dma_wait3A_466 = arith.constant 0 : i32
        %dma_wait3A_467 = arith.constant 0 : i32
        %dma_wait3A_468 = tpu.memref_slice %arg12[%dma_wait3A_466, %dma_wait3A_467] : memref<10240x128xf32, #tpu.memory_space<vmem_shared>> -> memref<10240x128xf32, #tpu.memory_space<vmem_shared>>
        tpu.wait_indirect_dma semaphore(%run_scoped3A_456 : memref<!tpu.dma_semaphore, #tpu.memory_space<semaphore_mem>>) src(%arg9 : memref<80x128xf32, #tpu.memory_space<vmem>>) dst(%dma_wait3A_468 : memref<10240x128xf32, #tpu.memory_space<vmem_shared>>)
        tpu.yield
      }) : () -> ()
      %dma_start3A_380 = arith.constant 20 : i32
      %dma_start3A_381 = arith.constant 0 : i32
      %dma_start3A_382 = tpu.memref_slice %arg6[%dma_start3A_380, %dma_start3A_381] : memref<24x80xi32, #tpu.memory_space<vmem>> -> memref<1x80xi32, #tpu.memory_space<vmem>>
      %dma_start3A_383 = tpu.memref_squeeze %dma_start3A_382 : memref<1x80xi32, #tpu.memory_space<vmem>> -> memref<80xi32, #tpu.memory_space<vmem>>
      %dma_start3A_384 = arith.constant 0 : i32
      %dma_start3A_385 = arith.constant 0 : i32
      %dma_start3A_386 = tpu.memref_slice %arg2[%dma_start3A_384, %dma_start3A_385] : memref<10000x128xf32, #tpu.memory_space<hbm>> -> memref<10000x128xf32, #tpu.memory_space<hbm>>
      tpu.enqueue_indirect_dma source(%dma_start3A_386 : memref<10000x128xf32, #tpu.memory_space<hbm>>) target(%arg8 : memref<80x128xf32, #tpu.memory_space<vmem>>) offsets(%dma_start3A_383 : memref<80xi32, #tpu.memory_space<vmem>>) semaphore(%arg13 : memref<!tpu.dma_semaphore, #tpu.memory_space<semaphore_mem>>)
      %dma_wait3A_387 = arith.constant 18 : i32
      %dma_wait3A_388 = arith.constant 0 : i32
      %dma_wait3A_389 = tpu.memref_slice %arg6[%dma_wait3A_387, %dma_wait3A_388] : memref<24x80xi32, #tpu.memory_space<vmem>> -> memref<1x80xi32, #tpu.memory_space<vmem>>
      %dma_wait3A_390 = tpu.memref_squeeze %dma_wait3A_389 : memref<1x80xi32, #tpu.memory_space<vmem>> -> memref<80xi32, #tpu.memory_space<vmem>>
      %dma_wait3A_391 = arith.constant 0 : i32
      %dma_wait3A_392 = arith.constant 0 : i32
      %dma_wait3A_393 = tpu.memref_slice %arg2[%dma_wait3A_391, %dma_wait3A_392] : memref<10000x128xf32, #tpu.memory_space<hbm>> -> memref<10000x128xf32, #tpu.memory_space<hbm>>
      tpu.wait_indirect_dma semaphore(%arg15 : memref<!tpu.dma_semaphore, #tpu.memory_space<semaphore_mem>>) src(%dma_wait3A_393 : memref<10000x128xf32, #tpu.memory_space<hbm>>) dst(%arg10 : memref<80x128xf32, #tpu.memory_space<vmem>>)
      %run_scoped3A_394 = arith.constant 18 : i32
      "tpu.region"() ({
        %run_scoped3A_456 = tpu.sem_alloc : memref<!tpu.dma_semaphore, #tpu.memory_space<semaphore_mem>>
        %dma_start3A_457 = arith.constant 0 : i32
        %dma_start3A_458 = tpu.memref_slice %arg7[%run_scoped3A_394, %dma_start3A_457] : memref<24x80xi32, #tpu.memory_space<vmem>> -> memref<1x80xi32, #tpu.memory_space<vmem>>
        %dma_start3A_459 = tpu.memref_squeeze %dma_start3A_458 : memref<1x80xi32, #tpu.memory_space<vmem>> -> memref<80xi32, #tpu.memory_space<vmem>>
        %dma_start3A_460 = arith.constant 0 : i32
        %dma_start3A_461 = arith.constant 0 : i32
        %dma_start3A_462 = tpu.memref_slice %arg12[%dma_start3A_460, %dma_start3A_461] : memref<10240x128xf32, #tpu.memory_space<vmem_shared>> -> memref<10240x128xf32, #tpu.memory_space<vmem_shared>>
        tpu.enqueue_indirect_dma source(%arg10 : memref<80x128xf32, #tpu.memory_space<vmem>>) target(%dma_start3A_462 : memref<10240x128xf32, #tpu.memory_space<vmem_shared>>) offsets(%dma_start3A_459 : memref<80xi32, #tpu.memory_space<vmem>>) semaphore(%run_scoped3A_456 : memref<!tpu.dma_semaphore, #tpu.memory_space<semaphore_mem>>) {add = true}
        %dma_wait3A_463 = arith.constant 0 : i32
        %dma_wait3A_464 = tpu.memref_slice %arg7[%run_scoped3A_394, %dma_wait3A_463] : memref<24x80xi32, #tpu.memory_space<vmem>> -> memref<1x80xi32, #tpu.memory_space<vmem>>
        %dma_wait3A_465 = tpu.memref_squeeze %dma_wait3A_464 : memref<1x80xi32, #tpu.memory_space<vmem>> -> memref<80xi32, #tpu.memory_space<vmem>>
        %dma_wait3A_466 = arith.constant 0 : i32
        %dma_wait3A_467 = arith.constant 0 : i32
        %dma_wait3A_468 = tpu.memref_slice %arg12[%dma_wait3A_466, %dma_wait3A_467] : memref<10240x128xf32, #tpu.memory_space<vmem_shared>> -> memref<10240x128xf32, #tpu.memory_space<vmem_shared>>
        tpu.wait_indirect_dma semaphore(%run_scoped3A_456 : memref<!tpu.dma_semaphore, #tpu.memory_space<semaphore_mem>>) src(%arg10 : memref<80x128xf32, #tpu.memory_space<vmem>>) dst(%dma_wait3A_468 : memref<10240x128xf32, #tpu.memory_space<vmem_shared>>)
        tpu.yield
      }) : () -> ()
      %dma_start3A_395 = arith.constant 21 : i32
      %dma_start3A_396 = arith.constant 0 : i32
      %dma_start3A_397 = tpu.memref_slice %arg6[%dma_start3A_395, %dma_start3A_396] : memref<24x80xi32, #tpu.memory_space<vmem>> -> memref<1x80xi32, #tpu.memory_space<vmem>>
      %dma_start3A_398 = tpu.memref_squeeze %dma_start3A_397 : memref<1x80xi32, #tpu.memory_space<vmem>> -> memref<80xi32, #tpu.memory_space<vmem>>
      %dma_start3A_399 = arith.constant 0 : i32
      %dma_start3A_400 = arith.constant 0 : i32
      %dma_start3A_401 = tpu.memref_slice %arg2[%dma_start3A_399, %dma_start3A_400] : memref<10000x128xf32, #tpu.memory_space<hbm>> -> memref<10000x128xf32, #tpu.memory_space<hbm>>
      tpu.enqueue_indirect_dma source(%dma_start3A_401 : memref<10000x128xf32, #tpu.memory_space<hbm>>) target(%arg9 : memref<80x128xf32, #tpu.memory_space<vmem>>) offsets(%dma_start3A_398 : memref<80xi32, #tpu.memory_space<vmem>>) semaphore(%arg14 : memref<!tpu.dma_semaphore, #tpu.memory_space<semaphore_mem>>)
      %dma_wait3A_402 = arith.constant 19 : i32
      %dma_wait3A_403 = arith.constant 0 : i32
      %dma_wait3A_404 = tpu.memref_slice %arg6[%dma_wait3A_402, %dma_wait3A_403] : memref<24x80xi32, #tpu.memory_space<vmem>> -> memref<1x80xi32, #tpu.memory_space<vmem>>
      %dma_wait3A_405 = tpu.memref_squeeze %dma_wait3A_404 : memref<1x80xi32, #tpu.memory_space<vmem>> -> memref<80xi32, #tpu.memory_space<vmem>>
      %dma_wait3A_406 = arith.constant 0 : i32
      %dma_wait3A_407 = arith.constant 0 : i32
      %dma_wait3A_408 = tpu.memref_slice %arg2[%dma_wait3A_406, %dma_wait3A_407] : memref<10000x128xf32, #tpu.memory_space<hbm>> -> memref<10000x128xf32, #tpu.memory_space<hbm>>
      tpu.wait_indirect_dma semaphore(%arg16 : memref<!tpu.dma_semaphore, #tpu.memory_space<semaphore_mem>>) src(%dma_wait3A_408 : memref<10000x128xf32, #tpu.memory_space<hbm>>) dst(%arg11 : memref<80x128xf32, #tpu.memory_space<vmem>>)
      %run_scoped3A_409 = arith.constant 19 : i32
      "tpu.region"() ({
        %run_scoped3A_456 = tpu.sem_alloc : memref<!tpu.dma_semaphore, #tpu.memory_space<semaphore_mem>>
        %dma_start3A_457 = arith.constant 0 : i32
        %dma_start3A_458 = tpu.memref_slice %arg7[%run_scoped3A_409, %dma_start3A_457] : memref<24x80xi32, #tpu.memory_space<vmem>> -> memref<1x80xi32, #tpu.memory_space<vmem>>
        %dma_start3A_459 = tpu.memref_squeeze %dma_start3A_458 : memref<1x80xi32, #tpu.memory_space<vmem>> -> memref<80xi32, #tpu.memory_space<vmem>>
        %dma_start3A_460 = arith.constant 0 : i32
        %dma_start3A_461 = arith.constant 0 : i32
        %dma_start3A_462 = tpu.memref_slice %arg12[%dma_start3A_460, %dma_start3A_461] : memref<10240x128xf32, #tpu.memory_space<vmem_shared>> -> memref<10240x128xf32, #tpu.memory_space<vmem_shared>>
        tpu.enqueue_indirect_dma source(%arg11 : memref<80x128xf32, #tpu.memory_space<vmem>>) target(%dma_start3A_462 : memref<10240x128xf32, #tpu.memory_space<vmem_shared>>) offsets(%dma_start3A_459 : memref<80xi32, #tpu.memory_space<vmem>>) semaphore(%run_scoped3A_456 : memref<!tpu.dma_semaphore, #tpu.memory_space<semaphore_mem>>) {add = true}
        %dma_wait3A_463 = arith.constant 0 : i32
        %dma_wait3A_464 = tpu.memref_slice %arg7[%run_scoped3A_409, %dma_wait3A_463] : memref<24x80xi32, #tpu.memory_space<vmem>> -> memref<1x80xi32, #tpu.memory_space<vmem>>
        %dma_wait3A_465 = tpu.memref_squeeze %dma_wait3A_464 : memref<1x80xi32, #tpu.memory_space<vmem>> -> memref<80xi32, #tpu.memory_space<vmem>>
        %dma_wait3A_466 = arith.constant 0 : i32
        %dma_wait3A_467 = arith.constant 0 : i32
        %dma_wait3A_468 = tpu.memref_slice %arg12[%dma_wait3A_466, %dma_wait3A_467] : memref<10240x128xf32, #tpu.memory_space<vmem_shared>> -> memref<10240x128xf32, #tpu.memory_space<vmem_shared>>
        tpu.wait_indirect_dma semaphore(%run_scoped3A_456 : memref<!tpu.dma_semaphore, #tpu.memory_space<semaphore_mem>>) src(%arg11 : memref<80x128xf32, #tpu.memory_space<vmem>>) dst(%dma_wait3A_468 : memref<10240x128xf32, #tpu.memory_space<vmem_shared>>)
        tpu.yield
      }) : () -> ()
      %dma_start3A_410 = arith.constant 22 : i32
      %dma_start3A_411 = arith.constant 0 : i32
      %dma_start3A_412 = tpu.memref_slice %arg6[%dma_start3A_410, %dma_start3A_411] : memref<24x80xi32, #tpu.memory_space<vmem>> -> memref<1x80xi32, #tpu.memory_space<vmem>>
      %dma_start3A_413 = tpu.memref_squeeze %dma_start3A_412 : memref<1x80xi32, #tpu.memory_space<vmem>> -> memref<80xi32, #tpu.memory_space<vmem>>
      %dma_start3A_414 = arith.constant 0 : i32
      %dma_start3A_415 = arith.constant 0 : i32
      %dma_start3A_416 = tpu.memref_slice %arg2[%dma_start3A_414, %dma_start3A_415] : memref<10000x128xf32, #tpu.memory_space<hbm>> -> memref<10000x128xf32, #tpu.memory_space<hbm>>
      tpu.enqueue_indirect_dma source(%dma_start3A_416 : memref<10000x128xf32, #tpu.memory_space<hbm>>) target(%arg10 : memref<80x128xf32, #tpu.memory_space<vmem>>) offsets(%dma_start3A_413 : memref<80xi32, #tpu.memory_space<vmem>>) semaphore(%arg15 : memref<!tpu.dma_semaphore, #tpu.memory_space<semaphore_mem>>)
      %dma_wait3A_417 = arith.constant 20 : i32
      %dma_wait3A_418 = arith.constant 0 : i32
      %dma_wait3A_419 = tpu.memref_slice %arg6[%dma_wait3A_417, %dma_wait3A_418] : memref<24x80xi32, #tpu.memory_space<vmem>> -> memref<1x80xi32, #tpu.memory_space<vmem>>
      %dma_wait3A_420 = tpu.memref_squeeze %dma_wait3A_419 : memref<1x80xi32, #tpu.memory_space<vmem>> -> memref<80xi32, #tpu.memory_space<vmem>>
      %dma_wait3A_421 = arith.constant 0 : i32
      %dma_wait3A_422 = arith.constant 0 : i32
      %dma_wait3A_423 = tpu.memref_slice %arg2[%dma_wait3A_421, %dma_wait3A_422] : memref<10000x128xf32, #tpu.memory_space<hbm>> -> memref<10000x128xf32, #tpu.memory_space<hbm>>
      tpu.wait_indirect_dma semaphore(%arg13 : memref<!tpu.dma_semaphore, #tpu.memory_space<semaphore_mem>>) src(%dma_wait3A_423 : memref<10000x128xf32, #tpu.memory_space<hbm>>) dst(%arg8 : memref<80x128xf32, #tpu.memory_space<vmem>>)
      %run_scoped3A_424 = arith.constant 20 : i32
      "tpu.region"() ({
        %run_scoped3A_456 = tpu.sem_alloc : memref<!tpu.dma_semaphore, #tpu.memory_space<semaphore_mem>>
        %dma_start3A_457 = arith.constant 0 : i32
        %dma_start3A_458 = tpu.memref_slice %arg7[%run_scoped3A_424, %dma_start3A_457] : memref<24x80xi32, #tpu.memory_space<vmem>> -> memref<1x80xi32, #tpu.memory_space<vmem>>
        %dma_start3A_459 = tpu.memref_squeeze %dma_start3A_458 : memref<1x80xi32, #tpu.memory_space<vmem>> -> memref<80xi32, #tpu.memory_space<vmem>>
        %dma_start3A_460 = arith.constant 0 : i32
        %dma_start3A_461 = arith.constant 0 : i32
        %dma_start3A_462 = tpu.memref_slice %arg12[%dma_start3A_460, %dma_start3A_461] : memref<10240x128xf32, #tpu.memory_space<vmem_shared>> -> memref<10240x128xf32, #tpu.memory_space<vmem_shared>>
        tpu.enqueue_indirect_dma source(%arg8 : memref<80x128xf32, #tpu.memory_space<vmem>>) target(%dma_start3A_462 : memref<10240x128xf32, #tpu.memory_space<vmem_shared>>) offsets(%dma_start3A_459 : memref<80xi32, #tpu.memory_space<vmem>>) semaphore(%run_scoped3A_456 : memref<!tpu.dma_semaphore, #tpu.memory_space<semaphore_mem>>) {add = true}
        %dma_wait3A_463 = arith.constant 0 : i32
        %dma_wait3A_464 = tpu.memref_slice %arg7[%run_scoped3A_424, %dma_wait3A_463] : memref<24x80xi32, #tpu.memory_space<vmem>> -> memref<1x80xi32, #tpu.memory_space<vmem>>
        %dma_wait3A_465 = tpu.memref_squeeze %dma_wait3A_464 : memref<1x80xi32, #tpu.memory_space<vmem>> -> memref<80xi32, #tpu.memory_space<vmem>>
        %dma_wait3A_466 = arith.constant 0 : i32
        %dma_wait3A_467 = arith.constant 0 : i32
        %dma_wait3A_468 = tpu.memref_slice %arg12[%dma_wait3A_466, %dma_wait3A_467] : memref<10240x128xf32, #tpu.memory_space<vmem_shared>> -> memref<10240x128xf32, #tpu.memory_space<vmem_shared>>
        tpu.wait_indirect_dma semaphore(%run_scoped3A_456 : memref<!tpu.dma_semaphore, #tpu.memory_space<semaphore_mem>>) src(%arg8 : memref<80x128xf32, #tpu.memory_space<vmem>>) dst(%dma_wait3A_468 : memref<10240x128xf32, #tpu.memory_space<vmem_shared>>)
        tpu.yield
      }) : () -> ()
      %dma_start3A_425 = arith.constant 23 : i32
      %dma_start3A_426 = arith.constant 0 : i32
      %dma_start3A_427 = tpu.memref_slice %arg6[%dma_start3A_425, %dma_start3A_426] : memref<24x80xi32, #tpu.memory_space<vmem>> -> memref<1x80xi32, #tpu.memory_space<vmem>>
      %dma_start3A_428 = tpu.memref_squeeze %dma_start3A_427 : memref<1x80xi32, #tpu.memory_space<vmem>> -> memref<80xi32, #tpu.memory_space<vmem>>
      %dma_start3A_429 = arith.constant 0 : i32
      %dma_start3A_430 = arith.constant 0 : i32
      %dma_start3A_431 = tpu.memref_slice %arg2[%dma_start3A_429, %dma_start3A_430] : memref<10000x128xf32, #tpu.memory_space<hbm>> -> memref<10000x128xf32, #tpu.memory_space<hbm>>
      tpu.enqueue_indirect_dma source(%dma_start3A_431 : memref<10000x128xf32, #tpu.memory_space<hbm>>) target(%arg11 : memref<80x128xf32, #tpu.memory_space<vmem>>) offsets(%dma_start3A_428 : memref<80xi32, #tpu.memory_space<vmem>>) semaphore(%arg16 : memref<!tpu.dma_semaphore, #tpu.memory_space<semaphore_mem>>)
      %dma_wait3A_432 = arith.constant 21 : i32
      %dma_wait3A_433 = arith.constant 0 : i32
      %dma_wait3A_434 = tpu.memref_slice %arg6[%dma_wait3A_432, %dma_wait3A_433] : memref<24x80xi32, #tpu.memory_space<vmem>> -> memref<1x80xi32, #tpu.memory_space<vmem>>
      %dma_wait3A_435 = tpu.memref_squeeze %dma_wait3A_434 : memref<1x80xi32, #tpu.memory_space<vmem>> -> memref<80xi32, #tpu.memory_space<vmem>>
      %dma_wait3A_436 = arith.constant 0 : i32
      %dma_wait3A_437 = arith.constant 0 : i32
      %dma_wait3A_438 = tpu.memref_slice %arg2[%dma_wait3A_436, %dma_wait3A_437] : memref<10000x128xf32, #tpu.memory_space<hbm>> -> memref<10000x128xf32, #tpu.memory_space<hbm>>
      tpu.wait_indirect_dma semaphore(%arg14 : memref<!tpu.dma_semaphore, #tpu.memory_space<semaphore_mem>>) src(%dma_wait3A_438 : memref<10000x128xf32, #tpu.memory_space<hbm>>) dst(%arg9 : memref<80x128xf32, #tpu.memory_space<vmem>>)
      %run_scoped3A_439 = arith.constant 21 : i32
      "tpu.region"() ({
        %run_scoped3A_456 = tpu.sem_alloc : memref<!tpu.dma_semaphore, #tpu.memory_space<semaphore_mem>>
        %dma_start3A_457 = arith.constant 0 : i32
        %dma_start3A_458 = tpu.memref_slice %arg7[%run_scoped3A_439, %dma_start3A_457] : memref<24x80xi32, #tpu.memory_space<vmem>> -> memref<1x80xi32, #tpu.memory_space<vmem>>
        %dma_start3A_459 = tpu.memref_squeeze %dma_start3A_458 : memref<1x80xi32, #tpu.memory_space<vmem>> -> memref<80xi32, #tpu.memory_space<vmem>>
        %dma_start3A_460 = arith.constant 0 : i32
        %dma_start3A_461 = arith.constant 0 : i32
        %dma_start3A_462 = tpu.memref_slice %arg12[%dma_start3A_460, %dma_start3A_461] : memref<10240x128xf32, #tpu.memory_space<vmem_shared>> -> memref<10240x128xf32, #tpu.memory_space<vmem_shared>>
        tpu.enqueue_indirect_dma source(%arg9 : memref<80x128xf32, #tpu.memory_space<vmem>>) target(%dma_start3A_462 : memref<10240x128xf32, #tpu.memory_space<vmem_shared>>) offsets(%dma_start3A_459 : memref<80xi32, #tpu.memory_space<vmem>>) semaphore(%run_scoped3A_456 : memref<!tpu.dma_semaphore, #tpu.memory_space<semaphore_mem>>) {add = true}
        %dma_wait3A_463 = arith.constant 0 : i32
        %dma_wait3A_464 = tpu.memref_slice %arg7[%run_scoped3A_439, %dma_wait3A_463] : memref<24x80xi32, #tpu.memory_space<vmem>> -> memref<1x80xi32, #tpu.memory_space<vmem>>
        %dma_wait3A_465 = tpu.memref_squeeze %dma_wait3A_464 : memref<1x80xi32, #tpu.memory_space<vmem>> -> memref<80xi32, #tpu.memory_space<vmem>>
        %dma_wait3A_466 = arith.constant 0 : i32
        %dma_wait3A_467 = arith.constant 0 : i32
        %dma_wait3A_468 = tpu.memref_slice %arg12[%dma_wait3A_466, %dma_wait3A_467] : memref<10240x128xf32, #tpu.memory_space<vmem_shared>> -> memref<10240x128xf32, #tpu.memory_space<vmem_shared>>
        tpu.wait_indirect_dma semaphore(%run_scoped3A_456 : memref<!tpu.dma_semaphore, #tpu.memory_space<semaphore_mem>>) src(%arg9 : memref<80x128xf32, #tpu.memory_space<vmem>>) dst(%dma_wait3A_468 : memref<10240x128xf32, #tpu.memory_space<vmem_shared>>)
        tpu.yield
      }) : () -> ()
      %dma_wait3A_440 = arith.constant 22 : i32
      %dma_wait3A_441 = arith.constant 0 : i32
      %dma_wait3A_442 = tpu.memref_slice %arg6[%dma_wait3A_440, %dma_wait3A_441] : memref<24x80xi32, #tpu.memory_space<vmem>> -> memref<1x80xi32, #tpu.memory_space<vmem>>
      %dma_wait3A_443 = tpu.memref_squeeze %dma_wait3A_442 : memref<1x80xi32, #tpu.memory_space<vmem>> -> memref<80xi32, #tpu.memory_space<vmem>>
      %dma_wait3A_444 = arith.constant 0 : i32
      %dma_wait3A_445 = arith.constant 0 : i32
      %dma_wait3A_446 = tpu.memref_slice %arg2[%dma_wait3A_444, %dma_wait3A_445] : memref<10000x128xf32, #tpu.memory_space<hbm>> -> memref<10000x128xf32, #tpu.memory_space<hbm>>
      tpu.wait_indirect_dma semaphore(%arg15 : memref<!tpu.dma_semaphore, #tpu.memory_space<semaphore_mem>>) src(%dma_wait3A_446 : memref<10000x128xf32, #tpu.memory_space<hbm>>) dst(%arg10 : memref<80x128xf32, #tpu.memory_space<vmem>>)
      %run_scoped3A_447 = arith.constant 22 : i32
      "tpu.region"() ({
        %run_scoped3A_456 = tpu.sem_alloc : memref<!tpu.dma_semaphore, #tpu.memory_space<semaphore_mem>>
        %dma_start3A_457 = arith.constant 0 : i32
        %dma_start3A_458 = tpu.memref_slice %arg7[%run_scoped3A_447, %dma_start3A_457] : memref<24x80xi32, #tpu.memory_space<vmem>> -> memref<1x80xi32, #tpu.memory_space<vmem>>
        %dma_start3A_459 = tpu.memref_squeeze %dma_start3A_458 : memref<1x80xi32, #tpu.memory_space<vmem>> -> memref<80xi32, #tpu.memory_space<vmem>>
        %dma_start3A_460 = arith.constant 0 : i32
        %dma_start3A_461 = arith.constant 0 : i32
        %dma_start3A_462 = tpu.memref_slice %arg12[%dma_start3A_460, %dma_start3A_461] : memref<10240x128xf32, #tpu.memory_space<vmem_shared>> -> memref<10240x128xf32, #tpu.memory_space<vmem_shared>>
        tpu.enqueue_indirect_dma source(%arg10 : memref<80x128xf32, #tpu.memory_space<vmem>>) target(%dma_start3A_462 : memref<10240x128xf32, #tpu.memory_space<vmem_shared>>) offsets(%dma_start3A_459 : memref<80xi32, #tpu.memory_space<vmem>>) semaphore(%run_scoped3A_456 : memref<!tpu.dma_semaphore, #tpu.memory_space<semaphore_mem>>) {add = true}
        %dma_wait3A_463 = arith.constant 0 : i32
        %dma_wait3A_464 = tpu.memref_slice %arg7[%run_scoped3A_447, %dma_wait3A_463] : memref<24x80xi32, #tpu.memory_space<vmem>> -> memref<1x80xi32, #tpu.memory_space<vmem>>
        %dma_wait3A_465 = tpu.memref_squeeze %dma_wait3A_464 : memref<1x80xi32, #tpu.memory_space<vmem>> -> memref<80xi32, #tpu.memory_space<vmem>>
        %dma_wait3A_466 = arith.constant 0 : i32
        %dma_wait3A_467 = arith.constant 0 : i32
        %dma_wait3A_468 = tpu.memref_slice %arg12[%dma_wait3A_466, %dma_wait3A_467] : memref<10240x128xf32, #tpu.memory_space<vmem_shared>> -> memref<10240x128xf32, #tpu.memory_space<vmem_shared>>
        tpu.wait_indirect_dma semaphore(%run_scoped3A_456 : memref<!tpu.dma_semaphore, #tpu.memory_space<semaphore_mem>>) src(%arg10 : memref<80x128xf32, #tpu.memory_space<vmem>>) dst(%dma_wait3A_468 : memref<10240x128xf32, #tpu.memory_space<vmem_shared>>)
        tpu.yield
      }) : () -> ()
      %dma_wait3A_448 = arith.constant 23 : i32
      %dma_wait3A_449 = arith.constant 0 : i32
      %dma_wait3A_450 = tpu.memref_slice %arg6[%dma_wait3A_448, %dma_wait3A_449] : memref<24x80xi32, #tpu.memory_space<vmem>> -> memref<1x80xi32, #tpu.memory_space<vmem>>
      %dma_wait3A_451 = tpu.memref_squeeze %dma_wait3A_450 : memref<1x80xi32, #tpu.memory_space<vmem>> -> memref<80xi32, #tpu.memory_space<vmem>>
      %dma_wait3A_452 = arith.constant 0 : i32
      %dma_wait3A_453 = arith.constant 0 : i32
      %dma_wait3A_454 = tpu.memref_slice %arg2[%dma_wait3A_452, %dma_wait3A_453] : memref<10000x128xf32, #tpu.memory_space<hbm>> -> memref<10000x128xf32, #tpu.memory_space<hbm>>
      tpu.wait_indirect_dma semaphore(%arg16 : memref<!tpu.dma_semaphore, #tpu.memory_space<semaphore_mem>>) src(%dma_wait3A_454 : memref<10000x128xf32, #tpu.memory_space<hbm>>) dst(%arg11 : memref<80x128xf32, #tpu.memory_space<vmem>>)
      %run_scoped3A_455 = arith.constant 23 : i32
      "tpu.region"() ({
        %run_scoped3A_456 = tpu.sem_alloc : memref<!tpu.dma_semaphore, #tpu.memory_space<semaphore_mem>>
        %dma_start3A_457 = arith.constant 0 : i32
        %dma_start3A_458 = tpu.memref_slice %arg7[%run_scoped3A_455, %dma_start3A_457] : memref<24x80xi32, #tpu.memory_space<vmem>> -> memref<1x80xi32, #tpu.memory_space<vmem>>
        %dma_start3A_459 = tpu.memref_squeeze %dma_start3A_458 : memref<1x80xi32, #tpu.memory_space<vmem>> -> memref<80xi32, #tpu.memory_space<vmem>>
        %dma_start3A_460 = arith.constant 0 : i32
        %dma_start3A_461 = arith.constant 0 : i32
        %dma_start3A_462 = tpu.memref_slice %arg12[%dma_start3A_460, %dma_start3A_461] : memref<10240x128xf32, #tpu.memory_space<vmem_shared>> -> memref<10240x128xf32, #tpu.memory_space<vmem_shared>>
        tpu.enqueue_indirect_dma source(%arg11 : memref<80x128xf32, #tpu.memory_space<vmem>>) target(%dma_start3A_462 : memref<10240x128xf32, #tpu.memory_space<vmem_shared>>) offsets(%dma_start3A_459 : memref<80xi32, #tpu.memory_space<vmem>>) semaphore(%run_scoped3A_456 : memref<!tpu.dma_semaphore, #tpu.memory_space<semaphore_mem>>) {add = true}
        %dma_wait3A_463 = arith.constant 0 : i32
        %dma_wait3A_464 = tpu.memref_slice %arg7[%run_scoped3A_455, %dma_wait3A_463] : memref<24x80xi32, #tpu.memory_space<vmem>> -> memref<1x80xi32, #tpu.memory_space<vmem>>
        %dma_wait3A_465 = tpu.memref_squeeze %dma_wait3A_464 : memref<1x80xi32, #tpu.memory_space<vmem>> -> memref<80xi32, #tpu.memory_space<vmem>>
        %dma_wait3A_466 = arith.constant 0 : i32
        %dma_wait3A_467 = arith.constant 0 : i32
        %dma_wait3A_468 = tpu.memref_slice %arg12[%dma_wait3A_466, %dma_wait3A_467] : memref<10240x128xf32, #tpu.memory_space<vmem_shared>> -> memref<10240x128xf32, #tpu.memory_space<vmem_shared>>
        tpu.wait_indirect_dma semaphore(%run_scoped3A_456 : memref<!tpu.dma_semaphore, #tpu.memory_space<semaphore_mem>>) src(%arg11 : memref<80x128xf32, #tpu.memory_space<vmem>>) dst(%dma_wait3A_468 : memref<10240x128xf32, #tpu.memory_space<vmem_shared>>)
        tpu.yield
      }) : () -> ()
    }
    %scan3A_19 = arith.constant 5 : i32
    "tpu.region"() ({
      %run_scoped3A_93 = tpu.sem_alloc : memref<!tpu.dma_semaphore, #tpu.memory_space<semaphore_mem>>
      %dma_start3A_94 = arith.constant 0 : i32
      %dma_start3A_95 = arith.constant 0 : i32
      %dma_start3A_96 = tpu.memref_slice %arg6[%dma_start3A_94, %dma_start3A_95] : memref<24x80xi32, #tpu.memory_space<vmem>> -> memref<5x80xi32, #tpu.memory_space<vmem>>
      %dma_start3A_97 = arith.constant 0 : i32
      %dma_start3A_98 = arith.constant 0 : i32
      %dma_start3A_99 = tpu.memref_slice %arg3[%add3A, %dma_start3A_97, %dma_start3A_98] : memref<32x125x80xi32, #tpu.memory_space<hbm>> -> memref<1x125x80xi32, #tpu.memory_space<hbm>>
      %dma_start3A_100 = tpu.memref_squeeze %dma_start3A_99 : memref<1x125x80xi32, #tpu.memory_space<hbm>> -> memref<125x80xi32, #tpu.memory_space<hbm>>
      %dma_start3A_101 = arith.constant 120 : i32
      %dma_start3A_102 = arith.constant 0 : i32
      %dma_start3A_103 = tpu.memref_slice %dma_start3A_100[%dma_start3A_101, %dma_start3A_102] : memref<125x80xi32, #tpu.memory_space<hbm>> -> memref<5x80xi32, #tpu.memory_space<hbm>>
      %dma_start3A_104 = arith.constant 0 : i32
      %dma_start3A_105 = arith.constant 0 : i32
      %dma_start3A_106 = tpu.memref_slice %arg6[%dma_start3A_104, %dma_start3A_105] : memref<24x80xi32, #tpu.memory_space<vmem>> -> memref<5x80xi32, #tpu.memory_space<vmem>>
      %dma_start3A_107 = arith.constant 0 : i32
      %dma_start3A_108 = arith.constant 0 : i32
      %dma_start3A_109 = tpu.memref_slice %arg3[%add3A, %dma_start3A_107, %dma_start3A_108] : memref<32x125x80xi32, #tpu.memory_space<hbm>> -> memref<1x125x80xi32, #tpu.memory_space<hbm>>
      %dma_start3A_110 = tpu.memref_squeeze %dma_start3A_109 : memref<1x125x80xi32, #tpu.memory_space<hbm>> -> memref<125x80xi32, #tpu.memory_space<hbm>>
      %dma_start3A_111 = arith.constant 120 : i32
      %dma_start3A_112 = arith.constant 0 : i32
      %dma_start3A_113 = tpu.memref_slice %dma_start3A_110[%dma_start3A_111, %dma_start3A_112] : memref<125x80xi32, #tpu.memory_space<hbm>> -> memref<5x80xi32, #tpu.memory_space<hbm>>
      tpu.enqueue_dma source(%dma_start3A_113 : memref<5x80xi32, #tpu.memory_space<hbm>>) target(%dma_start3A_106 : memref<5x80xi32, #tpu.memory_space<vmem>>) target_semaphore(%run_scoped3A_93 : memref<!tpu.dma_semaphore, #tpu.memory_space<semaphore_mem>>)
      %dma_wait3A_114 = arith.constant 0 : i32
      %dma_wait3A_115 = arith.constant 0 : i32
      %dma_wait3A_116 = tpu.memref_slice %arg6[%dma_wait3A_114, %dma_wait3A_115] : memref<24x80xi32, #tpu.memory_space<vmem>> -> memref<5x80xi32, #tpu.memory_space<vmem>>
      %dma_wait3A_117 = arith.constant 0 : i32
      %dma_wait3A_118 = arith.constant 0 : i32
      %dma_wait3A_119 = tpu.memref_slice %arg3[%add3A, %dma_wait3A_117, %dma_wait3A_118] : memref<32x125x80xi32, #tpu.memory_space<hbm>> -> memref<1x125x80xi32, #tpu.memory_space<hbm>>
      %dma_wait3A_120 = tpu.memref_squeeze %dma_wait3A_119 : memref<1x125x80xi32, #tpu.memory_space<hbm>> -> memref<125x80xi32, #tpu.memory_space<hbm>>
      %dma_wait3A_121 = arith.constant 120 : i32
      %dma_wait3A_122 = arith.constant 0 : i32
      %dma_wait3A_123 = tpu.memref_slice %dma_wait3A_120[%dma_wait3A_121, %dma_wait3A_122] : memref<125x80xi32, #tpu.memory_space<hbm>> -> memref<5x80xi32, #tpu.memory_space<hbm>>
      %dma_wait3A_124 = arith.constant 0 : i32
      %dma_wait3A_125 = arith.constant 0 : i32
      %dma_wait3A_126 = tpu.memref_slice %arg6[%dma_wait3A_124, %dma_wait3A_125] : memref<24x80xi32, #tpu.memory_space<vmem>> -> memref<5x80xi32, #tpu.memory_space<vmem>>
      %dma_wait3A_127 = arith.constant 0 : i32
      %dma_wait3A_128 = arith.constant 0 : i32
      %dma_wait3A_129 = tpu.memref_slice %arg3[%add3A, %dma_wait3A_127, %dma_wait3A_128] : memref<32x125x80xi32, #tpu.memory_space<hbm>> -> memref<1x125x80xi32, #tpu.memory_space<hbm>>
      %dma_wait3A_130 = tpu.memref_squeeze %dma_wait3A_129 : memref<1x125x80xi32, #tpu.memory_space<hbm>> -> memref<125x80xi32, #tpu.memory_space<hbm>>
      %dma_wait3A_131 = arith.constant 120 : i32
      %dma_wait3A_132 = arith.constant 0 : i32
      %dma_wait3A_133 = tpu.memref_slice %dma_wait3A_130[%dma_wait3A_131, %dma_wait3A_132] : memref<125x80xi32, #tpu.memory_space<hbm>> -> memref<5x80xi32, #tpu.memory_space<hbm>>
      tpu.wait_dma2 semaphore(%run_scoped3A_93 : memref<!tpu.dma_semaphore, #tpu.memory_space<semaphore_mem>>) src(%dma_wait3A_133 : memref<5x80xi32, #tpu.memory_space<hbm>>) dst(%dma_wait3A_126 : memref<5x80xi32, #tpu.memory_space<vmem>>)
      tpu.yield
    }) : () -> ()
    "tpu.region"() ({
      %run_scoped3A_93 = tpu.sem_alloc : memref<!tpu.dma_semaphore, #tpu.memory_space<semaphore_mem>>
      %dma_start3A_94 = arith.constant 0 : i32
      %dma_start3A_95 = arith.constant 0 : i32
      %dma_start3A_96 = tpu.memref_slice %arg7[%dma_start3A_94, %dma_start3A_95] : memref<24x80xi32, #tpu.memory_space<vmem>> -> memref<5x80xi32, #tpu.memory_space<vmem>>
      %dma_start3A_97 = arith.constant 0 : i32
      %dma_start3A_98 = arith.constant 0 : i32
      %dma_start3A_99 = tpu.memref_slice %arg4[%add3A, %dma_start3A_97, %dma_start3A_98] : memref<32x125x80xi32, #tpu.memory_space<hbm>> -> memref<1x125x80xi32, #tpu.memory_space<hbm>>
      %dma_start3A_100 = tpu.memref_squeeze %dma_start3A_99 : memref<1x125x80xi32, #tpu.memory_space<hbm>> -> memref<125x80xi32, #tpu.memory_space<hbm>>
      %dma_start3A_101 = arith.constant 120 : i32
      %dma_start3A_102 = arith.constant 0 : i32
      %dma_start3A_103 = tpu.memref_slice %dma_start3A_100[%dma_start3A_101, %dma_start3A_102] : memref<125x80xi32, #tpu.memory_space<hbm>> -> memref<5x80xi32, #tpu.memory_space<hbm>>
      %dma_start3A_104 = arith.constant 0 : i32
      %dma_start3A_105 = arith.constant 0 : i32
      %dma_start3A_106 = tpu.memref_slice %arg7[%dma_start3A_104, %dma_start3A_105] : memref<24x80xi32, #tpu.memory_space<vmem>> -> memref<5x80xi32, #tpu.memory_space<vmem>>
      %dma_start3A_107 = arith.constant 0 : i32
      %dma_start3A_108 = arith.constant 0 : i32
      %dma_start3A_109 = tpu.memref_slice %arg4[%add3A, %dma_start3A_107, %dma_start3A_108] : memref<32x125x80xi32, #tpu.memory_space<hbm>> -> memref<1x125x80xi32, #tpu.memory_space<hbm>>
      %dma_start3A_110 = tpu.memref_squeeze %dma_start3A_109 : memref<1x125x80xi32, #tpu.memory_space<hbm>> -> memref<125x80xi32, #tpu.memory_space<hbm>>
      %dma_start3A_111 = arith.constant 120 : i32
      %dma_start3A_112 = arith.constant 0 : i32
      %dma_start3A_113 = tpu.memref_slice %dma_start3A_110[%dma_start3A_111, %dma_start3A_112] : memref<125x80xi32, #tpu.memory_space<hbm>> -> memref<5x80xi32, #tpu.memory_space<hbm>>
      tpu.enqueue_dma source(%dma_start3A_113 : memref<5x80xi32, #tpu.memory_space<hbm>>) target(%dma_start3A_106 : memref<5x80xi32, #tpu.memory_space<vmem>>) target_semaphore(%run_scoped3A_93 : memref<!tpu.dma_semaphore, #tpu.memory_space<semaphore_mem>>)
      %dma_wait3A_114 = arith.constant 0 : i32
      %dma_wait3A_115 = arith.constant 0 : i32
      %dma_wait3A_116 = tpu.memref_slice %arg7[%dma_wait3A_114, %dma_wait3A_115] : memref<24x80xi32, #tpu.memory_space<vmem>> -> memref<5x80xi32, #tpu.memory_space<vmem>>
      %dma_wait3A_117 = arith.constant 0 : i32
      %dma_wait3A_118 = arith.constant 0 : i32
      %dma_wait3A_119 = tpu.memref_slice %arg4[%add3A, %dma_wait3A_117, %dma_wait3A_118] : memref<32x125x80xi32, #tpu.memory_space<hbm>> -> memref<1x125x80xi32, #tpu.memory_space<hbm>>
      %dma_wait3A_120 = tpu.memref_squeeze %dma_wait3A_119 : memref<1x125x80xi32, #tpu.memory_space<hbm>> -> memref<125x80xi32, #tpu.memory_space<hbm>>
      %dma_wait3A_121 = arith.constant 120 : i32
      %dma_wait3A_122 = arith.constant 0 : i32
      %dma_wait3A_123 = tpu.memref_slice %dma_wait3A_120[%dma_wait3A_121, %dma_wait3A_122] : memref<125x80xi32, #tpu.memory_space<hbm>> -> memref<5x80xi32, #tpu.memory_space<hbm>>
      %dma_wait3A_124 = arith.constant 0 : i32
      %dma_wait3A_125 = arith.constant 0 : i32
      %dma_wait3A_126 = tpu.memref_slice %arg7[%dma_wait3A_124, %dma_wait3A_125] : memref<24x80xi32, #tpu.memory_space<vmem>> -> memref<5x80xi32, #tpu.memory_space<vmem>>
      %dma_wait3A_127 = arith.constant 0 : i32
      %dma_wait3A_128 = arith.constant 0 : i32
      %dma_wait3A_129 = tpu.memref_slice %arg4[%add3A, %dma_wait3A_127, %dma_wait3A_128] : memref<32x125x80xi32, #tpu.memory_space<hbm>> -> memref<1x125x80xi32, #tpu.memory_space<hbm>>
      %dma_wait3A_130 = tpu.memref_squeeze %dma_wait3A_129 : memref<1x125x80xi32, #tpu.memory_space<hbm>> -> memref<125x80xi32, #tpu.memory_space<hbm>>
      %dma_wait3A_131 = arith.constant 120 : i32
      %dma_wait3A_132 = arith.constant 0 : i32
      %dma_wait3A_133 = tpu.memref_slice %dma_wait3A_130[%dma_wait3A_131, %dma_wait3A_132] : memref<125x80xi32, #tpu.memory_space<hbm>> -> memref<5x80xi32, #tpu.memory_space<hbm>>
      tpu.wait_dma2 semaphore(%run_scoped3A_93 : memref<!tpu.dma_semaphore, #tpu.memory_space<semaphore_mem>>) src(%dma_wait3A_133 : memref<5x80xi32, #tpu.memory_space<hbm>>) dst(%dma_wait3A_126 : memref<5x80xi32, #tpu.memory_space<vmem>>)
      tpu.yield
    }) : () -> ()
    %dma_start3A = arith.constant 0 : i32
    %dma_start3A_20 = arith.constant 0 : i32
    %dma_start3A_21 = tpu.memref_slice %arg6[%dma_start3A, %dma_start3A_20] : memref<24x80xi32, #tpu.memory_space<vmem>> -> memref<1x80xi32, #tpu.memory_space<vmem>>
    %dma_start3A_22 = tpu.memref_squeeze %dma_start3A_21 : memref<1x80xi32, #tpu.memory_space<vmem>> -> memref<80xi32, #tpu.memory_space<vmem>>
    %dma_start3A_23 = arith.constant 0 : i32
    %dma_start3A_24 = arith.constant 0 : i32
    %dma_start3A_25 = tpu.memref_slice %arg2[%dma_start3A_23, %dma_start3A_24] : memref<10000x128xf32, #tpu.memory_space<hbm>> -> memref<10000x128xf32, #tpu.memory_space<hbm>>
    tpu.enqueue_indirect_dma source(%dma_start3A_25 : memref<10000x128xf32, #tpu.memory_space<hbm>>) target(%arg8 : memref<80x128xf32, #tpu.memory_space<vmem>>) offsets(%dma_start3A_22 : memref<80xi32, #tpu.memory_space<vmem>>) semaphore(%arg13 : memref<!tpu.dma_semaphore, #tpu.memory_space<semaphore_mem>>)
    %dma_start3A_26 = arith.constant 1 : i32
    %dma_start3A_27 = arith.constant 0 : i32
    %dma_start3A_28 = tpu.memref_slice %arg6[%dma_start3A_26, %dma_start3A_27] : memref<24x80xi32, #tpu.memory_space<vmem>> -> memref<1x80xi32, #tpu.memory_space<vmem>>
    %dma_start3A_29 = tpu.memref_squeeze %dma_start3A_28 : memref<1x80xi32, #tpu.memory_space<vmem>> -> memref<80xi32, #tpu.memory_space<vmem>>
    %dma_start3A_30 = arith.constant 0 : i32
    %dma_start3A_31 = arith.constant 0 : i32
    %dma_start3A_32 = tpu.memref_slice %arg2[%dma_start3A_30, %dma_start3A_31] : memref<10000x128xf32, #tpu.memory_space<hbm>> -> memref<10000x128xf32, #tpu.memory_space<hbm>>
    tpu.enqueue_indirect_dma source(%dma_start3A_32 : memref<10000x128xf32, #tpu.memory_space<hbm>>) target(%arg9 : memref<80x128xf32, #tpu.memory_space<vmem>>) offsets(%dma_start3A_29 : memref<80xi32, #tpu.memory_space<vmem>>) semaphore(%arg14 : memref<!tpu.dma_semaphore, #tpu.memory_space<semaphore_mem>>)
    %dma_start3A_33 = arith.constant 2 : i32
    %dma_start3A_34 = arith.constant 0 : i32
    %dma_start3A_35 = tpu.memref_slice %arg6[%dma_start3A_33, %dma_start3A_34] : memref<24x80xi32, #tpu.memory_space<vmem>> -> memref<1x80xi32, #tpu.memory_space<vmem>>
    %dma_start3A_36 = tpu.memref_squeeze %dma_start3A_35 : memref<1x80xi32, #tpu.memory_space<vmem>> -> memref<80xi32, #tpu.memory_space<vmem>>
    %dma_start3A_37 = arith.constant 0 : i32
    %dma_start3A_38 = arith.constant 0 : i32
    %dma_start3A_39 = tpu.memref_slice %arg2[%dma_start3A_37, %dma_start3A_38] : memref<10000x128xf32, #tpu.memory_space<hbm>> -> memref<10000x128xf32, #tpu.memory_space<hbm>>
    tpu.enqueue_indirect_dma source(%dma_start3A_39 : memref<10000x128xf32, #tpu.memory_space<hbm>>) target(%arg10 : memref<80x128xf32, #tpu.memory_space<vmem>>) offsets(%dma_start3A_36 : memref<80xi32, #tpu.memory_space<vmem>>) semaphore(%arg15 : memref<!tpu.dma_semaphore, #tpu.memory_space<semaphore_mem>>)
    %dma_wait3A = arith.constant 0 : i32
    %dma_wait3A_40 = arith.constant 0 : i32
    %dma_wait3A_41 = tpu.memref_slice %arg6[%dma_wait3A, %dma_wait3A_40] : memref<24x80xi32, #tpu.memory_space<vmem>> -> memref<1x80xi32, #tpu.memory_space<vmem>>
    %dma_wait3A_42 = tpu.memref_squeeze %dma_wait3A_41 : memref<1x80xi32, #tpu.memory_space<vmem>> -> memref<80xi32, #tpu.memory_space<vmem>>
    %dma_wait3A_43 = arith.constant 0 : i32
    %dma_wait3A_44 = arith.constant 0 : i32
    %dma_wait3A_45 = tpu.memref_slice %arg2[%dma_wait3A_43, %dma_wait3A_44] : memref<10000x128xf32, #tpu.memory_space<hbm>> -> memref<10000x128xf32, #tpu.memory_space<hbm>>
    tpu.wait_indirect_dma semaphore(%arg13 : memref<!tpu.dma_semaphore, #tpu.memory_space<semaphore_mem>>) src(%dma_wait3A_45 : memref<10000x128xf32, #tpu.memory_space<hbm>>) dst(%arg8 : memref<80x128xf32, #tpu.memory_space<vmem>>)
    %run_scoped3A = arith.constant 0 : i32
    "tpu.region"() ({
      %run_scoped3A_93 = tpu.sem_alloc : memref<!tpu.dma_semaphore, #tpu.memory_space<semaphore_mem>>
      %dma_start3A_94 = arith.constant 0 : i32
      %dma_start3A_95 = tpu.memref_slice %arg7[%run_scoped3A, %dma_start3A_94] : memref<24x80xi32, #tpu.memory_space<vmem>> -> memref<1x80xi32, #tpu.memory_space<vmem>>
      %dma_start3A_96 = tpu.memref_squeeze %dma_start3A_95 : memref<1x80xi32, #tpu.memory_space<vmem>> -> memref<80xi32, #tpu.memory_space<vmem>>
      %dma_start3A_97 = arith.constant 0 : i32
      %dma_start3A_98 = arith.constant 0 : i32
      %dma_start3A_99 = tpu.memref_slice %arg12[%dma_start3A_97, %dma_start3A_98] : memref<10240x128xf32, #tpu.memory_space<vmem_shared>> -> memref<10240x128xf32, #tpu.memory_space<vmem_shared>>
      tpu.enqueue_indirect_dma source(%arg8 : memref<80x128xf32, #tpu.memory_space<vmem>>) target(%dma_start3A_99 : memref<10240x128xf32, #tpu.memory_space<vmem_shared>>) offsets(%dma_start3A_96 : memref<80xi32, #tpu.memory_space<vmem>>) semaphore(%run_scoped3A_93 : memref<!tpu.dma_semaphore, #tpu.memory_space<semaphore_mem>>) {add = true}
      %dma_wait3A_100 = arith.constant 0 : i32
      %dma_wait3A_101 = tpu.memref_slice %arg7[%run_scoped3A, %dma_wait3A_100] : memref<24x80xi32, #tpu.memory_space<vmem>> -> memref<1x80xi32, #tpu.memory_space<vmem>>
      %dma_wait3A_102 = tpu.memref_squeeze %dma_wait3A_101 : memref<1x80xi32, #tpu.memory_space<vmem>> -> memref<80xi32, #tpu.memory_space<vmem>>
      %dma_wait3A_103 = arith.constant 0 : i32
      %dma_wait3A_104 = arith.constant 0 : i32
      %dma_wait3A_105 = tpu.memref_slice %arg12[%dma_wait3A_103, %dma_wait3A_104] : memref<10240x128xf32, #tpu.memory_space<vmem_shared>> -> memref<10240x128xf32, #tpu.memory_space<vmem_shared>>
      tpu.wait_indirect_dma semaphore(%run_scoped3A_93 : memref<!tpu.dma_semaphore, #tpu.memory_space<semaphore_mem>>) src(%arg8 : memref<80x128xf32, #tpu.memory_space<vmem>>) dst(%dma_wait3A_105 : memref<10240x128xf32, #tpu.memory_space<vmem_shared>>)
      tpu.yield
    }) : () -> ()
    %dma_start3A_46 = arith.constant 3 : i32
    %dma_start3A_47 = arith.constant 0 : i32
    %dma_start3A_48 = tpu.memref_slice %arg6[%dma_start3A_46, %dma_start3A_47] : memref<24x80xi32, #tpu.memory_space<vmem>> -> memref<1x80xi32, #tpu.memory_space<vmem>>
    %dma_start3A_49 = tpu.memref_squeeze %dma_start3A_48 : memref<1x80xi32, #tpu.memory_space<vmem>> -> memref<80xi32, #tpu.memory_space<vmem>>
    %dma_start3A_50 = arith.constant 0 : i32
    %dma_start3A_51 = arith.constant 0 : i32
    %dma_start3A_52 = tpu.memref_slice %arg2[%dma_start3A_50, %dma_start3A_51] : memref<10000x128xf32, #tpu.memory_space<hbm>> -> memref<10000x128xf32, #tpu.memory_space<hbm>>
    tpu.enqueue_indirect_dma source(%dma_start3A_52 : memref<10000x128xf32, #tpu.memory_space<hbm>>) target(%arg11 : memref<80x128xf32, #tpu.memory_space<vmem>>) offsets(%dma_start3A_49 : memref<80xi32, #tpu.memory_space<vmem>>) semaphore(%arg16 : memref<!tpu.dma_semaphore, #tpu.memory_space<semaphore_mem>>)
    %dma_wait3A_53 = arith.constant 1 : i32
    %dma_wait3A_54 = arith.constant 0 : i32
    %dma_wait3A_55 = tpu.memref_slice %arg6[%dma_wait3A_53, %dma_wait3A_54] : memref<24x80xi32, #tpu.memory_space<vmem>> -> memref<1x80xi32, #tpu.memory_space<vmem>>
    %dma_wait3A_56 = tpu.memref_squeeze %dma_wait3A_55 : memref<1x80xi32, #tpu.memory_space<vmem>> -> memref<80xi32, #tpu.memory_space<vmem>>
    %dma_wait3A_57 = arith.constant 0 : i32
    %dma_wait3A_58 = arith.constant 0 : i32
    %dma_wait3A_59 = tpu.memref_slice %arg2[%dma_wait3A_57, %dma_wait3A_58] : memref<10000x128xf32, #tpu.memory_space<hbm>> -> memref<10000x128xf32, #tpu.memory_space<hbm>>
    tpu.wait_indirect_dma semaphore(%arg14 : memref<!tpu.dma_semaphore, #tpu.memory_space<semaphore_mem>>) src(%dma_wait3A_59 : memref<10000x128xf32, #tpu.memory_space<hbm>>) dst(%arg9 : memref<80x128xf32, #tpu.memory_space<vmem>>)
    %run_scoped3A_60 = arith.constant 1 : i32
    "tpu.region"() ({
      %run_scoped3A_93 = tpu.sem_alloc : memref<!tpu.dma_semaphore, #tpu.memory_space<semaphore_mem>>
      %dma_start3A_94 = arith.constant 0 : i32
      %dma_start3A_95 = tpu.memref_slice %arg7[%run_scoped3A_60, %dma_start3A_94] : memref<24x80xi32, #tpu.memory_space<vmem>> -> memref<1x80xi32, #tpu.memory_space<vmem>>
      %dma_start3A_96 = tpu.memref_squeeze %dma_start3A_95 : memref<1x80xi32, #tpu.memory_space<vmem>> -> memref<80xi32, #tpu.memory_space<vmem>>
      %dma_start3A_97 = arith.constant 0 : i32
      %dma_start3A_98 = arith.constant 0 : i32
      %dma_start3A_99 = tpu.memref_slice %arg12[%dma_start3A_97, %dma_start3A_98] : memref<10240x128xf32, #tpu.memory_space<vmem_shared>> -> memref<10240x128xf32, #tpu.memory_space<vmem_shared>>
      tpu.enqueue_indirect_dma source(%arg9 : memref<80x128xf32, #tpu.memory_space<vmem>>) target(%dma_start3A_99 : memref<10240x128xf32, #tpu.memory_space<vmem_shared>>) offsets(%dma_start3A_96 : memref<80xi32, #tpu.memory_space<vmem>>) semaphore(%run_scoped3A_93 : memref<!tpu.dma_semaphore, #tpu.memory_space<semaphore_mem>>) {add = true}
      %dma_wait3A_100 = arith.constant 0 : i32
      %dma_wait3A_101 = tpu.memref_slice %arg7[%run_scoped3A_60, %dma_wait3A_100] : memref<24x80xi32, #tpu.memory_space<vmem>> -> memref<1x80xi32, #tpu.memory_space<vmem>>
      %dma_wait3A_102 = tpu.memref_squeeze %dma_wait3A_101 : memref<1x80xi32, #tpu.memory_space<vmem>> -> memref<80xi32, #tpu.memory_space<vmem>>
      %dma_wait3A_103 = arith.constant 0 : i32
      %dma_wait3A_104 = arith.constant 0 : i32
      %dma_wait3A_105 = tpu.memref_slice %arg12[%dma_wait3A_103, %dma_wait3A_104] : memref<10240x128xf32, #tpu.memory_space<vmem_shared>> -> memref<10240x128xf32, #tpu.memory_space<vmem_shared>>
      tpu.wait_indirect_dma semaphore(%run_scoped3A_93 : memref<!tpu.dma_semaphore, #tpu.memory_space<semaphore_mem>>) src(%arg9 : memref<80x128xf32, #tpu.memory_space<vmem>>) dst(%dma_wait3A_105 : memref<10240x128xf32, #tpu.memory_space<vmem_shared>>)
      tpu.yield
    }) : () -> ()
    %dma_start3A_61 = arith.constant 4 : i32
    %dma_start3A_62 = arith.constant 0 : i32
    %dma_start3A_63 = tpu.memref_slice %arg6[%dma_start3A_61, %dma_start3A_62] : memref<24x80xi32, #tpu.memory_space<vmem>> -> memref<1x80xi32, #tpu.memory_space<vmem>>
    %dma_start3A_64 = tpu.memref_squeeze %dma_start3A_63 : memref<1x80xi32, #tpu.memory_space<vmem>> -> memref<80xi32, #tpu.memory_space<vmem>>
    %dma_start3A_65 = arith.constant 0 : i32
    %dma_start3A_66 = arith.constant 0 : i32
    %dma_start3A_67 = tpu.memref_slice %arg2[%dma_start3A_65, %dma_start3A_66] : memref<10000x128xf32, #tpu.memory_space<hbm>> -> memref<10000x128xf32, #tpu.memory_space<hbm>>
    tpu.enqueue_indirect_dma source(%dma_start3A_67 : memref<10000x128xf32, #tpu.memory_space<hbm>>) target(%arg8 : memref<80x128xf32, #tpu.memory_space<vmem>>) offsets(%dma_start3A_64 : memref<80xi32, #tpu.memory_space<vmem>>) semaphore(%arg13 : memref<!tpu.dma_semaphore, #tpu.memory_space<semaphore_mem>>)
    %dma_wait3A_68 = arith.constant 2 : i32
    %dma_wait3A_69 = arith.constant 0 : i32
    %dma_wait3A_70 = tpu.memref_slice %arg6[%dma_wait3A_68, %dma_wait3A_69] : memref<24x80xi32, #tpu.memory_space<vmem>> -> memref<1x80xi32, #tpu.memory_space<vmem>>
    %dma_wait3A_71 = tpu.memref_squeeze %dma_wait3A_70 : memref<1x80xi32, #tpu.memory_space<vmem>> -> memref<80xi32, #tpu.memory_space<vmem>>
    %dma_wait3A_72 = arith.constant 0 : i32
    %dma_wait3A_73 = arith.constant 0 : i32
    %dma_wait3A_74 = tpu.memref_slice %arg2[%dma_wait3A_72, %dma_wait3A_73] : memref<10000x128xf32, #tpu.memory_space<hbm>> -> memref<10000x128xf32, #tpu.memory_space<hbm>>
    tpu.wait_indirect_dma semaphore(%arg15 : memref<!tpu.dma_semaphore, #tpu.memory_space<semaphore_mem>>) src(%dma_wait3A_74 : memref<10000x128xf32, #tpu.memory_space<hbm>>) dst(%arg10 : memref<80x128xf32, #tpu.memory_space<vmem>>)
    %run_scoped3A_75 = arith.constant 2 : i32
    "tpu.region"() ({
      %run_scoped3A_93 = tpu.sem_alloc : memref<!tpu.dma_semaphore, #tpu.memory_space<semaphore_mem>>
      %dma_start3A_94 = arith.constant 0 : i32
      %dma_start3A_95 = tpu.memref_slice %arg7[%run_scoped3A_75, %dma_start3A_94] : memref<24x80xi32, #tpu.memory_space<vmem>> -> memref<1x80xi32, #tpu.memory_space<vmem>>
      %dma_start3A_96 = tpu.memref_squeeze %dma_start3A_95 : memref<1x80xi32, #tpu.memory_space<vmem>> -> memref<80xi32, #tpu.memory_space<vmem>>
      %dma_start3A_97 = arith.constant 0 : i32
      %dma_start3A_98 = arith.constant 0 : i32
      %dma_start3A_99 = tpu.memref_slice %arg12[%dma_start3A_97, %dma_start3A_98] : memref<10240x128xf32, #tpu.memory_space<vmem_shared>> -> memref<10240x128xf32, #tpu.memory_space<vmem_shared>>
      tpu.enqueue_indirect_dma source(%arg10 : memref<80x128xf32, #tpu.memory_space<vmem>>) target(%dma_start3A_99 : memref<10240x128xf32, #tpu.memory_space<vmem_shared>>) offsets(%dma_start3A_96 : memref<80xi32, #tpu.memory_space<vmem>>) semaphore(%run_scoped3A_93 : memref<!tpu.dma_semaphore, #tpu.memory_space<semaphore_mem>>) {add = true}
      %dma_wait3A_100 = arith.constant 0 : i32
      %dma_wait3A_101 = tpu.memref_slice %arg7[%run_scoped3A_75, %dma_wait3A_100] : memref<24x80xi32, #tpu.memory_space<vmem>> -> memref<1x80xi32, #tpu.memory_space<vmem>>
      %dma_wait3A_102 = tpu.memref_squeeze %dma_wait3A_101 : memref<1x80xi32, #tpu.memory_space<vmem>> -> memref<80xi32, #tpu.memory_space<vmem>>
      %dma_wait3A_103 = arith.constant 0 : i32
      %dma_wait3A_104 = arith.constant 0 : i32
      %dma_wait3A_105 = tpu.memref_slice %arg12[%dma_wait3A_103, %dma_wait3A_104] : memref<10240x128xf32, #tpu.memory_space<vmem_shared>> -> memref<10240x128xf32, #tpu.memory_space<vmem_shared>>
      tpu.wait_indirect_dma semaphore(%run_scoped3A_93 : memref<!tpu.dma_semaphore, #tpu.memory_space<semaphore_mem>>) src(%arg10 : memref<80x128xf32, #tpu.memory_space<vmem>>) dst(%dma_wait3A_105 : memref<10240x128xf32, #tpu.memory_space<vmem_shared>>)
      tpu.yield
    }) : () -> ()
    %dma_wait3A_76 = arith.constant 3 : i32
    %dma_wait3A_77 = arith.constant 0 : i32
    %dma_wait3A_78 = tpu.memref_slice %arg6[%dma_wait3A_76, %dma_wait3A_77] : memref<24x80xi32, #tpu.memory_space<vmem>> -> memref<1x80xi32, #tpu.memory_space<vmem>>
    %dma_wait3A_79 = tpu.memref_squeeze %dma_wait3A_78 : memref<1x80xi32, #tpu.memory_space<vmem>> -> memref<80xi32, #tpu.memory_space<vmem>>
    %dma_wait3A_80 = arith.constant 0 : i32
    %dma_wait3A_81 = arith.constant 0 : i32
    %dma_wait3A_82 = tpu.memref_slice %arg2[%dma_wait3A_80, %dma_wait3A_81] : memref<10000x128xf32, #tpu.memory_space<hbm>> -> memref<10000x128xf32, #tpu.memory_space<hbm>>
    tpu.wait_indirect_dma semaphore(%arg16 : memref<!tpu.dma_semaphore, #tpu.memory_space<semaphore_mem>>) src(%dma_wait3A_82 : memref<10000x128xf32, #tpu.memory_space<hbm>>) dst(%arg11 : memref<80x128xf32, #tpu.memory_space<vmem>>)
    %run_scoped3A_83 = arith.constant 3 : i32
    "tpu.region"() ({
      %run_scoped3A_93 = tpu.sem_alloc : memref<!tpu.dma_semaphore, #tpu.memory_space<semaphore_mem>>
      %dma_start3A_94 = arith.constant 0 : i32
      %dma_start3A_95 = tpu.memref_slice %arg7[%run_scoped3A_83, %dma_start3A_94] : memref<24x80xi32, #tpu.memory_space<vmem>> -> memref<1x80xi32, #tpu.memory_space<vmem>>
      %dma_start3A_96 = tpu.memref_squeeze %dma_start3A_95 : memref<1x80xi32, #tpu.memory_space<vmem>> -> memref<80xi32, #tpu.memory_space<vmem>>
      %dma_start3A_97 = arith.constant 0 : i32
      %dma_start3A_98 = arith.constant 0 : i32
      %dma_start3A_99 = tpu.memref_slice %arg12[%dma_start3A_97, %dma_start3A_98] : memref<10240x128xf32, #tpu.memory_space<vmem_shared>> -> memref<10240x128xf32, #tpu.memory_space<vmem_shared>>
      tpu.enqueue_indirect_dma source(%arg11 : memref<80x128xf32, #tpu.memory_space<vmem>>) target(%dma_start3A_99 : memref<10240x128xf32, #tpu.memory_space<vmem_shared>>) offsets(%dma_start3A_96 : memref<80xi32, #tpu.memory_space<vmem>>) semaphore(%run_scoped3A_93 : memref<!tpu.dma_semaphore, #tpu.memory_space<semaphore_mem>>) {add = true}
      %dma_wait3A_100 = arith.constant 0 : i32
      %dma_wait3A_101 = tpu.memref_slice %arg7[%run_scoped3A_83, %dma_wait3A_100] : memref<24x80xi32, #tpu.memory_space<vmem>> -> memref<1x80xi32, #tpu.memory_space<vmem>>
      %dma_wait3A_102 = tpu.memref_squeeze %dma_wait3A_101 : memref<1x80xi32, #tpu.memory_space<vmem>> -> memref<80xi32, #tpu.memory_space<vmem>>
      %dma_wait3A_103 = arith.constant 0 : i32
      %dma_wait3A_104 = arith.constant 0 : i32
      %dma_wait3A_105 = tpu.memref_slice %arg12[%dma_wait3A_103, %dma_wait3A_104] : memref<10240x128xf32, #tpu.memory_space<vmem_shared>> -> memref<10240x128xf32, #tpu.memory_space<vmem_shared>>
      tpu.wait_indirect_dma semaphore(%run_scoped3A_93 : memref<!tpu.dma_semaphore, #tpu.memory_space<semaphore_mem>>) src(%arg11 : memref<80x128xf32, #tpu.memory_space<vmem>>) dst(%dma_wait3A_105 : memref<10240x128xf32, #tpu.memory_space<vmem_shared>>)
      tpu.yield
    }) : () -> ()
    %dma_wait3A_84 = arith.constant 4 : i32
    %dma_wait3A_85 = arith.constant 0 : i32
    %dma_wait3A_86 = tpu.memref_slice %arg6[%dma_wait3A_84, %dma_wait3A_85] : memref<24x80xi32, #tpu.memory_space<vmem>> -> memref<1x80xi32, #tpu.memory_space<vmem>>
    %dma_wait3A_87 = tpu.memref_squeeze %dma_wait3A_86 : memref<1x80xi32, #tpu.memory_space<vmem>> -> memref<80xi32, #tpu.memory_space<vmem>>
    %dma_wait3A_88 = arith.constant 0 : i32
    %dma_wait3A_89 = arith.constant 0 : i32
    %dma_wait3A_90 = tpu.memref_slice %arg2[%dma_wait3A_88, %dma_wait3A_89] : memref<10000x128xf32, #tpu.memory_space<hbm>> -> memref<10000x128xf32, #tpu.memory_space<hbm>>
    tpu.wait_indirect_dma semaphore(%arg13 : memref<!tpu.dma_semaphore, #tpu.memory_space<semaphore_mem>>) src(%dma_wait3A_90 : memref<10000x128xf32, #tpu.memory_space<hbm>>) dst(%arg8 : memref<80x128xf32, #tpu.memory_space<vmem>>)
    %run_scoped3A_91 = arith.constant 4 : i32
    "tpu.region"() ({
      %run_scoped3A_93 = tpu.sem_alloc : memref<!tpu.dma_semaphore, #tpu.memory_space<semaphore_mem>>
      %dma_start3A_94 = arith.constant 0 : i32
      %dma_start3A_95 = tpu.memref_slice %arg7[%run_scoped3A_91, %dma_start3A_94] : memref<24x80xi32, #tpu.memory_space<vmem>> -> memref<1x80xi32, #tpu.memory_space<vmem>>
      %dma_start3A_96 = tpu.memref_squeeze %dma_start3A_95 : memref<1x80xi32, #tpu.memory_space<vmem>> -> memref<80xi32, #tpu.memory_space<vmem>>
      %dma_start3A_97 = arith.constant 0 : i32
      %dma_start3A_98 = arith.constant 0 : i32
      %dma_start3A_99 = tpu.memref_slice %arg12[%dma_start3A_97, %dma_start3A_98] : memref<10240x128xf32, #tpu.memory_space<vmem_shared>> -> memref<10240x128xf32, #tpu.memory_space<vmem_shared>>
      tpu.enqueue_indirect_dma source(%arg8 : memref<80x128xf32, #tpu.memory_space<vmem>>) target(%dma_start3A_99 : memref<10240x128xf32, #tpu.memory_space<vmem_shared>>) offsets(%dma_start3A_96 : memref<80xi32, #tpu.memory_space<vmem>>) semaphore(%run_scoped3A_93 : memref<!tpu.dma_semaphore, #tpu.memory_space<semaphore_mem>>) {add = true}
      %dma_wait3A_100 = arith.constant 0 : i32
      %dma_wait3A_101 = tpu.memref_slice %arg7[%run_scoped3A_91, %dma_wait3A_100] : memref<24x80xi32, #tpu.memory_space<vmem>> -> memref<1x80xi32, #tpu.memory_space<vmem>>
      %dma_wait3A_102 = tpu.memref_squeeze %dma_wait3A_101 : memref<1x80xi32, #tpu.memory_space<vmem>> -> memref<80xi32, #tpu.memory_space<vmem>>
      %dma_wait3A_103 = arith.constant 0 : i32
      %dma_wait3A_104 = arith.constant 0 : i32
      %dma_wait3A_105 = tpu.memref_slice %arg12[%dma_wait3A_103, %dma_wait3A_104] : memref<10240x128xf32, #tpu.memory_space<vmem_shared>> -> memref<10240x128xf32, #tpu.memory_space<vmem_shared>>
      tpu.wait_indirect_dma semaphore(%run_scoped3A_93 : memref<!tpu.dma_semaphore, #tpu.memory_space<semaphore_mem>>) src(%arg8 : memref<80x128xf32, #tpu.memory_space<vmem>>) dst(%dma_wait3A_105 : memref<10240x128xf32, #tpu.memory_space<vmem_shared>>)
      tpu.yield
    }) : () -> ()
    %barrier3A_92 = arith.constant 0 : index
    tpu.barrier barrier_id(%barrier3A_92)
    "tpu.region"() ({
      %run_scoped3A_93 = tpu.sem_alloc : memref<!tpu.dma_semaphore, #tpu.memory_space<semaphore_mem>>
      %dma_start3A_94 = arith.constant 0 : i32
      %dma_start3A_95 = arith.constant 0 : i32
      %dma_start3A_96 = tpu.memref_slice %arg5[%arg0, %dma_start3A_94, %dma_start3A_95] : memref<2x10240x128xf32, #tpu.memory_space<hbm>> -> memref<1x10240x128xf32, #tpu.memory_space<hbm>>
      %dma_start3A_97 = tpu.memref_squeeze %dma_start3A_96 : memref<1x10240x128xf32, #tpu.memory_space<hbm>> -> memref<10240x128xf32, #tpu.memory_space<hbm>>
      %dma_start3A_98 = arith.constant 0 : i32
      %dma_start3A_99 = tpu.memref_slice %dma_start3A_97[%mul3A_7, %dma_start3A_98] : memref<10240x128xf32, #tpu.memory_space<hbm>> -> memref<640x128xf32, #tpu.memory_space<hbm>>
      %dma_start3A_100 = arith.constant 0 : i32
      %dma_start3A_101 = tpu.memref_slice %arg12[%mul3A_7, %dma_start3A_100] : memref<10240x128xf32, #tpu.memory_space<vmem_shared>> -> memref<640x128xf32, #tpu.memory_space<vmem_shared>>
      tpu.enqueue_dma source(%dma_start3A_101 : memref<640x128xf32, #tpu.memory_space<vmem_shared>>) target(%dma_start3A_99 : memref<640x128xf32, #tpu.memory_space<hbm>>) target_semaphore(%run_scoped3A_93 : memref<!tpu.dma_semaphore, #tpu.memory_space<semaphore_mem>>)
      %dma_wait3A_102 = arith.constant 0 : i32
      %dma_wait3A_103 = arith.constant 0 : i32
      %dma_wait3A_104 = tpu.memref_slice %arg5[%arg0, %dma_wait3A_102, %dma_wait3A_103] : memref<2x10240x128xf32, #tpu.memory_space<hbm>> -> memref<1x10240x128xf32, #tpu.memory_space<hbm>>
      %dma_wait3A_105 = tpu.memref_squeeze %dma_wait3A_104 : memref<1x10240x128xf32, #tpu.memory_space<hbm>> -> memref<10240x128xf32, #tpu.memory_space<hbm>>
      %dma_wait3A_106 = arith.constant 0 : i32
      %dma_wait3A_107 = tpu.memref_slice %dma_wait3A_105[%mul3A_7, %dma_wait3A_106] : memref<10240x128xf32, #tpu.memory_space<hbm>> -> memref<640x128xf32, #tpu.memory_space<hbm>>
      %dma_wait3A_108 = arith.constant 0 : i32
      %dma_wait3A_109 = tpu.memref_slice %arg12[%mul3A_7, %dma_wait3A_108] : memref<10240x128xf32, #tpu.memory_space<vmem_shared>> -> memref<640x128xf32, #tpu.memory_space<vmem_shared>>
      tpu.wait_dma2 semaphore(%run_scoped3A_93 : memref<!tpu.dma_semaphore, #tpu.memory_space<semaphore_mem>>) src(%dma_wait3A_109 : memref<640x128xf32, #tpu.memory_space<vmem_shared>>) dst(%dma_wait3A_107 : memref<640x128xf32, #tpu.memory_space<hbm>>)
      tpu.yield
    }) : () -> ()
    return
  }
}

module attributes {stable_mosaic.version = 14 : i64} {
  func.func @_tck1_body(%arg0: i32, %arg1: memref<1x2000x1xf32, #tpu.memory_space<vmem>>, %arg2: memref<2000x128xf32, #tpu.memory_space<vmem>>, %arg3: memref<128x128xf32, #tpu.memory_space<vmem>>, %arg4: memref<2000x128xf32, #tpu.memory_space<vmem>>) attributes {dimension_semantics = [#tpu.dimension_semantics<arbitrary>], iteration_bounds = array<i64: 5>, scalar_prefetch = 0 : i64, scratch_operands = 0 : i64, tpu.core_type = #tpu.core_type<tc>, window_params = [{transform_indices = @transform_0, window_bounds = array<i64: 1, 2000, 1>}, {transform_indices = @transform_1, window_bounds = array<i64: 2000, 128>}, {pipeline_mode = #tpu.pipeline_mode<synchronous>, transform_indices = @transform_2, window_bounds = array<i64: 128, 128>}, {transform_indices = @transform_3, window_bounds = array<i64: 2000, 128>}]} {
    %get3A = arith.constant 0 : index
    %get3A_0 = arith.constant 0 : index
    %get3A_1 = arith.constant 0 : index
    %get3A_2 = vector.load %arg1[%get3A, %get3A_0, %get3A_1] : memref<1x2000x1xf32, #tpu.memory_space<vmem>>, vector<1x2000x1xf32>
    %get3A_3 = vector.shape_cast %get3A_2 : vector<1x2000x1xf32> to vector<2000x1xf32>
    %gt3A = arith.constant 0.000000e+00 : f32
    %gt3A_4 = vector.broadcast %gt3A : f32 to vector<2000x1xf32>
    %gt3A_5 = arith.cmpf ogt, %get3A_3, %gt3A_4 : vector<2000x1xf32>
    %max3A = arith.constant 9.99999996E-13 : f32
    %max3A_6 = vector.broadcast %max3A : f32 to vector<2000x1xf32>
    %max3A_7 = arith.maximumf %get3A_3, %max3A_6 : vector<2000x1xf32>
    %rsqrt3A = math.rsqrt %max3A_7 : vector<2000x1xf32>
    %jit3A = arith.constant 0.000000e+00 : f32
    %broadcast_in_dim3A = vector.broadcast %jit3A : f32 to vector<2000x1xf32>
    %select_n3A = arith.select %gt3A_5, %rsqrt3A, %broadcast_in_dim3A : vector<2000x1xi1>, vector<2000x1xf32>
    %get3A_8 = arith.constant 0 : index
    %get3A_9 = arith.constant 0 : index
    %get3A_10 = vector.load %arg2[%get3A_8, %get3A_9] : memref<2000x128xf32, #tpu.memory_space<vmem>>, vector<2000x128xf32>
    %mul3A = vector.broadcast %select_n3A : vector<2000x1xf32> to vector<2000x128xf32>
    %mul3A_11 = arith.mulf %get3A_10, %mul3A : vector<2000x128xf32>
    %get3A_12 = arith.constant 0 : index
    %get3A_13 = arith.constant 0 : index
    %get3A_14 = vector.load %arg3[%get3A_12, %get3A_13] : memref<128x128xf32, #tpu.memory_space<vmem>>, vector<128x128xf32>
    %dot_general3A = arith.constant dense<0.000000e+00> : vector<2000x128xf32>
    %dot_general3A_15 = tpu.matmul %mul3A_11, %get3A_14, %dot_general3A {dimension_numbers = #tpu.dot_dimension_numbers<[1], [0], [0], [1], [0, 0, 1, 1], [], []>, transpose_lhs_hint = false} : vector<2000x128xf32>, vector<128x128xf32>, vector<2000x128xf32> -> vector<2000x128xf32>
    %swap3A = arith.constant 0 : index
    %swap3A_16 = arith.constant 0 : index
    %swap3A_17 = vector.load %arg4[%swap3A, %swap3A_16] : memref<2000x128xf32, #tpu.memory_space<vmem>>, vector<2000x128xf32>
    tpu.vector_store %arg4[%swap3A, %swap3A_16], %dot_general3A_15 {strides = array<i32>} : memref<2000x128xf32, #tpu.memory_space<vmem>>, vector<2000x128xf32>,
    return
  }
  func.func @transform_0(%arg0: i32) -> (i32, i32, i32) {
    %c0_i32 = arith.constant 0 : i32
    %c0_i32_0 = arith.constant 0 : i32
    %c0_i32_1 = arith.constant 0 : i32
    return %c0_i32, %arg0, %c0_i32_0 : i32, i32, i32
  }
  func.func @transform_1(%arg0: i32) -> (i32, i32) {
    %c0_i32 = arith.constant 0 : i32
    %c0_i32_0 = arith.constant 0 : i32
    return %arg0, %c0_i32 : i32, i32
  }
  func.func @transform_2(%arg0: i32) -> (i32, i32) {
    %c0_i32 = arith.constant 0 : i32
    %c0_i32_0 = arith.constant 0 : i32
    %c0_i32_1 = arith.constant 0 : i32
    return %c0_i32, %c0_i32_0 : i32, i32
  }
  func.func @transform_3(%arg0: i32) -> (i32, i32) {
    %c0_i32 = arith.constant 0 : i32
    %c0_i32_0 = arith.constant 0 : i32
    return %arg0, %c0_i32 : i32, i32
  }
}

module attributes {stable_mosaic.version = 14 : i64} {
  func.func @_tck2_body(%arg0: i32, %arg1: memref<2x2000x1xf32, #tpu.memory_space<vmem>>, %arg2: memref<2x2000x128xf32, #tpu.memory_space<vmem>>, %arg3: memref<1x128xf32, #tpu.memory_space<vmem>>, %arg4: memref<128x128xf32, #tpu.memory_space<vmem>>, %arg5: memref<2000x128xf32, #tpu.memory_space<vmem>>, %arg6: memref<2000x128xf32, #tpu.memory_space<vmem>>) attributes {dimension_semantics = [#tpu.dimension_semantics<arbitrary>], iteration_bounds = array<i64: 5>, scalar_prefetch = 0 : i64, scratch_operands = 0 : i64, tpu.core_type = #tpu.core_type<tc>, window_params = [{transform_indices = @transform_0, window_bounds = array<i64: 2, 2000, 1>}, {transform_indices = @transform_1, window_bounds = array<i64: 2, 2000, 128>}, {pipeline_mode = #tpu.pipeline_mode<synchronous>, transform_indices = @transform_2, window_bounds = array<i64: 1, 128>}, {pipeline_mode = #tpu.pipeline_mode<synchronous>, transform_indices = @transform_3, window_bounds = array<i64: 128, 128>}, {transform_indices = @transform_4, window_bounds = array<i64: 2000, 128>}, {transform_indices = @transform_5, window_bounds = array<i64: 2000, 128>}]} {
    %get3A = arith.constant 1 : index
    %get3A_0 = arith.constant 0 : index
    %get3A_1 = arith.constant 0 : index
    %get3A_2 = vector.load %arg1[%get3A, %get3A_0, %get3A_1] : memref<2x2000x1xf32, #tpu.memory_space<vmem>>, vector<1x2000x1xf32>
    %get3A_3 = vector.shape_cast %get3A_2 : vector<1x2000x1xf32> to vector<2000x1xf32>
    %gt3A = arith.constant 0.000000e+00 : f32
    %gt3A_4 = vector.broadcast %gt3A : f32 to vector<2000x1xf32>
    %gt3A_5 = arith.cmpf ogt, %get3A_3, %gt3A_4 : vector<2000x1xf32>
    %max3A = arith.constant 9.99999996E-13 : f32
    %max3A_6 = vector.broadcast %max3A : f32 to vector<2000x1xf32>
    %max3A_7 = arith.maximumf %get3A_3, %max3A_6 : vector<2000x1xf32>
    %rsqrt3A = math.rsqrt %max3A_7 : vector<2000x1xf32>
    %jit3A = arith.constant 0.000000e+00 : f32
    %broadcast_in_dim3A = vector.broadcast %jit3A : f32 to vector<2000x1xf32>
    %select_n3A = arith.select %gt3A_5, %rsqrt3A, %broadcast_in_dim3A : vector<2000x1xi1>, vector<2000x1xf32>
    %get3A_8 = arith.constant 0 : index
    %get3A_9 = arith.constant 0 : index
    %get3A_10 = arith.constant 0 : index
    %get3A_11 = vector.load %arg1[%get3A_8, %get3A_9, %get3A_10] : memref<2x2000x1xf32, #tpu.memory_space<vmem>>, vector<1x2000x1xf32>
    %get3A_12 = vector.shape_cast %get3A_11 : vector<1x2000x1xf32> to vector<2000x1xf32>
    %gt3A_13 = arith.constant 0.000000e+00 : f32
    %gt3A_14 = vector.broadcast %gt3A_13 : f32 to vector<2000x1xf32>
    %gt3A_15 = arith.cmpf ogt, %get3A_12, %gt3A_14 : vector<2000x1xf32>
    %max3A_16 = arith.constant 9.99999996E-13 : f32
    %max3A_17 = vector.broadcast %max3A_16 : f32 to vector<2000x1xf32>
    %max3A_18 = arith.maximumf %get3A_12, %max3A_17 : vector<2000x1xf32>
    %rsqrt3A_19 = math.rsqrt %max3A_18 : vector<2000x1xf32>
    %jit3A_20 = arith.constant 0.000000e+00 : f32
    %broadcast_in_dim3A_21 = vector.broadcast %jit3A_20 : f32 to vector<2000x1xf32>
    %select_n3A_22 = arith.select %gt3A_15, %rsqrt3A_19, %broadcast_in_dim3A_21 : vector<2000x1xi1>, vector<2000x1xf32>
    %get3A_23 = arith.constant 0 : index
    %get3A_24 = arith.constant 0 : index
    %get3A_25 = arith.constant 0 : index
    %get3A_26 = vector.load %arg2[%get3A_23, %get3A_24, %get3A_25] : memref<2x2000x128xf32, #tpu.memory_space<vmem>>, vector<1x2000x128xf32>
    %get3A_27 = vector.shape_cast %get3A_26 : vector<1x2000x128xf32> to vector<2000x128xf32>
    %get3A_28 = arith.constant 1 : index
    %get3A_29 = arith.constant 0 : index
    %get3A_30 = arith.constant 0 : index
    %get3A_31 = vector.load %arg2[%get3A_28, %get3A_29, %get3A_30] : memref<2x2000x128xf32, #tpu.memory_space<vmem>>, vector<1x2000x128xf32>
    %get3A_32 = vector.shape_cast %get3A_31 : vector<1x2000x128xf32> to vector<2000x128xf32>
    %add3A = arith.addf %get3A_27, %get3A_32 : vector<2000x128xf32>
    %mul3A = vector.broadcast %select_n3A : vector<2000x1xf32> to vector<2000x128xf32>
    %mul3A_33 = arith.mulf %add3A, %mul3A : vector<2000x128xf32>
    %get3A_34 = arith.constant 0 : index
    %get3A_35 = arith.constant 0 : index
    %get3A_36 = vector.load %arg3[%get3A_34, %get3A_35] : memref<1x128xf32, #tpu.memory_space<vmem>>, vector<1x128xf32>
    %add3A_37 = vector.broadcast %get3A_36 : vector<1x128xf32> to vector<2000x128xf32>
    %add3A_38 = arith.addf %mul3A_33, %add3A_37 : vector<2000x128xf32>
    %max3A_39 = arith.constant 0.000000e+00 : f32
    %max3A_40 = vector.broadcast %max3A_39 : f32 to vector<2000x128xf32>
    %max3A_41 = arith.maximumf %add3A_38, %max3A_40 : vector<2000x128xf32>
    %swap3A = arith.constant 0 : index
    %swap3A_42 = arith.constant 0 : index
    %swap3A_43 = vector.load %arg5[%swap3A, %swap3A_42] : memref<2000x128xf32, #tpu.memory_space<vmem>>, vector<2000x128xf32>
    tpu.vector_store %arg5[%swap3A, %swap3A_42], %max3A_41 {strides = array<i32>} : memref<2000x128xf32, #tpu.memory_space<vmem>>, vector<2000x128xf32>,
    %mul3A_44 = vector.broadcast %select_n3A_22 : vector<2000x1xf32> to vector<2000x128xf32>
    %mul3A_45 = arith.mulf %max3A_41, %mul3A_44 : vector<2000x128xf32>
    %get3A_46 = arith.constant 0 : index
    %get3A_47 = arith.constant 0 : index
    %get3A_48 = vector.load %arg4[%get3A_46, %get3A_47] : memref<128x128xf32, #tpu.memory_space<vmem>>, vector<128x128xf32>
    %dot_general3A = arith.constant dense<0.000000e+00> : vector<2000x128xf32>
    %dot_general3A_49 = tpu.matmul %mul3A_45, %get3A_48, %dot_general3A {dimension_numbers = #tpu.dot_dimension_numbers<[1], [0], [0], [1], [0, 0, 1, 1], [], []>, transpose_lhs_hint = false} : vector<2000x128xf32>, vector<128x128xf32>, vector<2000x128xf32> -> vector<2000x128xf32>
    %swap3A_50 = arith.constant 0 : index
    %swap3A_51 = arith.constant 0 : index
    %swap3A_52 = vector.load %arg6[%swap3A_50, %swap3A_51] : memref<2000x128xf32, #tpu.memory_space<vmem>>, vector<2000x128xf32>
    tpu.vector_store %arg6[%swap3A_50, %swap3A_51], %dot_general3A_49 {strides = array<i32>} : memref<2000x128xf32, #tpu.memory_space<vmem>>, vector<2000x128xf32>,
    return
  }
  func.func @transform_0(%arg0: i32) -> (i32, i32, i32) {
    %c0_i32 = arith.constant 0 : i32
    %c0_i32_0 = arith.constant 0 : i32
    %c0_i32_1 = arith.constant 0 : i32
    return %c0_i32, %arg0, %c0_i32_0 : i32, i32, i32
  }
  func.func @transform_1(%arg0: i32) -> (i32, i32, i32) {
    %c0_i32 = arith.constant 0 : i32
    %c0_i32_0 = arith.constant 0 : i32
    %c0_i32_1 = arith.constant 0 : i32
    return %c0_i32, %arg0, %c0_i32_0 : i32, i32, i32
  }
  func.func @transform_2(%arg0: i32) -> (i32, i32) {
    %c0_i32 = arith.constant 0 : i32
    %c0_i32_0 = arith.constant 0 : i32
    %c0_i32_1 = arith.constant 0 : i32
    return %c0_i32, %c0_i32_0 : i32, i32
  }
  func.func @transform_3(%arg0: i32) -> (i32, i32) {
    %c0_i32 = arith.constant 0 : i32
    %c0_i32_0 = arith.constant 0 : i32
    %c0_i32_1 = arith.constant 0 : i32
    return %c0_i32, %c0_i32_0 : i32, i32
  }
  func.func @transform_4(%arg0: i32) -> (i32, i32) {
    %c0_i32 = arith.constant 0 : i32
    %c0_i32_0 = arith.constant 0 : i32
    return %arg0, %c0_i32 : i32, i32
  }
  func.func @transform_5(%arg0: i32) -> (i32, i32) {
    %c0_i32 = arith.constant 0 : i32
    %c0_i32_0 = arith.constant 0 : i32
    return %arg0, %c0_i32 : i32, i32
  }
}

module attributes {stable_mosaic.version = 14 : i64} {
  func.func @_tck3_body(%arg0: i32, %arg1: memref<2x2000x1xf32, #tpu.memory_space<vmem>>, %arg2: memref<2x2000x128xf32, #tpu.memory_space<vmem>>, %arg3: memref<1x128xf32, #tpu.memory_space<vmem>>, %arg4: memref<2000x128xf32, #tpu.memory_space<vmem>>) attributes {dimension_semantics = [#tpu.dimension_semantics<arbitrary>], iteration_bounds = array<i64: 5>, scalar_prefetch = 0 : i64, scratch_operands = 0 : i64, tpu.core_type = #tpu.core_type<tc>, window_params = [{transform_indices = @transform_0, window_bounds = array<i64: 2, 2000, 1>}, {transform_indices = @transform_1, window_bounds = array<i64: 2, 2000, 128>}, {pipeline_mode = #tpu.pipeline_mode<synchronous>, transform_indices = @transform_2, window_bounds = array<i64: 1, 128>}, {transform_indices = @transform_3, window_bounds = array<i64: 2000, 128>}]} {
    %get3A = arith.constant 1 : index
    %get3A_0 = arith.constant 0 : index
    %get3A_1 = arith.constant 0 : index
    %get3A_2 = vector.load %arg1[%get3A, %get3A_0, %get3A_1] : memref<2x2000x1xf32, #tpu.memory_space<vmem>>, vector<1x2000x1xf32>
    %get3A_3 = vector.shape_cast %get3A_2 : vector<1x2000x1xf32> to vector<2000x1xf32>
    %gt3A = arith.constant 0.000000e+00 : f32
    %gt3A_4 = vector.broadcast %gt3A : f32 to vector<2000x1xf32>
    %gt3A_5 = arith.cmpf ogt, %get3A_3, %gt3A_4 : vector<2000x1xf32>
    %max3A = arith.constant 9.99999996E-13 : f32
    %max3A_6 = vector.broadcast %max3A : f32 to vector<2000x1xf32>
    %max3A_7 = arith.maximumf %get3A_3, %max3A_6 : vector<2000x1xf32>
    %rsqrt3A = math.rsqrt %max3A_7 : vector<2000x1xf32>
    %jit3A = arith.constant 0.000000e+00 : f32
    %broadcast_in_dim3A = vector.broadcast %jit3A : f32 to vector<2000x1xf32>
    %select_n3A = arith.select %gt3A_5, %rsqrt3A, %broadcast_in_dim3A : vector<2000x1xi1>, vector<2000x1xf32>
    %get3A_8 = arith.constant 0 : index
    %get3A_9 = arith.constant 0 : index
    %get3A_10 = arith.constant 0 : index
    %get3A_11 = vector.load %arg2[%get3A_8, %get3A_9, %get3A_10] : memref<2x2000x128xf32, #tpu.memory_space<vmem>>, vector<1x2000x128xf32>
    %get3A_12 = vector.shape_cast %get3A_11 : vector<1x2000x128xf32> to vector<2000x128xf32>
    %get3A_13 = arith.constant 1 : index
    %get3A_14 = arith.constant 0 : index
    %get3A_15 = arith.constant 0 : index
    %get3A_16 = vector.load %arg2[%get3A_13, %get3A_14, %get3A_15] : memref<2x2000x128xf32, #tpu.memory_space<vmem>>, vector<1x2000x128xf32>
    %get3A_17 = vector.shape_cast %get3A_16 : vector<1x2000x128xf32> to vector<2000x128xf32>
    %add3A = arith.addf %get3A_12, %get3A_17 : vector<2000x128xf32>
    %mul3A = vector.broadcast %select_n3A : vector<2000x1xf32> to vector<2000x128xf32>
    %mul3A_18 = arith.mulf %add3A, %mul3A : vector<2000x128xf32>
    %get3A_19 = arith.constant 0 : index
    %get3A_20 = arith.constant 0 : index
    %get3A_21 = vector.load %arg3[%get3A_19, %get3A_20] : memref<1x128xf32, #tpu.memory_space<vmem>>, vector<1x128xf32>
    %add3A_22 = vector.broadcast %get3A_21 : vector<1x128xf32> to vector<2000x128xf32>
    %add3A_23 = arith.addf %mul3A_18, %add3A_22 : vector<2000x128xf32>
    %swap3A = arith.constant 0 : index
    %swap3A_24 = arith.constant 0 : index
    %swap3A_25 = vector.load %arg4[%swap3A, %swap3A_24] : memref<2000x128xf32, #tpu.memory_space<vmem>>, vector<2000x128xf32>
    tpu.vector_store %arg4[%swap3A, %swap3A_24], %add3A_23 {strides = array<i32>} : memref<2000x128xf32, #tpu.memory_space<vmem>>, vector<2000x128xf32>,
    return
  }
  func.func @transform_0(%arg0: i32) -> (i32, i32, i32) {
    %c0_i32 = arith.constant 0 : i32
    %c0_i32_0 = arith.constant 0 : i32
    %c0_i32_1 = arith.constant 0 : i32
    return %c0_i32, %arg0, %c0_i32_0 : i32, i32, i32
  }
  func.func @transform_1(%arg0: i32) -> (i32, i32, i32) {
    %c0_i32 = arith.constant 0 : i32
    %c0_i32_0 = arith.constant 0 : i32
    %c0_i32_1 = arith.constant 0 : i32
    return %c0_i32, %arg0, %c0_i32_0 : i32, i32, i32
  }
  func.func @transform_2(%arg0: i32) -> (i32, i32) {
    %c0_i32 = arith.constant 0 : i32
    %c0_i32_0 = arith.constant 0 : i32
    %c0_i32_1 = arith.constant 0 : i32
    return %c0_i32, %c0_i32_0 : i32, i32
  }
  func.func @transform_3(%arg0: i32) -> (i32, i32) {
    %c0_i32 = arith.constant 0 : i32
    %c0_i32_0 = arith.constant 0 : i32
    return %arg0, %c0_i32 : i32, i32
  }
}

</mosaic_0001>

<sc_bundles>
// kernel: kernel.11.cloned.1.call-start
scs
__scs_entry_jumppad:
0x0: {  	(pc) =	sbr.rel $0x88, $3  }
0x1: {  	(tag) =	ssettag $0x0;
	lr =	simm.s32 $0x1  }
0x2: {  	[smem:$0x3F9B] =	sst lr;
	_ =	strace $0xD0000000  }
0x3: {  	_ = 	snop  }
0x4: {  	_ = 	snop  }
0x5: {  	_ = 	snop  }
0x6: {  	_ = 	snop  }
0x7: {  	_ = 	snop  }
__scs_overlays_trampoline_lowered:
0x8: {  	[smem:$0x3FAA] =	sst s0  }
0x9: {  	[smem:$0x3FAB] =	sst s1  }
0xa: {  	[smem:$0x3FAC] =	sst s2  }
0xb: {  	[smem:$0x3FAD] =	sst s3  }
0xc: {  	[smem:$0x3FAE] =	sst s4  }
0xd: {  	[smem:$0x3FAF] =	sst s5  }
0xe: {  	[smem:$0x3FB0] =	sst s6  }
0xf: {  	[smem:$0x3FB1] =	sst s7  }
0x10: {  	[smem:$0x3FB2] =	sst s8  }
0x11: {  	[smem:$0x3FB3] =	sst s9;
	s0 =	simm.s32 @!p0 $0x0  }
0x12: {  	s1 =	sld [smem:$0x3F99];
	s0 =	simm.s32 @p0 $0x1  }
0x13: {  	[smem:$0x3FB4] =	sst s0;
	s0 =	simm.s32 @!p1 $0x0  }
0x14: {  	s2 =	sld [smem:$0x3F98];
	s0 =	simm.s32 @p1 $0x1  }
0x15: {  	[smem:$0x3FB5] =	sst s0;
	s0 =	simm.s32 @!p2 $0x0  }
0x16: {  	s3 =	sld [smem:$0x3FDB];
	s0 =	simm.s32 @p2 $0x1  }
0x17: {  	s4 =	simm.s32 $0x1BF5;
	[smem:$0x3FB7] =	sst s0  }
0x18: {  	s0 =	sld [smem:$0x3F9A];
	_ =	swait.ge [sflag:s4], $0x0  }
0x19: {  	s7 =	sld [smem:$0x3F9B]  }
0x1a: {  	s8 =	sadd.s32 $0xFFFFE003, lr  }
0x1b: {  	s9 =	sadd.s32 $0xFFFFFEF7, lr;
	s5 =	simm.s32 $0xFFFFFFFF;
	p2 =	slt.u32 s8, $0xFFFFF086  }
0x1c: {  	p1 =	slt.u32 s9, $0xF7A;
	s5 =	simm.s32 @!p2 $0x0  }
0x1d: {  	s5 =	simm.s32 @p1 $0x1;
	p0 =	seq.s32 s7, s2  }
0x1e: {  	s7 =	smul.u32 @!p0 $0xF7A, s2;
	p2 =	seq.s32 @!p0 s5, $0x0  }
0x1f: {  	s9 =	smul.u32 $0xF7A, s1;
	s8 =	simm.s32 @!p0 $0x1BF5;
	p2 =	por !p2, p0  }
0x20: {  	[sflag:s8] =	ssyncset.s32 @!p0 $0xFFFFF086;
	s6 =	sadd.s32 @!p0 s3, s7;
	s7 =	simm.s32 @!p0 $0x108  }
0x21: {  	s3 =	sadd.s32 s3, s9;
	s6 =	sadd.s32 @!p0 $0x88, s6;
	s7 =	simm.s32 @p2 $0x1082  }
0x22: {  	[simem:s7], [sflag:s8] =	dma.local @!p0 [hbm:s6], $0xF7A  }
0x23: {  	s9 =	sor.u32 $0xD0000000, s2;
	s6 =	simm.s32 $0x108;
	_ =	swait.ge @!p0 [sflag:s8], $0x0  }
0x24: {  	s3 =	sadd.s32 $0x88, s3;
	s6 =	simm.s32 @!p1 $0x1082;
	[sflag:s4] =	ssyncset.s32 $0xFFFFF086  }
0x25: {  	[simem:s6], [sflag:s4] =	dma.local [hbm:s3], $0xF7A  }
0x26: {  	[smem:$0x3F9B] =	sst s1;
	(tag) =	ssettag s2;
	_ =	strace s9  }
0x27: {  	s1 =	sld [smem:$0x3FAB]  }
0x28: {  	s2 =	sld [smem:$0x3FAC]  }
0x29: {  	s4 =	sld [smem:$0x3FAE]  }
0x2a: {  	p0 =	seq.s32 s5, $0x0;
	s5 =	sld [smem:$0x3FAF]  }
0x2b: {  	s6 =	sld [smem:$0x3FB0]  }
0x2c: {  	s7 =	sld [smem:$0x3FB1]  }
0x2d: {  	s3 =	simm.s32 $0x108;
	s8 =	sld [smem:$0x3FB2]  }
0x2e: {  	s3 =	simm.s32 @!p0 $0x1082;
	s9 =	sld [smem:$0x3FB3]  }
0x2f: {  	lr =	sadd.s32 s0, s3;
	s0 =	sld [smem:$0x3FAA]  }
0x30: {  	s3 =	sld [smem:$0x3FAD]  }
0x31: {  	[smem:$0x3FB6] =	sst s10  }
0x32: {  	s10 =	sld [smem:$0x3FB4];
	_ =	sdelay $0x3  }
0x33: {  	p0 =	seq.s32 s10, $0x1;
	s10 =	sld [smem:$0x3FB6];
	_ =	sdelay $0x3  }
0x34: {  	[smem:$0x3FB6] =	sst s10  }
0x35: {  	s10 =	sld [smem:$0x3FB5];
	_ =	sdelay $0x3  }
0x36: {  	p1 =	seq.s32 s10, $0x1;
	s10 =	sld [smem:$0x3FB6];
	_ =	sdelay $0x3  }
0x37: {  	[smem:$0x3FB6] =	sst s10  }
0x38: {  	s10 =	sld [smem:$0x3FB7]  }
0x39: {  	_ = 	snop;
	(pc) =	sbr.ind lr, $3  }
0x3a: {  	_ = 	snop  }
0x3b: {  	_ = 	snop  }
0x3c: {  	p2 =	seq.s32 s10, $0x1;
	s10 =	sld [smem:$0x3FB6]  }
0x3d: {  	_ =	shalt  }
0x3e: {  	_ =	shalt  }
0x3f: {  	_ =	shalt  }
0x40: {  	_ =	shalt  }
0x41: {  	_ =	shalt  }
0x42: {  	_ =	shalt  }
0x43: {  	_ =	shalt  }
0x44: {  	_ =	shalt  }
0x45: {  	_ =	shalt  }
0x46: {  	_ =	shalt  }
0x47: {  	_ =	shalt  }
0x48: {  	_ =	shalt  }
0x49: {  	_ =	shalt  }
0x4a: {  	_ =	shalt  }
0x4b: {  	_ =	shalt  }
0x4c: {  	_ =	shalt  }
0x4d: {  	_ =	shalt  }
0x4e: {  	_ =	shalt  }
0x4f: {  	_ =	shalt  }
0x50: {  	_ =	shalt  }
0x51: {  	_ =	shalt  }
0x52: {  	_ =	shalt  }
0x53: {  	_ =	shalt  }
0x54: {  	_ =	shalt  }
0x55: {  	_ =	shalt  }
0x56: {  	_ =	shalt  }
0x57: {  	_ =	shalt  }
0x58: {  	_ =	shalt  }
0x59: {  	_ =	shalt  }
0x5a: {  	_ =	shalt  }
0x5b: {  	_ =	shalt  }
0x5c: {  	_ =	shalt  }
0x5d: {  	_ =	shalt  }
0x5e: {  	_ =	shalt  }
0x5f: {  	_ =	shalt  }
0x60: {  	_ =	shalt  }
0x61: {  	_ =	shalt  }
0x62: {  	_ =	shalt  }
0x63: {  	_ =	shalt  }
0x64: {  	_ =	shalt  }
0x65: {  	_ =	shalt  }
0x66: {  	_ =	shalt  }
0x67: {  	_ =	shalt  }
0x68: {  	_ =	shalt  }
0x69: {  	_ =	shalt  }
0x6a: {  	_ =	shalt  }
0x6b: {  	_ =	shalt  }
0x6c: {  	_ =	shalt  }
0x6d: {  	_ =	shalt  }
0x6e: {  	_ =	shalt  }
0x6f: {  	_ =	shalt  }
0x70: {  	_ =	shalt  }
0x71: {  	_ =	shalt  }
0x72: {  	_ =	shalt  }
0x73: {  	_ =	shalt  }
0x74: {  	_ =	shalt  }
0x75: {  	_ =	shalt  }
0x76: {  	_ =	shalt  }
0x77: {  	_ =	shalt  }
0x78: {  	_ =	shalt  }
0x79: {  	_ =	shalt  }
0x7a: {  	_ =	shalt  }
0x7b: {  	_ =	shalt  }
0x7c: {  	_ =	shalt  }
0x7d: {  	_ =	shalt  }
0x7e: {  	_ =	shalt  }
0x7f: {  	_ =	shalt  }
0x80: {  	_ =	shalt  }
0x81: {  	_ =	shalt  }
0x82: {  	_ =	shalt  }
0x83: {  	_ =	shalt  }
0x84: {  	_ =	shalt  }
0x85: {  	_ =	shalt  }
0x86: {  	_ =	shalt  }
0x87: {  	_ =	shalt  }
.Lfunc_end0:
.L_simem_size_0:
called_computation.1_lowered:
.L_overlay_start_0:
0x88: {  	s2 =	sld [smem:$0x3FD9]  }
0x89: {  	s3 =	sld [smem:$0x3FFE];
	_ =	sdelay $0x1  }
0x8a: {  	s1 =	srdreg.scid  }
0x8b: {  	s0 =	sand.u32 $0x1, s1  }
0x8c: {  	s14 =	sshll.u32 s0, $0xA;
	s2 =	sadd.s32 s3, s2  }
0x8d: {  	s2 =	sadd.s32 s2, s14  }
0x8e: {  	[smem:$0x3FC2] =	sst s2  }
0x8f: {  	_ = 	snop  }
0x90: {  	s2 =	sld [smem:$0x3FD0];
	_ =	sdelay $0x2  }
0x91: {  	s15 =	simm.s32 $0xA;
	s4 =	simm.s32 $0x10  }
0x92: {  	[smem:s4], [sflag:s15] =	dma.local [hbm:s2], $0x1  }
0x93: {  	_ =	swait.eq [sflag:s15], $0x1  }
0x94: {  	[sflag:s15] =	ssyncset.done $0x0  }
0x95: {  	[sflag:s15] =	ssyncadd.s32 $0xFFFFFFFF  }
0x96: {  	s16 =	sld [smem:$0x10];
	(tm) =	ssettm $0x1  }
0x97: {  	s17 =	sld [smem:$0x3FFB];
	_ =	sdelay $0x3  }
0x98: {  	_ =	strace s17  }
0x99: {  	s3 =	sld [smem:$0x3FFC];
	_ =	sdelay $0x3  }
0x9a: {  	_ =	strace s3  }
0x9b: {  	s3 =	sld [smem:$0x3FFD];
	_ =	sdelay $0x3  }
0x9c: {  	_ =	strace s3  }
0x9d: {  	_ =	strace $0x8FFFFFFF  }
0x9e: {  	s18 =	sld [smem:$0x3FDB];
	_ =	sdelay $0x1  }
0x9f: {  	s19 =	simm.s32 $_scs_section_size  }
0xa0: {  	s5 =	simm.s32 $_size__tile_overlayer_lowered;
	s6 =	simm.s32 $_tile_overlayer_lowered  }
0xa1: {  	s22 =	simm.s32 $0x1BFF;
	s21 =	sshll.u32 s6, $0x1;
	s3 =	sadd.s32 s19, s18  }
0xa2: {  	s7 =	simm.s32 $0x0;
	s20 =	sshll.u32 s5, $0x1;
	s5 =	sadd.s32 s21, s3  }
0xa3: {  	[timem:s7], [sflag:s22] =	dma.local [hbm:s5], s20  }
0xa4: {  	_ =	swait.ge [sflag:s22], s20  }
0xa5: {  	s4 =	ssub.s32 $0x0, s20;
	[sflag:s22] =	ssyncset.done $0x0  }
0xa6: {  	[sflag:s22] =	ssyncadd.s32 s4;
	_ =	sdelay $0x1  }
0xa7: {  	s23 =	simm.s32 $0x1B8B  }
0xa8: {  	_ =	swait.ge [sflag:s23], $0x1  }
0xa9: {  	[sflag:s23] =	ssyncset.done $0x0  }
0xaa: {  	s25 =	simm.s32 $0x1B8E;
	s24 =	sld [smem:$0x3FFE];
	[sflag:s23] =	ssyncadd.s32 $0xFFFFFFFF  }
0xab: {  	s26 =	simm.s32 $execute0_lowered;
	[smem:$0x3FD2] =	sst s25  }
0xac: {  	s5 =	sshll.u32 s26, $0x1;
	_ =	strace $0x80000049;
	[dreg:$0x1] =	wrdreg $0xFFFFFFFF  }
0xad: {  	s28 =	simm.s32 $_size_execute0_lowered;
	s3 =	sadd.s32 s3, s5;
	[dreg:$0x0] =	wrdreg $0x0  }
0xae: {  	s5 =	sshll.u32 s28, $0x1;
	[dreg:$0x2] =	wrdreg s3  }
0xaf: {  	[dreg:$0x3] =	wrdreg s5  }
0xb0: {  	[dreg:$0x4] =	wrdreg $0xC0  }
0xb1: {  	_ =	task [dreg:s7], $0x5FFFF  }
0xb2: {  	[dreg:$0x1] =	wrdreg $0xFFFFFFFF  }
0xb3: {  	[dreg:$0x0] =	wrdreg $0x60  }
0xb4: {  	[dreg:$0x2] =	wrdreg s16  }
0xb5: {  	[dreg:$0x3] =	wrdreg s24  }
0xb6: {  	[dreg:$0x4] =	wrdreg $0xB8000  }
0xb7: {  	[dreg:$0x5] =	wrdreg $0x9  }
0xb8: {  	_ =	task.clear_ibuf [dreg:s7], $0x6FFFF;
	_ =	strace $0x90000049  }
0xb9: {  	s29 =	simm.s32 $0x9;
	_ =	strace $0x8000004B  }
0xba: {  	_ =	swait.ge [sflag:s29], $0x1  }
0xbb: {  	[sflag:s29] =	ssyncadd.s32 $0xFFFFFFFF  }
0xbc: {  	_ =	strace $0x9000004B  }
0xbd: {  	_ =	sfence  }
0xbe: {  	s30 =	sld [smem:$0x0];
	_ =	sdelay $0x2  }
0xbf: {  	s31 =	sshll.u32 s1, $0xD;
	s1 =	sshrl.u32 s1, $0x2  }
0xc0: {  	s3 =	sand.u32 $0x4000, s31;
	s1 =	sadd.s32 s1, s30  }
0xc1: {  	s0 =	sor.u32 s3, s0;
	s1 =	sshll.u32 s1, $0x11  }
0xc2: {  	s0 =	sor.u32 s1, s0  }
0xc3: {  	s0 =	sadd.s32 $0x8F2B, s0  }
0xc4: {  	[sflag:s0] =	ssyncadd.remote.s32 $0x1  }
0xc5: {  	_ =	sfence.sel $0xFFFF  }
0xc6: {  	[dreg:$0x0] =	wrdreg $0xFFFFFFFF;
	(pc) =	sbr.abs _section_cstart, $3  }
0xc7: {  	[dreg:$0x1] =	wrdreg $0xFFFFFFFF  }
0xc8: {  	_ =	task.clear_ibuf [dreg:s7], $0x2FFFF;
	_ =	strace $0x9FFFFFFF  }
0xc9: {  	(tm) =	ssettm $0x7FFFFFFF  }
tec
execute0_lowered:
.L_overlay_start_1:
0x0: {  	(tag) =	ssettag $0x1  }
0x1: {  	s1 =	rddreg [dreg:$0x0]  }
0x2: {  	s0 =	rddreg [dreg:$0x1]  }
0x3: {  	s2 =	rddreg [dreg:$0x2];
	s3 =	simm.s32 $0x0  }
0x4: {  	s4 =	simm.s32 $0x280;
	[smem:$0x7FF] =	sst s3  }
0x5: {  	s18 =	simm.s32 $0x300;
	_ =	strace $0x8000004A;
	[dreg:$0x4] =	wrdreg s4  }
0x6: {  	s19 =	simm.s32 $0x380;
	[dreg:$0x5] =	wrdreg s18  }
0x7: {  	s20 =	simm.s32 $0xE80;
	[dreg:$0x6] =	wrdreg s19  }
0x8: {  	s21 =	simm.s32 $0x400;
	[dreg:$0x7] =	wrdreg s20  }
0x9: {  	s22 =	simm.s32 $0xF00;
	[dreg:$0x8] =	wrdreg s21  }
0xa: {  	s23 =	simm.s32 $0x480;
	[dreg:$0x9] =	wrdreg s22  }
0xb: {  	s25 =	simm.s32 $0xF80;
	[dreg:$0xa] =	wrdreg s23  }
0xc: {  	s26 =	simm.s32 $0x500;
	[dreg:$0xb] =	wrdreg s25  }
0xd: {  	s8 =	simm.s32 $0x1000;
	[dreg:$0xc] =	wrdreg s26  }
0xe: {  	s10 =	simm.s32 $0x580;
	[dreg:$0xd] =	wrdreg s8  }
0xf: {  	s12 =	simm.s32 $0x1080;
	[dreg:$0xe] =	wrdreg s10  }
0x10: {  	s13 =	simm.s32 $0x600;
	[dreg:$0xf] =	wrdreg s12  }
0x11: {  	s5 =	srdreg.scid;
	s14 =	simm.s32 $0x1100;
	[dreg:$0x10] =	wrdreg s13  }
0x12: {  	s9 =	stileid.u32;
	s15 =	simm.s32 $0x680;
	[dreg:$0x11] =	wrdreg s14  }
0x13: {  	s16 =	simm.s32 $0x1180;
	s17 =	simm.s32 $0x700;
	[dreg:$0x12] =	wrdreg s15  }
0x14: {  	s28 =	simm.s32 $0x9000;
	s29 =	simm.s32 $0x2;
	[dreg:$0x13] =	wrdreg s16  }
0x15: {  	s30 =	simm.s32 $0xC80;
	[dreg:$0x14] =	wrdreg s17;
	s18 =	simm.s32 $0x1200  }
0x16: {  	s31 =	simm.s32 $0x200;
	s19 =	simm.s32 $0x780;
	[dreg:$0x15] =	wrdreg s18  }
0x17: {  	s5 =	sand.u32 $0x1, s5;
	s21 =	simm.s32 $0x1280;
	[dreg:$0x16] =	wrdreg s19  }
0x18: {  	s7 =	sshll.u32 s9, $0xB;
	s22 =	simm.s32 $0x800;
	[dreg:$0x17] =	wrdreg s21  }
0x19: {  	s6 =	sshll.u32 s5, $0xF;
	s26 =	simm.s32 $0x880;
	[dreg:$0x18] =	wrdreg s22  }
0x1a: {  	s24 =	smul.u32 $0x28000, s5;
	s10 =	simm.s32 $0x1380;
	[dreg:$0x1a] =	wrdreg s26  }
0x1b: {  	s5 =	ssub.s32 $0x2, s5;
	s12 =	simm.s32 $0x900;
	[dreg:$0x1b] =	wrdreg s10  }
0x1c: {  	s8 =	smul.u32 $0x50000, s9;
	s14 =	simm.s32 $0x1400;
	[dreg:$0x1c] =	wrdreg s12  }
0x1d: {  	s16 =	simm.s32 $0x980;
	s4 =	simm.s32 $0xD00;
	[dreg:$0x1d] =	wrdreg s14  }
0x1e: {  	s6 =	sor.u32 s7, s6;
	s11 =	sshrl.u32 s5, $0x1;
	[dreg:$0x1e] =	wrdreg s16  }
0x1f: {  	s18 =	simm.s32 $0x1480;
	s16 =	simm.s32 $0x1800;
	s19 =	simm.s32 $0xA00  }
0x20: {  	s21 =	simm.s32 $0x1500;
	s22 =	simm.s32 $0xA80;
	[dreg:$0x1f] =	wrdreg s18  }
0x21: {  	s26 =	simm.s32 $0xB80;
	s10 =	simm.s32 $0xE00;
	[smem:$0x7F5] =	sst s19  }
0x22: {  	s12 =	simm.s32 $0x1700;
	s14 =	simm.s32 $0x0;
	[smem:$0x7F6] =	sst s21  }
0x23: {  	s6 =	sadd.s32 s6, s0;
	s0 =	sadd.s32 s24, s0;
	[smem:$0x7F7] =	sst s22  }
0x24: {  	s7 =	ssub.s32 s5, s11;
	s24 =	simm.s32 $0x1300;
	[smem:$0x7FB] =	sst s26  }
0x25: {  	s8 =	sshrl.u32 s8, $0x2;
	s7 =	smax.u32 s7, $0x1;
	[dreg:$0x19] =	wrdreg s24  }
0x26: {  	s18 =	simm.s32 $0xC00;
	s24 =	simm.s32 $0xB00;
	[smem:$0x7ED] =	sst s7  }
0x27: {  	s19 =	simm.s32 $0x50;
	s20 =	sadd.s32 s8, s2;
	[smem:$0x7F9] =	sst s24  }
0x28: {  	s21 =	simm.s32 $0x4000;
	s23 =	sadd.s32 $0x2800, s20;
	[smem:$0x7FD] =	sst s20  }
0x29: {  	s22 =	simm.s32 $0x100;
	s25 =	sadd.s32 $0x5000, s20;
	[smem:$0x7EE] =	sst s23  }
0x2a: {  	s8 =	smul.u32 $0x2800, s9;
	s9 =	sadd.s32 $0x7800, s20;
	[smem:$0x7EF] =	sst s25  }
0x2b: {  	s26 =	simm.s32 $0x180;
	s11 =	sadd.s32 $0xA000, s20;
	[smem:$0x7F0] =	sst s9  }
0x2c: {  	s5 =	sadd.s32 $0x11E00, s6;
	s13 =	sadd.s32 $0xC800, s20;
	[smem:$0x7F1] =	sst s11  }
0x2d: {  	s6 =	sadd.s32 $0x1E00, s6;
	s15 =	sadd.s32 $0xF000, s20;
	[smem:$0x7F2] =	sst s13  }
0x2e: {  	s0 =	sadd.s32 $0x21E00, s0;
	s17 =	sadd.s32 $0x11800, s20;
	[smem:$0x7F3] =	sst s15  }
0x2f: {  	[smem:$0x7F4] =	sst s17;
	s17 =	simm.s32 $0x5;
	s23 =	simm.s32 $0x1580  }
0x30: {  	s25 =	simm.s32 $0x1600;
	s0 =	sadd.s32 s8, s0;
	s8 =	simm.s32 $0x4  }
0x31: {  	s9 =	simm.s32 $0xD80;
	s11 =	simm.s32 $0x1680;
	[smem:$0x7F8] =	sst s23  }
0x32: {  	s13 =	simm.s32 $0x1780;
	[smem:$0x7FA] =	sst s25;
	s23 =	simm.s32 $0x6800  }
0x33: {  	v0 =	vimm.f32 $0.0e+00;
	[smem:$0x7FC] =	sst s0;
	s25 =	simm.s32 $0x1;
	s0 =	simm.s32 $0x3  }
.LBB2_1:
0x34: {  	s15 =	simm.s32 $0x0;
	s24 =	simm.s32 $0x200  }
.LBB2_2:
0x35: {  	p0 =	sne.s32 s24, $0x9E00;
	[tilespmem:s15+$0x1870] =	vst v0  }
0x36: {  	[tilespmem:s15+$0x1800] =	vst v0  }
0x37: {  	[tilespmem:s15+$0x1810] =	vst v0  }
.Ltmp0:
0x38: {  	[tilespmem:s15+$0x1820] =	vst v0;
	(pc) =	sbr.rel @p0 .LBB2_2-.Ltmp0, $4  }
0x39: {  	[tilespmem:s15+$0x1830] =	vst v0  }
0x3a: {  	[tilespmem:s15+$0x1840] =	vst v0  }
0x3b: {  	[tilespmem:s15+$0x1850] =	vst v0  }
0x3c: {  	[tilespmem:s15+$0x1860] =	vst v0;
	s15 =	sshra.s32 s24, $0x2;
	s24 =	sadd.s32 $0x200, s24  }
0x3d: {  	[tilespmem:s15+$0x1870] =	vst v0  }
0x3e: {  	[tilespmem:s15+$0x1800] =	vst v0  }
0x3f: {  	[tilespmem:s15+$0x1810] =	vst v0  }
0x40: {  	[tilespmem:s15+$0x1820] =	vst v0  }
0x41: {  	[tilespmem:s15+$0x1830] =	vst v0  }
0x42: {  	[tilespmem:s15+$0x1840] =	vst v0  }
0x43: {  	[tilespmem:s15+$0x1850] =	vst v0  }
0x44: {  	[smem:$0x7EC] =	sst s14;
	[tilespmem:s15+$0x1860] =	vst v0  }
0x45: {  	[spmem:s20] =	stream.linear.scatter [tilespmem:s16], [sflag:$0x5], $0x2800, $0x38;
	[tilespmem:$0x1F800] =	vst v63  }
0x46: {  	_ =	swait.ge [sflag:s17], $0x2800  }
0x47: {  	s7 =	sld [smem:$0x7EE]  }
0x48: {  	[sflag:s17] =	ssyncset.done $0x0  }
0x49: {  	[sflag:s17] =	ssyncadd.s32 $0xFFFFD800  }
0x4a: {  	[spmem:s7] =	stream.linear.scatter [tilespmem:s16], [sflag:$0x5], $0x2800, $0x38;
	[tilespmem:$0x1F800] =	vst v63  }
0x4b: {  	_ =	swait.ge [sflag:s17], $0x2800  }
0x4c: {  	s14 =	sld [smem:$0x7EF]  }
0x4d: {  	[sflag:s17] =	ssyncset.done $0x0  }
0x4e: {  	[sflag:s17] =	ssyncadd.s32 $0xFFFFD800  }
0x4f: {  	[spmem:s14] =	stream.linear.scatter [tilespmem:s16], [sflag:$0x5], $0x2800, $0x38;
	[tilespmem:$0x1F800] =	vst v63  }
0x50: {  	_ =	swait.ge [sflag:s17], $0x2800  }
0x51: {  	s15 =	sld [smem:$0x7F0]  }
0x52: {  	[sflag:s17] =	ssyncset.done $0x0  }
0x53: {  	[sflag:s17] =	ssyncadd.s32 $0xFFFFD800  }
0x54: {  	[spmem:s15] =	stream.linear.scatter [tilespmem:s16], [sflag:$0x5], $0x2800, $0x38;
	[tilespmem:$0x1F800] =	vst v63  }
0x55: {  	_ =	swait.ge [sflag:s17], $0x2800  }
0x56: {  	s20 =	sld [smem:$0x7F1]  }
0x57: {  	[sflag:s17] =	ssyncset.done $0x0  }
0x58: {  	[sflag:s17] =	ssyncadd.s32 $0xFFFFD800  }
0x59: {  	[spmem:s20] =	stream.linear.scatter [tilespmem:s16], [sflag:$0x5], $0x2800, $0x38;
	[tilespmem:$0x1F800] =	vst v63  }
0x5a: {  	_ =	swait.ge [sflag:s17], $0x2800  }
0x5b: {  	s24 =	sld [smem:$0x7F2]  }
0x5c: {  	[sflag:s17] =	ssyncset.done $0x0  }
0x5d: {  	[sflag:s17] =	ssyncadd.s32 $0xFFFFD800  }
0x5e: {  	[spmem:s24] =	stream.linear.scatter [tilespmem:s16], [sflag:$0x5], $0x2800, $0x38;
	[tilespmem:$0x1F800] =	vst v63  }
0x5f: {  	_ =	swait.ge [sflag:s17], $0x2800  }
0x60: {  	s14 =	sld [smem:$0x7F3]  }
0x61: {  	[sflag:s17] =	ssyncset.done $0x0  }
0x62: {  	[sflag:s17] =	ssyncadd.s32 $0xFFFFD800  }
0x63: {  	[spmem:s14] =	stream.linear.scatter [tilespmem:s16], [sflag:$0x5], $0x2800, $0x38;
	[tilespmem:$0x1F800] =	vst v63  }
0x64: {  	_ =	swait.ge [sflag:s17], $0x2800  }
0x65: {  	s15 =	sld [smem:$0x7F4]  }
0x66: {  	[sflag:s17] =	ssyncset.done $0x0  }
0x67: {  	[sflag:s17] =	ssyncadd.s32 $0xFFFFD800  }
0x68: {  	[spmem:s15] =	stream.linear.scatter [tilespmem:s16], [sflag:$0x5], $0x2800, $0x38;
	[tilespmem:$0x1F800] =	vst v63  }
0x69: {  	_ =	swait.ge [sflag:s17], $0x2800  }
0x6a: {  	[sflag:s17] =	ssyncset.done $0x0  }
0x6b: {  	[sflag:s17] =	ssyncadd.s32 $0xFFFFD800  }
0x6c: {  	s20 =	sadd.s32 $0x0, s5;
	[bflag:$0x0] =	sbarrier.arrive $0xFFFF  }
0x6d: {  	[tilespmem:s3], [sflag:$0x5] =	stream.linear.gather [hbm4b:s20+s3], $0xC00, $0x38;
	[tilespmem:$0x1F800] =	vst v63  }
0x6e: {  	_ =	swait.ge [sflag:s17], $0xC00  }
0x6f: {  	[sflag:s17] =	ssyncset.done $0x0  }
0x70: {  	s24 =	sadd.s32 $0x0, s6;
	[sflag:s17] =	ssyncadd.s32 $0xFFFFF400  }
0x71: {  	[tilespmem:s18], [sflag:$0x5] =	stream.linear.gather [hbm4b:s24+s3], $0xC00, $0x38;
	[tilespmem:$0x1F800] =	vst v63  }
0x72: {  	_ =	swait.ge [sflag:s17], $0xC00  }
0x73: {  	[sflag:s17] =	ssyncset.done $0x0  }
0x74: {  	[sflag:s17] =	ssyncadd.s32 $0xFFFFF400  }
0x75: {  	[tilespmem:s16], [sflag:$0x1] =	stream.indirect.gather [hbm4b:s1+s19], $0x80, s3, s19, $0xb8;
	[tilespmem:$0x1F800] =	vst v63  }
0x76: {  	s14 =	simm.s32 $0x80  }
0x77: {  	[tilespmem:s21], [sflag:$0x2] =	stream.indirect.gather [hbm4b:s1+s19], $0x80, s14, s19, $0xb8;
	[tilespmem:$0x1F800] =	vst v63  }
0x78: {  	_ = 	snop  }
0x79: {  	[tilespmem:s23], [sflag:$0x3] =	stream.indirect.gather [hbm4b:s1+s19], $0x80, s22, s19, $0xb8;
	[tilespmem:$0x1F800] =	vst v63  }
0x7a: {  	_ =	swait.ge [sflag:s25], $0x2800  }
0x7b: {  	[sflag:s25] =	ssyncset.done $0x0  }
0x7c: {  	[sflag:s25] =	ssyncadd.s32 $0xFFFFD800  }
0x7d: {  	[spmem:s2] =	stream.indirect.scatter.add.f32 [tilespmem:s16], [sflag:$0x5], $0x80, s18, s19, $0xb8;
	[tilespmem:$0x1F800] =	vst v63  }
0x7e: {  	_ =	swait.ge [sflag:s17], $0x2800  }
0x7f: {  	[sflag:s17] =	ssyncset.done $0x0  }
0x80: {  	[sflag:s17] =	ssyncadd.s32 $0xFFFFD800  }
0x81: {  	[tilespmem:s28], [sflag:$0x4] =	stream.indirect.gather [hbm4b:s1+s19], $0x80, s26, s19, $0xb8;
	[tilespmem:$0x1F800] =	vst v63  }
0x82: {  	_ =	swait.ge [sflag:s29], $0x2800  }
0x83: {  	[sflag:s29] =	ssyncset.done $0x0  }
0x84: {  	[sflag:s29] =	ssyncadd.s32 $0xFFFFD800  }
0x85: {  	[spmem:s2] =	stream.indirect.scatter.add.f32 [tilespmem:s21], [sflag:$0x5], $0x80, s30, s19, $0xb8;
	[tilespmem:$0x1F800] =	vst v63  }
0x86: {  	_ =	swait.ge [sflag:s17], $0x2800  }
0x87: {  	[sflag:s17] =	ssyncset.done $0x0  }
0x88: {  	[sflag:s17] =	ssyncadd.s32 $0xFFFFD800  }
0x89: {  	[tilespmem:s16], [sflag:$0x1] =	stream.indirect.gather [hbm4b:s1+s19], $0x80, s31, s19, $0xb8;
	[tilespmem:$0x1F800] =	vst v63  }
0x8a: {  	_ =	swait.ge [sflag:s0], $0x2800  }
0x8b: {  	[sflag:s0] =	ssyncset.done $0x0  }
0x8c: {  	[sflag:s0] =	ssyncadd.s32 $0xFFFFD800  }
0x8d: {  	[spmem:s2] =	stream.indirect.scatter.add.f32 [tilespmem:s23], [sflag:$0x5], $0x80, s4, s19, $0xb8;
	[tilespmem:$0x1F800] =	vst v63  }
0x8e: {  	_ =	swait.ge [sflag:s17], $0x2800  }
0x8f: {  	[sflag:s17] =	ssyncset.done $0x0  }
0x90: {  	s15 =	rddreg [dreg:$0x4];
	[sflag:s17] =	ssyncadd.s32 $0xFFFFD800  }
0x91: {  	[tilespmem:s21], [sflag:$0x2] =	stream.indirect.gather [hbm4b:s1+s19], $0x80, s15, s19, $0xb8;
	[tilespmem:$0x1F800] =	vst v63  }
0x92: {  	_ =	swait.ge [sflag:s8], $0x2800  }
0x93: {  	[sflag:s8] =	ssyncset.done $0x0  }
0x94: {  	[sflag:s8] =	ssyncadd.s32 $0xFFFFD800  }
0x95: {  	[spmem:s2] =	stream.indirect.scatter.add.f32 [tilespmem:s28], [sflag:$0x5], $0x80, s9, s19, $0xb8;
	[tilespmem:$0x1F800] =	vst v63  }
0x96: {  	_ =	swait.ge [sflag:s17], $0x2800  }
0x97: {  	[sflag:s17] =	ssyncset.done $0x0  }
0x98: {  	s20 =	rddreg [dreg:$0x5];
	[sflag:s17] =	ssyncadd.s32 $0xFFFFD800  }
0x99: {  	[tilespmem:s23], [sflag:$0x3] =	stream.indirect.gather [hbm4b:s1+s19], $0x80, s20, s19, $0xb8;
	[tilespmem:$0x1F800] =	vst v63  }
0x9a: {  	_ =	swait.ge [sflag:s25], $0x2800  }
0x9b: {  	[sflag:s25] =	ssyncset.done $0x0  }
0x9c: {  	[sflag:s25] =	ssyncadd.s32 $0xFFFFD800  }
0x9d: {  	[spmem:s2] =	stream.indirect.scatter.add.f32 [tilespmem:s16], [sflag:$0x5], $0x80, s10, s19, $0xb8;
	[tilespmem:$0x1F800] =	vst v63  }
0x9e: {  	_ =	swait.ge [sflag:s17], $0x2800  }
0x9f: {  	[sflag:s17] =	ssyncset.done $0x0  }
0xa0: {  	s24 =	rddreg [dreg:$0x6];
	[sflag:s17] =	ssyncadd.s32 $0xFFFFD800  }
0xa1: {  	[tilespmem:s28], [sflag:$0x4] =	stream.indirect.gather [hbm4b:s1+s19], $0x80, s24, s19, $0xb8;
	[tilespmem:$0x1F800] =	vst v63  }
0xa2: {  	_ =	swait.ge [sflag:s29], $0x2800  }
0xa3: {  	[sflag:s29] =	ssyncset.done $0x0  }
0xa4: {  	s14 =	rddreg [dreg:$0x7];
	[sflag:s29] =	ssyncadd.s32 $0xFFFFD800  }
0xa5: {  	[spmem:s2] =	stream.indirect.scatter.add.f32 [tilespmem:s21], [sflag:$0x5], $0x80, s14, s19, $0xb8;
	[tilespmem:$0x1F800] =	vst v63  }
0xa6: {  	_ =	swait.ge [sflag:s17], $0x2800  }
0xa7: {  	[sflag:s17] =	ssyncset.done $0x0  }
0xa8: {  	s15 =	rddreg [dreg:$0x8];
	[sflag:s17] =	ssyncadd.s32 $0xFFFFD800  }
0xa9: {  	[tilespmem:s16], [sflag:$0x1] =	stream.indirect.gather [hbm4b:s1+s19], $0x80, s15, s19, $0xb8;
	[tilespmem:$0x1F800] =	vst v63  }
0xaa: {  	_ =	swait.ge [sflag:s0], $0x2800  }
0xab: {  	[sflag:s0] =	ssyncset.done $0x0  }
0xac: {  	s20 =	rddreg [dreg:$0x9];
	[sflag:s0] =	ssyncadd.s32 $0xFFFFD800  }
0xad: {  	[spmem:s2] =	stream.indirect.scatter.add.f32 [tilespmem:s23], [sflag:$0x5], $0x80, s20, s19, $0xb8;
	[tilespmem:$0x1F800] =	vst v63  }
0xae: {  	_ =	swait.ge [sflag:s17], $0x2800  }
0xaf: {  	[sflag:s17] =	ssyncset.done $0x0  }
0xb0: {  	s24 =	rddreg [dreg:$0xa];
	[sflag:s17] =	ssyncadd.s32 $0xFFFFD800  }
0xb1: {  	[tilespmem:s21], [sflag:$0x2] =	stream.indirect.gather [hbm4b:s1+s19], $0x80, s24, s19, $0xb8;
	[tilespmem:$0x1F800] =	vst v63  }
0xb2: {  	_ =	swait.ge [sflag:s8], $0x2800  }
0xb3: {  	[sflag:s8] =	ssyncset.done $0x0  }
0xb4: {  	s14 =	rddreg [dreg:$0xb];
	[sflag:s8] =	ssyncadd.s32 $0xFFFFD800  }
0xb5: {  	[spmem:s2] =	stream.indirect.scatter.add.f32 [tilespmem:s28], [sflag:$0x5], $0x80, s14, s19, $0xb8;
	[tilespmem:$0x1F800] =	vst v63  }
0xb6: {  	_ =	swait.ge [sflag:s17], $0x2800  }
0xb7: {  	[sflag:s17] =	ssyncset.done $0x0  }
0xb8: {  	s15 =	rddreg [dreg:$0xc];
	[sflag:s17] =	ssyncadd.s32 $0xFFFFD800  }
0xb9: {  	[tilespmem:s23], [sflag:$0x3] =	stream.indirect.gather [hbm4b:s1+s19], $0x80, s15, s19, $0xb8;
	[tilespmem:$0x1F800] =	vst v63  }
0xba: {  	_ =	swait.ge [sflag:s25], $0x2800  }
0xbb: {  	[sflag:s25] =	ssyncset.done $0x0  }
0xbc: {  	s20 =	rddreg [dreg:$0xd];
	[sflag:s25] =	ssyncadd.s32 $0xFFFFD800  }
0xbd: {  	[spmem:s2] =	stream.indirect.scatter.add.f32 [tilespmem:s16], [sflag:$0x5], $0x80, s20, s19, $0xb8;
	[tilespmem:$0x1F800] =	vst v63  }
0xbe: {  	_ =	swait.ge [sflag:s17], $0x2800  }
0xbf: {  	[sflag:s17] =	ssyncset.done $0x0  }
0xc0: {  	s24 =	rddreg [dreg:$0xe];
	[sflag:s17] =	ssyncadd.s32 $0xFFFFD800  }
0xc1: {  	[tilespmem:s28], [sflag:$0x4] =	stream.indirect.gather [hbm4b:s1+s19], $0x80, s24, s19, $0xb8;
	[tilespmem:$0x1F800] =	vst v63  }
0xc2: {  	_ =	swait.ge [sflag:s29], $0x2800  }
0xc3: {  	[sflag:s29] =	ssyncset.done $0x0  }
0xc4: {  	s14 =	rddreg [dreg:$0xf];
	[sflag:s29] =	ssyncadd.s32 $0xFFFFD800  }
0xc5: {  	[spmem:s2] =	stream.indirect.scatter.add.f32 [tilespmem:s21], [sflag:$0x5], $0x80, s14, s19, $0xb8;
	[tilespmem:$0x1F800] =	vst v63  }
0xc6: {  	_ =	swait.ge [sflag:s17], $0x2800  }
0xc7: {  	[sflag:s17] =	ssyncset.done $0x0  }
0xc8: {  	s15 =	rddreg [dreg:$0x10];
	[sflag:s17] =	ssyncadd.s32 $0xFFFFD800  }
0xc9: {  	[tilespmem:s16], [sflag:$0x1] =	stream.indirect.gather [hbm4b:s1+s19], $0x80, s15, s19, $0xb8;
	[tilespmem:$0x1F800] =	vst v63  }
0xca: {  	_ =	swait.ge [sflag:s0], $0x2800  }
0xcb: {  	[sflag:s0] =	ssyncset.done $0x0  }
0xcc: {  	s20 =	rddreg [dreg:$0x11];
	[sflag:s0] =	ssyncadd.s32 $0xFFFFD800  }
0xcd: {  	[spmem:s2] =	stream.indirect.scatter.add.f32 [tilespmem:s23], [sflag:$0x5], $0x80, s20, s19, $0xb8;
	[tilespmem:$0x1F800] =	vst v63  }
0xce: {  	_ =	swait.ge [sflag:s17], $0x2800  }
0xcf: {  	[sflag:s17] =	ssyncset.done $0x0  }
0xd0: {  	s24 =	rddreg [dreg:$0x12];
	[sflag:s17] =	ssyncadd.s32 $0xFFFFD800  }
0xd1: {  	[tilespmem:s21], [sflag:$0x2] =	stream.indirect.gather [hbm4b:s1+s19], $0x80, s24, s19, $0xb8;
	[tilespmem:$0x1F800] =	vst v63  }
0xd2: {  	_ =	swait.ge [sflag:s8], $0x2800  }
0xd3: {  	[sflag:s8] =	ssyncset.done $0x0  }
0xd4: {  	s14 =	rddreg [dreg:$0x13];
	[sflag:s8] =	ssyncadd.s32 $0xFFFFD800  }
0xd5: {  	[spmem:s2] =	stream.indirect.scatter.add.f32 [tilespmem:s28], [sflag:$0x5], $0x80, s14, s19, $0xb8;
	[tilespmem:$0x1F800] =	vst v63  }
0xd6: {  	_ =	swait.ge [sflag:s17], $0x2800  }
0xd7: {  	[sflag:s17] =	ssyncset.done $0x0  }
0xd8: {  	s15 =	rddreg [dreg:$0x14];
	[sflag:s17] =	ssyncadd.s32 $0xFFFFD800  }
0xd9: {  	[tilespmem:s23], [sflag:$0x3] =	stream.indirect.gather [hbm4b:s1+s19], $0x80, s15, s19, $0xb8;
	[tilespmem:$0x1F800] =	vst v63  }
0xda: {  	_ =	swait.ge [sflag:s25], $0x2800  }
0xdb: {  	[sflag:s25] =	ssyncset.done $0x0  }
0xdc: {  	s20 =	rddreg [dreg:$0x15];
	[sflag:s25] =	ssyncadd.s32 $0xFFFFD800  }
0xdd: {  	[spmem:s2] =	stream.indirect.scatter.add.f32 [tilespmem:s16], [sflag:$0x5], $0x80, s20, s19, $0xb8;
	[tilespmem:$0x1F800] =	vst v63  }
0xde: {  	_ =	swait.ge [sflag:s17], $0x2800  }
0xdf: {  	[sflag:s17] =	ssyncset.done $0x0  }
0xe0: {  	s24 =	rddreg [dreg:$0x16];
	[sflag:s17] =	ssyncadd.s32 $0xFFFFD800  }
0xe1: {  	[tilespmem:s28], [sflag:$0x4] =	stream.indirect.gather [hbm4b:s1+s19], $0x80, s24, s19, $0xb8;
	[tilespmem:$0x1F800] =	vst v63  }
0xe2: {  	_ =	swait.ge [sflag:s29], $0x2800  }
0xe3: {  	[sflag:s29] =	ssyncset.done $0x0  }
0xe4: {  	s14 =	rddreg [dreg:$0x17];
	[sflag:s29] =	ssyncadd.s32 $0xFFFFD800  }
0xe5: {  	[spmem:s2] =	stream.indirect.scatter.add.f32 [tilespmem:s21], [sflag:$0x5], $0x80, s14, s19, $0xb8;
	[tilespmem:$0x1F800] =	vst v63  }
0xe6: {  	_ =	swait.ge [sflag:s17], $0x2800  }
0xe7: {  	[sflag:s17] =	ssyncset.done $0x0  }
0xe8: {  	s15 =	rddreg [dreg:$0x18];
	[sflag:s17] =	ssyncadd.s32 $0xFFFFD800  }
0xe9: {  	[tilespmem:s16], [sflag:$0x1] =	stream.indirect.gather [hbm4b:s1+s19], $0x80, s15, s19, $0xb8;
	[tilespmem:$0x1F800] =	vst v63  }
0xea: {  	_ =	swait.ge [sflag:s0], $0x2800  }
0xeb: {  	[sflag:s0] =	ssyncset.done $0x0  }
0xec: {  	s20 =	rddreg [dreg:$0x19];
	[sflag:s0] =	ssyncadd.s32 $0xFFFFD800  }
0xed: {  	[spmem:s2] =	stream.indirect.scatter.add.f32 [tilespmem:s23], [sflag:$0x5], $0x80, s20, s19, $0xb8;
	[tilespmem:$0x1F800] =	vst v63  }
0xee: {  	_ =	swait.ge [sflag:s17], $0x2800  }
0xef: {  	[sflag:s17] =	ssyncset.done $0x0  }
0xf0: {  	s24 =	rddreg [dreg:$0x1a];
	[sflag:s17] =	ssyncadd.s32 $0xFFFFD800  }
0xf1: {  	[tilespmem:s21], [sflag:$0x2] =	stream.indirect.gather [hbm4b:s1+s19], $0x80, s24, s19, $0xb8;
	[tilespmem:$0x1F800] =	vst v63  }
0xf2: {  	_ =	swait.ge [sflag:s8], $0x2800  }
0xf3: {  	[sflag:s8] =	ssyncset.done $0x0  }
0xf4: {  	s14 =	rddreg [dreg:$0x1b];
	[sflag:s8] =	ssyncadd.s32 $0xFFFFD800  }
0xf5: {  	[spmem:s2] =	stream.indirect.scatter.add.f32 [tilespmem:s28], [sflag:$0x5], $0x80, s14, s19, $0xb8;
	[tilespmem:$0x1F800] =	vst v63  }
0xf6: {  	_ =	swait.ge [sflag:s17], $0x2800  }
0xf7: {  	[sflag:s17] =	ssyncset.done $0x0  }
0xf8: {  	s15 =	rddreg [dreg:$0x1c];
	[sflag:s17] =	ssyncadd.s32 $0xFFFFD800  }
0xf9: {  	[tilespmem:s23], [sflag:$0x3] =	stream.indirect.gather [hbm4b:s1+s19], $0x80, s15, s19, $0xb8;
	[tilespmem:$0x1F800] =	vst v63  }
0xfa: {  	_ =	swait.ge [sflag:s25], $0x2800  }
0xfb: {  	[sflag:s25] =	ssyncset.done $0x0  }
0xfc: {  	s20 =	rddreg [dreg:$0x1d];
	[sflag:s25] =	ssyncadd.s32 $0xFFFFD800  }
0xfd: {  	[spmem:s2] =	stream.indirect.scatter.add.f32 [tilespmem:s16], [sflag:$0x5], $0x80, s20, s19, $0xb8;
	[tilespmem:$0x1F800] =	vst v63  }
0xfe: {  	_ =	swait.ge [sflag:s17], $0x2800  }
0xff: {  	[sflag:s17] =	ssyncset.done $0x0  }
0x100: {  	s24 =	rddreg [dreg:$0x1e];
	[sflag:s17] =	ssyncadd.s32 $0xFFFFD800  }
0x101: {  	[tilespmem:s28], [sflag:$0x4] =	stream.indirect.gather [hbm4b:s1+s19], $0x80, s24, s19, $0xb8;
	[tilespmem:$0x1F800] =	vst v63  }
0x102: {  	_ =	swait.ge [sflag:s29], $0x2800  }
0x103: {  	[sflag:s29] =	ssyncset.done $0x0  }
0x104: {  	s14 =	rddreg [dreg:$0x1f];
	[sflag:s29] =	ssyncadd.s32 $0xFFFFD800  }
0x105: {  	[spmem:s2] =	stream.indirect.scatter.add.f32 [tilespmem:s21], [sflag:$0x5], $0x80, s14, s19, $0xb8;
	[tilespmem:$0x1F800] =	vst v63  }
0x106: {  	_ =	swait.ge [sflag:s17], $0x2800  }
0x107: {  	s15 =	sld [smem:$0x7F5]  }
0x108: {  	[sflag:s17] =	ssyncset.done $0x0  }
0x109: {  	[sflag:s17] =	ssyncadd.s32 $0xFFFFD800  }
0x10a: {  	[tilespmem:s16], [sflag:$0x1] =	stream.indirect.gather [hbm4b:s1+s19], $0x80, s15, s19, $0xb8;
	[tilespmem:$0x1F800] =	vst v63  }
0x10b: {  	_ =	swait.ge [sflag:s0], $0x2800  }
0x10c: {  	s20 =	sld [smem:$0x7F6]  }
0x10d: {  	[sflag:s0] =	ssyncset.done $0x0  }
0x10e: {  	[sflag:s0] =	ssyncadd.s32 $0xFFFFD800  }
0x10f: {  	[spmem:s2] =	stream.indirect.scatter.add.f32 [tilespmem:s23], [sflag:$0x5], $0x80, s20, s19, $0xb8;
	[tilespmem:$0x1F800] =	vst v63  }
0x110: {  	_ =	swait.ge [sflag:s17], $0x2800  }
0x111: {  	s24 =	sld [smem:$0x7F7]  }
0x112: {  	[sflag:s17] =	ssyncset.done $0x0  }
0x113: {  	[sflag:s17] =	ssyncadd.s32 $0xFFFFD800  }
0x114: {  	[tilespmem:s21], [sflag:$0x2] =	stream.indirect.gather [hbm4b:s1+s19], $0x80, s24, s19, $0xb8;
	[tilespmem:$0x1F800] =	vst v63  }
0x115: {  	_ =	swait.ge [sflag:s8], $0x2800  }
0x116: {  	s14 =	sld [smem:$0x7F8]  }
0x117: {  	[sflag:s8] =	ssyncset.done $0x0  }
0x118: {  	[sflag:s8] =	ssyncadd.s32 $0xFFFFD800  }
0x119: {  	[spmem:s2] =	stream.indirect.scatter.add.f32 [tilespmem:s28], [sflag:$0x5], $0x80, s14, s19, $0xb8;
	[tilespmem:$0x1F800] =	vst v63  }
0x11a: {  	_ =	swait.ge [sflag:s17], $0x2800  }
0x11b: {  	s15 =	sld [smem:$0x7F9]  }
0x11c: {  	[sflag:s17] =	ssyncset.done $0x0  }
0x11d: {  	[sflag:s17] =	ssyncadd.s32 $0xFFFFD800  }
0x11e: {  	[tilespmem:s23], [sflag:$0x3] =	stream.indirect.gather [hbm4b:s1+s19], $0x80, s15, s19, $0xb8;
	[tilespmem:$0x1F800] =	vst v63  }
0x11f: {  	_ =	swait.ge [sflag:s25], $0x2800  }
0x120: {  	s20 =	sld [smem:$0x7FA]  }
0x121: {  	[sflag:s25] =	ssyncset.done $0x0  }
0x122: {  	[sflag:s25] =	ssyncadd.s32 $0xFFFFD800  }
0x123: {  	[spmem:s2] =	stream.indirect.scatter.add.f32 [tilespmem:s16], [sflag:$0x5], $0x80, s20, s19, $0xb8;
	[tilespmem:$0x1F800] =	vst v63  }
0x124: {  	_ =	swait.ge [sflag:s17], $0x2800  }
0x125: {  	s24 =	sld [smem:$0x7FB]  }
0x126: {  	[sflag:s17] =	ssyncset.done $0x0  }
0x127: {  	[sflag:s17] =	ssyncadd.s32 $0xFFFFD800  }
0x128: {  	[tilespmem:s28], [sflag:$0x4] =	stream.indirect.gather [hbm4b:s1+s19], $0x80, s24, s19, $0xb8;
	[tilespmem:$0x1F800] =	vst v63  }
0x129: {  	_ =	swait.ge [sflag:s29], $0x2800  }
0x12a: {  	[sflag:s29] =	ssyncset.done $0x0  }
0x12b: {  	[sflag:s29] =	ssyncadd.s32 $0xFFFFD800  }
0x12c: {  	[spmem:s2] =	stream.indirect.scatter.add.f32 [tilespmem:s21], [sflag:$0x5], $0x80, s11, s19, $0xb8;
	[tilespmem:$0x1F800] =	vst v63  }
0x12d: {  	_ =	swait.ge [sflag:s17], $0x2800  }
0x12e: {  	[sflag:s17] =	ssyncset.done $0x0  }
0x12f: {  	[sflag:s17] =	ssyncadd.s32 $0xFFFFD800  }
0x130: {  	_ =	swait.ge [sflag:s0], $0x2800  }
0x131: {  	[sflag:s0] =	ssyncset.done $0x0  }
0x132: {  	[sflag:s0] =	ssyncadd.s32 $0xFFFFD800  }
0x133: {  	[spmem:s2] =	stream.indirect.scatter.add.f32 [tilespmem:s23], [sflag:$0x5], $0x80, s12, s19, $0xb8;
	[tilespmem:$0x1F800] =	vst v63  }
0x134: {  	_ =	swait.ge [sflag:s17], $0x2800  }
0x135: {  	[sflag:s17] =	ssyncset.done $0x0  }
0x136: {  	[sflag:s17] =	ssyncadd.s32 $0xFFFFD800  }
0x137: {  	_ =	swait.ge [sflag:s8], $0x2800  }
0x138: {  	[sflag:s8] =	ssyncset.done $0x0  }
0x139: {  	[sflag:s8] =	ssyncadd.s32 $0xFFFFD800  }
0x13a: {  	[spmem:s2] =	stream.indirect.scatter.add.f32 [tilespmem:s28], [sflag:$0x5], $0x80, s13, s19, $0xb8;
	[tilespmem:$0x1F800] =	vst v63  }
0x13b: {  	_ =	swait.ge [sflag:s17], $0x2800  }
0x13c: {  	s15 =	simm.s32 $0x180;
	s24 =	simm.s32 $0x300;
	[sflag:s17] =	ssyncset.done $0x0  }
.LBB2_4:
0x13d: {  	s14 =	sadd.s32 s15, s5;
	[sflag:s17] =	ssyncadd.s32 $0xFFFFD800  }
0x13e: {  	[tilespmem:s3], [sflag:$0x5] =	stream.linear.gather [hbm4b:s14+s3], $0xC00, $0x38;
	[tilespmem:$0x1F800] =	vst v63  }
0x13f: {  	_ =	swait.ge [sflag:s17], $0xC00  }
0x140: {  	s20 =	smov.u32 s24;
	s7 =	sadd.s32 $0x180, s24;
	[sflag:s17] =	ssyncset.done $0x0  }
0x141: {  	p0 =	sne.s32 s24, $0x600;
	s24 =	sadd.s32 s15, s6;
	[sflag:s17] =	ssyncadd.s32 $0xFFFFF400  }
0x142: {  	[tilespmem:s18], [sflag:$0x5] =	stream.linear.gather [hbm4b:s24+s3], $0xC00, $0x38;
	[tilespmem:$0x1F800] =	vst v63  }
0x143: {  	_ =	swait.ge [sflag:s17], $0xC00  }
0x144: {  	[sflag:s17] =	ssyncset.done $0x0  }
0x145: {  	[sflag:s17] =	ssyncadd.s32 $0xFFFFF400  }
0x146: {  	[tilespmem:s16], [sflag:$0x1] =	stream.indirect.gather [hbm4b:s1+s19], $0x80, s3, s19, $0xb8;
	[tilespmem:$0x1F800] =	vst v63  }
0x147: {  	s15 =	smov.u32 s20;
	s20 =	simm.s32 $0x80  }
0x148: {  	[tilespmem:s21], [sflag:$0x2] =	stream.indirect.gather [hbm4b:s1+s19], $0x80, s20, s19, $0xb8;
	[tilespmem:$0x1F800] =	vst v63  }
0x149: {  	_ = 	snop  }
0x14a: {  	[tilespmem:s23], [sflag:$0x3] =	stream.indirect.gather [hbm4b:s1+s19], $0x80, s22, s19, $0xb8;
	[tilespmem:$0x1F800] =	vst v63  }
0x14b: {  	_ =	swait.ge [sflag:s25], $0x2800  }
0x14c: {  	[sflag:s25] =	ssyncset.done $0x0  }
0x14d: {  	[sflag:s25] =	ssyncadd.s32 $0xFFFFD800  }
0x14e: {  	[spmem:s2] =	stream.indirect.scatter.add.f32 [tilespmem:s16], [sflag:$0x5], $0x80, s18, s19, $0xb8;
	[tilespmem:$0x1F800] =	vst v63  }
0x14f: {  	_ =	swait.ge [sflag:s17], $0x2800  }
0x150: {  	[sflag:s17] =	ssyncset.done $0x0  }
0x151: {  	[sflag:s17] =	ssyncadd.s32 $0xFFFFD800  }
0x152: {  	[tilespmem:s28], [sflag:$0x4] =	stream.indirect.gather [hbm4b:s1+s19], $0x80, s26, s19, $0xb8;
	[tilespmem:$0x1F800] =	vst v63  }
0x153: {  	_ =	swait.ge [sflag:s29], $0x2800  }
0x154: {  	[sflag:s29] =	ssyncset.done $0x0  }
0x155: {  	[sflag:s29] =	ssyncadd.s32 $0xFFFFD800  }
0x156: {  	[spmem:s2] =	stream.indirect.scatter.add.f32 [tilespmem:s21], [sflag:$0x5], $0x80, s30, s19, $0xb8;
	[tilespmem:$0x1F800] =	vst v63  }
0x157: {  	_ =	swait.ge [sflag:s17], $0x2800  }
0x158: {  	[sflag:s17] =	ssyncset.done $0x0  }
0x159: {  	[sflag:s17] =	ssyncadd.s32 $0xFFFFD800  }
0x15a: {  	[tilespmem:s16], [sflag:$0x1] =	stream.indirect.gather [hbm4b:s1+s19], $0x80, s31, s19, $0xb8;
	[tilespmem:$0x1F800] =	vst v63  }
0x15b: {  	_ =	swait.ge [sflag:s0], $0x2800  }
0x15c: {  	[sflag:s0] =	ssyncset.done $0x0  }
0x15d: {  	[sflag:s0] =	ssyncadd.s32 $0xFFFFD800  }
0x15e: {  	[spmem:s2] =	stream.indirect.scatter.add.f32 [tilespmem:s23], [sflag:$0x5], $0x80, s4, s19, $0xb8;
	[tilespmem:$0x1F800] =	vst v63  }
0x15f: {  	_ =	swait.ge [sflag:s17], $0x2800  }
0x160: {  	[sflag:s17] =	ssyncset.done $0x0  }
0x161: {  	s24 =	rddreg [dreg:$0x4];
	[sflag:s17] =	ssyncadd.s32 $0xFFFFD800  }
0x162: {  	[tilespmem:s21], [sflag:$0x2] =	stream.indirect.gather [hbm4b:s1+s19], $0x80, s24, s19, $0xb8;
	[tilespmem:$0x1F800] =	vst v63  }
0x163: {  	_ =	swait.ge [sflag:s8], $0x2800  }
0x164: {  	[sflag:s8] =	ssyncset.done $0x0  }
0x165: {  	[sflag:s8] =	ssyncadd.s32 $0xFFFFD800  }
0x166: {  	[spmem:s2] =	stream.indirect.scatter.add.f32 [tilespmem:s28], [sflag:$0x5], $0x80, s9, s19, $0xb8;
	[tilespmem:$0x1F800] =	vst v63  }
0x167: {  	_ =	swait.ge [sflag:s17], $0x2800  }
0x168: {  	[sflag:s17] =	ssyncset.done $0x0  }
0x169: {  	s24 =	rddreg [dreg:$0x5];
	[sflag:s17] =	ssyncadd.s32 $0xFFFFD800  }
0x16a: {  	[tilespmem:s23], [sflag:$0x3] =	stream.indirect.gather [hbm4b:s1+s19], $0x80, s24, s19, $0xb8;
	[tilespmem:$0x1F800] =	vst v63  }
0x16b: {  	_ =	swait.ge [sflag:s25], $0x2800  }
0x16c: {  	[sflag:s25] =	ssyncset.done $0x0  }
0x16d: {  	[sflag:s25] =	ssyncadd.s32 $0xFFFFD800  }
0x16e: {  	[spmem:s2] =	stream.indirect.scatter.add.f32 [tilespmem:s16], [sflag:$0x5], $0x80, s10, s19, $0xb8;
	[tilespmem:$0x1F800] =	vst v63  }
0x16f: {  	_ =	swait.ge [sflag:s17], $0x2800  }
0x170: {  	[sflag:s17] =	ssyncset.done $0x0  }
0x171: {  	s24 =	rddreg [dreg:$0x6];
	[sflag:s17] =	ssyncadd.s32 $0xFFFFD800  }
0x172: {  	[tilespmem:s28], [sflag:$0x4] =	stream.indirect.gather [hbm4b:s1+s19], $0x80, s24, s19, $0xb8;
	[tilespmem:$0x1F800] =	vst v63  }
0x173: {  	_ =	swait.ge [sflag:s29], $0x2800  }
0x174: {  	[sflag:s29] =	ssyncset.done $0x0  }
0x175: {  	s24 =	rddreg [dreg:$0x7];
	[sflag:s29] =	ssyncadd.s32 $0xFFFFD800  }
0x176: {  	[spmem:s2] =	stream.indirect.scatter.add.f32 [tilespmem:s21], [sflag:$0x5], $0x80, s24, s19, $0xb8;
	[tilespmem:$0x1F800] =	vst v63  }
0x177: {  	_ =	swait.ge [sflag:s17], $0x2800  }
0x178: {  	[sflag:s17] =	ssyncset.done $0x0  }
0x179: {  	s24 =	rddreg [dreg:$0x8];
	[sflag:s17] =	ssyncadd.s32 $0xFFFFD800  }
0x17a: {  	[tilespmem:s16], [sflag:$0x1] =	stream.indirect.gather [hbm4b:s1+s19], $0x80, s24, s19, $0xb8;
	[tilespmem:$0x1F800] =	vst v63  }
0x17b: {  	_ =	swait.ge [sflag:s0], $0x2800  }
0x17c: {  	[sflag:s0] =	ssyncset.done $0x0  }
0x17d: {  	s24 =	rddreg [dreg:$0x9];
	[sflag:s0] =	ssyncadd.s32 $0xFFFFD800  }
0x17e: {  	[spmem:s2] =	stream.indirect.scatter.add.f32 [tilespmem:s23], [sflag:$0x5], $0x80, s24, s19, $0xb8;
	[tilespmem:$0x1F800] =	vst v63  }
0x17f: {  	_ =	swait.ge [sflag:s17], $0x2800  }
0x180: {  	[sflag:s17] =	ssyncset.done $0x0  }
0x181: {  	s24 =	rddreg [dreg:$0xa];
	[sflag:s17] =	ssyncadd.s32 $0xFFFFD800  }
0x182: {  	[tilespmem:s21], [sflag:$0x2] =	stream.indirect.gather [hbm4b:s1+s19], $0x80, s24, s19, $0xb8;
	[tilespmem:$0x1F800] =	vst v63  }
0x183: {  	_ =	swait.ge [sflag:s8], $0x2800  }
0x184: {  	[sflag:s8] =	ssyncset.done $0x0  }
0x185: {  	s24 =	rddreg [dreg:$0xb];
	[sflag:s8] =	ssyncadd.s32 $0xFFFFD800  }
0x186: {  	[spmem:s2] =	stream.indirect.scatter.add.f32 [tilespmem:s28], [sflag:$0x5], $0x80, s24, s19, $0xb8;
	[tilespmem:$0x1F800] =	vst v63  }
0x187: {  	_ =	swait.ge [sflag:s17], $0x2800  }
0x188: {  	[sflag:s17] =	ssyncset.done $0x0  }
0x189: {  	s24 =	rddreg [dreg:$0xc];
	[sflag:s17] =	ssyncadd.s32 $0xFFFFD800  }
0x18a: {  	[tilespmem:s23], [sflag:$0x3] =	stream.indirect.gather [hbm4b:s1+s19], $0x80, s24, s19, $0xb8;
	[tilespmem:$0x1F800] =	vst v63  }
0x18b: {  	_ =	swait.ge [sflag:s25], $0x2800  }
0x18c: {  	[sflag:s25] =	ssyncset.done $0x0  }
0x18d: {  	s24 =	rddreg [dreg:$0xd];
	[sflag:s25] =	ssyncadd.s32 $0xFFFFD800  }
0x18e: {  	[spmem:s2] =	stream.indirect.scatter.add.f32 [tilespmem:s16], [sflag:$0x5], $0x80, s24, s19, $0xb8;
	[tilespmem:$0x1F800] =	vst v63  }
0x18f: {  	_ =	swait.ge [sflag:s17], $0x2800  }
0x190: {  	[sflag:s17] =	ssyncset.done $0x0  }
0x191: {  	s24 =	rddreg [dreg:$0xe];
	[sflag:s17] =	ssyncadd.s32 $0xFFFFD800  }
0x192: {  	[tilespmem:s28], [sflag:$0x4] =	stream.indirect.gather [hbm4b:s1+s19], $0x80, s24, s19, $0xb8;
	[tilespmem:$0x1F800] =	vst v63  }
0x193: {  	_ =	swait.ge [sflag:s29], $0x2800  }
0x194: {  	[sflag:s29] =	ssyncset.done $0x0  }
0x195: {  	s24 =	rddreg [dreg:$0xf];
	[sflag:s29] =	ssyncadd.s32 $0xFFFFD800  }
0x196: {  	[spmem:s2] =	stream.indirect.scatter.add.f32 [tilespmem:s21], [sflag:$0x5], $0x80, s24, s19, $0xb8;
	[tilespmem:$0x1F800] =	vst v63  }
0x197: {  	_ =	swait.ge [sflag:s17], $0x2800  }
0x198: {  	[sflag:s17] =	ssyncset.done $0x0  }
0x199: {  	s24 =	rddreg [dreg:$0x10];
	[sflag:s17] =	ssyncadd.s32 $0xFFFFD800  }
0x19a: {  	[tilespmem:s16], [sflag:$0x1] =	stream.indirect.gather [hbm4b:s1+s19], $0x80, s24, s19, $0xb8;
	[tilespmem:$0x1F800] =	vst v63  }
0x19b: {  	_ =	swait.ge [sflag:s0], $0x2800  }
0x19c: {  	[sflag:s0] =	ssyncset.done $0x0  }
0x19d: {  	s24 =	rddreg [dreg:$0x11];
	[sflag:s0] =	ssyncadd.s32 $0xFFFFD800  }
0x19e: {  	[spmem:s2] =	stream.indirect.scatter.add.f32 [tilespmem:s23], [sflag:$0x5], $0x80, s24, s19, $0xb8;
	[tilespmem:$0x1F800] =	vst v63  }
0x19f: {  	_ =	swait.ge [sflag:s17], $0x2800  }
0x1a0: {  	[sflag:s17] =	ssyncset.done $0x0  }
0x1a1: {  	s24 =	rddreg [dreg:$0x12];
	[sflag:s17] =	ssyncadd.s32 $0xFFFFD800  }
0x1a2: {  	[tilespmem:s21], [sflag:$0x2] =	stream.indirect.gather [hbm4b:s1+s19], $0x80, s24, s19, $0xb8;
	[tilespmem:$0x1F800] =	vst v63  }
0x1a3: {  	_ =	swait.ge [sflag:s8], $0x2800  }
0x1a4: {  	[sflag:s8] =	ssyncset.done $0x0  }
0x1a5: {  	s24 =	rddreg [dreg:$0x13];
	[sflag:s8] =	ssyncadd.s32 $0xFFFFD800  }
0x1a6: {  	[spmem:s2] =	stream.indirect.scatter.add.f32 [tilespmem:s28], [sflag:$0x5], $0x80, s24, s19, $0xb8;
	[tilespmem:$0x1F800] =	vst v63  }
0x1a7: {  	_ =	swait.ge [sflag:s17], $0x2800  }
0x1a8: {  	[sflag:s17] =	ssyncset.done $0x0  }
0x1a9: {  	s24 =	rddreg [dreg:$0x14];
	[sflag:s17] =	ssyncadd.s32 $0xFFFFD800  }
0x1aa: {  	[tilespmem:s23], [sflag:$0x3] =	stream.indirect.gather [hbm4b:s1+s19], $0x80, s24, s19, $0xb8;
	[tilespmem:$0x1F800] =	vst v63  }
0x1ab: {  	_ =	swait.ge [sflag:s25], $0x2800  }
0x1ac: {  	[sflag:s25] =	ssyncset.done $0x0  }
0x1ad: {  	s24 =	rddreg [dreg:$0x15];
	[sflag:s25] =	ssyncadd.s32 $0xFFFFD800  }
0x1ae: {  	[spmem:s2] =	stream.indirect.scatter.add.f32 [tilespmem:s16], [sflag:$0x5], $0x80, s24, s19, $0xb8;
	[tilespmem:$0x1F800] =	vst v63  }
0x1af: {  	_ =	swait.ge [sflag:s17], $0x2800  }
0x1b0: {  	[sflag:s17] =	ssyncset.done $0x0  }
0x1b1: {  	s24 =	rddreg [dreg:$0x16];
	[sflag:s17] =	ssyncadd.s32 $0xFFFFD800  }
0x1b2: {  	[tilespmem:s28], [sflag:$0x4] =	stream.indirect.gather [hbm4b:s1+s19], $0x80, s24, s19, $0xb8;
	[tilespmem:$0x1F800] =	vst v63  }
0x1b3: {  	_ =	swait.ge [sflag:s29], $0x2800  }
0x1b4: {  	[sflag:s29] =	ssyncset.done $0x0  }
0x1b5: {  	s24 =	rddreg [dreg:$0x17];
	[sflag:s29] =	ssyncadd.s32 $0xFFFFD800  }
0x1b6: {  	[spmem:s2] =	stream.indirect.scatter.add.f32 [tilespmem:s21], [sflag:$0x5], $0x80, s24, s19, $0xb8;
	[tilespmem:$0x1F800] =	vst v63  }
0x1b7: {  	_ =	swait.ge [sflag:s17], $0x2800  }
0x1b8: {  	[sflag:s17] =	ssyncset.done $0x0  }
0x1b9: {  	s24 =	rddreg [dreg:$0x18];
	[sflag:s17] =	ssyncadd.s32 $0xFFFFD800  }
0x1ba: {  	[tilespmem:s16], [sflag:$0x1] =	stream.indirect.gather [hbm4b:s1+s19], $0x80, s24, s19, $0xb8;
	[tilespmem:$0x1F800] =	vst v63  }
0x1bb: {  	_ =	swait.ge [sflag:s0], $0x2800  }
0x1bc: {  	[sflag:s0] =	ssyncset.done $0x0  }
0x1bd: {  	s24 =	rddreg [dreg:$0x19];
	[sflag:s0] =	ssyncadd.s32 $0xFFFFD800  }
0x1be: {  	[spmem:s2] =	stream.indirect.scatter.add.f32 [tilespmem:s23], [sflag:$0x5], $0x80, s24, s19, $0xb8;
	[tilespmem:$0x1F800] =	vst v63  }
0x1bf: {  	_ =	swait.ge [sflag:s17], $0x2800  }
0x1c0: {  	[sflag:s17] =	ssyncset.done $0x0  }
0x1c1: {  	s24 =	rddreg [dreg:$0x1a];
	[sflag:s17] =	ssyncadd.s32 $0xFFFFD800  }
0x1c2: {  	[tilespmem:s21], [sflag:$0x2] =	stream.indirect.gather [hbm4b:s1+s19], $0x80, s24, s19, $0xb8;
	[tilespmem:$0x1F800] =	vst v63  }
0x1c3: {  	_ =	swait.ge [sflag:s8], $0x2800  }
0x1c4: {  	[sflag:s8] =	ssyncset.done $0x0  }
0x1c5: {  	s24 =	rddreg [dreg:$0x1b];
	[sflag:s8] =	ssyncadd.s32 $0xFFFFD800  }
0x1c6: {  	[spmem:s2] =	stream.indirect.scatter.add.f32 [tilespmem:s28], [sflag:$0x5], $0x80, s24, s19, $0xb8;
	[tilespmem:$0x1F800] =	vst v63  }
0x1c7: {  	_ =	swait.ge [sflag:s17], $0x2800  }
0x1c8: {  	[sflag:s17] =	ssyncset.done $0x0  }
0x1c9: {  	s24 =	rddreg [dreg:$0x1c];
	[sflag:s17] =	ssyncadd.s32 $0xFFFFD800  }
0x1ca: {  	[tilespmem:s23], [sflag:$0x3] =	stream.indirect.gather [hbm4b:s1+s19], $0x80, s24, s19, $0xb8;
	[tilespmem:$0x1F800] =	vst v63  }
0x1cb: {  	_ =	swait.ge [sflag:s25], $0x2800  }
0x1cc: {  	[sflag:s25] =	ssyncset.done $0x0  }
0x1cd: {  	s24 =	rddreg [dreg:$0x1d];
	[sflag:s25] =	ssyncadd.s32 $0xFFFFD800  }
0x1ce: {  	[spmem:s2] =	stream.indirect.scatter.add.f32 [tilespmem:s16], [sflag:$0x5], $0x80, s24, s19, $0xb8;
	[tilespmem:$0x1F800] =	vst v63  }
0x1cf: {  	_ =	swait.ge [sflag:s17], $0x2800  }
0x1d0: {  	[sflag:s17] =	ssyncset.done $0x0  }
0x1d1: {  	s24 =	rddreg [dreg:$0x1e];
	[sflag:s17] =	ssyncadd.s32 $0xFFFFD800  }
0x1d2: {  	[tilespmem:s28], [sflag:$0x4] =	stream.indirect.gather [hbm4b:s1+s19], $0x80, s24, s19, $0xb8;
	[tilespmem:$0x1F800] =	vst v63  }
0x1d3: {  	_ =	swait.ge [sflag:s29], $0x2800  }
0x1d4: {  	[sflag:s29] =	ssyncset.done $0x0  }
0x1d5: {  	s24 =	rddreg [dreg:$0x1f];
	[sflag:s29] =	ssyncadd.s32 $0xFFFFD800  }
0x1d6: {  	[spmem:s2] =	stream.indirect.scatter.add.f32 [tilespmem:s21], [sflag:$0x5], $0x80, s24, s19, $0xb8;
	[tilespmem:$0x1F800] =	vst v63  }
0x1d7: {  	_ =	swait.ge [sflag:s17], $0x2800  }
0x1d8: {  	s24 =	sld [smem:$0x7F5]  }
0x1d9: {  	[sflag:s17] =	ssyncset.done $0x0  }
0x1da: {  	[sflag:s17] =	ssyncadd.s32 $0xFFFFD800  }
0x1db: {  	[tilespmem:s16], [sflag:$0x1] =	stream.indirect.gather [hbm4b:s1+s19], $0x80, s24, s19, $0xb8;
	[tilespmem:$0x1F800] =	vst v63  }
0x1dc: {  	_ =	swait.ge [sflag:s0], $0x2800  }
0x1dd: {  	s24 =	sld [smem:$0x7F6]  }
0x1de: {  	[sflag:s0] =	ssyncset.done $0x0  }
0x1df: {  	[sflag:s0] =	ssyncadd.s32 $0xFFFFD800  }
0x1e0: {  	[spmem:s2] =	stream.indirect.scatter.add.f32 [tilespmem:s23], [sflag:$0x5], $0x80, s24, s19, $0xb8;
	[tilespmem:$0x1F800] =	vst v63  }
0x1e1: {  	_ =	swait.ge [sflag:s17], $0x2800  }
0x1e2: {  	s24 =	sld [smem:$0x7F7]  }
0x1e3: {  	[sflag:s17] =	ssyncset.done $0x0  }
0x1e4: {  	[sflag:s17] =	ssyncadd.s32 $0xFFFFD800  }
0x1e5: {  	[tilespmem:s21], [sflag:$0x2] =	stream.indirect.gather [hbm4b:s1+s19], $0x80, s24, s19, $0xb8;
	[tilespmem:$0x1F800] =	vst v63  }
0x1e6: {  	_ =	swait.ge [sflag:s8], $0x2800  }
0x1e7: {  	s24 =	sld [smem:$0x7F8]  }
0x1e8: {  	[sflag:s8] =	ssyncset.done $0x0  }
0x1e9: {  	[sflag:s8] =	ssyncadd.s32 $0xFFFFD800  }
0x1ea: {  	[spmem:s2] =	stream.indirect.scatter.add.f32 [tilespmem:s28], [sflag:$0x5], $0x80, s24, s19, $0xb8;
	[tilespmem:$0x1F800] =	vst v63  }
0x1eb: {  	_ =	swait.ge [sflag:s17], $0x2800  }
0x1ec: {  	s24 =	sld [smem:$0x7F9]  }
0x1ed: {  	[sflag:s17] =	ssyncset.done $0x0  }
0x1ee: {  	[sflag:s17] =	ssyncadd.s32 $0xFFFFD800  }
0x1ef: {  	[tilespmem:s23], [sflag:$0x3] =	stream.indirect.gather [hbm4b:s1+s19], $0x80, s24, s19, $0xb8;
	[tilespmem:$0x1F800] =	vst v63  }
0x1f0: {  	_ =	swait.ge [sflag:s25], $0x2800  }
0x1f1: {  	s24 =	sld [smem:$0x7FA]  }
0x1f2: {  	[sflag:s25] =	ssyncset.done $0x0  }
0x1f3: {  	[sflag:s25] =	ssyncadd.s32 $0xFFFFD800  }
0x1f4: {  	[spmem:s2] =	stream.indirect.scatter.add.f32 [tilespmem:s16], [sflag:$0x5], $0x80, s24, s19, $0xb8;
	[tilespmem:$0x1F800] =	vst v63  }
0x1f5: {  	_ =	swait.ge [sflag:s17], $0x2800  }
0x1f6: {  	s24 =	sld [smem:$0x7FB]  }
0x1f7: {  	[sflag:s17] =	ssyncset.done $0x0  }
0x1f8: {  	[sflag:s17] =	ssyncadd.s32 $0xFFFFD800  }
0x1f9: {  	[tilespmem:s28], [sflag:$0x4] =	stream.indirect.gather [hbm4b:s1+s19], $0x80, s24, s19, $0xb8;
	[tilespmem:$0x1F800] =	vst v63  }
0x1fa: {  	_ =	swait.ge [sflag:s29], $0x2800  }
0x1fb: {  	[sflag:s29] =	ssyncset.done $0x0  }
0x1fc: {  	[sflag:s29] =	ssyncadd.s32 $0xFFFFD800  }
0x1fd: {  	[spmem:s2] =	stream.indirect.scatter.add.f32 [tilespmem:s21], [sflag:$0x5], $0x80, s11, s19, $0xb8;
	[tilespmem:$0x1F800] =	vst v63  }
0x1fe: {  	_ =	swait.ge [sflag:s17], $0x2800  }
0x1ff: {  	[sflag:s17] =	ssyncset.done $0x0  }
0x200: {  	[sflag:s17] =	ssyncadd.s32 $0xFFFFD800  }
0x201: {  	_ =	swait.ge [sflag:s0], $0x2800  }
0x202: {  	[sflag:s0] =	ssyncset.done $0x0  }
0x203: {  	[sflag:s0] =	ssyncadd.s32 $0xFFFFD800  }
0x204: {  	[spmem:s2] =	stream.indirect.scatter.add.f32 [tilespmem:s23], [sflag:$0x5], $0x80, s12, s19, $0xb8;
	[tilespmem:$0x1F800] =	vst v63  }
0x205: {  	_ =	swait.ge [sflag:s17], $0x2800  }
0x206: {  	[sflag:s17] =	ssyncset.done $0x0  }
0x207: {  	[sflag:s17] =	ssyncadd.s32 $0xFFFFD800  }
0x208: {  	_ =	swait.ge [sflag:s8], $0x2800  }
.Ltmp1:
0x209: {  	[sflag:s8] =	ssyncset.done $0x0;
	(pc) =	sbr.rel @p0 .LBB2_4-.Ltmp1, $4  }
0x20a: {  	[sflag:s8] =	ssyncadd.s32 $0xFFFFD800  }
0x20b: {  	[spmem:s2] =	stream.indirect.scatter.add.f32 [tilespmem:s28], [sflag:$0x5], $0x80, s13, s19, $0xb8;
	[tilespmem:$0x1F800] =	vst v63  }
0x20c: {  	_ =	swait.ge [sflag:s17], $0x2800  }
0x20d: {  	s24 =	smov.u32 s7;
	[sflag:s17] =	ssyncset.done $0x0  }
0x20e: {  	s7 =	sadd.s32 s15, s5;
	[sflag:s17] =	ssyncadd.s32 $0xFFFFD800  }
0x20f: {  	[tilespmem:s3], [sflag:$0x5] =	stream.linear.gather [hbm4b:s7+s3], $0xC00, $0x38;
	[tilespmem:$0x1F800] =	vst v63  }
0x210: {  	_ =	swait.ge [sflag:s17], $0xC00  }
0x211: {  	[sflag:s17] =	ssyncset.done $0x0  }
0x212: {  	s14 =	sadd.s32 s15, s6;
	[sflag:s17] =	ssyncadd.s32 $0xFFFFF400  }
0x213: {  	[tilespmem:s18], [sflag:$0x5] =	stream.linear.gather [hbm4b:s14+s3], $0xC00, $0x38;
	[tilespmem:$0x1F800] =	vst v63  }
0x214: {  	_ =	swait.ge [sflag:s17], $0xC00  }
0x215: {  	[sflag:s17] =	ssyncset.done $0x0  }
0x216: {  	[sflag:s17] =	ssyncadd.s32 $0xFFFFF400  }
0x217: {  	[tilespmem:s16], [sflag:$0x1] =	stream.indirect.gather [hbm4b:s1+s19], $0x80, s3, s19, $0xb8;
	[tilespmem:$0x1F800] =	vst v63  }
0x218: {  	_ = 	snop  }
0x219: {  	[tilespmem:s21], [sflag:$0x2] =	stream.indirect.gather [hbm4b:s1+s19], $0x80, s20, s19, $0xb8;
	[tilespmem:$0x1F800] =	vst v63  }
0x21a: {  	_ = 	snop  }
0x21b: {  	[tilespmem:s23], [sflag:$0x3] =	stream.indirect.gather [hbm4b:s1+s19], $0x80, s22, s19, $0xb8;
	[tilespmem:$0x1F800] =	vst v63  }
0x21c: {  	_ =	swait.ge [sflag:s25], $0x2800  }
0x21d: {  	[sflag:s25] =	ssyncset.done $0x0  }
0x21e: {  	[sflag:s25] =	ssyncadd.s32 $0xFFFFD800  }
0x21f: {  	[spmem:s2] =	stream.indirect.scatter.add.f32 [tilespmem:s16], [sflag:$0x5], $0x80, s18, s19, $0xb8;
	[tilespmem:$0x1F800] =	vst v63  }
0x220: {  	_ =	swait.ge [sflag:s17], $0x2800  }
0x221: {  	[sflag:s17] =	ssyncset.done $0x0  }
0x222: {  	[sflag:s17] =	ssyncadd.s32 $0xFFFFD800  }
0x223: {  	[tilespmem:s28], [sflag:$0x4] =	stream.indirect.gather [hbm4b:s1+s19], $0x80, s26, s19, $0xb8;
	[tilespmem:$0x1F800] =	vst v63  }
0x224: {  	_ =	swait.ge [sflag:s29], $0x2800  }
0x225: {  	[sflag:s29] =	ssyncset.done $0x0  }
0x226: {  	[sflag:s29] =	ssyncadd.s32 $0xFFFFD800  }
0x227: {  	[spmem:s2] =	stream.indirect.scatter.add.f32 [tilespmem:s21], [sflag:$0x5], $0x80, s30, s19, $0xb8;
	[tilespmem:$0x1F800] =	vst v63  }
0x228: {  	_ =	swait.ge [sflag:s17], $0x2800  }
0x229: {  	[sflag:s17] =	ssyncset.done $0x0  }
0x22a: {  	[sflag:s17] =	ssyncadd.s32 $0xFFFFD800  }
0x22b: {  	[tilespmem:s16], [sflag:$0x1] =	stream.indirect.gather [hbm4b:s1+s19], $0x80, s31, s19, $0xb8;
	[tilespmem:$0x1F800] =	vst v63  }
0x22c: {  	_ =	swait.ge [sflag:s0], $0x2800  }
0x22d: {  	[sflag:s0] =	ssyncset.done $0x0  }
0x22e: {  	[sflag:s0] =	ssyncadd.s32 $0xFFFFD800  }
0x22f: {  	[spmem:s2] =	stream.indirect.scatter.add.f32 [tilespmem:s23], [sflag:$0x5], $0x80, s4, s19, $0xb8;
	[tilespmem:$0x1F800] =	vst v63  }
0x230: {  	_ =	swait.ge [sflag:s17], $0x2800  }
0x231: {  	[sflag:s17] =	ssyncset.done $0x0  }
0x232: {  	s15 =	rddreg [dreg:$0x4];
	[sflag:s17] =	ssyncadd.s32 $0xFFFFD800  }
0x233: {  	[tilespmem:s21], [sflag:$0x2] =	stream.indirect.gather [hbm4b:s1+s19], $0x80, s15, s19, $0xb8;
	[tilespmem:$0x1F800] =	vst v63  }
0x234: {  	_ =	swait.ge [sflag:s8], $0x2800  }
0x235: {  	[sflag:s8] =	ssyncset.done $0x0  }
0x236: {  	[sflag:s8] =	ssyncadd.s32 $0xFFFFD800  }
0x237: {  	[spmem:s2] =	stream.indirect.scatter.add.f32 [tilespmem:s28], [sflag:$0x5], $0x80, s9, s19, $0xb8;
	[tilespmem:$0x1F800] =	vst v63  }
0x238: {  	_ =	swait.ge [sflag:s17], $0x2800  }
0x239: {  	[sflag:s17] =	ssyncset.done $0x0  }
0x23a: {  	s24 =	rddreg [dreg:$0x5];
	[sflag:s17] =	ssyncadd.s32 $0xFFFFD800  }
0x23b: {  	[tilespmem:s23], [sflag:$0x3] =	stream.indirect.gather [hbm4b:s1+s19], $0x80, s24, s19, $0xb8;
	[tilespmem:$0x1F800] =	vst v63  }
0x23c: {  	_ =	swait.ge [sflag:s25], $0x2800  }
0x23d: {  	[sflag:s25] =	ssyncset.done $0x0  }
0x23e: {  	[sflag:s25] =	ssyncadd.s32 $0xFFFFD800  }
0x23f: {  	[spmem:s2] =	stream.indirect.scatter.add.f32 [tilespmem:s16], [sflag:$0x5], $0x80, s10, s19, $0xb8;
	[tilespmem:$0x1F800] =	vst v63  }
0x240: {  	_ =	swait.ge [sflag:s17], $0x2800  }
0x241: {  	[sflag:s17] =	ssyncset.done $0x0  }
0x242: {  	s14 =	rddreg [dreg:$0x6];
	[sflag:s17] =	ssyncadd.s32 $0xFFFFD800  }
0x243: {  	[tilespmem:s28], [sflag:$0x4] =	stream.indirect.gather [hbm4b:s1+s19], $0x80, s14, s19, $0xb8;
	[tilespmem:$0x1F800] =	vst v63  }
0x244: {  	_ =	swait.ge [sflag:s29], $0x2800  }
0x245: {  	[sflag:s29] =	ssyncset.done $0x0  }
0x246: {  	s15 =	rddreg [dreg:$0x7];
	[sflag:s29] =	ssyncadd.s32 $0xFFFFD800  }
0x247: {  	[spmem:s2] =	stream.indirect.scatter.add.f32 [tilespmem:s21], [sflag:$0x5], $0x80, s15, s19, $0xb8;
	[tilespmem:$0x1F800] =	vst v63  }
0x248: {  	_ =	swait.ge [sflag:s17], $0x2800  }
0x249: {  	[sflag:s17] =	ssyncset.done $0x0  }
0x24a: {  	s24 =	rddreg [dreg:$0x8];
	[sflag:s17] =	ssyncadd.s32 $0xFFFFD800  }
0x24b: {  	[tilespmem:s16], [sflag:$0x1] =	stream.indirect.gather [hbm4b:s1+s19], $0x80, s24, s19, $0xb8;
	[tilespmem:$0x1F800] =	vst v63  }
0x24c: {  	_ =	swait.ge [sflag:s0], $0x2800  }
0x24d: {  	[sflag:s0] =	ssyncset.done $0x0  }
0x24e: {  	s14 =	rddreg [dreg:$0x9];
	[sflag:s0] =	ssyncadd.s32 $0xFFFFD800  }
0x24f: {  	[spmem:s2] =	stream.indirect.scatter.add.f32 [tilespmem:s23], [sflag:$0x5], $0x80, s14, s19, $0xb8;
	[tilespmem:$0x1F800] =	vst v63  }
0x250: {  	_ =	swait.ge [sflag:s17], $0x2800  }
0x251: {  	[sflag:s17] =	ssyncset.done $0x0  }
0x252: {  	s15 =	rddreg [dreg:$0xa];
	[sflag:s17] =	ssyncadd.s32 $0xFFFFD800  }
0x253: {  	[tilespmem:s21], [sflag:$0x2] =	stream.indirect.gather [hbm4b:s1+s19], $0x80, s15, s19, $0xb8;
	[tilespmem:$0x1F800] =	vst v63  }
0x254: {  	_ =	swait.ge [sflag:s8], $0x2800  }
0x255: {  	[sflag:s8] =	ssyncset.done $0x0  }
0x256: {  	s24 =	rddreg [dreg:$0xb];
	[sflag:s8] =	ssyncadd.s32 $0xFFFFD800  }
0x257: {  	[spmem:s2] =	stream.indirect.scatter.add.f32 [tilespmem:s28], [sflag:$0x5], $0x80, s24, s19, $0xb8;
	[tilespmem:$0x1F800] =	vst v63  }
0x258: {  	_ =	swait.ge [sflag:s17], $0x2800  }
0x259: {  	[sflag:s17] =	ssyncset.done $0x0  }
0x25a: {  	s14 =	rddreg [dreg:$0xc];
	[sflag:s17] =	ssyncadd.s32 $0xFFFFD800  }
0x25b: {  	[tilespmem:s23], [sflag:$0x3] =	stream.indirect.gather [hbm4b:s1+s19], $0x80, s14, s19, $0xb8;
	[tilespmem:$0x1F800] =	vst v63  }
0x25c: {  	_ =	swait.ge [sflag:s25], $0x2800  }
0x25d: {  	[sflag:s25] =	ssyncset.done $0x0  }
0x25e: {  	s15 =	rddreg [dreg:$0xd];
	[sflag:s25] =	ssyncadd.s32 $0xFFFFD800  }
0x25f: {  	[spmem:s2] =	stream.indirect.scatter.add.f32 [tilespmem:s16], [sflag:$0x5], $0x80, s15, s19, $0xb8;
	[tilespmem:$0x1F800] =	vst v63  }
0x260: {  	_ =	swait.ge [sflag:s17], $0x2800  }
0x261: {  	[sflag:s17] =	ssyncset.done $0x0  }
0x262: {  	s24 =	rddreg [dreg:$0xe];
	[sflag:s17] =	ssyncadd.s32 $0xFFFFD800  }
0x263: {  	[tilespmem:s28], [sflag:$0x4] =	stream.indirect.gather [hbm4b:s1+s19], $0x80, s24, s19, $0xb8;
	[tilespmem:$0x1F800] =	vst v63  }
0x264: {  	_ =	swait.ge [sflag:s29], $0x2800  }
0x265: {  	[sflag:s29] =	ssyncset.done $0x0  }
0x266: {  	s14 =	rddreg [dreg:$0xf];
	[sflag:s29] =	ssyncadd.s32 $0xFFFFD800  }
0x267: {  	[spmem:s2] =	stream.indirect.scatter.add.f32 [tilespmem:s21], [sflag:$0x5], $0x80, s14, s19, $0xb8;
	[tilespmem:$0x1F800] =	vst v63  }
0x268: {  	_ =	swait.ge [sflag:s17], $0x2800  }
0x269: {  	[sflag:s17] =	ssyncset.done $0x0  }
0x26a: {  	s15 =	rddreg [dreg:$0x10];
	[sflag:s17] =	ssyncadd.s32 $0xFFFFD800  }
0x26b: {  	[tilespmem:s16], [sflag:$0x1] =	stream.indirect.gather [hbm4b:s1+s19], $0x80, s15, s19, $0xb8;
	[tilespmem:$0x1F800] =	vst v63  }
0x26c: {  	_ =	swait.ge [sflag:s0], $0x2800  }
0x26d: {  	[sflag:s0] =	ssyncset.done $0x0  }
0x26e: {  	s24 =	rddreg [dreg:$0x11];
	[sflag:s0] =	ssyncadd.s32 $0xFFFFD800  }
0x26f: {  	[spmem:s2] =	stream.indirect.scatter.add.f32 [tilespmem:s23], [sflag:$0x5], $0x80, s24, s19, $0xb8;
	[tilespmem:$0x1F800] =	vst v63  }
0x270: {  	_ =	swait.ge [sflag:s17], $0x2800  }
0x271: {  	[sflag:s17] =	ssyncset.done $0x0  }
0x272: {  	s14 =	rddreg [dreg:$0x12];
	[sflag:s17] =	ssyncadd.s32 $0xFFFFD800  }
0x273: {  	[tilespmem:s21], [sflag:$0x2] =	stream.indirect.gather [hbm4b:s1+s19], $0x80, s14, s19, $0xb8;
	[tilespmem:$0x1F800] =	vst v63  }
0x274: {  	_ =	swait.ge [sflag:s8], $0x2800  }
0x275: {  	[sflag:s8] =	ssyncset.done $0x0  }
0x276: {  	s15 =	rddreg [dreg:$0x13];
	[sflag:s8] =	ssyncadd.s32 $0xFFFFD800  }
0x277: {  	[spmem:s2] =	stream.indirect.scatter.add.f32 [tilespmem:s28], [sflag:$0x5], $0x80, s15, s19, $0xb8;
	[tilespmem:$0x1F800] =	vst v63  }
0x278: {  	_ =	swait.ge [sflag:s17], $0x2800  }
0x279: {  	[sflag:s17] =	ssyncset.done $0x0  }
0x27a: {  	s24 =	rddreg [dreg:$0x14];
	[sflag:s17] =	ssyncadd.s32 $0xFFFFD800  }
0x27b: {  	[tilespmem:s23], [sflag:$0x3] =	stream.indirect.gather [hbm4b:s1+s19], $0x80, s24, s19, $0xb8;
	[tilespmem:$0x1F800] =	vst v63  }
0x27c: {  	_ =	swait.ge [sflag:s25], $0x2800  }
0x27d: {  	[sflag:s25] =	ssyncset.done $0x0  }
0x27e: {  	s14 =	rddreg [dreg:$0x15];
	[sflag:s25] =	ssyncadd.s32 $0xFFFFD800  }
0x27f: {  	[spmem:s2] =	stream.indirect.scatter.add.f32 [tilespmem:s16], [sflag:$0x5], $0x80, s14, s19, $0xb8;
	[tilespmem:$0x1F800] =	vst v63  }
0x280: {  	_ =	swait.ge [sflag:s17], $0x2800  }
0x281: {  	[sflag:s17] =	ssyncset.done $0x0  }
0x282: {  	s15 =	rddreg [dreg:$0x16];
	[sflag:s17] =	ssyncadd.s32 $0xFFFFD800  }
0x283: {  	[tilespmem:s28], [sflag:$0x4] =	stream.indirect.gather [hbm4b:s1+s19], $0x80, s15, s19, $0xb8;
	[tilespmem:$0x1F800] =	vst v63  }
0x284: {  	_ =	swait.ge [sflag:s29], $0x2800  }
0x285: {  	[sflag:s29] =	ssyncset.done $0x0  }
0x286: {  	s24 =	rddreg [dreg:$0x17];
	[sflag:s29] =	ssyncadd.s32 $0xFFFFD800  }
0x287: {  	[spmem:s2] =	stream.indirect.scatter.add.f32 [tilespmem:s21], [sflag:$0x5], $0x80, s24, s19, $0xb8;
	[tilespmem:$0x1F800] =	vst v63  }
0x288: {  	_ =	swait.ge [sflag:s17], $0x2800  }
0x289: {  	[sflag:s17] =	ssyncset.done $0x0  }
0x28a: {  	s14 =	rddreg [dreg:$0x18];
	[sflag:s17] =	ssyncadd.s32 $0xFFFFD800  }
0x28b: {  	[tilespmem:s16], [sflag:$0x1] =	stream.indirect.gather [hbm4b:s1+s19], $0x80, s14, s19, $0xb8;
	[tilespmem:$0x1F800] =	vst v63  }
0x28c: {  	_ =	swait.ge [sflag:s0], $0x2800  }
0x28d: {  	[sflag:s0] =	ssyncset.done $0x0  }
0x28e: {  	s15 =	rddreg [dreg:$0x19];
	[sflag:s0] =	ssyncadd.s32 $0xFFFFD800  }
0x28f: {  	[spmem:s2] =	stream.indirect.scatter.add.f32 [tilespmem:s23], [sflag:$0x5], $0x80, s15, s19, $0xb8;
	[tilespmem:$0x1F800] =	vst v63  }
0x290: {  	_ =	swait.ge [sflag:s17], $0x2800  }
0x291: {  	[sflag:s17] =	ssyncset.done $0x0  }
0x292: {  	s24 =	rddreg [dreg:$0x1a];
	[sflag:s17] =	ssyncadd.s32 $0xFFFFD800  }
0x293: {  	[tilespmem:s21], [sflag:$0x2] =	stream.indirect.gather [hbm4b:s1+s19], $0x80, s24, s19, $0xb8;
	[tilespmem:$0x1F800] =	vst v63  }
0x294: {  	_ =	swait.ge [sflag:s8], $0x2800  }
0x295: {  	[sflag:s8] =	ssyncset.done $0x0  }
0x296: {  	s14 =	rddreg [dreg:$0x1b];
	[sflag:s8] =	ssyncadd.s32 $0xFFFFD800  }
0x297: {  	[spmem:s2] =	stream.indirect.scatter.add.f32 [tilespmem:s28], [sflag:$0x5], $0x80, s14, s19, $0xb8;
	[tilespmem:$0x1F800] =	vst v63  }
0x298: {  	_ =	swait.ge [sflag:s17], $0x2800  }
0x299: {  	[sflag:s17] =	ssyncset.done $0x0  }
0x29a: {  	s15 =	rddreg [dreg:$0x1c];
	[sflag:s17] =	ssyncadd.s32 $0xFFFFD800  }
0x29b: {  	[tilespmem:s23], [sflag:$0x3] =	stream.indirect.gather [hbm4b:s1+s19], $0x80, s15, s19, $0xb8;
	[tilespmem:$0x1F800] =	vst v63  }
0x29c: {  	_ =	swait.ge [sflag:s25], $0x2800  }
0x29d: {  	[sflag:s25] =	ssyncset.done $0x0  }
0x29e: {  	s24 =	rddreg [dreg:$0x1d];
	[sflag:s25] =	ssyncadd.s32 $0xFFFFD800  }
0x29f: {  	[spmem:s2] =	stream.indirect.scatter.add.f32 [tilespmem:s16], [sflag:$0x5], $0x80, s24, s19, $0xb8;
	[tilespmem:$0x1F800] =	vst v63  }
0x2a0: {  	_ =	swait.ge [sflag:s17], $0x2800  }
0x2a1: {  	[sflag:s17] =	ssyncset.done $0x0  }
0x2a2: {  	s14 =	rddreg [dreg:$0x1e];
	[sflag:s17] =	ssyncadd.s32 $0xFFFFD800  }
0x2a3: {  	[tilespmem:s28], [sflag:$0x4] =	stream.indirect.gather [hbm4b:s1+s19], $0x80, s14, s19, $0xb8;
	[tilespmem:$0x1F800] =	vst v63  }
0x2a4: {  	_ =	swait.ge [sflag:s29], $0x2800  }
0x2a5: {  	[sflag:s29] =	ssyncset.done $0x0  }
0x2a6: {  	s15 =	rddreg [dreg:$0x1f];
	[sflag:s29] =	ssyncadd.s32 $0xFFFFD800  }
0x2a7: {  	[spmem:s2] =	stream.indirect.scatter.add.f32 [tilespmem:s21], [sflag:$0x5], $0x80, s15, s19, $0xb8;
	[tilespmem:$0x1F800] =	vst v63  }
0x2a8: {  	_ =	swait.ge [sflag:s17], $0x2800  }
0x2a9: {  	s24 =	sld [smem:$0x7F5]  }
0x2aa: {  	[sflag:s17] =	ssyncset.done $0x0  }
0x2ab: {  	[sflag:s17] =	ssyncadd.s32 $0xFFFFD800  }
0x2ac: {  	[tilespmem:s16], [sflag:$0x1] =	stream.indirect.gather [hbm4b:s1+s19], $0x80, s24, s19, $0xb8;
	[tilespmem:$0x1F800] =	vst v63  }
0x2ad: {  	_ =	swait.ge [sflag:s0], $0x2800  }
0x2ae: {  	s14 =	sld [smem:$0x7F6]  }
0x2af: {  	[sflag:s0] =	ssyncset.done $0x0  }
0x2b0: {  	[sflag:s0] =	ssyncadd.s32 $0xFFFFD800  }
0x2b1: {  	[spmem:s2] =	stream.indirect.scatter.add.f32 [tilespmem:s23], [sflag:$0x5], $0x80, s14, s19, $0xb8;
	[tilespmem:$0x1F800] =	vst v63  }
0x2b2: {  	_ =	swait.ge [sflag:s17], $0x2800  }
0x2b3: {  	s15 =	sld [smem:$0x7F7]  }
0x2b4: {  	[sflag:s17] =	ssyncset.done $0x0  }
0x2b5: {  	[sflag:s17] =	ssyncadd.s32 $0xFFFFD800  }
0x2b6: {  	[tilespmem:s21], [sflag:$0x2] =	stream.indirect.gather [hbm4b:s1+s19], $0x80, s15, s19, $0xb8;
	[tilespmem:$0x1F800] =	vst v63  }
0x2b7: {  	_ =	swait.ge [sflag:s8], $0x2800  }
0x2b8: {  	s24 =	sld [smem:$0x7F8]  }
0x2b9: {  	[sflag:s8] =	ssyncset.done $0x0  }
0x2ba: {  	[sflag:s8] =	ssyncadd.s32 $0xFFFFD800  }
0x2bb: {  	[spmem:s2] =	stream.indirect.scatter.add.f32 [tilespmem:s28], [sflag:$0x5], $0x80, s24, s19, $0xb8;
	[tilespmem:$0x1F800] =	vst v63  }
0x2bc: {  	_ =	swait.ge [sflag:s17], $0x2800  }
0x2bd: {  	s14 =	sld [smem:$0x7F9]  }
0x2be: {  	[sflag:s17] =	ssyncset.done $0x0  }
0x2bf: {  	[sflag:s17] =	ssyncadd.s32 $0xFFFFD800  }
0x2c0: {  	[tilespmem:s23], [sflag:$0x3] =	stream.indirect.gather [hbm4b:s1+s19], $0x80, s14, s19, $0xb8;
	[tilespmem:$0x1F800] =	vst v63  }
0x2c1: {  	_ =	swait.ge [sflag:s25], $0x2800  }
0x2c2: {  	s15 =	sld [smem:$0x7FA]  }
0x2c3: {  	[sflag:s25] =	ssyncset.done $0x0  }
0x2c4: {  	[sflag:s25] =	ssyncadd.s32 $0xFFFFD800  }
0x2c5: {  	[spmem:s2] =	stream.indirect.scatter.add.f32 [tilespmem:s16], [sflag:$0x5], $0x80, s15, s19, $0xb8;
	[tilespmem:$0x1F800] =	vst v63  }
0x2c6: {  	_ =	swait.ge [sflag:s17], $0x2800  }
0x2c7: {  	s24 =	sld [smem:$0x7FB]  }
0x2c8: {  	[sflag:s17] =	ssyncset.done $0x0  }
0x2c9: {  	[sflag:s17] =	ssyncadd.s32 $0xFFFFD800  }
0x2ca: {  	[tilespmem:s28], [sflag:$0x4] =	stream.indirect.gather [hbm4b:s1+s19], $0x80, s24, s19, $0xb8;
	[tilespmem:$0x1F800] =	vst v63  }
0x2cb: {  	_ =	swait.ge [sflag:s29], $0x2800  }
0x2cc: {  	[sflag:s29] =	ssyncset.done $0x0  }
0x2cd: {  	[sflag:s29] =	ssyncadd.s32 $0xFFFFD800  }
0x2ce: {  	[spmem:s2] =	stream.indirect.scatter.add.f32 [tilespmem:s21], [sflag:$0x5], $0x80, s11, s19, $0xb8;
	[tilespmem:$0x1F800] =	vst v63  }
0x2cf: {  	_ =	swait.ge [sflag:s17], $0x2800  }
0x2d0: {  	[sflag:s17] =	ssyncset.done $0x0  }
0x2d1: {  	[sflag:s17] =	ssyncadd.s32 $0xFFFFD800  }
0x2d2: {  	_ =	swait.ge [sflag:s0], $0x2800  }
0x2d3: {  	[sflag:s0] =	ssyncset.done $0x0  }
0x2d4: {  	[sflag:s0] =	ssyncadd.s32 $0xFFFFD800  }
0x2d5: {  	[spmem:s2] =	stream.indirect.scatter.add.f32 [tilespmem:s23], [sflag:$0x5], $0x80, s12, s19, $0xb8;
	[tilespmem:$0x1F800] =	vst v63  }
0x2d6: {  	_ =	swait.ge [sflag:s17], $0x2800  }
0x2d7: {  	[sflag:s17] =	ssyncset.done $0x0  }
0x2d8: {  	[sflag:s17] =	ssyncadd.s32 $0xFFFFD800  }
0x2d9: {  	_ =	swait.ge [sflag:s8], $0x2800  }
0x2da: {  	[sflag:s8] =	ssyncset.done $0x0  }
0x2db: {  	[sflag:s8] =	ssyncadd.s32 $0xFFFFD800  }
0x2dc: {  	[spmem:s2] =	stream.indirect.scatter.add.f32 [tilespmem:s28], [sflag:$0x5], $0x80, s13, s19, $0xb8;
	[tilespmem:$0x1F800] =	vst v63  }
0x2dd: {  	_ =	swait.ge [sflag:s17], $0x2800  }
0x2de: {  	[sflag:s17] =	ssyncset.done $0x0  }
0x2df: {  	s14 =	sadd.s32 $0x780, s5;
	[sflag:s17] =	ssyncadd.s32 $0xFFFFD800  }
0x2e0: {  	[tilespmem:s3], [sflag:$0x5] =	stream.linear.gather [hbm4b:s14+s3], $0x280, $0x38;
	[tilespmem:$0x1F800] =	vst v63  }
0x2e1: {  	_ =	swait.ge [sflag:s17], $0x280  }
0x2e2: {  	[sflag:s17] =	ssyncset.done $0x0  }
0x2e3: {  	s15 =	sadd.s32 $0x780, s6;
	[sflag:s17] =	ssyncadd.s32 $0xFFFFFD80  }
0x2e4: {  	[tilespmem:s18], [sflag:$0x5] =	stream.linear.gather [hbm4b:s15+s3], $0x280, $0x38;
	[tilespmem:$0x1F800] =	vst v63  }
0x2e5: {  	_ =	swait.ge [sflag:s17], $0x280  }
0x2e6: {  	[sflag:s17] =	ssyncset.done $0x0  }
0x2e7: {  	[sflag:s17] =	ssyncadd.s32 $0xFFFFFD80  }
0x2e8: {  	[tilespmem:s16], [sflag:$0x1] =	stream.indirect.gather [hbm4b:s1+s19], $0x80, s3, s19, $0xb8;
	[tilespmem:$0x1F800] =	vst v63  }
0x2e9: {  	_ = 	snop  }
0x2ea: {  	[tilespmem:s21], [sflag:$0x2] =	stream.indirect.gather [hbm4b:s1+s19], $0x80, s20, s19, $0xb8;
	[tilespmem:$0x1F800] =	vst v63  }
0x2eb: {  	_ = 	snop  }
0x2ec: {  	[tilespmem:s23], [sflag:$0x3] =	stream.indirect.gather [hbm4b:s1+s19], $0x80, s22, s19, $0xb8;
	[tilespmem:$0x1F800] =	vst v63  }
0x2ed: {  	_ =	swait.ge [sflag:s25], $0x2800  }
0x2ee: {  	[sflag:s25] =	ssyncset.done $0x0  }
0x2ef: {  	[sflag:s25] =	ssyncadd.s32 $0xFFFFD800  }
0x2f0: {  	[spmem:s2] =	stream.indirect.scatter.add.f32 [tilespmem:s16], [sflag:$0x5], $0x80, s18, s19, $0xb8;
	[tilespmem:$0x1F800] =	vst v63  }
0x2f1: {  	_ =	swait.ge [sflag:s17], $0x2800  }
0x2f2: {  	[sflag:s17] =	ssyncset.done $0x0  }
0x2f3: {  	[sflag:s17] =	ssyncadd.s32 $0xFFFFD800  }
0x2f4: {  	[tilespmem:s28], [sflag:$0x4] =	stream.indirect.gather [hbm4b:s1+s19], $0x80, s26, s19, $0xb8;
	[tilespmem:$0x1F800] =	vst v63  }
0x2f5: {  	_ =	swait.ge [sflag:s29], $0x2800  }
0x2f6: {  	[sflag:s29] =	ssyncset.done $0x0  }
0x2f7: {  	[sflag:s29] =	ssyncadd.s32 $0xFFFFD800  }
0x2f8: {  	[spmem:s2] =	stream.indirect.scatter.add.f32 [tilespmem:s21], [sflag:$0x5], $0x80, s30, s19, $0xb8;
	[tilespmem:$0x1F800] =	vst v63  }
0x2f9: {  	_ =	swait.ge [sflag:s17], $0x2800  }
0x2fa: {  	[sflag:s17] =	ssyncset.done $0x0  }
0x2fb: {  	[sflag:s17] =	ssyncadd.s32 $0xFFFFD800  }
0x2fc: {  	[tilespmem:s16], [sflag:$0x1] =	stream.indirect.gather [hbm4b:s1+s19], $0x80, s31, s19, $0xb8;
	[tilespmem:$0x1F800] =	vst v63  }
0x2fd: {  	_ =	swait.ge [sflag:s0], $0x2800  }
0x2fe: {  	[sflag:s0] =	ssyncset.done $0x0  }
0x2ff: {  	[sflag:s0] =	ssyncadd.s32 $0xFFFFD800  }
0x300: {  	[spmem:s2] =	stream.indirect.scatter.add.f32 [tilespmem:s23], [sflag:$0x5], $0x80, s4, s19, $0xb8;
	[tilespmem:$0x1F800] =	vst v63  }
0x301: {  	_ =	swait.ge [sflag:s17], $0x2800  }
0x302: {  	[sflag:s17] =	ssyncset.done $0x0  }
0x303: {  	[sflag:s17] =	ssyncadd.s32 $0xFFFFD800  }
0x304: {  	_ =	swait.ge [sflag:s8], $0x2800  }
0x305: {  	[sflag:s8] =	ssyncset.done $0x0  }
0x306: {  	[sflag:s8] =	ssyncadd.s32 $0xFFFFD800  }
0x307: {  	[spmem:s2] =	stream.indirect.scatter.add.f32 [tilespmem:s28], [sflag:$0x5], $0x80, s9, s19, $0xb8;
	[tilespmem:$0x1F800] =	vst v63  }
0x308: {  	_ =	swait.ge [sflag:s17], $0x2800  }
0x309: {  	[sflag:s17] =	ssyncset.done $0x0  }
0x30a: {  	[sflag:s17] =	ssyncadd.s32 $0xFFFFD800  }
0x30b: {  	_ =	swait.ge [sflag:s25], $0x2800  }
0x30c: {  	[sflag:s25] =	ssyncset.done $0x0  }
0x30d: {  	[sflag:s25] =	ssyncadd.s32 $0xFFFFD800  }
0x30e: {  	[spmem:s2] =	stream.indirect.scatter.add.f32 [tilespmem:s16], [sflag:$0x5], $0x80, s10, s19, $0xb8;
	[tilespmem:$0x1F800] =	vst v63  }
0x30f: {  	_ =	swait.ge [sflag:s17], $0x2800  }
0x310: {  	[sflag:s17] =	ssyncset.done $0x0  }
0x311: {  	[sflag:s17] =	ssyncadd.s32 $0xFFFFD800  }
0x312: {  	s20 =	stileid.u32;
	[bflag:$0x0] =	sbarrier.arrive $0xFFFF  }
0x313: {  	s7 =	sshll.u32 s20, $0x6;
	s20 =	sld [smem:$0x7FD]  }
0x314: {  	s24 =	sld [smem:$0x7FC];
	_ =	sdelay $0x1  }
0x315: {  	s7 =	sor.u32 $0x1C05, s7;
	s14 =	sshrl.u32 s20, $0x3  }
0x316: {  	[hbm:s24], [sflag:s7] =	dma.local [spmem:s14], $0x2800  }
0x317: {  	_ =	swait.ge [sflag:s17], $0x2800  }
0x318: {  	s15 =	sld [smem:$0x7EC]  }
0x319: {  	s24 =	sld [smem:$0x7ED];
	_ =	sdelay $0x1  }
0x31a: {  	s14 =	sadd.s32 $0x1, s15  }
0x31b: {  	p0 =	sne.s32 s14, s24  }
.Ltmp2:
0x31c: {  	_ = 	snop;
	(pc) =	sbr.rel @p0 .LBB2_1-.Ltmp2, $3  }
0x31d: {  	_ =	sdelay $0x1  }
0x31e: {  	[sflag:s17] =	ssyncset.done $0x0  }
0x31f: {  	[sflag:s17] =	ssyncadd.s32 $0xFFFFD800  }
0x320: {  	_ =	sfence.sel $0x180000  }
0x321: {  	[bflag:$0x0] =	sbarrier.arrive $0xFFFF  }
0x322: {  	_ =	strace $0x9000004A  }
0x323: {  	s0 =	stileid.u32;
	[bflag:$0x2] =	sbarrier.arrive $0xFFFF  }
0x324: {  	p0 =	sne.s32 s0, $0x0;
	s0 =	rddreg [dreg:$0x3]  }
0x325: {  	s0 =	sadd.s32 @!p0 $0x100000, s0  }
0x326: {  	[sflag:s0] =	ssyncadd.tile.s32 @!p0 $0x1;
	_ =	shalt  }
.Lfunc_end2:
_tile_overlayer_lowered:
.L_overlay_start_2:
0x327: {  	(tag) =	ssettag $0x2  }
0x328: {  	s0 =	rddreg [dreg:$0x0];
	s2 =	stileid.u32  }
0x329: {  	s1 =	rddreg [dreg:$0x1];
	p0 =	sne.s32 s2, $0x0  }
0x32a: {  	s3 =	rddreg [dreg:$0x2];
	[bflag:$0x3] =	sbarrier.arrive $0xFFFF;
	s2 =	simm.s32 @!p0 $0x1C05  }
0x32b: {  	[timem:s3], [sflag:s2] =	dma.local @!p0 [hbm:s0], s1  }
0x32c: {  	s0 =	simm.s32 @!p0 $0x5  }
0x32d: {  	_ =	swait.ge @!p0 [sflag:s0], s1  }
0x32e: {  	s1 =	ssub.s32 @!p0 $0x0, s1;
	[sflag:s0] =	ssyncset.done @!p0 $0x0  }
0x32f: {  	[sflag:s0] =	ssyncadd.s32 @!p0 s1  }
0x330: {  	[bflag:$0x3] =	sbarrier.arrive $0xFFFF  }
0x331: {  	_ =	shalt  }

// kernel: kernel.14.cloned.1.call-start
scs
__scs_entry_jumppad:
0x0: {  	(pc) =	sbr.rel $0x88, $3  }
0x1: {  	(tag) =	ssettag $0x0;
	lr =	simm.s32 $0x1  }
0x2: {  	[smem:$0x3F9B] =	sst lr;
	_ =	strace $0xD0000000  }
0x3: {  	_ = 	snop  }
0x4: {  	_ = 	snop  }
0x5: {  	_ = 	snop  }
0x6: {  	_ = 	snop  }
0x7: {  	_ = 	snop  }
__scs_overlays_trampoline_lowered:
0x8: {  	[smem:$0x3FAA] =	sst s0  }
0x9: {  	[smem:$0x3FAB] =	sst s1  }
0xa: {  	[smem:$0x3FAC] =	sst s2  }
0xb: {  	[smem:$0x3FAD] =	sst s3  }
0xc: {  	[smem:$0x3FAE] =	sst s4  }
0xd: {  	[smem:$0x3FAF] =	sst s5  }
0xe: {  	[smem:$0x3FB0] =	sst s6  }
0xf: {  	[smem:$0x3FB1] =	sst s7  }
0x10: {  	[smem:$0x3FB2] =	sst s8  }
0x11: {  	[smem:$0x3FB3] =	sst s9;
	s0 =	simm.s32 @!p0 $0x0  }
0x12: {  	s1 =	sld [smem:$0x3F99];
	s0 =	simm.s32 @p0 $0x1  }
0x13: {  	[smem:$0x3FB4] =	sst s0;
	s0 =	simm.s32 @!p1 $0x0  }
0x14: {  	s2 =	sld [smem:$0x3F98];
	s0 =	simm.s32 @p1 $0x1  }
0x15: {  	[smem:$0x3FB5] =	sst s0;
	s0 =	simm.s32 @!p2 $0x0  }
0x16: {  	s3 =	sld [smem:$0x3FDB];
	s0 =	simm.s32 @p2 $0x1  }
0x17: {  	s4 =	simm.s32 $0x1BF5;
	[smem:$0x3FB7] =	sst s0  }
0x18: {  	s0 =	sld [smem:$0x3F9A];
	_ =	swait.ge [sflag:s4], $0x0  }
0x19: {  	s7 =	sld [smem:$0x3F9B]  }
0x1a: {  	s8 =	sadd.s32 $0xFFFFE003, lr  }
0x1b: {  	s9 =	sadd.s32 $0xFFFFFEF7, lr;
	s5 =	simm.s32 $0xFFFFFFFF;
	p2 =	slt.u32 s8, $0xFFFFF086  }
0x1c: {  	p1 =	slt.u32 s9, $0xF7A;
	s5 =	simm.s32 @!p2 $0x0  }
0x1d: {  	s5 =	simm.s32 @p1 $0x1;
	p0 =	seq.s32 s7, s2  }
0x1e: {  	s7 =	smul.u32 @!p0 $0xF7A, s2;
	p2 =	seq.s32 @!p0 s5, $0x0  }
0x1f: {  	s9 =	smul.u32 $0xF7A, s1;
	s8 =	simm.s32 @!p0 $0x1BF5;
	p2 =	por !p2, p0  }
0x20: {  	[sflag:s8] =	ssyncset.s32 @!p0 $0xFFFFF086;
	s6 =	sadd.s32 @!p0 s3, s7;
	s7 =	simm.s32 @!p0 $0x108  }
0x21: {  	s3 =	sadd.s32 s3, s9;
	s6 =	sadd.s32 @!p0 $0x88, s6;
	s7 =	simm.s32 @p2 $0x1082  }
0x22: {  	[simem:s7], [sflag:s8] =	dma.local @!p0 [hbm:s6], $0xF7A  }
0x23: {  	s9 =	sor.u32 $0xD0000000, s2;
	s6 =	simm.s32 $0x108;
	_ =	swait.ge @!p0 [sflag:s8], $0x0  }
0x24: {  	s3 =	sadd.s32 $0x88, s3;
	s6 =	simm.s32 @!p1 $0x1082;
	[sflag:s4] =	ssyncset.s32 $0xFFFFF086  }
0x25: {  	[simem:s6], [sflag:s4] =	dma.local [hbm:s3], $0xF7A  }
0x26: {  	[smem:$0x3F9B] =	sst s1;
	(tag) =	ssettag s2;
	_ =	strace s9  }
0x27: {  	s1 =	sld [smem:$0x3FAB]  }
0x28: {  	s2 =	sld [smem:$0x3FAC]  }
0x29: {  	s4 =	sld [smem:$0x3FAE]  }
0x2a: {  	p0 =	seq.s32 s5, $0x0;
	s5 =	sld [smem:$0x3FAF]  }
0x2b: {  	s6 =	sld [smem:$0x3FB0]  }
0x2c: {  	s7 =	sld [smem:$0x3FB1]  }
0x2d: {  	s3 =	simm.s32 $0x108;
	s8 =	sld [smem:$0x3FB2]  }
0x2e: {  	s3 =	simm.s32 @!p0 $0x1082;
	s9 =	sld [smem:$0x3FB3]  }
0x2f: {  	lr =	sadd.s32 s0, s3;
	s0 =	sld [smem:$0x3FAA]  }
0x30: {  	s3 =	sld [smem:$0x3FAD]  }
0x31: {  	[smem:$0x3FB6] =	sst s10  }
0x32: {  	s10 =	sld [smem:$0x3FB4];
	_ =	sdelay $0x3  }
0x33: {  	p0 =	seq.s32 s10, $0x1;
	s10 =	sld [smem:$0x3FB6];
	_ =	sdelay $0x3  }
0x34: {  	[smem:$0x3FB6] =	sst s10  }
0x35: {  	s10 =	sld [smem:$0x3FB5];
	_ =	sdelay $0x3  }
0x36: {  	p1 =	seq.s32 s10, $0x1;
	s10 =	sld [smem:$0x3FB6];
	_ =	sdelay $0x3  }
0x37: {  	[smem:$0x3FB6] =	sst s10  }
0x38: {  	s10 =	sld [smem:$0x3FB7]  }
0x39: {  	_ = 	snop;
	(pc) =	sbr.ind lr, $3  }
0x3a: {  	_ = 	snop  }
0x3b: {  	_ = 	snop  }
0x3c: {  	p2 =	seq.s32 s10, $0x1;
	s10 =	sld [smem:$0x3FB6]  }
0x3d: {  	_ =	shalt  }
0x3e: {  	_ =	shalt  }
0x3f: {  	_ =	shalt  }
0x40: {  	_ =	shalt  }
0x41: {  	_ =	shalt  }
0x42: {  	_ =	shalt  }
0x43: {  	_ =	shalt  }
0x44: {  	_ =	shalt  }
0x45: {  	_ =	shalt  }
0x46: {  	_ =	shalt  }
0x47: {  	_ =	shalt  }
0x48: {  	_ =	shalt  }
0x49: {  	_ =	shalt  }
0x4a: {  	_ =	shalt  }
0x4b: {  	_ =	shalt  }
0x4c: {  	_ =	shalt  }
0x4d: {  	_ =	shalt  }
0x4e: {  	_ =	shalt  }
0x4f: {  	_ =	shalt  }
0x50: {  	_ =	shalt  }
0x51: {  	_ =	shalt  }
0x52: {  	_ =	shalt  }
0x53: {  	_ =	shalt  }
0x54: {  	_ =	shalt  }
0x55: {  	_ =	shalt  }
0x56: {  	_ =	shalt  }
0x57: {  	_ =	shalt  }
0x58: {  	_ =	shalt  }
0x59: {  	_ =	shalt  }
0x5a: {  	_ =	shalt  }
0x5b: {  	_ =	shalt  }
0x5c: {  	_ =	shalt  }
0x5d: {  	_ =	shalt  }
0x5e: {  	_ =	shalt  }
0x5f: {  	_ =	shalt  }
0x60: {  	_ =	shalt  }
0x61: {  	_ =	shalt  }
0x62: {  	_ =	shalt  }
0x63: {  	_ =	shalt  }
0x64: {  	_ =	shalt  }
0x65: {  	_ =	shalt  }
0x66: {  	_ =	shalt  }
0x67: {  	_ =	shalt  }
0x68: {  	_ =	shalt  }
0x69: {  	_ =	shalt  }
0x6a: {  	_ =	shalt  }
0x6b: {  	_ =	shalt  }
0x6c: {  	_ =	shalt  }
0x6d: {  	_ =	shalt  }
0x6e: {  	_ =	shalt  }
0x6f: {  	_ =	shalt  }
0x70: {  	_ =	shalt  }
0x71: {  	_ =	shalt  }
0x72: {  	_ =	shalt  }
0x73: {  	_ =	shalt  }
0x74: {  	_ =	shalt  }
0x75: {  	_ =	shalt  }
0x76: {  	_ =	shalt  }
0x77: {  	_ =	shalt  }
0x78: {  	_ =	shalt  }
0x79: {  	_ =	shalt  }
0x7a: {  	_ =	shalt  }
0x7b: {  	_ =	shalt  }
0x7c: {  	_ =	shalt  }
0x7d: {  	_ =	shalt  }
0x7e: {  	_ =	shalt  }
0x7f: {  	_ =	shalt  }
0x80: {  	_ =	shalt  }
0x81: {  	_ =	shalt  }
0x82: {  	_ =	shalt  }
0x83: {  	_ =	shalt  }
0x84: {  	_ =	shalt  }
0x85: {  	_ =	shalt  }
0x86: {  	_ =	shalt  }
0x87: {  	_ =	shalt  }
.Lfunc_end0:
.L_simem_size_0:
called_computation.2_lowered:
.L_overlay_start_0:
0x88: {  	s2 =	sld [smem:$0x3FD9]  }
0x89: {  	s3 =	sld [smem:$0x3FFE];
	_ =	sdelay $0x1  }
0x8a: {  	s1 =	srdreg.scid  }
0x8b: {  	s0 =	sand.u32 $0x1, s1  }
0x8c: {  	s14 =	sshll.u32 s0, $0xA;
	s2 =	sadd.s32 s3, s2  }
0x8d: {  	s2 =	sadd.s32 s2, s14  }
0x8e: {  	[smem:$0x3FC2] =	sst s2  }
0x8f: {  	_ = 	snop  }
0x90: {  	s2 =	sld [smem:$0x3FD0];
	_ =	sdelay $0x2  }
0x91: {  	s15 =	simm.s32 $0xA;
	s4 =	simm.s32 $0x10  }
0x92: {  	[smem:s4], [sflag:s15] =	dma.local [hbm:s2], $0x1  }
0x93: {  	_ =	swait.eq [sflag:s15], $0x1  }
0x94: {  	[sflag:s15] =	ssyncset.done $0x0  }
0x95: {  	[sflag:s15] =	ssyncadd.s32 $0xFFFFFFFF  }
0x96: {  	s16 =	sld [smem:$0x10];
	(tm) =	ssettm $0x1  }
0x97: {  	s17 =	sld [smem:$0x3FFB];
	_ =	sdelay $0x3  }
0x98: {  	_ =	strace s17  }
0x99: {  	s3 =	sld [smem:$0x3FFC];
	_ =	sdelay $0x3  }
0x9a: {  	_ =	strace s3  }
0x9b: {  	s3 =	sld [smem:$0x3FFD];
	_ =	sdelay $0x3  }
0x9c: {  	_ =	strace s3  }
0x9d: {  	_ =	strace $0x8FFFFFFF  }
0x9e: {  	s18 =	sld [smem:$0x3FDB];
	_ =	sdelay $0x1  }
0x9f: {  	s19 =	simm.s32 $_scs_section_size  }
0xa0: {  	s5 =	simm.s32 $_size__tile_overlayer_lowered;
	s6 =	simm.s32 $_tile_overlayer_lowered  }
0xa1: {  	s22 =	simm.s32 $0x1BFF;
	s21 =	sshll.u32 s6, $0x1;
	s3 =	sadd.s32 s19, s18  }
0xa2: {  	s7 =	simm.s32 $0x0;
	s20 =	sshll.u32 s5, $0x1;
	s5 =	sadd.s32 s21, s3  }
0xa3: {  	[timem:s7], [sflag:s22] =	dma.local [hbm:s5], s20  }
0xa4: {  	_ =	swait.ge [sflag:s22], s20  }
0xa5: {  	s4 =	ssub.s32 $0x0, s20;
	[sflag:s22] =	ssyncset.done $0x0  }
0xa6: {  	[sflag:s22] =	ssyncadd.s32 s4;
	_ =	sdelay $0x1  }
0xa7: {  	s23 =	simm.s32 $0x1B8B  }
0xa8: {  	_ =	swait.ge [sflag:s23], $0x1  }
0xa9: {  	[sflag:s23] =	ssyncset.done $0x0  }
0xaa: {  	s25 =	simm.s32 $0x1B8E;
	s24 =	sld [smem:$0x3FFE];
	[sflag:s23] =	ssyncadd.s32 $0xFFFFFFFF  }
0xab: {  	s26 =	simm.s32 $execute0_lowered;
	[smem:$0x3FD2] =	sst s25  }
0xac: {  	s5 =	sshll.u32 s26, $0x1;
	_ =	strace $0x8000004C;
	[dreg:$0x1] =	wrdreg $0xFFFFFFFF  }
0xad: {  	s28 =	simm.s32 $_size_execute0_lowered;
	s3 =	sadd.s32 s3, s5;
	[dreg:$0x0] =	wrdreg $0x0  }
0xae: {  	s5 =	sshll.u32 s28, $0x1;
	[dreg:$0x2] =	wrdreg s3  }
0xaf: {  	[dreg:$0x3] =	wrdreg s5  }
0xb0: {  	[dreg:$0x4] =	wrdreg $0xC0  }
0xb1: {  	_ =	task [dreg:s7], $0x5FFFF  }
0xb2: {  	[dreg:$0x1] =	wrdreg $0xFFFFFFFF  }
0xb3: {  	[dreg:$0x0] =	wrdreg $0x60  }
0xb4: {  	[dreg:$0x2] =	wrdreg s16  }
0xb5: {  	[dreg:$0x3] =	wrdreg s24  }
0xb6: {  	[dreg:$0x4] =	wrdreg $0xB8000  }
0xb7: {  	[dreg:$0x5] =	wrdreg $0x9  }
0xb8: {  	_ =	task.clear_ibuf [dreg:s7], $0x6FFFF;
	_ =	strace $0x9000004C  }
0xb9: {  	s29 =	simm.s32 $0x9;
	_ =	strace $0x8000004E  }
0xba: {  	_ =	swait.ge [sflag:s29], $0x1  }
0xbb: {  	[sflag:s29] =	ssyncadd.s32 $0xFFFFFFFF  }
0xbc: {  	_ =	strace $0x9000004E  }
0xbd: {  	_ =	sfence  }
0xbe: {  	s30 =	sld [smem:$0x0];
	_ =	sdelay $0x2  }
0xbf: {  	s31 =	sshll.u32 s1, $0xD;
	s1 =	sshrl.u32 s1, $0x2  }
0xc0: {  	s3 =	sand.u32 $0x4000, s31;
	s1 =	sadd.s32 s1, s30  }
0xc1: {  	s0 =	sor.u32 s3, s0;
	s1 =	sshll.u32 s1, $0x11  }
0xc2: {  	s0 =	sor.u32 s1, s0  }
0xc3: {  	s0 =	sadd.s32 $0x8F2B, s0  }
0xc4: {  	[sflag:s0] =	ssyncadd.remote.s32 $0x1  }
0xc5: {  	_ =	sfence.sel $0xFFFF  }
0xc6: {  	[dreg:$0x0] =	wrdreg $0xFFFFFFFF;
	(pc) =	sbr.abs _section_cstart, $3  }
0xc7: {  	[dreg:$0x1] =	wrdreg $0xFFFFFFFF  }
0xc8: {  	_ =	task.clear_ibuf [dreg:s7], $0x2FFFF;
	_ =	strace $0x9FFFFFFF  }
0xc9: {  	(tm) =	ssettm $0x7FFFFFFF  }
tec
execute0_lowered:
.L_overlay_start_1:
0x0: {  	(tag) =	ssettag $0x1  }
0x1: {  	s1 =	rddreg [dreg:$0x0]  }
0x2: {  	s0 =	rddreg [dreg:$0x1]  }
0x3: {  	s2 =	rddreg [dreg:$0x2];
	s3 =	simm.s32 $0x0  }
0x4: {  	s4 =	simm.s32 $0x280;
	[smem:$0x7FF] =	sst s3  }
0x5: {  	s18 =	simm.s32 $0x300;
	_ =	strace $0x8000004D;
	[dreg:$0x4] =	wrdreg s4  }
0x6: {  	s19 =	simm.s32 $0x380;
	[dreg:$0x5] =	wrdreg s18  }
0x7: {  	s20 =	simm.s32 $0xE80;
	[dreg:$0x6] =	wrdreg s19  }
0x8: {  	s21 =	simm.s32 $0x400;
	[dreg:$0x7] =	wrdreg s20  }
0x9: {  	s22 =	simm.s32 $0xF00;
	[dreg:$0x8] =	wrdreg s21  }
0xa: {  	s23 =	simm.s32 $0x480;
	[dreg:$0x9] =	wrdreg s22  }
0xb: {  	s25 =	simm.s32 $0xF80;
	[dreg:$0xa] =	wrdreg s23  }
0xc: {  	s26 =	simm.s32 $0x500;
	[dreg:$0xb] =	wrdreg s25  }
0xd: {  	s8 =	simm.s32 $0x1000;
	[dreg:$0xc] =	wrdreg s26  }
0xe: {  	s10 =	simm.s32 $0x580;
	[dreg:$0xd] =	wrdreg s8  }
0xf: {  	s12 =	simm.s32 $0x1080;
	[dreg:$0xe] =	wrdreg s10  }
0x10: {  	s13 =	simm.s32 $0x600;
	[dreg:$0xf] =	wrdreg s12  }
0x11: {  	s5 =	srdreg.scid;
	s14 =	simm.s32 $0x1100;
	[dreg:$0x10] =	wrdreg s13  }
0x12: {  	s9 =	stileid.u32;
	s15 =	simm.s32 $0x680;
	[dreg:$0x11] =	wrdreg s14  }
0x13: {  	s16 =	simm.s32 $0x1180;
	s17 =	simm.s32 $0x700;
	[dreg:$0x12] =	wrdreg s15  }
0x14: {  	s28 =	simm.s32 $0x9000;
	s29 =	simm.s32 $0x2;
	[dreg:$0x13] =	wrdreg s16  }
0x15: {  	s30 =	simm.s32 $0xC80;
	[dreg:$0x14] =	wrdreg s17;
	s18 =	simm.s32 $0x1200  }
0x16: {  	s31 =	simm.s32 $0x200;
	s19 =	simm.s32 $0x780;
	[dreg:$0x15] =	wrdreg s18  }
0x17: {  	s5 =	sand.u32 $0x1, s5;
	s21 =	simm.s32 $0x1280;
	[dreg:$0x16] =	wrdreg s19  }
0x18: {  	s7 =	sshll.u32 s9, $0xB;
	s22 =	simm.s32 $0x800;
	[dreg:$0x17] =	wrdreg s21  }
0x19: {  	s6 =	sshll.u32 s5, $0xF;
	s26 =	simm.s32 $0x880;
	[dreg:$0x18] =	wrdreg s22  }
0x1a: {  	s24 =	smul.u32 $0x28000, s5;
	s10 =	simm.s32 $0x1380;
	[dreg:$0x1a] =	wrdreg s26  }
0x1b: {  	s5 =	ssub.s32 $0x2, s5;
	s12 =	simm.s32 $0x900;
	[dreg:$0x1b] =	wrdreg s10  }
0x1c: {  	s8 =	smul.u32 $0x50000, s9;
	s14 =	simm.s32 $0x1400;
	[dreg:$0x1c] =	wrdreg s12  }
0x1d: {  	s16 =	simm.s32 $0x980;
	s4 =	simm.s32 $0xD00;
	[dreg:$0x1d] =	wrdreg s14  }
0x1e: {  	s6 =	sor.u32 s7, s6;
	s11 =	sshrl.u32 s5, $0x1;
	[dreg:$0x1e] =	wrdreg s16  }
0x1f: {  	s18 =	simm.s32 $0x1480;
	s16 =	simm.s32 $0x1800;
	s19 =	simm.s32 $0xA00  }
0x20: {  	s21 =	simm.s32 $0x1500;
	s22 =	simm.s32 $0xA80;
	[dreg:$0x1f] =	wrdreg s18  }
0x21: {  	s26 =	simm.s32 $0xB80;
	s10 =	simm.s32 $0xE00;
	[smem:$0x7F5] =	sst s19  }
0x22: {  	s12 =	simm.s32 $0x1700;
	s14 =	simm.s32 $0x0;
	[smem:$0x7F6] =	sst s21  }
0x23: {  	s6 =	sadd.s32 s6, s0;
	s0 =	sadd.s32 s24, s0;
	[smem:$0x7F7] =	sst s22  }
0x24: {  	s7 =	ssub.s32 s5, s11;
	s24 =	simm.s32 $0x1300;
	[smem:$0x7FB] =	sst s26  }
0x25: {  	s8 =	sshrl.u32 s8, $0x2;
	s7 =	smax.u32 s7, $0x1;
	[dreg:$0x19] =	wrdreg s24  }
0x26: {  	s18 =	simm.s32 $0xC00;
	s24 =	simm.s32 $0xB00;
	[smem:$0x7ED] =	sst s7  }
0x27: {  	s19 =	simm.s32 $0x50;
	s20 =	sadd.s32 s8, s2;
	[smem:$0x7F9] =	sst s24  }
0x28: {  	s21 =	simm.s32 $0x4000;
	s23 =	sadd.s32 $0x2800, s20;
	[smem:$0x7FD] =	sst s20  }
0x29: {  	s22 =	simm.s32 $0x100;
	s25 =	sadd.s32 $0x5000, s20;
	[smem:$0x7EE] =	sst s23  }
0x2a: {  	s8 =	smul.u32 $0x2800, s9;
	s9 =	sadd.s32 $0x7800, s20;
	[smem:$0x7EF] =	sst s25  }
0x2b: {  	s26 =	simm.s32 $0x180;
	s11 =	sadd.s32 $0xA000, s20;
	[smem:$0x7F0] =	sst s9  }
0x2c: {  	s5 =	sadd.s32 $0x11E00, s6;
	s13 =	sadd.s32 $0xC800, s20;
	[smem:$0x7F1] =	sst s11  }
0x2d: {  	s6 =	sadd.s32 $0x1E00, s6;
	s15 =	sadd.s32 $0xF000, s20;
	[smem:$0x7F2] =	sst s13  }
0x2e: {  	s0 =	sadd.s32 $0x21E00, s0;
	s17 =	sadd.s32 $0x11800, s20;
	[smem:$0x7F3] =	sst s15  }
0x2f: {  	[smem:$0x7F4] =	sst s17;
	s17 =	simm.s32 $0x5;
	s23 =	simm.s32 $0x1580  }
0x30: {  	s25 =	simm.s32 $0x1600;
	s0 =	sadd.s32 s8, s0;
	s8 =	simm.s32 $0x4  }
0x31: {  	s9 =	simm.s32 $0xD80;
	s11 =	simm.s32 $0x1680;
	[smem:$0x7F8] =	sst s23  }
0x32: {  	s13 =	simm.s32 $0x1780;
	[smem:$0x7FA] =	sst s25;
	s23 =	simm.s32 $0x6800  }
0x33: {  	v0 =	vimm.f32 $0.0e+00;
	[smem:$0x7FC] =	sst s0;
	s25 =	simm.s32 $0x1;
	s0 =	simm.s32 $0x3  }
.LBB2_1:
0x34: {  	s15 =	simm.s32 $0x0;
	s24 =	simm.s32 $0x200  }
.LBB2_2:
0x35: {  	p0 =	sne.s32 s24, $0x9E00;
	[tilespmem:s15+$0x1870] =	vst v0  }
0x36: {  	[tilespmem:s15+$0x1800] =	vst v0  }
0x37: {  	[tilespmem:s15+$0x1810] =	vst v0  }
.Ltmp0:
0x38: {  	[tilespmem:s15+$0x1820] =	vst v0;
	(pc) =	sbr.rel @p0 .LBB2_2-.Ltmp0, $4  }
0x39: {  	[tilespmem:s15+$0x1830] =	vst v0  }
0x3a: {  	[tilespmem:s15+$0x1840] =	vst v0  }
0x3b: {  	[tilespmem:s15+$0x1850] =	vst v0  }
0x3c: {  	[tilespmem:s15+$0x1860] =	vst v0;
	s15 =	sshra.s32 s24, $0x2;
	s24 =	sadd.s32 $0x200, s24  }
0x3d: {  	[tilespmem:s15+$0x1870] =	vst v0  }
0x3e: {  	[tilespmem:s15+$0x1800] =	vst v0  }
0x3f: {  	[tilespmem:s15+$0x1810] =	vst v0  }
0x40: {  	[tilespmem:s15+$0x1820] =	vst v0  }
0x41: {  	[tilespmem:s15+$0x1830] =	vst v0  }
0x42: {  	[tilespmem:s15+$0x1840] =	vst v0  }
0x43: {  	[tilespmem:s15+$0x1850] =	vst v0  }
0x44: {  	[smem:$0x7EC] =	sst s14;
	[tilespmem:s15+$0x1860] =	vst v0  }
0x45: {  	[spmem:s20] =	stream.linear.scatter [tilespmem:s16], [sflag:$0x5], $0x2800, $0x38;
	[tilespmem:$0x1F800] =	vst v63  }
0x46: {  	_ =	swait.ge [sflag:s17], $0x2800  }
0x47: {  	s7 =	sld [smem:$0x7EE]  }
0x48: {  	[sflag:s17] =	ssyncset.done $0x0  }
0x49: {  	[sflag:s17] =	ssyncadd.s32 $0xFFFFD800  }
0x4a: {  	[spmem:s7] =	stream.linear.scatter [tilespmem:s16], [sflag:$0x5], $0x2800, $0x38;
	[tilespmem:$0x1F800] =	vst v63  }
0x4b: {  	_ =	swait.ge [sflag:s17], $0x2800  }
0x4c: {  	s14 =	sld [smem:$0x7EF]  }
0x4d: {  	[sflag:s17] =	ssyncset.done $0x0  }
0x4e: {  	[sflag:s17] =	ssyncadd.s32 $0xFFFFD800  }
0x4f: {  	[spmem:s14] =	stream.linear.scatter [tilespmem:s16], [sflag:$0x5], $0x2800, $0x38;
	[tilespmem:$0x1F800] =	vst v63  }
0x50: {  	_ =	swait.ge [sflag:s17], $0x2800  }
0x51: {  	s15 =	sld [smem:$0x7F0]  }
0x52: {  	[sflag:s17] =	ssyncset.done $0x0  }
0x53: {  	[sflag:s17] =	ssyncadd.s32 $0xFFFFD800  }
0x54: {  	[spmem:s15] =	stream.linear.scatter [tilespmem:s16], [sflag:$0x5], $0x2800, $0x38;
	[tilespmem:$0x1F800] =	vst v63  }
0x55: {  	_ =	swait.ge [sflag:s17], $0x2800  }
0x56: {  	s20 =	sld [smem:$0x7F1]  }
0x57: {  	[sflag:s17] =	ssyncset.done $0x0  }
0x58: {  	[sflag:s17] =	ssyncadd.s32 $0xFFFFD800  }
0x59: {  	[spmem:s20] =	stream.linear.scatter [tilespmem:s16], [sflag:$0x5], $0x2800, $0x38;
	[tilespmem:$0x1F800] =	vst v63  }
0x5a: {  	_ =	swait.ge [sflag:s17], $0x2800  }
0x5b: {  	s24 =	sld [smem:$0x7F2]  }
0x5c: {  	[sflag:s17] =	ssyncset.done $0x0  }
0x5d: {  	[sflag:s17] =	ssyncadd.s32 $0xFFFFD800  }
0x5e: {  	[spmem:s24] =	stream.linear.scatter [tilespmem:s16], [sflag:$0x5], $0x2800, $0x38;
	[tilespmem:$0x1F800] =	vst v63  }
0x5f: {  	_ =	swait.ge [sflag:s17], $0x2800  }
0x60: {  	s14 =	sld [smem:$0x7F3]  }
0x61: {  	[sflag:s17] =	ssyncset.done $0x0  }
0x62: {  	[sflag:s17] =	ssyncadd.s32 $0xFFFFD800  }
0x63: {  	[spmem:s14] =	stream.linear.scatter [tilespmem:s16], [sflag:$0x5], $0x2800, $0x38;
	[tilespmem:$0x1F800] =	vst v63  }
0x64: {  	_ =	swait.ge [sflag:s17], $0x2800  }
0x65: {  	s15 =	sld [smem:$0x7F4]  }
0x66: {  	[sflag:s17] =	ssyncset.done $0x0  }
0x67: {  	[sflag:s17] =	ssyncadd.s32 $0xFFFFD800  }
0x68: {  	[spmem:s15] =	stream.linear.scatter [tilespmem:s16], [sflag:$0x5], $0x2800, $0x38;
	[tilespmem:$0x1F800] =	vst v63  }
0x69: {  	_ =	swait.ge [sflag:s17], $0x2800  }
0x6a: {  	[sflag:s17] =	ssyncset.done $0x0  }
0x6b: {  	[sflag:s17] =	ssyncadd.s32 $0xFFFFD800  }
0x6c: {  	s20 =	sadd.s32 $0x0, s5;
	[bflag:$0x0] =	sbarrier.arrive $0xFFFF  }
0x6d: {  	[tilespmem:s3], [sflag:$0x5] =	stream.linear.gather [hbm4b:s20+s3], $0xC00, $0x38;
	[tilespmem:$0x1F800] =	vst v63  }
0x6e: {  	_ =	swait.ge [sflag:s17], $0xC00  }
0x6f: {  	[sflag:s17] =	ssyncset.done $0x0  }
0x70: {  	s24 =	sadd.s32 $0x0, s6;
	[sflag:s17] =	ssyncadd.s32 $0xFFFFF400  }
0x71: {  	[tilespmem:s18], [sflag:$0x5] =	stream.linear.gather [hbm4b:s24+s3], $0xC00, $0x38;
	[tilespmem:$0x1F800] =	vst v63  }
0x72: {  	_ =	swait.ge [sflag:s17], $0xC00  }
0x73: {  	[sflag:s17] =	ssyncset.done $0x0  }
0x74: {  	[sflag:s17] =	ssyncadd.s32 $0xFFFFF400  }
0x75: {  	[tilespmem:s16], [sflag:$0x1] =	stream.indirect.gather [hbm4b:s1+s19], $0x80, s3, s19, $0xb8;
	[tilespmem:$0x1F800] =	vst v63  }
0x76: {  	s14 =	simm.s32 $0x80  }
0x77: {  	[tilespmem:s21], [sflag:$0x2] =	stream.indirect.gather [hbm4b:s1+s19], $0x80, s14, s19, $0xb8;
	[tilespmem:$0x1F800] =	vst v63  }
0x78: {  	_ = 	snop  }
0x79: {  	[tilespmem:s23], [sflag:$0x3] =	stream.indirect.gather [hbm4b:s1+s19], $0x80, s22, s19, $0xb8;
	[tilespmem:$0x1F800] =	vst v63  }
0x7a: {  	_ =	swait.ge [sflag:s25], $0x2800  }
0x7b: {  	[sflag:s25] =	ssyncset.done $0x0  }
0x7c: {  	[sflag:s25] =	ssyncadd.s32 $0xFFFFD800  }
0x7d: {  	[spmem:s2] =	stream.indirect.scatter.add.f32 [tilespmem:s16], [sflag:$0x5], $0x80, s18, s19, $0xb8;
	[tilespmem:$0x1F800] =	vst v63  }
0x7e: {  	_ =	swait.ge [sflag:s17], $0x2800  }
0x7f: {  	[sflag:s17] =	ssyncset.done $0x0  }
0x80: {  	[sflag:s17] =	ssyncadd.s32 $0xFFFFD800  }
0x81: {  	[tilespmem:s28], [sflag:$0x4] =	stream.indirect.gather [hbm4b:s1+s19], $0x80, s26, s19, $0xb8;
	[tilespmem:$0x1F800] =	vst v63  }
0x82: {  	_ =	swait.ge [sflag:s29], $0x2800  }
0x83: {  	[sflag:s29] =	ssyncset.done $0x0  }
0x84: {  	[sflag:s29] =	ssyncadd.s32 $0xFFFFD800  }
0x85: {  	[spmem:s2] =	stream.indirect.scatter.add.f32 [tilespmem:s21], [sflag:$0x5], $0x80, s30, s19, $0xb8;
	[tilespmem:$0x1F800] =	vst v63  }
0x86: {  	_ =	swait.ge [sflag:s17], $0x2800  }
0x87: {  	[sflag:s17] =	ssyncset.done $0x0  }
0x88: {  	[sflag:s17] =	ssyncadd.s32 $0xFFFFD800  }
0x89: {  	[tilespmem:s16], [sflag:$0x1] =	stream.indirect.gather [hbm4b:s1+s19], $0x80, s31, s19, $0xb8;
	[tilespmem:$0x1F800] =	vst v63  }
0x8a: {  	_ =	swait.ge [sflag:s0], $0x2800  }
0x8b: {  	[sflag:s0] =	ssyncset.done $0x0  }
0x8c: {  	[sflag:s0] =	ssyncadd.s32 $0xFFFFD800  }
0x8d: {  	[spmem:s2] =	stream.indirect.scatter.add.f32 [tilespmem:s23], [sflag:$0x5], $0x80, s4, s19, $0xb8;
	[tilespmem:$0x1F800] =	vst v63  }
0x8e: {  	_ =	swait.ge [sflag:s17], $0x2800  }
0x8f: {  	[sflag:s17] =	ssyncset.done $0x0  }
0x90: {  	s15 =	rddreg [dreg:$0x4];
	[sflag:s17] =	ssyncadd.s32 $0xFFFFD800  }
0x91: {  	[tilespmem:s21], [sflag:$0x2] =	stream.indirect.gather [hbm4b:s1+s19], $0x80, s15, s19, $0xb8;
	[tilespmem:$0x1F800] =	vst v63  }
0x92: {  	_ =	swait.ge [sflag:s8], $0x2800  }
0x93: {  	[sflag:s8] =	ssyncset.done $0x0  }
0x94: {  	[sflag:s8] =	ssyncadd.s32 $0xFFFFD800  }
0x95: {  	[spmem:s2] =	stream.indirect.scatter.add.f32 [tilespmem:s28], [sflag:$0x5], $0x80, s9, s19, $0xb8;
	[tilespmem:$0x1F800] =	vst v63  }
0x96: {  	_ =	swait.ge [sflag:s17], $0x2800  }
0x97: {  	[sflag:s17] =	ssyncset.done $0x0  }
0x98: {  	s20 =	rddreg [dreg:$0x5];
	[sflag:s17] =	ssyncadd.s32 $0xFFFFD800  }
0x99: {  	[tilespmem:s23], [sflag:$0x3] =	stream.indirect.gather [hbm4b:s1+s19], $0x80, s20, s19, $0xb8;
	[tilespmem:$0x1F800] =	vst v63  }
0x9a: {  	_ =	swait.ge [sflag:s25], $0x2800  }
0x9b: {  	[sflag:s25] =	ssyncset.done $0x0  }
0x9c: {  	[sflag:s25] =	ssyncadd.s32 $0xFFFFD800  }
0x9d: {  	[spmem:s2] =	stream.indirect.scatter.add.f32 [tilespmem:s16], [sflag:$0x5], $0x80, s10, s19, $0xb8;
	[tilespmem:$0x1F800] =	vst v63  }
0x9e: {  	_ =	swait.ge [sflag:s17], $0x2800  }
0x9f: {  	[sflag:s17] =	ssyncset.done $0x0  }
0xa0: {  	s24 =	rddreg [dreg:$0x6];
	[sflag:s17] =	ssyncadd.s32 $0xFFFFD800  }
0xa1: {  	[tilespmem:s28], [sflag:$0x4] =	stream.indirect.gather [hbm4b:s1+s19], $0x80, s24, s19, $0xb8;
	[tilespmem:$0x1F800] =	vst v63  }
0xa2: {  	_ =	swait.ge [sflag:s29], $0x2800  }
0xa3: {  	[sflag:s29] =	ssyncset.done $0x0  }
0xa4: {  	s14 =	rddreg [dreg:$0x7];
	[sflag:s29] =	ssyncadd.s32 $0xFFFFD800  }
0xa5: {  	[spmem:s2] =	stream.indirect.scatter.add.f32 [tilespmem:s21], [sflag:$0x5], $0x80, s14, s19, $0xb8;
	[tilespmem:$0x1F800] =	vst v63  }
0xa6: {  	_ =	swait.ge [sflag:s17], $0x2800  }
0xa7: {  	[sflag:s17] =	ssyncset.done $0x0  }
0xa8: {  	s15 =	rddreg [dreg:$0x8];
	[sflag:s17] =	ssyncadd.s32 $0xFFFFD800  }
0xa9: {  	[tilespmem:s16], [sflag:$0x1] =	stream.indirect.gather [hbm4b:s1+s19], $0x80, s15, s19, $0xb8;
	[tilespmem:$0x1F800] =	vst v63  }
0xaa: {  	_ =	swait.ge [sflag:s0], $0x2800  }
0xab: {  	[sflag:s0] =	ssyncset.done $0x0  }
0xac: {  	s20 =	rddreg [dreg:$0x9];
	[sflag:s0] =	ssyncadd.s32 $0xFFFFD800  }
0xad: {  	[spmem:s2] =	stream.indirect.scatter.add.f32 [tilespmem:s23], [sflag:$0x5], $0x80, s20, s19, $0xb8;
	[tilespmem:$0x1F800] =	vst v63  }
0xae: {  	_ =	swait.ge [sflag:s17], $0x2800  }
0xaf: {  	[sflag:s17] =	ssyncset.done $0x0  }
0xb0: {  	s24 =	rddreg [dreg:$0xa];
	[sflag:s17] =	ssyncadd.s32 $0xFFFFD800  }
0xb1: {  	[tilespmem:s21], [sflag:$0x2] =	stream.indirect.gather [hbm4b:s1+s19], $0x80, s24, s19, $0xb8;
	[tilespmem:$0x1F800] =	vst v63  }
0xb2: {  	_ =	swait.ge [sflag:s8], $0x2800  }
0xb3: {  	[sflag:s8] =	ssyncset.done $0x0  }
0xb4: {  	s14 =	rddreg [dreg:$0xb];
	[sflag:s8] =	ssyncadd.s32 $0xFFFFD800  }
0xb5: {  	[spmem:s2] =	stream.indirect.scatter.add.f32 [tilespmem:s28], [sflag:$0x5], $0x80, s14, s19, $0xb8;
	[tilespmem:$0x1F800] =	vst v63  }
0xb6: {  	_ =	swait.ge [sflag:s17], $0x2800  }
0xb7: {  	[sflag:s17] =	ssyncset.done $0x0  }
0xb8: {  	s15 =	rddreg [dreg:$0xc];
	[sflag:s17] =	ssyncadd.s32 $0xFFFFD800  }
0xb9: {  	[tilespmem:s23], [sflag:$0x3] =	stream.indirect.gather [hbm4b:s1+s19], $0x80, s15, s19, $0xb8;
	[tilespmem:$0x1F800] =	vst v63  }
0xba: {  	_ =	swait.ge [sflag:s25], $0x2800  }
0xbb: {  	[sflag:s25] =	ssyncset.done $0x0  }
0xbc: {  	s20 =	rddreg [dreg:$0xd];
	[sflag:s25] =	ssyncadd.s32 $0xFFFFD800  }
0xbd: {  	[spmem:s2] =	stream.indirect.scatter.add.f32 [tilespmem:s16], [sflag:$0x5], $0x80, s20, s19, $0xb8;
	[tilespmem:$0x1F800] =	vst v63  }
0xbe: {  	_ =	swait.ge [sflag:s17], $0x2800  }
0xbf: {  	[sflag:s17] =	ssyncset.done $0x0  }
0xc0: {  	s24 =	rddreg [dreg:$0xe];
	[sflag:s17] =	ssyncadd.s32 $0xFFFFD800  }
0xc1: {  	[tilespmem:s28], [sflag:$0x4] =	stream.indirect.gather [hbm4b:s1+s19], $0x80, s24, s19, $0xb8;
	[tilespmem:$0x1F800] =	vst v63  }
0xc2: {  	_ =	swait.ge [sflag:s29], $0x2800  }
0xc3: {  	[sflag:s29] =	ssyncset.done $0x0  }
0xc4: {  	s14 =	rddreg [dreg:$0xf];
	[sflag:s29] =	ssyncadd.s32 $0xFFFFD800  }
0xc5: {  	[spmem:s2] =	stream.indirect.scatter.add.f32 [tilespmem:s21], [sflag:$0x5], $0x80, s14, s19, $0xb8;
	[tilespmem:$0x1F800] =	vst v63  }
0xc6: {  	_ =	swait.ge [sflag:s17], $0x2800  }
0xc7: {  	[sflag:s17] =	ssyncset.done $0x0  }
0xc8: {  	s15 =	rddreg [dreg:$0x10];
	[sflag:s17] =	ssyncadd.s32 $0xFFFFD800  }
0xc9: {  	[tilespmem:s16], [sflag:$0x1] =	stream.indirect.gather [hbm4b:s1+s19], $0x80, s15, s19, $0xb8;
	[tilespmem:$0x1F800] =	vst v63  }
0xca: {  	_ =	swait.ge [sflag:s0], $0x2800  }
0xcb: {  	[sflag:s0] =	ssyncset.done $0x0  }
0xcc: {  	s20 =	rddreg [dreg:$0x11];
	[sflag:s0] =	ssyncadd.s32 $0xFFFFD800  }
0xcd: {  	[spmem:s2] =	stream.indirect.scatter.add.f32 [tilespmem:s23], [sflag:$0x5], $0x80, s20, s19, $0xb8;
	[tilespmem:$0x1F800] =	vst v63  }
0xce: {  	_ =	swait.ge [sflag:s17], $0x2800  }
0xcf: {  	[sflag:s17] =	ssyncset.done $0x0  }
0xd0: {  	s24 =	rddreg [dreg:$0x12];
	[sflag:s17] =	ssyncadd.s32 $0xFFFFD800  }
0xd1: {  	[tilespmem:s21], [sflag:$0x2] =	stream.indirect.gather [hbm4b:s1+s19], $0x80, s24, s19, $0xb8;
	[tilespmem:$0x1F800] =	vst v63  }
0xd2: {  	_ =	swait.ge [sflag:s8], $0x2800  }
0xd3: {  	[sflag:s8] =	ssyncset.done $0x0  }
0xd4: {  	s14 =	rddreg [dreg:$0x13];
	[sflag:s8] =	ssyncadd.s32 $0xFFFFD800  }
0xd5: {  	[spmem:s2] =	stream.indirect.scatter.add.f32 [tilespmem:s28], [sflag:$0x5], $0x80, s14, s19, $0xb8;
	[tilespmem:$0x1F800] =	vst v63  }
0xd6: {  	_ =	swait.ge [sflag:s17], $0x2800  }
0xd7: {  	[sflag:s17] =	ssyncset.done $0x0  }
0xd8: {  	s15 =	rddreg [dreg:$0x14];
	[sflag:s17] =	ssyncadd.s32 $0xFFFFD800  }
0xd9: {  	[tilespmem:s23], [sflag:$0x3] =	stream.indirect.gather [hbm4b:s1+s19], $0x80, s15, s19, $0xb8;
	[tilespmem:$0x1F800] =	vst v63  }
0xda: {  	_ =	swait.ge [sflag:s25], $0x2800  }
0xdb: {  	[sflag:s25] =	ssyncset.done $0x0  }
0xdc: {  	s20 =	rddreg [dreg:$0x15];
	[sflag:s25] =	ssyncadd.s32 $0xFFFFD800  }
0xdd: {  	[spmem:s2] =	stream.indirect.scatter.add.f32 [tilespmem:s16], [sflag:$0x5], $0x80, s20, s19, $0xb8;
	[tilespmem:$0x1F800] =	vst v63  }
0xde: {  	_ =	swait.ge [sflag:s17], $0x2800  }
0xdf: {  	[sflag:s17] =	ssyncset.done $0x0  }
0xe0: {  	s24 =	rddreg [dreg:$0x16];
	[sflag:s17] =	ssyncadd.s32 $0xFFFFD800  }
0xe1: {  	[tilespmem:s28], [sflag:$0x4] =	stream.indirect.gather [hbm4b:s1+s19], $0x80, s24, s19, $0xb8;
	[tilespmem:$0x1F800] =	vst v63  }
0xe2: {  	_ =	swait.ge [sflag:s29], $0x2800  }
0xe3: {  	[sflag:s29] =	ssyncset.done $0x0  }
0xe4: {  	s14 =	rddreg [dreg:$0x17];
	[sflag:s29] =	ssyncadd.s32 $0xFFFFD800  }
0xe5: {  	[spmem:s2] =	stream.indirect.scatter.add.f32 [tilespmem:s21], [sflag:$0x5], $0x80, s14, s19, $0xb8;
	[tilespmem:$0x1F800] =	vst v63  }
0xe6: {  	_ =	swait.ge [sflag:s17], $0x2800  }
0xe7: {  	[sflag:s17] =	ssyncset.done $0x0  }
0xe8: {  	s15 =	rddreg [dreg:$0x18];
	[sflag:s17] =	ssyncadd.s32 $0xFFFFD800  }
0xe9: {  	[tilespmem:s16], [sflag:$0x1] =	stream.indirect.gather [hbm4b:s1+s19], $0x80, s15, s19, $0xb8;
	[tilespmem:$0x1F800] =	vst v63  }
0xea: {  	_ =	swait.ge [sflag:s0], $0x2800  }
0xeb: {  	[sflag:s0] =	ssyncset.done $0x0  }
0xec: {  	s20 =	rddreg [dreg:$0x19];
	[sflag:s0] =	ssyncadd.s32 $0xFFFFD800  }
0xed: {  	[spmem:s2] =	stream.indirect.scatter.add.f32 [tilespmem:s23], [sflag:$0x5], $0x80, s20, s19, $0xb8;
	[tilespmem:$0x1F800] =	vst v63  }
0xee: {  	_ =	swait.ge [sflag:s17], $0x2800  }
0xef: {  	[sflag:s17] =	ssyncset.done $0x0  }
0xf0: {  	s24 =	rddreg [dreg:$0x1a];
	[sflag:s17] =	ssyncadd.s32 $0xFFFFD800  }
0xf1: {  	[tilespmem:s21], [sflag:$0x2] =	stream.indirect.gather [hbm4b:s1+s19], $0x80, s24, s19, $0xb8;
	[tilespmem:$0x1F800] =	vst v63  }
0xf2: {  	_ =	swait.ge [sflag:s8], $0x2800  }
0xf3: {  	[sflag:s8] =	ssyncset.done $0x0  }
0xf4: {  	s14 =	rddreg [dreg:$0x1b];
	[sflag:s8] =	ssyncadd.s32 $0xFFFFD800  }
0xf5: {  	[spmem:s2] =	stream.indirect.scatter.add.f32 [tilespmem:s28], [sflag:$0x5], $0x80, s14, s19, $0xb8;
	[tilespmem:$0x1F800] =	vst v63  }
0xf6: {  	_ =	swait.ge [sflag:s17], $0x2800  }
0xf7: {  	[sflag:s17] =	ssyncset.done $0x0  }
0xf8: {  	s15 =	rddreg [dreg:$0x1c];
	[sflag:s17] =	ssyncadd.s32 $0xFFFFD800  }
0xf9: {  	[tilespmem:s23], [sflag:$0x3] =	stream.indirect.gather [hbm4b:s1+s19], $0x80, s15, s19, $0xb8;
	[tilespmem:$0x1F800] =	vst v63  }
0xfa: {  	_ =	swait.ge [sflag:s25], $0x2800  }
0xfb: {  	[sflag:s25] =	ssyncset.done $0x0  }
0xfc: {  	s20 =	rddreg [dreg:$0x1d];
	[sflag:s25] =	ssyncadd.s32 $0xFFFFD800  }
0xfd: {  	[spmem:s2] =	stream.indirect.scatter.add.f32 [tilespmem:s16], [sflag:$0x5], $0x80, s20, s19, $0xb8;
	[tilespmem:$0x1F800] =	vst v63  }
0xfe: {  	_ =	swait.ge [sflag:s17], $0x2800  }
0xff: {  	[sflag:s17] =	ssyncset.done $0x0  }
0x100: {  	s24 =	rddreg [dreg:$0x1e];
	[sflag:s17] =	ssyncadd.s32 $0xFFFFD800  }
0x101: {  	[tilespmem:s28], [sflag:$0x4] =	stream.indirect.gather [hbm4b:s1+s19], $0x80, s24, s19, $0xb8;
	[tilespmem:$0x1F800] =	vst v63  }
0x102: {  	_ =	swait.ge [sflag:s29], $0x2800  }
0x103: {  	[sflag:s29] =	ssyncset.done $0x0  }
0x104: {  	s14 =	rddreg [dreg:$0x1f];
	[sflag:s29] =	ssyncadd.s32 $0xFFFFD800  }
0x105: {  	[spmem:s2] =	stream.indirect.scatter.add.f32 [tilespmem:s21], [sflag:$0x5], $0x80, s14, s19, $0xb8;
	[tilespmem:$0x1F800] =	vst v63  }
0x106: {  	_ =	swait.ge [sflag:s17], $0x2800  }
0x107: {  	s15 =	sld [smem:$0x7F5]  }
0x108: {  	[sflag:s17] =	ssyncset.done $0x0  }
0x109: {  	[sflag:s17] =	ssyncadd.s32 $0xFFFFD800  }
0x10a: {  	[tilespmem:s16], [sflag:$0x1] =	stream.indirect.gather [hbm4b:s1+s19], $0x80, s15, s19, $0xb8;
	[tilespmem:$0x1F800] =	vst v63  }
0x10b: {  	_ =	swait.ge [sflag:s0], $0x2800  }
0x10c: {  	s20 =	sld [smem:$0x7F6]  }
0x10d: {  	[sflag:s0] =	ssyncset.done $0x0  }
0x10e: {  	[sflag:s0] =	ssyncadd.s32 $0xFFFFD800  }
0x10f: {  	[spmem:s2] =	stream.indirect.scatter.add.f32 [tilespmem:s23], [sflag:$0x5], $0x80, s20, s19, $0xb8;
	[tilespmem:$0x1F800] =	vst v63  }
0x110: {  	_ =	swait.ge [sflag:s17], $0x2800  }
0x111: {  	s24 =	sld [smem:$0x7F7]  }
0x112: {  	[sflag:s17] =	ssyncset.done $0x0  }
0x113: {  	[sflag:s17] =	ssyncadd.s32 $0xFFFFD800  }
0x114: {  	[tilespmem:s21], [sflag:$0x2] =	stream.indirect.gather [hbm4b:s1+s19], $0x80, s24, s19, $0xb8;
	[tilespmem:$0x1F800] =	vst v63  }
0x115: {  	_ =	swait.ge [sflag:s8], $0x2800  }
0x116: {  	s14 =	sld [smem:$0x7F8]  }
0x117: {  	[sflag:s8] =	ssyncset.done $0x0  }
0x118: {  	[sflag:s8] =	ssyncadd.s32 $0xFFFFD800  }
0x119: {  	[spmem:s2] =	stream.indirect.scatter.add.f32 [tilespmem:s28], [sflag:$0x5], $0x80, s14, s19, $0xb8;
	[tilespmem:$0x1F800] =	vst v63  }
0x11a: {  	_ =	swait.ge [sflag:s17], $0x2800  }
0x11b: {  	s15 =	sld [smem:$0x7F9]  }
0x11c: {  	[sflag:s17] =	ssyncset.done $0x0  }
0x11d: {  	[sflag:s17] =	ssyncadd.s32 $0xFFFFD800  }
0x11e: {  	[tilespmem:s23], [sflag:$0x3] =	stream.indirect.gather [hbm4b:s1+s19], $0x80, s15, s19, $0xb8;
	[tilespmem:$0x1F800] =	vst v63  }
0x11f: {  	_ =	swait.ge [sflag:s25], $0x2800  }
0x120: {  	s20 =	sld [smem:$0x7FA]  }
0x121: {  	[sflag:s25] =	ssyncset.done $0x0  }
0x122: {  	[sflag:s25] =	ssyncadd.s32 $0xFFFFD800  }
0x123: {  	[spmem:s2] =	stream.indirect.scatter.add.f32 [tilespmem:s16], [sflag:$0x5], $0x80, s20, s19, $0xb8;
	[tilespmem:$0x1F800] =	vst v63  }
0x124: {  	_ =	swait.ge [sflag:s17], $0x2800  }
0x125: {  	s24 =	sld [smem:$0x7FB]  }
0x126: {  	[sflag:s17] =	ssyncset.done $0x0  }
0x127: {  	[sflag:s17] =	ssyncadd.s32 $0xFFFFD800  }
0x128: {  	[tilespmem:s28], [sflag:$0x4] =	stream.indirect.gather [hbm4b:s1+s19], $0x80, s24, s19, $0xb8;
	[tilespmem:$0x1F800] =	vst v63  }
0x129: {  	_ =	swait.ge [sflag:s29], $0x2800  }
0x12a: {  	[sflag:s29] =	ssyncset.done $0x0  }
0x12b: {  	[sflag:s29] =	ssyncadd.s32 $0xFFFFD800  }
0x12c: {  	[spmem:s2] =	stream.indirect.scatter.add.f32 [tilespmem:s21], [sflag:$0x5], $0x80, s11, s19, $0xb8;
	[tilespmem:$0x1F800] =	vst v63  }
0x12d: {  	_ =	swait.ge [sflag:s17], $0x2800  }
0x12e: {  	[sflag:s17] =	ssyncset.done $0x0  }
0x12f: {  	[sflag:s17] =	ssyncadd.s32 $0xFFFFD800  }
0x130: {  	_ =	swait.ge [sflag:s0], $0x2800  }
0x131: {  	[sflag:s0] =	ssyncset.done $0x0  }
0x132: {  	[sflag:s0] =	ssyncadd.s32 $0xFFFFD800  }
0x133: {  	[spmem:s2] =	stream.indirect.scatter.add.f32 [tilespmem:s23], [sflag:$0x5], $0x80, s12, s19, $0xb8;
	[tilespmem:$0x1F800] =	vst v63  }
0x134: {  	_ =	swait.ge [sflag:s17], $0x2800  }
0x135: {  	[sflag:s17] =	ssyncset.done $0x0  }
0x136: {  	[sflag:s17] =	ssyncadd.s32 $0xFFFFD800  }
0x137: {  	_ =	swait.ge [sflag:s8], $0x2800  }
0x138: {  	[sflag:s8] =	ssyncset.done $0x0  }
0x139: {  	[sflag:s8] =	ssyncadd.s32 $0xFFFFD800  }
0x13a: {  	[spmem:s2] =	stream.indirect.scatter.add.f32 [tilespmem:s28], [sflag:$0x5], $0x80, s13, s19, $0xb8;
	[tilespmem:$0x1F800] =	vst v63  }
0x13b: {  	_ =	swait.ge [sflag:s17], $0x2800  }
0x13c: {  	s15 =	simm.s32 $0x180;
	s24 =	simm.s32 $0x300;
	[sflag:s17] =	ssyncset.done $0x0  }
.LBB2_4:
0x13d: {  	s14 =	sadd.s32 s15, s5;
	[sflag:s17] =	ssyncadd.s32 $0xFFFFD800  }
0x13e: {  	[tilespmem:s3], [sflag:$0x5] =	stream.linear.gather [hbm4b:s14+s3], $0xC00, $0x38;
	[tilespmem:$0x1F800] =	vst v63  }
0x13f: {  	_ =	swait.ge [sflag:s17], $0xC00  }
0x140: {  	s20 =	smov.u32 s24;
	s7 =	sadd.s32 $0x180, s24;
	[sflag:s17] =	ssyncset.done $0x0  }
0x141: {  	p0 =	sne.s32 s24, $0x600;
	s24 =	sadd.s32 s15, s6;
	[sflag:s17] =	ssyncadd.s32 $0xFFFFF400  }
0x142: {  	[tilespmem:s18], [sflag:$0x5] =	stream.linear.gather [hbm4b:s24+s3], $0xC00, $0x38;
	[tilespmem:$0x1F800] =	vst v63  }
0x143: {  	_ =	swait.ge [sflag:s17], $0xC00  }
0x144: {  	[sflag:s17] =	ssyncset.done $0x0  }
0x145: {  	[sflag:s17] =	ssyncadd.s32 $0xFFFFF400  }
0x146: {  	[tilespmem:s16], [sflag:$0x1] =	stream.indirect.gather [hbm4b:s1+s19], $0x80, s3, s19, $0xb8;
	[tilespmem:$0x1F800] =	vst v63  }
0x147: {  	s15 =	smov.u32 s20;
	s20 =	simm.s32 $0x80  }
0x148: {  	[tilespmem:s21], [sflag:$0x2] =	stream.indirect.gather [hbm4b:s1+s19], $0x80, s20, s19, $0xb8;
	[tilespmem:$0x1F800] =	vst v63  }
0x149: {  	_ = 	snop  }
0x14a: {  	[tilespmem:s23], [sflag:$0x3] =	stream.indirect.gather [hbm4b:s1+s19], $0x80, s22, s19, $0xb8;
	[tilespmem:$0x1F800] =	vst v63  }
0x14b: {  	_ =	swait.ge [sflag:s25], $0x2800  }
0x14c: {  	[sflag:s25] =	ssyncset.done $0x0  }
0x14d: {  	[sflag:s25] =	ssyncadd.s32 $0xFFFFD800  }
0x14e: {  	[spmem:s2] =	stream.indirect.scatter.add.f32 [tilespmem:s16], [sflag:$0x5], $0x80, s18, s19, $0xb8;
	[tilespmem:$0x1F800] =	vst v63  }
0x14f: {  	_ =	swait.ge [sflag:s17], $0x2800  }
0x150: {  	[sflag:s17] =	ssyncset.done $0x0  }
0x151: {  	[sflag:s17] =	ssyncadd.s32 $0xFFFFD800  }
0x152: {  	[tilespmem:s28], [sflag:$0x4] =	stream.indirect.gather [hbm4b:s1+s19], $0x80, s26, s19, $0xb8;
	[tilespmem:$0x1F800] =	vst v63  }
0x153: {  	_ =	swait.ge [sflag:s29], $0x2800  }
0x154: {  	[sflag:s29] =	ssyncset.done $0x0  }
0x155: {  	[sflag:s29] =	ssyncadd.s32 $0xFFFFD800  }
0x156: {  	[spmem:s2] =	stream.indirect.scatter.add.f32 [tilespmem:s21], [sflag:$0x5], $0x80, s30, s19, $0xb8;
	[tilespmem:$0x1F800] =	vst v63  }
0x157: {  	_ =	swait.ge [sflag:s17], $0x2800  }
0x158: {  	[sflag:s17] =	ssyncset.done $0x0  }
0x159: {  	[sflag:s17] =	ssyncadd.s32 $0xFFFFD800  }
0x15a: {  	[tilespmem:s16], [sflag:$0x1] =	stream.indirect.gather [hbm4b:s1+s19], $0x80, s31, s19, $0xb8;
	[tilespmem:$0x1F800] =	vst v63  }
0x15b: {  	_ =	swait.ge [sflag:s0], $0x2800  }
0x15c: {  	[sflag:s0] =	ssyncset.done $0x0  }
0x15d: {  	[sflag:s0] =	ssyncadd.s32 $0xFFFFD800  }
0x15e: {  	[spmem:s2] =	stream.indirect.scatter.add.f32 [tilespmem:s23], [sflag:$0x5], $0x80, s4, s19, $0xb8;
	[tilespmem:$0x1F800] =	vst v63  }
0x15f: {  	_ =	swait.ge [sflag:s17], $0x2800  }
0x160: {  	[sflag:s17] =	ssyncset.done $0x0  }
0x161: {  	s24 =	rddreg [dreg:$0x4];
	[sflag:s17] =	ssyncadd.s32 $0xFFFFD800  }
0x162: {  	[tilespmem:s21], [sflag:$0x2] =	stream.indirect.gather [hbm4b:s1+s19], $0x80, s24, s19, $0xb8;
	[tilespmem:$0x1F800] =	vst v63  }
0x163: {  	_ =	swait.ge [sflag:s8], $0x2800  }
0x164: {  	[sflag:s8] =	ssyncset.done $0x0  }
0x165: {  	[sflag:s8] =	ssyncadd.s32 $0xFFFFD800  }
0x166: {  	[spmem:s2] =	stream.indirect.scatter.add.f32 [tilespmem:s28], [sflag:$0x5], $0x80, s9, s19, $0xb8;
	[tilespmem:$0x1F800] =	vst v63  }
0x167: {  	_ =	swait.ge [sflag:s17], $0x2800  }
0x168: {  	[sflag:s17] =	ssyncset.done $0x0  }
0x169: {  	s24 =	rddreg [dreg:$0x5];
	[sflag:s17] =	ssyncadd.s32 $0xFFFFD800  }
0x16a: {  	[tilespmem:s23], [sflag:$0x3] =	stream.indirect.gather [hbm4b:s1+s19], $0x80, s24, s19, $0xb8;
	[tilespmem:$0x1F800] =	vst v63  }
0x16b: {  	_ =	swait.ge [sflag:s25], $0x2800  }
0x16c: {  	[sflag:s25] =	ssyncset.done $0x0  }
0x16d: {  	[sflag:s25] =	ssyncadd.s32 $0xFFFFD800  }
0x16e: {  	[spmem:s2] =	stream.indirect.scatter.add.f32 [tilespmem:s16], [sflag:$0x5], $0x80, s10, s19, $0xb8;
	[tilespmem:$0x1F800] =	vst v63  }
0x16f: {  	_ =	swait.ge [sflag:s17], $0x2800  }
0x170: {  	[sflag:s17] =	ssyncset.done $0x0  }
0x171: {  	s24 =	rddreg [dreg:$0x6];
	[sflag:s17] =	ssyncadd.s32 $0xFFFFD800  }
0x172: {  	[tilespmem:s28], [sflag:$0x4] =	stream.indirect.gather [hbm4b:s1+s19], $0x80, s24, s19, $0xb8;
	[tilespmem:$0x1F800] =	vst v63  }
0x173: {  	_ =	swait.ge [sflag:s29], $0x2800  }
0x174: {  	[sflag:s29] =	ssyncset.done $0x0  }
0x175: {  	s24 =	rddreg [dreg:$0x7];
	[sflag:s29] =	ssyncadd.s32 $0xFFFFD800  }
0x176: {  	[spmem:s2] =	stream.indirect.scatter.add.f32 [tilespmem:s21], [sflag:$0x5], $0x80, s24, s19, $0xb8;
	[tilespmem:$0x1F800] =	vst v63  }
0x177: {  	_ =	swait.ge [sflag:s17], $0x2800  }
0x178: {  	[sflag:s17] =	ssyncset.done $0x0  }
0x179: {  	s24 =	rddreg [dreg:$0x8];
	[sflag:s17] =	ssyncadd.s32 $0xFFFFD800  }
0x17a: {  	[tilespmem:s16], [sflag:$0x1] =	stream.indirect.gather [hbm4b:s1+s19], $0x80, s24, s19, $0xb8;
	[tilespmem:$0x1F800] =	vst v63  }
0x17b: {  	_ =	swait.ge [sflag:s0], $0x2800  }
0x17c: {  	[sflag:s0] =	ssyncset.done $0x0  }
0x17d: {  	s24 =	rddreg [dreg:$0x9];
	[sflag:s0] =	ssyncadd.s32 $0xFFFFD800  }
0x17e: {  	[spmem:s2] =	stream.indirect.scatter.add.f32 [tilespmem:s23], [sflag:$0x5], $0x80, s24, s19, $0xb8;
	[tilespmem:$0x1F800] =	vst v63  }
0x17f: {  	_ =	swait.ge [sflag:s17], $0x2800  }
0x180: {  	[sflag:s17] =	ssyncset.done $0x0  }
0x181: {  	s24 =	rddreg [dreg:$0xa];
	[sflag:s17] =	ssyncadd.s32 $0xFFFFD800  }
0x182: {  	[tilespmem:s21], [sflag:$0x2] =	stream.indirect.gather [hbm4b:s1+s19], $0x80, s24, s19, $0xb8;
	[tilespmem:$0x1F800] =	vst v63  }
0x183: {  	_ =	swait.ge [sflag:s8], $0x2800  }
0x184: {  	[sflag:s8] =	ssyncset.done $0x0  }
0x185: {  	s24 =	rddreg [dreg:$0xb];
	[sflag:s8] =	ssyncadd.s32 $0xFFFFD800  }
0x186: {  	[spmem:s2] =	stream.indirect.scatter.add.f32 [tilespmem:s28], [sflag:$0x5], $0x80, s24, s19, $0xb8;
	[tilespmem:$0x1F800] =	vst v63  }
0x187: {  	_ =	swait.ge [sflag:s17], $0x2800  }
0x188: {  	[sflag:s17] =	ssyncset.done $0x0  }
0x189: {  	s24 =	rddreg [dreg:$0xc];
	[sflag:s17] =	ssyncadd.s32 $0xFFFFD800  }
0x18a: {  	[tilespmem:s23], [sflag:$0x3] =	stream.indirect.gather [hbm4b:s1+s19], $0x80, s24, s19, $0xb8;
	[tilespmem:$0x1F800] =	vst v63  }
0x18b: {  	_ =	swait.ge [sflag:s25], $0x2800  }
0x18c: {  	[sflag:s25] =	ssyncset.done $0x0  }
0x18d: {  	s24 =	rddreg [dreg:$0xd];
	[sflag:s25] =	ssyncadd.s32 $0xFFFFD800  }
0x18e: {  	[spmem:s2] =	stream.indirect.scatter.add.f32 [tilespmem:s16], [sflag:$0x5], $0x80, s24, s19, $0xb8;
	[tilespmem:$0x1F800] =	vst v63  }
0x18f: {  	_ =	swait.ge [sflag:s17], $0x2800  }
0x190: {  	[sflag:s17] =	ssyncset.done $0x0  }
0x191: {  	s24 =	rddreg [dreg:$0xe];
	[sflag:s17] =	ssyncadd.s32 $0xFFFFD800  }
0x192: {  	[tilespmem:s28], [sflag:$0x4] =	stream.indirect.gather [hbm4b:s1+s19], $0x80, s24, s19, $0xb8;
	[tilespmem:$0x1F800] =	vst v63  }
0x193: {  	_ =	swait.ge [sflag:s29], $0x2800  }
0x194: {  	[sflag:s29] =	ssyncset.done $0x0  }
0x195: {  	s24 =	rddreg [dreg:$0xf];
	[sflag:s29] =	ssyncadd.s32 $0xFFFFD800  }
0x196: {  	[spmem:s2] =	stream.indirect.scatter.add.f32 [tilespmem:s21], [sflag:$0x5], $0x80, s24, s19, $0xb8;
	[tilespmem:$0x1F800] =	vst v63  }
0x197: {  	_ =	swait.ge [sflag:s17], $0x2800  }
0x198: {  	[sflag:s17] =	ssyncset.done $0x0  }
0x199: {  	s24 =	rddreg [dreg:$0x10];
	[sflag:s17] =	ssyncadd.s32 $0xFFFFD800  }
0x19a: {  	[tilespmem:s16], [sflag:$0x1] =	stream.indirect.gather [hbm4b:s1+s19], $0x80, s24, s19, $0xb8;
	[tilespmem:$0x1F800] =	vst v63  }
0x19b: {  	_ =	swait.ge [sflag:s0], $0x2800  }
0x19c: {  	[sflag:s0] =	ssyncset.done $0x0  }
0x19d: {  	s24 =	rddreg [dreg:$0x11];
	[sflag:s0] =	ssyncadd.s32 $0xFFFFD800  }
0x19e: {  	[spmem:s2] =	stream.indirect.scatter.add.f32 [tilespmem:s23], [sflag:$0x5], $0x80, s24, s19, $0xb8;
	[tilespmem:$0x1F800] =	vst v63  }
0x19f: {  	_ =	swait.ge [sflag:s17], $0x2800  }
0x1a0: {  	[sflag:s17] =	ssyncset.done $0x0  }
0x1a1: {  	s24 =	rddreg [dreg:$0x12];
	[sflag:s17] =	ssyncadd.s32 $0xFFFFD800  }
0x1a2: {  	[tilespmem:s21], [sflag:$0x2] =	stream.indirect.gather [hbm4b:s1+s19], $0x80, s24, s19, $0xb8;
	[tilespmem:$0x1F800] =	vst v63  }
0x1a3: {  	_ =	swait.ge [sflag:s8], $0x2800  }
0x1a4: {  	[sflag:s8] =	ssyncset.done $0x0  }
0x1a5: {  	s24 =	rddreg [dreg:$0x13];
	[sflag:s8] =	ssyncadd.s32 $0xFFFFD800  }
0x1a6: {  	[spmem:s2] =	stream.indirect.scatter.add.f32 [tilespmem:s28], [sflag:$0x5], $0x80, s24, s19, $0xb8;
	[tilespmem:$0x1F800] =	vst v63  }
0x1a7: {  	_ =	swait.ge [sflag:s17], $0x2800  }
0x1a8: {  	[sflag:s17] =	ssyncset.done $0x0  }
0x1a9: {  	s24 =	rddreg [dreg:$0x14];
	[sflag:s17] =	ssyncadd.s32 $0xFFFFD800  }
0x1aa: {  	[tilespmem:s23], [sflag:$0x3] =	stream.indirect.gather [hbm4b:s1+s19], $0x80, s24, s19, $0xb8;
	[tilespmem:$0x1F800] =	vst v63  }
0x1ab: {  	_ =	swait.ge [sflag:s25], $0x2800  }
0x1ac: {  	[sflag:s25] =	ssyncset.done $0x0  }
0x1ad: {  	s24 =	rddreg [dreg:$0x15];
	[sflag:s25] =	ssyncadd.s32 $0xFFFFD800  }
0x1ae: {  	[spmem:s2] =	stream.indirect.scatter.add.f32 [tilespmem:s16], [sflag:$0x5], $0x80, s24, s19, $0xb8;
	[tilespmem:$0x1F800] =	vst v63  }
0x1af: {  	_ =	swait.ge [sflag:s17], $0x2800  }
0x1b0: {  	[sflag:s17] =	ssyncset.done $0x0  }
0x1b1: {  	s24 =	rddreg [dreg:$0x16];
	[sflag:s17] =	ssyncadd.s32 $0xFFFFD800  }
0x1b2: {  	[tilespmem:s28], [sflag:$0x4] =	stream.indirect.gather [hbm4b:s1+s19], $0x80, s24, s19, $0xb8;
	[tilespmem:$0x1F800] =	vst v63  }
0x1b3: {  	_ =	swait.ge [sflag:s29], $0x2800  }
0x1b4: {  	[sflag:s29] =	ssyncset.done $0x0  }
0x1b5: {  	s24 =	rddreg [dreg:$0x17];
	[sflag:s29] =	ssyncadd.s32 $0xFFFFD800  }
0x1b6: {  	[spmem:s2] =	stream.indirect.scatter.add.f32 [tilespmem:s21], [sflag:$0x5], $0x80, s24, s19, $0xb8;
	[tilespmem:$0x1F800] =	vst v63  }
0x1b7: {  	_ =	swait.ge [sflag:s17], $0x2800  }
0x1b8: {  	[sflag:s17] =	ssyncset.done $0x0  }
0x1b9: {  	s24 =	rddreg [dreg:$0x18];
	[sflag:s17] =	ssyncadd.s32 $0xFFFFD800  }
0x1ba: {  	[tilespmem:s16], [sflag:$0x1] =	stream.indirect.gather [hbm4b:s1+s19], $0x80, s24, s19, $0xb8;
	[tilespmem:$0x1F800] =	vst v63  }
0x1bb: {  	_ =	swait.ge [sflag:s0], $0x2800  }
0x1bc: {  	[sflag:s0] =	ssyncset.done $0x0  }
0x1bd: {  	s24 =	rddreg [dreg:$0x19];
	[sflag:s0] =	ssyncadd.s32 $0xFFFFD800  }
0x1be: {  	[spmem:s2] =	stream.indirect.scatter.add.f32 [tilespmem:s23], [sflag:$0x5], $0x80, s24, s19, $0xb8;
	[tilespmem:$0x1F800] =	vst v63  }
0x1bf: {  	_ =	swait.ge [sflag:s17], $0x2800  }
0x1c0: {  	[sflag:s17] =	ssyncset.done $0x0  }
0x1c1: {  	s24 =	rddreg [dreg:$0x1a];
	[sflag:s17] =	ssyncadd.s32 $0xFFFFD800  }
0x1c2: {  	[tilespmem:s21], [sflag:$0x2] =	stream.indirect.gather [hbm4b:s1+s19], $0x80, s24, s19, $0xb8;
	[tilespmem:$0x1F800] =	vst v63  }
0x1c3: {  	_ =	swait.ge [sflag:s8], $0x2800  }
0x1c4: {  	[sflag:s8] =	ssyncset.done $0x0  }
0x1c5: {  	s24 =	rddreg [dreg:$0x1b];
	[sflag:s8] =	ssyncadd.s32 $0xFFFFD800  }
0x1c6: {  	[spmem:s2] =	stream.indirect.scatter.add.f32 [tilespmem:s28], [sflag:$0x5], $0x80, s24, s19, $0xb8;
	[tilespmem:$0x1F800] =	vst v63  }
0x1c7: {  	_ =	swait.ge [sflag:s17], $0x2800  }
0x1c8: {  	[sflag:s17] =	ssyncset.done $0x0  }
0x1c9: {  	s24 =	rddreg [dreg:$0x1c];
	[sflag:s17] =	ssyncadd.s32 $0xFFFFD800  }
0x1ca: {  	[tilespmem:s23], [sflag:$0x3] =	stream.indirect.gather [hbm4b:s1+s19], $0x80, s24, s19, $0xb8;
	[tilespmem:$0x1F800] =	vst v63  }
0x1cb: {  	_ =	swait.ge [sflag:s25], $0x2800  }
0x1cc: {  	[sflag:s25] =	ssyncset.done $0x0  }
0x1cd: {  	s24 =	rddreg [dreg:$0x1d];
	[sflag:s25] =	ssyncadd.s32 $0xFFFFD800  }
0x1ce: {  	[spmem:s2] =	stream.indirect.scatter.add.f32 [tilespmem:s16], [sflag:$0x5], $0x80, s24, s19, $0xb8;
	[tilespmem:$0x1F800] =	vst v63  }
0x1cf: {  	_ =	swait.ge [sflag:s17], $0x2800  }
0x1d0: {  	[sflag:s17] =	ssyncset.done $0x0  }
0x1d1: {  	s24 =	rddreg [dreg:$0x1e];
	[sflag:s17] =	ssyncadd.s32 $0xFFFFD800  }
0x1d2: {  	[tilespmem:s28], [sflag:$0x4] =	stream.indirect.gather [hbm4b:s1+s19], $0x80, s24, s19, $0xb8;
	[tilespmem:$0x1F800] =	vst v63  }
0x1d3: {  	_ =	swait.ge [sflag:s29], $0x2800  }
0x1d4: {  	[sflag:s29] =	ssyncset.done $0x0  }
0x1d5: {  	s24 =	rddreg [dreg:$0x1f];
	[sflag:s29] =	ssyncadd.s32 $0xFFFFD800  }
0x1d6: {  	[spmem:s2] =	stream.indirect.scatter.add.f32 [tilespmem:s21], [sflag:$0x5], $0x80, s24, s19, $0xb8;
	[tilespmem:$0x1F800] =	vst v63  }
0x1d7: {  	_ =	swait.ge [sflag:s17], $0x2800  }
0x1d8: {  	s24 =	sld [smem:$0x7F5]  }
0x1d9: {  	[sflag:s17] =	ssyncset.done $0x0  }
0x1da: {  	[sflag:s17] =	ssyncadd.s32 $0xFFFFD800  }
0x1db: {  	[tilespmem:s16], [sflag:$0x1] =	stream.indirect.gather [hbm4b:s1+s19], $0x80, s24, s19, $0xb8;
	[tilespmem:$0x1F800] =	vst v63  }
0x1dc: {  	_ =	swait.ge [sflag:s0], $0x2800  }
0x1dd: {  	s24 =	sld [smem:$0x7F6]  }
0x1de: {  	[sflag:s0] =	ssyncset.done $0x0  }
0x1df: {  	[sflag:s0] =	ssyncadd.s32 $0xFFFFD800  }
0x1e0: {  	[spmem:s2] =	stream.indirect.scatter.add.f32 [tilespmem:s23], [sflag:$0x5], $0x80, s24, s19, $0xb8;
	[tilespmem:$0x1F800] =	vst v63  }
0x1e1: {  	_ =	swait.ge [sflag:s17], $0x2800  }
0x1e2: {  	s24 =	sld [smem:$0x7F7]  }
0x1e3: {  	[sflag:s17] =	ssyncset.done $0x0  }
0x1e4: {  	[sflag:s17] =	ssyncadd.s32 $0xFFFFD800  }
0x1e5: {  	[tilespmem:s21], [sflag:$0x2] =	stream.indirect.gather [hbm4b:s1+s19], $0x80, s24, s19, $0xb8;
	[tilespmem:$0x1F800] =	vst v63  }
0x1e6: {  	_ =	swait.ge [sflag:s8], $0x2800  }
0x1e7: {  	s24 =	sld [smem:$0x7F8]  }
0x1e8: {  	[sflag:s8] =	ssyncset.done $0x0  }
0x1e9: {  	[sflag:s8] =	ssyncadd.s32 $0xFFFFD800  }
0x1ea: {  	[spmem:s2] =	stream.indirect.scatter.add.f32 [tilespmem:s28], [sflag:$0x5], $0x80, s24, s19, $0xb8;
	[tilespmem:$0x1F800] =	vst v63  }
0x1eb: {  	_ =	swait.ge [sflag:s17], $0x2800  }
0x1ec: {  	s24 =	sld [smem:$0x7F9]  }
0x1ed: {  	[sflag:s17] =	ssyncset.done $0x0  }
0x1ee: {  	[sflag:s17] =	ssyncadd.s32 $0xFFFFD800  }
0x1ef: {  	[tilespmem:s23], [sflag:$0x3] =	stream.indirect.gather [hbm4b:s1+s19], $0x80, s24, s19, $0xb8;
	[tilespmem:$0x1F800] =	vst v63  }
0x1f0: {  	_ =	swait.ge [sflag:s25], $0x2800  }
0x1f1: {  	s24 =	sld [smem:$0x7FA]  }
0x1f2: {  	[sflag:s25] =	ssyncset.done $0x0  }
0x1f3: {  	[sflag:s25] =	ssyncadd.s32 $0xFFFFD800  }
0x1f4: {  	[spmem:s2] =	stream.indirect.scatter.add.f32 [tilespmem:s16], [sflag:$0x5], $0x80, s24, s19, $0xb8;
	[tilespmem:$0x1F800] =	vst v63  }
0x1f5: {  	_ =	swait.ge [sflag:s17], $0x2800  }
0x1f6: {  	s24 =	sld [smem:$0x7FB]  }
0x1f7: {  	[sflag:s17] =	ssyncset.done $0x0  }
0x1f8: {  	[sflag:s17] =	ssyncadd.s32 $0xFFFFD800  }
0x1f9: {  	[tilespmem:s28], [sflag:$0x4] =	stream.indirect.gather [hbm4b:s1+s19], $0x80, s24, s19, $0xb8;
	[tilespmem:$0x1F800] =	vst v63  }
0x1fa: {  	_ =	swait.ge [sflag:s29], $0x2800  }
0x1fb: {  	[sflag:s29] =	ssyncset.done $0x0  }
0x1fc: {  	[sflag:s29] =	ssyncadd.s32 $0xFFFFD800  }
0x1fd: {  	[spmem:s2] =	stream.indirect.scatter.add.f32 [tilespmem:s21], [sflag:$0x5], $0x80, s11, s19, $0xb8;
	[tilespmem:$0x1F800] =	vst v63  }
0x1fe: {  	_ =	swait.ge [sflag:s17], $0x2800  }
0x1ff: {  	[sflag:s17] =	ssyncset.done $0x0  }
0x200: {  	[sflag:s17] =	ssyncadd.s32 $0xFFFFD800  }
0x201: {  	_ =	swait.ge [sflag:s0], $0x2800  }
0x202: {  	[sflag:s0] =	ssyncset.done $0x0  }
0x203: {  	[sflag:s0] =	ssyncadd.s32 $0xFFFFD800  }
0x204: {  	[spmem:s2] =	stream.indirect.scatter.add.f32 [tilespmem:s23], [sflag:$0x5], $0x80, s12, s19, $0xb8;
	[tilespmem:$0x1F800] =	vst v63  }
0x205: {  	_ =	swait.ge [sflag:s17], $0x2800  }
0x206: {  	[sflag:s17] =	ssyncset.done $0x0  }
0x207: {  	[sflag:s17] =	ssyncadd.s32 $0xFFFFD800  }
0x208: {  	_ =	swait.ge [sflag:s8], $0x2800  }
.Ltmp1:
0x209: {  	[sflag:s8] =	ssyncset.done $0x0;
	(pc) =	sbr.rel @p0 .LBB2_4-.Ltmp1, $4  }
0x20a: {  	[sflag:s8] =	ssyncadd.s32 $0xFFFFD800  }
0x20b: {  	[spmem:s2] =	stream.indirect.scatter.add.f32 [tilespmem:s28], [sflag:$0x5], $0x80, s13, s19, $0xb8;
	[tilespmem:$0x1F800] =	vst v63  }
0x20c: {  	_ =	swait.ge [sflag:s17], $0x2800  }
0x20d: {  	s24 =	smov.u32 s7;
	[sflag:s17] =	ssyncset.done $0x0  }
0x20e: {  	s7 =	sadd.s32 s15, s5;
	[sflag:s17] =	ssyncadd.s32 $0xFFFFD800  }
0x20f: {  	[tilespmem:s3], [sflag:$0x5] =	stream.linear.gather [hbm4b:s7+s3], $0xC00, $0x38;
	[tilespmem:$0x1F800] =	vst v63  }
0x210: {  	_ =	swait.ge [sflag:s17], $0xC00  }
0x211: {  	[sflag:s17] =	ssyncset.done $0x0  }
0x212: {  	s14 =	sadd.s32 s15, s6;
	[sflag:s17] =	ssyncadd.s32 $0xFFFFF400  }
0x213: {  	[tilespmem:s18], [sflag:$0x5] =	stream.linear.gather [hbm4b:s14+s3], $0xC00, $0x38;
	[tilespmem:$0x1F800] =	vst v63  }
0x214: {  	_ =	swait.ge [sflag:s17], $0xC00  }
0x215: {  	[sflag:s17] =	ssyncset.done $0x0  }
0x216: {  	[sflag:s17] =	ssyncadd.s32 $0xFFFFF400  }
0x217: {  	[tilespmem:s16], [sflag:$0x1] =	stream.indirect.gather [hbm4b:s1+s19], $0x80, s3, s19, $0xb8;
	[tilespmem:$0x1F800] =	vst v63  }
0x218: {  	_ = 	snop  }
0x219: {  	[tilespmem:s21], [sflag:$0x2] =	stream.indirect.gather [hbm4b:s1+s19], $0x80, s20, s19, $0xb8;
	[tilespmem:$0x1F800] =	vst v63  }
0x21a: {  	_ = 	snop  }
0x21b: {  	[tilespmem:s23], [sflag:$0x3] =	stream.indirect.gather [hbm4b:s1+s19], $0x80, s22, s19, $0xb8;
	[tilespmem:$0x1F800] =	vst v63  }
0x21c: {  	_ =	swait.ge [sflag:s25], $0x2800  }
0x21d: {  	[sflag:s25] =	ssyncset.done $0x0  }
0x21e: {  	[sflag:s25] =	ssyncadd.s32 $0xFFFFD800  }
0x21f: {  	[spmem:s2] =	stream.indirect.scatter.add.f32 [tilespmem:s16], [sflag:$0x5], $0x80, s18, s19, $0xb8;
	[tilespmem:$0x1F800] =	vst v63  }
0x220: {  	_ =	swait.ge [sflag:s17], $0x2800  }
0x221: {  	[sflag:s17] =	ssyncset.done $0x0  }
0x222: {  	[sflag:s17] =	ssyncadd.s32 $0xFFFFD800  }
0x223: {  	[tilespmem:s28], [sflag:$0x4] =	stream.indirect.gather [hbm4b:s1+s19], $0x80, s26, s19, $0xb8;
	[tilespmem:$0x1F800] =	vst v63  }
0x224: {  	_ =	swait.ge [sflag:s29], $0x2800  }
0x225: {  	[sflag:s29] =	ssyncset.done $0x0  }
0x226: {  	[sflag:s29] =	ssyncadd.s32 $0xFFFFD800  }
0x227: {  	[spmem:s2] =	stream.indirect.scatter.add.f32 [tilespmem:s21], [sflag:$0x5], $0x80, s30, s19, $0xb8;
	[tilespmem:$0x1F800] =	vst v63  }
0x228: {  	_ =	swait.ge [sflag:s17], $0x2800  }
0x229: {  	[sflag:s17] =	ssyncset.done $0x0  }
0x22a: {  	[sflag:s17] =	ssyncadd.s32 $0xFFFFD800  }
0x22b: {  	[tilespmem:s16], [sflag:$0x1] =	stream.indirect.gather [hbm4b:s1+s19], $0x80, s31, s19, $0xb8;
	[tilespmem:$0x1F800] =	vst v63  }
0x22c: {  	_ =	swait.ge [sflag:s0], $0x2800  }
0x22d: {  	[sflag:s0] =	ssyncset.done $0x0  }
0x22e: {  	[sflag:s0] =	ssyncadd.s32 $0xFFFFD800  }
0x22f: {  	[spmem:s2] =	stream.indirect.scatter.add.f32 [tilespmem:s23], [sflag:$0x5], $0x80, s4, s19, $0xb8;
	[tilespmem:$0x1F800] =	vst v63  }
0x230: {  	_ =	swait.ge [sflag:s17], $0x2800  }
0x231: {  	[sflag:s17] =	ssyncset.done $0x0  }
0x232: {  	s15 =	rddreg [dreg:$0x4];
	[sflag:s17] =	ssyncadd.s32 $0xFFFFD800  }
0x233: {  	[tilespmem:s21], [sflag:$0x2] =	stream.indirect.gather [hbm4b:s1+s19], $0x80, s15, s19, $0xb8;
	[tilespmem:$0x1F800] =	vst v63  }
0x234: {  	_ =	swait.ge [sflag:s8], $0x2800  }
0x235: {  	[sflag:s8] =	ssyncset.done $0x0  }
0x236: {  	[sflag:s8] =	ssyncadd.s32 $0xFFFFD800  }
0x237: {  	[spmem:s2] =	stream.indirect.scatter.add.f32 [tilespmem:s28], [sflag:$0x5], $0x80, s9, s19, $0xb8;
	[tilespmem:$0x1F800] =	vst v63  }
0x238: {  	_ =	swait.ge [sflag:s17], $0x2800  }
0x239: {  	[sflag:s17] =	ssyncset.done $0x0  }
0x23a: {  	s24 =	rddreg [dreg:$0x5];
	[sflag:s17] =	ssyncadd.s32 $0xFFFFD800  }
0x23b: {  	[tilespmem:s23], [sflag:$0x3] =	stream.indirect.gather [hbm4b:s1+s19], $0x80, s24, s19, $0xb8;
	[tilespmem:$0x1F800] =	vst v63  }
0x23c: {  	_ =	swait.ge [sflag:s25], $0x2800  }
0x23d: {  	[sflag:s25] =	ssyncset.done $0x0  }
0x23e: {  	[sflag:s25] =	ssyncadd.s32 $0xFFFFD800  }
0x23f: {  	[spmem:s2] =	stream.indirect.scatter.add.f32 [tilespmem:s16], [sflag:$0x5], $0x80, s10, s19, $0xb8;
	[tilespmem:$0x1F800] =	vst v63  }
0x240: {  	_ =	swait.ge [sflag:s17], $0x2800  }
0x241: {  	[sflag:s17] =	ssyncset.done $0x0  }
0x242: {  	s14 =	rddreg [dreg:$0x6];
	[sflag:s17] =	ssyncadd.s32 $0xFFFFD800  }
0x243: {  	[tilespmem:s28], [sflag:$0x4] =	stream.indirect.gather [hbm4b:s1+s19], $0x80, s14, s19, $0xb8;
	[tilespmem:$0x1F800] =	vst v63  }
0x244: {  	_ =	swait.ge [sflag:s29], $0x2800  }
0x245: {  	[sflag:s29] =	ssyncset.done $0x0  }
0x246: {  	s15 =	rddreg [dreg:$0x7];
	[sflag:s29] =	ssyncadd.s32 $0xFFFFD800  }
0x247: {  	[spmem:s2] =	stream.indirect.scatter.add.f32 [tilespmem:s21], [sflag:$0x5], $0x80, s15, s19, $0xb8;
	[tilespmem:$0x1F800] =	vst v63  }
0x248: {  	_ =	swait.ge [sflag:s17], $0x2800  }
0x249: {  	[sflag:s17] =	ssyncset.done $0x0  }
0x24a: {  	s24 =	rddreg [dreg:$0x8];
	[sflag:s17] =	ssyncadd.s32 $0xFFFFD800  }
0x24b: {  	[tilespmem:s16], [sflag:$0x1] =	stream.indirect.gather [hbm4b:s1+s19], $0x80, s24, s19, $0xb8;
	[tilespmem:$0x1F800] =	vst v63  }
0x24c: {  	_ =	swait.ge [sflag:s0], $0x2800  }
0x24d: {  	[sflag:s0] =	ssyncset.done $0x0  }
0x24e: {  	s14 =	rddreg [dreg:$0x9];
	[sflag:s0] =	ssyncadd.s32 $0xFFFFD800  }
0x24f: {  	[spmem:s2] =	stream.indirect.scatter.add.f32 [tilespmem:s23], [sflag:$0x5], $0x80, s14, s19, $0xb8;
	[tilespmem:$0x1F800] =	vst v63  }
0x250: {  	_ =	swait.ge [sflag:s17], $0x2800  }
0x251: {  	[sflag:s17] =	ssyncset.done $0x0  }
0x252: {  	s15 =	rddreg [dreg:$0xa];
	[sflag:s17] =	ssyncadd.s32 $0xFFFFD800  }
0x253: {  	[tilespmem:s21], [sflag:$0x2] =	stream.indirect.gather [hbm4b:s1+s19], $0x80, s15, s19, $0xb8;
	[tilespmem:$0x1F800] =	vst v63  }
0x254: {  	_ =	swait.ge [sflag:s8], $0x2800  }
0x255: {  	[sflag:s8] =	ssyncset.done $0x0  }
0x256: {  	s24 =	rddreg [dreg:$0xb];
	[sflag:s8] =	ssyncadd.s32 $0xFFFFD800  }
0x257: {  	[spmem:s2] =	stream.indirect.scatter.add.f32 [tilespmem:s28], [sflag:$0x5], $0x80, s24, s19, $0xb8;
	[tilespmem:$0x1F800] =	vst v63  }
0x258: {  	_ =	swait.ge [sflag:s17], $0x2800  }
0x259: {  	[sflag:s17] =	ssyncset.done $0x0  }
0x25a: {  	s14 =	rddreg [dreg:$0xc];
	[sflag:s17] =	ssyncadd.s32 $0xFFFFD800  }
0x25b: {  	[tilespmem:s23], [sflag:$0x3] =	stream.indirect.gather [hbm4b:s1+s19], $0x80, s14, s19, $0xb8;
	[tilespmem:$0x1F800] =	vst v63  }
0x25c: {  	_ =	swait.ge [sflag:s25], $0x2800  }
0x25d: {  	[sflag:s25] =	ssyncset.done $0x0  }
0x25e: {  	s15 =	rddreg [dreg:$0xd];
	[sflag:s25] =	ssyncadd.s32 $0xFFFFD800  }
0x25f: {  	[spmem:s2] =	stream.indirect.scatter.add.f32 [tilespmem:s16], [sflag:$0x5], $0x80, s15, s19, $0xb8;
	[tilespmem:$0x1F800] =	vst v63  }
0x260: {  	_ =	swait.ge [sflag:s17], $0x2800  }
0x261: {  	[sflag:s17] =	ssyncset.done $0x0  }
0x262: {  	s24 =	rddreg [dreg:$0xe];
	[sflag:s17] =	ssyncadd.s32 $0xFFFFD800  }
0x263: {  	[tilespmem:s28], [sflag:$0x4] =	stream.indirect.gather [hbm4b:s1+s19], $0x80, s24, s19, $0xb8;
	[tilespmem:$0x1F800] =	vst v63  }
0x264: {  	_ =	swait.ge [sflag:s29], $0x2800  }
0x265: {  	[sflag:s29] =	ssyncset.done $0x0  }
0x266: {  	s14 =	rddreg [dreg:$0xf];
	[sflag:s29] =	ssyncadd.s32 $0xFFFFD800  }
0x267: {  	[spmem:s2] =	stream.indirect.scatter.add.f32 [tilespmem:s21], [sflag:$0x5], $0x80, s14, s19, $0xb8;
	[tilespmem:$0x1F800] =	vst v63  }
0x268: {  	_ =	swait.ge [sflag:s17], $0x2800  }
0x269: {  	[sflag:s17] =	ssyncset.done $0x0  }
0x26a: {  	s15 =	rddreg [dreg:$0x10];
	[sflag:s17] =	ssyncadd.s32 $0xFFFFD800  }
0x26b: {  	[tilespmem:s16], [sflag:$0x1] =	stream.indirect.gather [hbm4b:s1+s19], $0x80, s15, s19, $0xb8;
	[tilespmem:$0x1F800] =	vst v63  }
0x26c: {  	_ =	swait.ge [sflag:s0], $0x2800  }
0x26d: {  	[sflag:s0] =	ssyncset.done $0x0  }
0x26e: {  	s24 =	rddreg [dreg:$0x11];
	[sflag:s0] =	ssyncadd.s32 $0xFFFFD800  }
0x26f: {  	[spmem:s2] =	stream.indirect.scatter.add.f32 [tilespmem:s23], [sflag:$0x5], $0x80, s24, s19, $0xb8;
	[tilespmem:$0x1F800] =	vst v63  }
0x270: {  	_ =	swait.ge [sflag:s17], $0x2800  }
0x271: {  	[sflag:s17] =	ssyncset.done $0x0  }
0x272: {  	s14 =	rddreg [dreg:$0x12];
	[sflag:s17] =	ssyncadd.s32 $0xFFFFD800  }
0x273: {  	[tilespmem:s21], [sflag:$0x2] =	stream.indirect.gather [hbm4b:s1+s19], $0x80, s14, s19, $0xb8;
	[tilespmem:$0x1F800] =	vst v63  }
0x274: {  	_ =	swait.ge [sflag:s8], $0x2800  }
0x275: {  	[sflag:s8] =	ssyncset.done $0x0  }
0x276: {  	s15 =	rddreg [dreg:$0x13];
	[sflag:s8] =	ssyncadd.s32 $0xFFFFD800  }
0x277: {  	[spmem:s2] =	stream.indirect.scatter.add.f32 [tilespmem:s28], [sflag:$0x5], $0x80, s15, s19, $0xb8;
	[tilespmem:$0x1F800] =	vst v63  }
0x278: {  	_ =	swait.ge [sflag:s17], $0x2800  }
0x279: {  	[sflag:s17] =	ssyncset.done $0x0  }
0x27a: {  	s24 =	rddreg [dreg:$0x14];
	[sflag:s17] =	ssyncadd.s32 $0xFFFFD800  }
0x27b: {  	[tilespmem:s23], [sflag:$0x3] =	stream.indirect.gather [hbm4b:s1+s19], $0x80, s24, s19, $0xb8;
	[tilespmem:$0x1F800] =	vst v63  }
0x27c: {  	_ =	swait.ge [sflag:s25], $0x2800  }
0x27d: {  	[sflag:s25] =	ssyncset.done $0x0  }
0x27e: {  	s14 =	rddreg [dreg:$0x15];
	[sflag:s25] =	ssyncadd.s32 $0xFFFFD800  }
0x27f: {  	[spmem:s2] =	stream.indirect.scatter.add.f32 [tilespmem:s16], [sflag:$0x5], $0x80, s14, s19, $0xb8;
	[tilespmem:$0x1F800] =	vst v63  }
0x280: {  	_ =	swait.ge [sflag:s17], $0x2800  }
0x281: {  	[sflag:s17] =	ssyncset.done $0x0  }
0x282: {  	s15 =	rddreg [dreg:$0x16];
	[sflag:s17] =	ssyncadd.s32 $0xFFFFD800  }
0x283: {  	[tilespmem:s28], [sflag:$0x4] =	stream.indirect.gather [hbm4b:s1+s19], $0x80, s15, s19, $0xb8;
	[tilespmem:$0x1F800] =	vst v63  }
0x284: {  	_ =	swait.ge [sflag:s29], $0x2800  }
0x285: {  	[sflag:s29] =	ssyncset.done $0x0  }
0x286: {  	s24 =	rddreg [dreg:$0x17];
	[sflag:s29] =	ssyncadd.s32 $0xFFFFD800  }
0x287: {  	[spmem:s2] =	stream.indirect.scatter.add.f32 [tilespmem:s21], [sflag:$0x5], $0x80, s24, s19, $0xb8;
	[tilespmem:$0x1F800] =	vst v63  }
0x288: {  	_ =	swait.ge [sflag:s17], $0x2800  }
0x289: {  	[sflag:s17] =	ssyncset.done $0x0  }
0x28a: {  	s14 =	rddreg [dreg:$0x18];
	[sflag:s17] =	ssyncadd.s32 $0xFFFFD800  }
0x28b: {  	[tilespmem:s16], [sflag:$0x1] =	stream.indirect.gather [hbm4b:s1+s19], $0x80, s14, s19, $0xb8;
	[tilespmem:$0x1F800] =	vst v63  }
0x28c: {  	_ =	swait.ge [sflag:s0], $0x2800  }
0x28d: {  	[sflag:s0] =	ssyncset.done $0x0  }
0x28e: {  	s15 =	rddreg [dreg:$0x19];
	[sflag:s0] =	ssyncadd.s32 $0xFFFFD800  }
0x28f: {  	[spmem:s2] =	stream.indirect.scatter.add.f32 [tilespmem:s23], [sflag:$0x5], $0x80, s15, s19, $0xb8;
	[tilespmem:$0x1F800] =	vst v63  }
0x290: {  	_ =	swait.ge [sflag:s17], $0x2800  }
0x291: {  	[sflag:s17] =	ssyncset.done $0x0  }
0x292: {  	s24 =	rddreg [dreg:$0x1a];
	[sflag:s17] =	ssyncadd.s32 $0xFFFFD800  }
0x293: {  	[tilespmem:s21], [sflag:$0x2] =	stream.indirect.gather [hbm4b:s1+s19], $0x80, s24, s19, $0xb8;
	[tilespmem:$0x1F800] =	vst v63  }
0x294: {  	_ =	swait.ge [sflag:s8], $0x2800  }
0x295: {  	[sflag:s8] =	ssyncset.done $0x0  }
0x296: {  	s14 =	rddreg [dreg:$0x1b];
	[sflag:s8] =	ssyncadd.s32 $0xFFFFD800  }
0x297: {  	[spmem:s2] =	stream.indirect.scatter.add.f32 [tilespmem:s28], [sflag:$0x5], $0x80, s14, s19, $0xb8;
	[tilespmem:$0x1F800] =	vst v63  }
0x298: {  	_ =	swait.ge [sflag:s17], $0x2800  }
0x299: {  	[sflag:s17] =	ssyncset.done $0x0  }
0x29a: {  	s15 =	rddreg [dreg:$0x1c];
	[sflag:s17] =	ssyncadd.s32 $0xFFFFD800  }
0x29b: {  	[tilespmem:s23], [sflag:$0x3] =	stream.indirect.gather [hbm4b:s1+s19], $0x80, s15, s19, $0xb8;
	[tilespmem:$0x1F800] =	vst v63  }
0x29c: {  	_ =	swait.ge [sflag:s25], $0x2800  }
0x29d: {  	[sflag:s25] =	ssyncset.done $0x0  }
0x29e: {  	s24 =	rddreg [dreg:$0x1d];
	[sflag:s25] =	ssyncadd.s32 $0xFFFFD800  }
0x29f: {  	[spmem:s2] =	stream.indirect.scatter.add.f32 [tilespmem:s16], [sflag:$0x5], $0x80, s24, s19, $0xb8;
	[tilespmem:$0x1F800] =	vst v63  }
0x2a0: {  	_ =	swait.ge [sflag:s17], $0x2800  }
0x2a1: {  	[sflag:s17] =	ssyncset.done $0x0  }
0x2a2: {  	s14 =	rddreg [dreg:$0x1e];
	[sflag:s17] =	ssyncadd.s32 $0xFFFFD800  }
0x2a3: {  	[tilespmem:s28], [sflag:$0x4] =	stream.indirect.gather [hbm4b:s1+s19], $0x80, s14, s19, $0xb8;
	[tilespmem:$0x1F800] =	vst v63  }
0x2a4: {  	_ =	swait.ge [sflag:s29], $0x2800  }
0x2a5: {  	[sflag:s29] =	ssyncset.done $0x0  }
0x2a6: {  	s15 =	rddreg [dreg:$0x1f];
	[sflag:s29] =	ssyncadd.s32 $0xFFFFD800  }
0x2a7: {  	[spmem:s2] =	stream.indirect.scatter.add.f32 [tilespmem:s21], [sflag:$0x5], $0x80, s15, s19, $0xb8;
	[tilespmem:$0x1F800] =	vst v63  }
0x2a8: {  	_ =	swait.ge [sflag:s17], $0x2800  }
0x2a9: {  	s24 =	sld [smem:$0x7F5]  }
0x2aa: {  	[sflag:s17] =	ssyncset.done $0x0  }
0x2ab: {  	[sflag:s17] =	ssyncadd.s32 $0xFFFFD800  }
0x2ac: {  	[tilespmem:s16], [sflag:$0x1] =	stream.indirect.gather [hbm4b:s1+s19], $0x80, s24, s19, $0xb8;
	[tilespmem:$0x1F800] =	vst v63  }
0x2ad: {  	_ =	swait.ge [sflag:s0], $0x2800  }
0x2ae: {  	s14 =	sld [smem:$0x7F6]  }
0x2af: {  	[sflag:s0] =	ssyncset.done $0x0  }
0x2b0: {  	[sflag:s0] =	ssyncadd.s32 $0xFFFFD800  }
0x2b1: {  	[spmem:s2] =	stream.indirect.scatter.add.f32 [tilespmem:s23], [sflag:$0x5], $0x80, s14, s19, $0xb8;
	[tilespmem:$0x1F800] =	vst v63  }
0x2b2: {  	_ =	swait.ge [sflag:s17], $0x2800  }
0x2b3: {  	s15 =	sld [smem:$0x7F7]  }
0x2b4: {  	[sflag:s17] =	ssyncset.done $0x0  }
0x2b5: {  	[sflag:s17] =	ssyncadd.s32 $0xFFFFD800  }
0x2b6: {  	[tilespmem:s21], [sflag:$0x2] =	stream.indirect.gather [hbm4b:s1+s19], $0x80, s15, s19, $0xb8;
	[tilespmem:$0x1F800] =	vst v63  }
0x2b7: {  	_ =	swait.ge [sflag:s8], $0x2800  }
0x2b8: {  	s24 =	sld [smem:$0x7F8]  }
0x2b9: {  	[sflag:s8] =	ssyncset.done $0x0  }
0x2ba: {  	[sflag:s8] =	ssyncadd.s32 $0xFFFFD800  }
0x2bb: {  	[spmem:s2] =	stream.indirect.scatter.add.f32 [tilespmem:s28], [sflag:$0x5], $0x80, s24, s19, $0xb8;
	[tilespmem:$0x1F800] =	vst v63  }
0x2bc: {  	_ =	swait.ge [sflag:s17], $0x2800  }
0x2bd: {  	s14 =	sld [smem:$0x7F9]  }
0x2be: {  	[sflag:s17] =	ssyncset.done $0x0  }
0x2bf: {  	[sflag:s17] =	ssyncadd.s32 $0xFFFFD800  }
0x2c0: {  	[tilespmem:s23], [sflag:$0x3] =	stream.indirect.gather [hbm4b:s1+s19], $0x80, s14, s19, $0xb8;
	[tilespmem:$0x1F800] =	vst v63  }
0x2c1: {  	_ =	swait.ge [sflag:s25], $0x2800  }
0x2c2: {  	s15 =	sld [smem:$0x7FA]  }
0x2c3: {  	[sflag:s25] =	ssyncset.done $0x0  }
0x2c4: {  	[sflag:s25] =	ssyncadd.s32 $0xFFFFD800  }
0x2c5: {  	[spmem:s2] =	stream.indirect.scatter.add.f32 [tilespmem:s16], [sflag:$0x5], $0x80, s15, s19, $0xb8;
	[tilespmem:$0x1F800] =	vst v63  }
0x2c6: {  	_ =	swait.ge [sflag:s17], $0x2800  }
0x2c7: {  	s24 =	sld [smem:$0x7FB]  }
0x2c8: {  	[sflag:s17] =	ssyncset.done $0x0  }
0x2c9: {  	[sflag:s17] =	ssyncadd.s32 $0xFFFFD800  }
0x2ca: {  	[tilespmem:s28], [sflag:$0x4] =	stream.indirect.gather [hbm4b:s1+s19], $0x80, s24, s19, $0xb8;
	[tilespmem:$0x1F800] =	vst v63  }
0x2cb: {  	_ =	swait.ge [sflag:s29], $0x2800  }
0x2cc: {  	[sflag:s29] =	ssyncset.done $0x0  }
0x2cd: {  	[sflag:s29] =	ssyncadd.s32 $0xFFFFD800  }
0x2ce: {  	[spmem:s2] =	stream.indirect.scatter.add.f32 [tilespmem:s21], [sflag:$0x5], $0x80, s11, s19, $0xb8;
	[tilespmem:$0x1F800] =	vst v63  }
0x2cf: {  	_ =	swait.ge [sflag:s17], $0x2800  }
0x2d0: {  	[sflag:s17] =	ssyncset.done $0x0  }
0x2d1: {  	[sflag:s17] =	ssyncadd.s32 $0xFFFFD800  }
0x2d2: {  	_ =	swait.ge [sflag:s0], $0x2800  }
0x2d3: {  	[sflag:s0] =	ssyncset.done $0x0  }
0x2d4: {  	[sflag:s0] =	ssyncadd.s32 $0xFFFFD800  }
0x2d5: {  	[spmem:s2] =	stream.indirect.scatter.add.f32 [tilespmem:s23], [sflag:$0x5], $0x80, s12, s19, $0xb8;
	[tilespmem:$0x1F800] =	vst v63  }
0x2d6: {  	_ =	swait.ge [sflag:s17], $0x2800  }
0x2d7: {  	[sflag:s17] =	ssyncset.done $0x0  }
0x2d8: {  	[sflag:s17] =	ssyncadd.s32 $0xFFFFD800  }
0x2d9: {  	_ =	swait.ge [sflag:s8], $0x2800  }
0x2da: {  	[sflag:s8] =	ssyncset.done $0x0  }
0x2db: {  	[sflag:s8] =	ssyncadd.s32 $0xFFFFD800  }
0x2dc: {  	[spmem:s2] =	stream.indirect.scatter.add.f32 [tilespmem:s28], [sflag:$0x5], $0x80, s13, s19, $0xb8;
	[tilespmem:$0x1F800] =	vst v63  }
0x2dd: {  	_ =	swait.ge [sflag:s17], $0x2800  }
0x2de: {  	[sflag:s17] =	ssyncset.done $0x0  }
0x2df: {  	s14 =	sadd.s32 $0x780, s5;
	[sflag:s17] =	ssyncadd.s32 $0xFFFFD800  }
0x2e0: {  	[tilespmem:s3], [sflag:$0x5] =	stream.linear.gather [hbm4b:s14+s3], $0x280, $0x38;
	[tilespmem:$0x1F800] =	vst v63  }
0x2e1: {  	_ =	swait.ge [sflag:s17], $0x280  }
0x2e2: {  	[sflag:s17] =	ssyncset.done $0x0  }
0x2e3: {  	s15 =	sadd.s32 $0x780, s6;
	[sflag:s17] =	ssyncadd.s32 $0xFFFFFD80  }
0x2e4: {  	[tilespmem:s18], [sflag:$0x5] =	stream.linear.gather [hbm4b:s15+s3], $0x280, $0x38;
	[tilespmem:$0x1F800] =	vst v63  }
0x2e5: {  	_ =	swait.ge [sflag:s17], $0x280  }
0x2e6: {  	[sflag:s17] =	ssyncset.done $0x0  }
0x2e7: {  	[sflag:s17] =	ssyncadd.s32 $0xFFFFFD80  }
0x2e8: {  	[tilespmem:s16], [sflag:$0x1] =	stream.indirect.gather [hbm4b:s1+s19], $0x80, s3, s19, $0xb8;
	[tilespmem:$0x1F800] =	vst v63  }
0x2e9: {  	_ = 	snop  }
0x2ea: {  	[tilespmem:s21], [sflag:$0x2] =	stream.indirect.gather [hbm4b:s1+s19], $0x80, s20, s19, $0xb8;
	[tilespmem:$0x1F800] =	vst v63  }
0x2eb: {  	_ = 	snop  }
0x2ec: {  	[tilespmem:s23], [sflag:$0x3] =	stream.indirect.gather [hbm4b:s1+s19], $0x80, s22, s19, $0xb8;
	[tilespmem:$0x1F800] =	vst v63  }
0x2ed: {  	_ =	swait.ge [sflag:s25], $0x2800  }
0x2ee: {  	[sflag:s25] =	ssyncset.done $0x0  }
0x2ef: {  	[sflag:s25] =	ssyncadd.s32 $0xFFFFD800  }
0x2f0: {  	[spmem:s2] =	stream.indirect.scatter.add.f32 [tilespmem:s16], [sflag:$0x5], $0x80, s18, s19, $0xb8;
	[tilespmem:$0x1F800] =	vst v63  }
0x2f1: {  	_ =	swait.ge [sflag:s17], $0x2800  }
0x2f2: {  	[sflag:s17] =	ssyncset.done $0x0  }
0x2f3: {  	[sflag:s17] =	ssyncadd.s32 $0xFFFFD800  }
0x2f4: {  	[tilespmem:s28], [sflag:$0x4] =	stream.indirect.gather [hbm4b:s1+s19], $0x80, s26, s19, $0xb8;
	[tilespmem:$0x1F800] =	vst v63  }
0x2f5: {  	_ =	swait.ge [sflag:s29], $0x2800  }
0x2f6: {  	[sflag:s29] =	ssyncset.done $0x0  }
0x2f7: {  	[sflag:s29] =	ssyncadd.s32 $0xFFFFD800  }
0x2f8: {  	[spmem:s2] =	stream.indirect.scatter.add.f32 [tilespmem:s21], [sflag:$0x5], $0x80, s30, s19, $0xb8;
	[tilespmem:$0x1F800] =	vst v63  }
0x2f9: {  	_ =	swait.ge [sflag:s17], $0x2800  }
0x2fa: {  	[sflag:s17] =	ssyncset.done $0x0  }
0x2fb: {  	[sflag:s17] =	ssyncadd.s32 $0xFFFFD800  }
0x2fc: {  	[tilespmem:s16], [sflag:$0x1] =	stream.indirect.gather [hbm4b:s1+s19], $0x80, s31, s19, $0xb8;
	[tilespmem:$0x1F800] =	vst v63  }
0x2fd: {  	_ =	swait.ge [sflag:s0], $0x2800  }
0x2fe: {  	[sflag:s0] =	ssyncset.done $0x0  }
0x2ff: {  	[sflag:s0] =	ssyncadd.s32 $0xFFFFD800  }
0x300: {  	[spmem:s2] =	stream.indirect.scatter.add.f32 [tilespmem:s23], [sflag:$0x5], $0x80, s4, s19, $0xb8;
	[tilespmem:$0x1F800] =	vst v63  }
0x301: {  	_ =	swait.ge [sflag:s17], $0x2800  }
0x302: {  	[sflag:s17] =	ssyncset.done $0x0  }
0x303: {  	[sflag:s17] =	ssyncadd.s32 $0xFFFFD800  }
0x304: {  	_ =	swait.ge [sflag:s8], $0x2800  }
0x305: {  	[sflag:s8] =	ssyncset.done $0x0  }
0x306: {  	[sflag:s8] =	ssyncadd.s32 $0xFFFFD800  }
0x307: {  	[spmem:s2] =	stream.indirect.scatter.add.f32 [tilespmem:s28], [sflag:$0x5], $0x80, s9, s19, $0xb8;
	[tilespmem:$0x1F800] =	vst v63  }
0x308: {  	_ =	swait.ge [sflag:s17], $0x2800  }
0x309: {  	[sflag:s17] =	ssyncset.done $0x0  }
0x30a: {  	[sflag:s17] =	ssyncadd.s32 $0xFFFFD800  }
0x30b: {  	_ =	swait.ge [sflag:s25], $0x2800  }
0x30c: {  	[sflag:s25] =	ssyncset.done $0x0  }
0x30d: {  	[sflag:s25] =	ssyncadd.s32 $0xFFFFD800  }
0x30e: {  	[spmem:s2] =	stream.indirect.scatter.add.f32 [tilespmem:s16], [sflag:$0x5], $0x80, s10, s19, $0xb8;
	[tilespmem:$0x1F800] =	vst v63  }
0x30f: {  	_ =	swait.ge [sflag:s17], $0x2800  }
0x310: {  	[sflag:s17] =	ssyncset.done $0x0  }
0x311: {  	[sflag:s17] =	ssyncadd.s32 $0xFFFFD800  }
0x312: {  	s20 =	stileid.u32;
	[bflag:$0x0] =	sbarrier.arrive $0xFFFF  }
0x313: {  	s7 =	sshll.u32 s20, $0x6;
	s20 =	sld [smem:$0x7FD]  }
0x314: {  	s24 =	sld [smem:$0x7FC];
	_ =	sdelay $0x1  }
0x315: {  	s7 =	sor.u32 $0x1C05, s7;
	s14 =	sshrl.u32 s20, $0x3  }
0x316: {  	[hbm:s24], [sflag:s7] =	dma.local [spmem:s14], $0x2800  }
0x317: {  	_ =	swait.ge [sflag:s17], $0x2800  }
0x318: {  	s15 =	sld [smem:$0x7EC]  }
0x319: {  	s24 =	sld [smem:$0x7ED];
	_ =	sdelay $0x1  }
0x31a: {  	s14 =	sadd.s32 $0x1, s15  }
0x31b: {  	p0 =	sne.s32 s14, s24  }
.Ltmp2:
0x31c: {  	_ = 	snop;
	(pc) =	sbr.rel @p0 .LBB2_1-.Ltmp2, $3  }
0x31d: {  	_ =	sdelay $0x1  }
0x31e: {  	[sflag:s17] =	ssyncset.done $0x0  }
0x31f: {  	[sflag:s17] =	ssyncadd.s32 $0xFFFFD800  }
0x320: {  	_ =	sfence.sel $0x180000  }
0x321: {  	[bflag:$0x0] =	sbarrier.arrive $0xFFFF  }
0x322: {  	_ =	strace $0x9000004D  }
0x323: {  	s0 =	stileid.u32;
	[bflag:$0x2] =	sbarrier.arrive $0xFFFF  }
0x324: {  	p0 =	sne.s32 s0, $0x0;
	s0 =	rddreg [dreg:$0x3]  }
0x325: {  	s0 =	sadd.s32 @!p0 $0x100000, s0  }
0x326: {  	[sflag:s0] =	ssyncadd.tile.s32 @!p0 $0x1;
	_ =	shalt  }
.Lfunc_end2:
_tile_overlayer_lowered:
.L_overlay_start_2:
0x327: {  	(tag) =	ssettag $0x2  }
0x328: {  	s0 =	rddreg [dreg:$0x0];
	s2 =	stileid.u32  }
0x329: {  	s1 =	rddreg [dreg:$0x1];
	p0 =	sne.s32 s2, $0x0  }
0x32a: {  	s3 =	rddreg [dreg:$0x2];
	[bflag:$0x3] =	sbarrier.arrive $0xFFFF;
	s2 =	simm.s32 @!p0 $0x1C05  }
0x32b: {  	[timem:s3], [sflag:s2] =	dma.local @!p0 [hbm:s0], s1  }
0x32c: {  	s0 =	simm.s32 @!p0 $0x5  }
0x32d: {  	_ =	swait.ge @!p0 [sflag:s0], s1  }
0x32e: {  	s1 =	ssub.s32 @!p0 $0x0, s1;
	[sflag:s0] =	ssyncset.done @!p0 $0x0  }
0x32f: {  	[sflag:s0] =	ssyncadd.s32 @!p0 s1  }
0x330: {  	[bflag:$0x3] =	sbarrier.arrive $0xFFFF  }
0x331: {  	_ =	shalt  }

// kernel: kernel.8.cloned.1.call-start
scs
__scs_entry_jumppad:
0x0: {  	(pc) =	sbr.rel $0x88, $3  }
0x1: {  	(tag) =	ssettag $0x0;
	lr =	simm.s32 $0x1  }
0x2: {  	[smem:$0x3F9B] =	sst lr;
	_ =	strace $0xD0000000  }
0x3: {  	_ = 	snop  }
0x4: {  	_ = 	snop  }
0x5: {  	_ = 	snop  }
0x6: {  	_ = 	snop  }
0x7: {  	_ = 	snop  }
__scs_overlays_trampoline_lowered:
0x8: {  	[smem:$0x3FAA] =	sst s0  }
0x9: {  	[smem:$0x3FAB] =	sst s1  }
0xa: {  	[smem:$0x3FAC] =	sst s2  }
0xb: {  	[smem:$0x3FAD] =	sst s3  }
0xc: {  	[smem:$0x3FAE] =	sst s4  }
0xd: {  	[smem:$0x3FAF] =	sst s5  }
0xe: {  	[smem:$0x3FB0] =	sst s6  }
0xf: {  	[smem:$0x3FB1] =	sst s7  }
0x10: {  	[smem:$0x3FB2] =	sst s8  }
0x11: {  	[smem:$0x3FB3] =	sst s9;
	s0 =	simm.s32 @!p0 $0x0  }
0x12: {  	s1 =	sld [smem:$0x3F99];
	s0 =	simm.s32 @p0 $0x1  }
0x13: {  	[smem:$0x3FB4] =	sst s0;
	s0 =	simm.s32 @!p1 $0x0  }
0x14: {  	s2 =	sld [smem:$0x3F98];
	s0 =	simm.s32 @p1 $0x1  }
0x15: {  	[smem:$0x3FB5] =	sst s0;
	s0 =	simm.s32 @!p2 $0x0  }
0x16: {  	s3 =	sld [smem:$0x3FDB];
	s0 =	simm.s32 @p2 $0x1  }
0x17: {  	s4 =	simm.s32 $0x1BF5;
	[smem:$0x3FB7] =	sst s0  }
0x18: {  	s0 =	sld [smem:$0x3F9A];
	_ =	swait.ge [sflag:s4], $0x0  }
0x19: {  	s7 =	sld [smem:$0x3F9B]  }
0x1a: {  	s8 =	sadd.s32 $0xFFFFE003, lr  }
0x1b: {  	s9 =	sadd.s32 $0xFFFFFEF7, lr;
	s5 =	simm.s32 $0xFFFFFFFF;
	p2 =	slt.u32 s8, $0xFFFFF086  }
0x1c: {  	p1 =	slt.u32 s9, $0xF7A;
	s5 =	simm.s32 @!p2 $0x0  }
0x1d: {  	s5 =	simm.s32 @p1 $0x1;
	p0 =	seq.s32 s7, s2  }
0x1e: {  	s7 =	smul.u32 @!p0 $0xF7A, s2;
	p2 =	seq.s32 @!p0 s5, $0x0  }
0x1f: {  	s9 =	smul.u32 $0xF7A, s1;
	s8 =	simm.s32 @!p0 $0x1BF5;
	p2 =	por !p2, p0  }
0x20: {  	[sflag:s8] =	ssyncset.s32 @!p0 $0xFFFFF086;
	s6 =	sadd.s32 @!p0 s3, s7;
	s7 =	simm.s32 @!p0 $0x108  }
0x21: {  	s3 =	sadd.s32 s3, s9;
	s6 =	sadd.s32 @!p0 $0x88, s6;
	s7 =	simm.s32 @p2 $0x1082  }
0x22: {  	[simem:s7], [sflag:s8] =	dma.local @!p0 [hbm:s6], $0xF7A  }
0x23: {  	s9 =	sor.u32 $0xD0000000, s2;
	s6 =	simm.s32 $0x108;
	_ =	swait.ge @!p0 [sflag:s8], $0x0  }
0x24: {  	s3 =	sadd.s32 $0x88, s3;
	s6 =	simm.s32 @!p1 $0x1082;
	[sflag:s4] =	ssyncset.s32 $0xFFFFF086  }
0x25: {  	[simem:s6], [sflag:s4] =	dma.local [hbm:s3], $0xF7A  }
0x26: {  	[smem:$0x3F9B] =	sst s1;
	(tag) =	ssettag s2;
	_ =	strace s9  }
0x27: {  	s1 =	sld [smem:$0x3FAB]  }
0x28: {  	s2 =	sld [smem:$0x3FAC]  }
0x29: {  	s4 =	sld [smem:$0x3FAE]  }
0x2a: {  	p0 =	seq.s32 s5, $0x0;
	s5 =	sld [smem:$0x3FAF]  }
0x2b: {  	s6 =	sld [smem:$0x3FB0]  }
0x2c: {  	s7 =	sld [smem:$0x3FB1]  }
0x2d: {  	s3 =	simm.s32 $0x108;
	s8 =	sld [smem:$0x3FB2]  }
0x2e: {  	s3 =	simm.s32 @!p0 $0x1082;
	s9 =	sld [smem:$0x3FB3]  }
0x2f: {  	lr =	sadd.s32 s0, s3;
	s0 =	sld [smem:$0x3FAA]  }
0x30: {  	s3 =	sld [smem:$0x3FAD]  }
0x31: {  	[smem:$0x3FB6] =	sst s10  }
0x32: {  	s10 =	sld [smem:$0x3FB4];
	_ =	sdelay $0x3  }
0x33: {  	p0 =	seq.s32 s10, $0x1;
	s10 =	sld [smem:$0x3FB6];
	_ =	sdelay $0x3  }
0x34: {  	[smem:$0x3FB6] =	sst s10  }
0x35: {  	s10 =	sld [smem:$0x3FB5];
	_ =	sdelay $0x3  }
0x36: {  	p1 =	seq.s32 s10, $0x1;
	s10 =	sld [smem:$0x3FB6];
	_ =	sdelay $0x3  }
0x37: {  	[smem:$0x3FB6] =	sst s10  }
0x38: {  	s10 =	sld [smem:$0x3FB7]  }
0x39: {  	_ = 	snop;
	(pc) =	sbr.ind lr, $3  }
0x3a: {  	_ = 	snop  }
0x3b: {  	_ = 	snop  }
0x3c: {  	p2 =	seq.s32 s10, $0x1;
	s10 =	sld [smem:$0x3FB6]  }
0x3d: {  	_ =	shalt  }
0x3e: {  	_ =	shalt  }
0x3f: {  	_ =	shalt  }
0x40: {  	_ =	shalt  }
0x41: {  	_ =	shalt  }
0x42: {  	_ =	shalt  }
0x43: {  	_ =	shalt  }
0x44: {  	_ =	shalt  }
0x45: {  	_ =	shalt  }
0x46: {  	_ =	shalt  }
0x47: {  	_ =	shalt  }
0x48: {  	_ =	shalt  }
0x49: {  	_ =	shalt  }
0x4a: {  	_ =	shalt  }
0x4b: {  	_ =	shalt  }
0x4c: {  	_ =	shalt  }
0x4d: {  	_ =	shalt  }
0x4e: {  	_ =	shalt  }
0x4f: {  	_ =	shalt  }
0x50: {  	_ =	shalt  }
0x51: {  	_ =	shalt  }
0x52: {  	_ =	shalt  }
0x53: {  	_ =	shalt  }
0x54: {  	_ =	shalt  }
0x55: {  	_ =	shalt  }
0x56: {  	_ =	shalt  }
0x57: {  	_ =	shalt  }
0x58: {  	_ =	shalt  }
0x59: {  	_ =	shalt  }
0x5a: {  	_ =	shalt  }
0x5b: {  	_ =	shalt  }
0x5c: {  	_ =	shalt  }
0x5d: {  	_ =	shalt  }
0x5e: {  	_ =	shalt  }
0x5f: {  	_ =	shalt  }
0x60: {  	_ =	shalt  }
0x61: {  	_ =	shalt  }
0x62: {  	_ =	shalt  }
0x63: {  	_ =	shalt  }
0x64: {  	_ =	shalt  }
0x65: {  	_ =	shalt  }
0x66: {  	_ =	shalt  }
0x67: {  	_ =	shalt  }
0x68: {  	_ =	shalt  }
0x69: {  	_ =	shalt  }
0x6a: {  	_ =	shalt  }
0x6b: {  	_ =	shalt  }
0x6c: {  	_ =	shalt  }
0x6d: {  	_ =	shalt  }
0x6e: {  	_ =	shalt  }
0x6f: {  	_ =	shalt  }
0x70: {  	_ =	shalt  }
0x71: {  	_ =	shalt  }
0x72: {  	_ =	shalt  }
0x73: {  	_ =	shalt  }
0x74: {  	_ =	shalt  }
0x75: {  	_ =	shalt  }
0x76: {  	_ =	shalt  }
0x77: {  	_ =	shalt  }
0x78: {  	_ =	shalt  }
0x79: {  	_ =	shalt  }
0x7a: {  	_ =	shalt  }
0x7b: {  	_ =	shalt  }
0x7c: {  	_ =	shalt  }
0x7d: {  	_ =	shalt  }
0x7e: {  	_ =	shalt  }
0x7f: {  	_ =	shalt  }
0x80: {  	_ =	shalt  }
0x81: {  	_ =	shalt  }
0x82: {  	_ =	shalt  }
0x83: {  	_ =	shalt  }
0x84: {  	_ =	shalt  }
0x85: {  	_ =	shalt  }
0x86: {  	_ =	shalt  }
0x87: {  	_ =	shalt  }
.Lfunc_end0:
.L_simem_size_0:
called_computation_lowered:
.L_overlay_start_0:
0x88: {  	s2 =	sld [smem:$0x3FD9]  }
0x89: {  	s3 =	sld [smem:$0x3FFE];
	_ =	sdelay $0x1  }
0x8a: {  	s1 =	srdreg.scid  }
0x8b: {  	s0 =	sand.u32 $0x1, s1  }
0x8c: {  	s15 =	sshll.u32 s0, $0xA;
	s2 =	sadd.s32 s3, s2  }
0x8d: {  	s2 =	sadd.s32 s2, s15  }
0x8e: {  	[smem:$0x3FC2] =	sst s2  }
0x8f: {  	_ = 	snop  }
0x90: {  	s2 =	sld [smem:$0x3FD0];
	_ =	sdelay $0x2  }
0x91: {  	s16 =	simm.s32 $0xA;
	s4 =	simm.s32 $0x10  }
0x92: {  	[smem:s4], [sflag:s16] =	dma.local [hbm:s2], $0x1  }
0x93: {  	_ =	swait.eq [sflag:s16], $0x1  }
0x94: {  	[sflag:s16] =	ssyncset.done $0x0  }
0x95: {  	s17 =	sld [smem:$0x10];
	[sflag:s16] =	ssyncadd.s32 $0xFFFFFFFF  }
0x96: {  	s18 =	sld [smem:$0x11];
	(tm) =	ssettm $0x1  }
0x97: {  	s19 =	sld [smem:$0x3FFB];
	_ =	sdelay $0x3  }
0x98: {  	_ =	strace s19  }
0x99: {  	s4 =	sld [smem:$0x3FFC];
	_ =	sdelay $0x3  }
0x9a: {  	_ =	strace s4  }
0x9b: {  	s4 =	sld [smem:$0x3FFD];
	_ =	sdelay $0x3  }
0x9c: {  	_ =	strace s4  }
0x9d: {  	_ =	strace $0x8FFFFFFF  }
0x9e: {  	s20 =	sld [smem:$0x3FDB];
	_ =	sdelay $0x1  }
0x9f: {  	s5 =	simm.s32 $_scs_section_size  }
0xa0: {  	s6 =	simm.s32 $_size__tile_overlayer_lowered;
	s7 =	simm.s32 $_tile_overlayer_lowered  }
0xa1: {  	s23 =	simm.s32 $0x1BFF;
	s22 =	sshll.u32 s7, $0x1;
	s4 =	sadd.s32 s5, s20  }
0xa2: {  	s8 =	simm.s32 $0x0;
	s21 =	sshll.u32 s6, $0x1;
	s6 =	sadd.s32 s22, s4  }
0xa3: {  	[timem:s8], [sflag:s23] =	dma.local [hbm:s6], s21  }
0xa4: {  	_ =	swait.ge [sflag:s23], s21  }
0xa5: {  	s5 =	ssub.s32 $0x0, s21;
	[sflag:s23] =	ssyncset.done $0x0  }
0xa6: {  	[sflag:s23] =	ssyncadd.s32 s5;
	_ =	sdelay $0x1  }
0xa7: {  	s24 =	simm.s32 $0x1B8B  }
0xa8: {  	_ =	swait.ge [sflag:s24], $0x1  }
0xa9: {  	[sflag:s24] =	ssyncset.done $0x0  }
0xaa: {  	s25 =	simm.s32 $0x1B8E;
	[sflag:s24] =	ssyncadd.s32 $0xFFFFFFFF  }
0xab: {  	s26 =	simm.s32 $execute0_lowered;
	[smem:$0x3FD2] =	sst s25  }
0xac: {  	s5 =	sshll.u32 s26, $0x1;
	_ =	strace $0x80000046;
	[dreg:$0x1] =	wrdreg $0xFFFFFFFF  }
0xad: {  	s28 =	simm.s32 $_size_execute0_lowered;
	s4 =	sadd.s32 s4, s5;
	[dreg:$0x0] =	wrdreg $0x0  }
0xae: {  	s5 =	sshll.u32 s28, $0x1;
	[dreg:$0x2] =	wrdreg s4  }
0xaf: {  	[dreg:$0x3] =	wrdreg s5  }
0xb0: {  	[dreg:$0x4] =	wrdreg $0xC0  }
0xb1: {  	_ =	task [dreg:s8], $0x5FFFF  }
0xb2: {  	[dreg:$0x1] =	wrdreg $0xFFFFFFFF  }
0xb3: {  	[dreg:$0x0] =	wrdreg $0x60  }
0xb4: {  	[dreg:$0x2] =	wrdreg s17  }
0xb5: {  	[dreg:$0x3] =	wrdreg s18  }
0xb6: {  	[dreg:$0x4] =	wrdreg $0x7B800  }
0xb7: {  	[dreg:$0x5] =	wrdreg $0x9  }
0xb8: {  	_ =	task.clear_ibuf [dreg:s8], $0x6FFFF;
	_ =	strace $0x90000046  }
0xb9: {  	s29 =	simm.s32 $0x9;
	_ =	strace $0x80000048  }
0xba: {  	_ =	swait.ge [sflag:s29], $0x1  }
0xbb: {  	[sflag:s29] =	ssyncadd.s32 $0xFFFFFFFF  }
0xbc: {  	_ =	strace $0x90000048  }
0xbd: {  	_ =	sfence  }
0xbe: {  	s30 =	sld [smem:$0x0];
	_ =	sdelay $0x2  }
0xbf: {  	s31 =	sshll.u32 s1, $0xD;
	s1 =	sshrl.u32 s1, $0x2  }
0xc0: {  	s3 =	sand.u32 $0x4000, s31;
	s1 =	sadd.s32 s1, s30  }
0xc1: {  	s0 =	sor.u32 s3, s0;
	s1 =	sshll.u32 s1, $0x11  }
0xc2: {  	s0 =	sor.u32 s1, s0  }
0xc3: {  	s0 =	sadd.s32 $0x8F2B, s0  }
0xc4: {  	[sflag:s0] =	ssyncadd.remote.s32 $0x1  }
0xc5: {  	_ =	sfence.sel $0xFFFF  }
0xc6: {  	[dreg:$0x0] =	wrdreg $0xFFFFFFFF;
	(pc) =	sbr.abs _section_cstart, $3  }
0xc7: {  	[dreg:$0x1] =	wrdreg $0xFFFFFFFF  }
0xc8: {  	_ =	task.clear_ibuf [dreg:s8], $0x2FFFF;
	_ =	strace $0x9FFFFFFF  }
0xc9: {  	(tm) =	ssettm $0x7FFFFFFF  }
tec
execute0_lowered:
.L_overlay_start_1:
0x0: {  	(tag) =	ssettag $0x1  }
0x1: {  	s5 =	rddreg [dreg:$0x0]  }
0x2: {  	s8 =	rddreg [dreg:$0x1]  }
0x3: {  	s2 =	rddreg [dreg:$0x2]  }
0x4: {  	s0 =	rddreg [dreg:$0x3]  }
0x5: {  	s4 =	srdreg.scid;
	s3 =	simm.s32 $0x0;
	s1 =	stileid.u32  }
0x6: {  	s13 =	simm.s32 $0x7900;
	s7 =	sand.u32 $0x1, s4;
	s16 =	smul.u32 $0xA0, s1  }
0x7: {  	s14 =	simm.s32 $0x7680;
	s28 =	sshrl.u32 s1, $0x3;
	s6 =	smul.u32 $0x4E800, s7  }
0x8: {  	[smem:$0x7FF] =	sst s3;
	s11 =	sshll.u32 s1, $0x7;
	s9 =	smul.u32 $0x27400, s28  }
0x9: {  	_ =	strace $0x80000047;
	s10 =	ssub.s32 $0x2, s7;
	s4 =	smul.u32 $0x50000, s28  }
0xa: {  	s11 =	sand.u32 $0x380, s11;
	s31 =	sshll.u32 s7, $0x4;
	s12 =	sshrl.u32 s10, $0x1  }
0xb: {  	s15 =	sadd.s32 s8, s31;
	s6 =	sadd.s32 s6, s9;
	s29 =	ssub.s32 s10, s12  }
0xc: {  	s4 =	sshrl.u32 s4, $0x2;
	s9 =	simm.s32 $0x80;
	s10 =	simm.s32 $0x400  }
0xd: {  	s12 =	simm.s32 $0x4E80;
	s15 =	sadd.s32 s16, s15;
	s6 =	sor.u32 s11, s6  }
0xe: {  	s30 =	sadd.s32 s4, s2;
	s4 =	smul.u32 $0x1400, s1;
	s6 =	sshrl.u32 s6, $0x3  }
0xf: {  	s16 =	simm.s32 $0x100;
	s8 =	smax.u32 s29, $0x1;
	s5 =	sadd.s32 s5, s6  }
0x10: {  	v0 =	vimm.f32 $0.0e+00;
	v1 =	vimm.f32 $1.000000000e+00;
	s6 =	sadd.s32 s11, s30;
	s7 =	sadd.s32 s4, s2;
	s11 =	simm.s32 $0x1  }
.LBB2_1:
0x11: {  	s17 =	simm.s32 $0x40;
	s18 =	simm.s32 $0x0  }
.LBB2_2:
0x12: {  	p0 =	sne.s32 s17, $0x9FC0;
	[tilespmem:s18+$0x4E80] =	vst v0;
	s18 =	smov.u32 s17;
	s17 =	sadd.s32 $0x40, s17  }
.Ltmp0:
0x13: {  	(pc) =	sbr.rel @p0 .LBB2_2-.Ltmp0, $2  }
0x14: {  	_ =	sdelay $0x2  }
0x15: {  	s18 =	sshra.s32 s18, $0x2  }
0x16: {  	[tilespmem:s18+$0x4E80] =	vst v0;
	s17 =	simm.s32 $0x0  }
0x17: {  	[tilespmem:s17], [sflag:$0x1] =	stream.strided.gather [hbm4b:s5+s9], $0x4E80, s10, s9, $0x38;
	[tilespmem:$0xA380] =	vst v63  }
0x18: {  	_ =	swait.ge [sflag:s11], $0x4E80  }
0x19: {  	[sflag:s11] =	ssyncset.done $0x0  }
0x1a: {  	s18 =	simm.s32 $0x0;
	s17 =	simm.s32 $0x40;
	[sflag:s11] =	ssyncadd.s32 $0xFFFFB180  }
.LBB2_4:
0x1b: {  	p0 =	sne.s32 s17, $0x13840;
	v2 =	vld [tilespmem:s18+$0x0];
	_ =	sdelay $0x3  }
.Ltmp1:
0x1c: {  	(pc) =	sbr.rel @p0 .LBB2_4-.Ltmp1, $2  }
0x1d: {  	_ =	sdelay $0x2  }
0x1e: {  	s18 =	sshra.s32 s17, $0x2;
	s17 =	sadd.s32 $0x40, s17;
	[tilespmem:v2+s12+$0x0] =	vst.idx.add.f32.msk $0xffff, v1  }
0x1f: {  	v2 =	vld [tilespmem:s18+$0x0];
	_ =	sdelay $0x7  }
0x20: {  	s17 =	simm.s32 $0x1;
	[tilespmem:v2+s12+$0x0] =	vst.idx.add.f32.msk $0xffff, v1  }
0x21: {  	[spmem:s6] =	stream.strided.scatter [tilespmem:s12], [sflag:$0x1], $0x2800, s10, s9, $0x38;
	[tilespmem:$0xA380] =	vst v63  }
0x22: {  	_ =	swait.ge [sflag:s17], $0x2800  }
0x23: {  	[sflag:s17] =	ssyncset.done $0x0  }
0x24: {  	[sflag:s17] =	ssyncadd.s32 $0xFFFFD800  }
0x25: {  	[bflag:$0x0] =	sbarrier.arrive $0xFFFF  }
0x26: {  	[tilespmem:s13], [sflag:$0x1] =	stream.strided.gather [spmem:s7], $0x280, s10, s9, $0x38;
	[tilespmem:$0xA380] =	vst v63  }
0x27: {  	_ =	swait.ge [sflag:s17], $0x280  }
0x28: {  	[sflag:s17] =	ssyncset.done $0x0  }
0x29: {  	[sflag:s17] =	ssyncadd.s32 $0xFFFFFD80  }
.LBB2_6:
0x2a: {  	s18 =	sshrl.u32 s17, $0x3  }
0x2b: {  	s18 =	smul.u32 $0x50000, s18;
	_ =	sdelay $0x1  }
0x2c: {  	s19 =	sshll.u32 s17, $0x7;
	s18 =	sshra.s32 s18, $0x2  }
0x2d: {  	s19 =	sand.u32 $0x380, s19;
	s18 =	sadd.s32 s18, s2  }
0x2e: {  	s18 =	sadd.s32 s19, s18  }
0x2f: {  	s18 =	sadd.s32 s4, s18  }
0x30: {  	[tilespmem:s14], [sflag:$0x1] =	stream.strided.gather [spmem:s18], $0x280, s10, s9, $0x38;
	[tilespmem:$0xA380] =	vst v63  }
0x31: {  	_ =	swait.ge [sflag:s11], $0x280  }
0x32: {  	[sflag:s11] =	ssyncset.done $0x0  }
0x33: {  	s18 =	simm.s32 $0x0;
	[sflag:s11] =	ssyncadd.s32 $0xFFFFFD80  }
0x34: {  	s19 =	simm.s32 $0x40;
	v2 =	vld [tilespmem:s18+$0x7680]  }
.LBB2_7:
0x35: {  	p0 =	sne.s32 s19, $0x9C0;
	v3 =	vld [tilespmem:s18+$0x7900];
	_ =	sdelay $0x2  }
.Ltmp2:
0x36: {  	(pc) =	sbr.rel @p0 .LBB2_7-.Ltmp2, $4  }
0x37: {  	_ = 	snop  }
0x38: {  	v3 =	vadd.f32 v2, v3  }
0x39: {  	s20 =	sshra.s32 s19, $0x2  }
0x3a: {  	s19 =	sadd.s32 $0x40, s19;
	v2 =	vld [tilespmem:s20+$0x7680];
	[tilespmem:s18+$0x7900] =	vst v3;
	s18 =	smov.u32 s20  }
0x3b: {  	v3 =	vld [tilespmem:s18+$0x7900]  }
0x3c: {  	s17 =	sadd.s32 $0x1, s17  }
0x3d: {  	p0 =	sne.s32 s17, $0x10  }
.Ltmp3:
0x3e: {  	_ = 	snop;
	(pc) =	sbr.rel @p0 .LBB2_6-.Ltmp3, $3  }
0x3f: {  	_ = 	snop  }
0x40: {  	v2 =	vadd.f32 v2, v3;
	_ =	sdelay $0x1  }
0x41: {  	[tilespmem:s18+$0x7900] =	vst v2  }
0x42: {  	s3 =	sadd.s32 $0x1, s3  }
0x43: {  	p0 =	sne.s32 s3, s8  }
.Ltmp4:
0x44: {  	_ = 	snop;
	(pc) =	sbr.rel @p0 .LBB2_1-.Ltmp4, $4  }
0x45: {  	[hbm4b:s15+s9] =	stream.strided.scatter [tilespmem:s13], [sflag:$0x1], $0x280, s16, s9, $0x38;
	[tilespmem:$0xA380] =	vst v63  }
0x46: {  	_ =	swait.ge [sflag:s11], $0x280  }
0x47: {  	[sflag:s11] =	ssyncset.done $0x0  }
0x48: {  	[sflag:s11] =	ssyncadd.s32 $0xFFFFFD80  }
0x49: {  	_ =	sfence.sel $0x180000  }
0x4a: {  	[bflag:$0x0] =	sbarrier.arrive $0xFFFF  }
0x4b: {  	p0 =	sne.s32 s1, $0x0;
	_ =	strace $0x90000047  }
0x4c: {  	s0 =	sadd.s32 @!p0 $0x100000, s0;
	[bflag:$0x2] =	sbarrier.arrive $0xFFFF  }
0x4d: {  	[sflag:s0] =	ssyncadd.tile.s32 @!p0 $0x1;
	_ =	shalt  }
.Lfunc_end2:
_tile_overlayer_lowered:
.L_overlay_start_2:
0x4e: {  	(tag) =	ssettag $0x2  }
0x4f: {  	s0 =	rddreg [dreg:$0x0];
	s2 =	stileid.u32  }
0x50: {  	s1 =	rddreg [dreg:$0x1];
	p0 =	sne.s32 s2, $0x0  }
0x51: {  	s3 =	rddreg [dreg:$0x2];
	[bflag:$0x3] =	sbarrier.arrive $0xFFFF;
	s2 =	simm.s32 @!p0 $0x1C01  }
0x52: {  	[timem:s3], [sflag:s2] =	dma.local @!p0 [hbm:s0], s1  }
0x53: {  	s0 =	simm.s32 @!p0 $0x1  }
0x54: {  	_ =	swait.ge @!p0 [sflag:s0], s1  }
0x55: {  	s1 =	ssub.s32 @!p0 $0x0, s1;
	[sflag:s0] =	ssyncset.done @!p0 $0x0  }
0x56: {  	[sflag:s0] =	ssyncadd.s32 @!p0 s1  }
0x57: {  	[bflag:$0x3] =	sbarrier.arrive $0xFFFF  }
0x58: {  	_ =	shalt  }

</sc_bundles>
